<compile_context>
chip_gen: v7x
topology: tpu7x:2x2x1
jax: 0.10.2.dev20260603
libtpu: 0.0.44.dev20260713+nightly
codegen_flags: <defaults>
</compile_context>

<pallas_src>
import jax
import jax.numpy as jnp
from jax import lax
from jax.experimental import pallas as pl
from jax.experimental.pallas import tpu as pltpu
from jax.experimental.pallas import tpu_sc as plsc

N = 10000
D = 128
E = 320000

NC = 2
NS = 16
CH = 128
N_PAD = 10112
E_PAD = 327680
CHUNKS_PER_TILE = E_PAD // (NC * NS * CH)
ROWS_PER_TILE = N_PAD // NS

_MESH = plsc.VectorSubcoreMesh(
    core_axis_name="c", subcore_axis_name="s", num_cores=NC, num_subcores=NS)


def _sc_deg_body(ones_in, zero_in, dst2d, out, ones_v, idx_v, sem, deg_sh):
    c = lax.axis_index("c")
    s = lax.axis_index("s")
    pltpu.sync_copy(ones_in, ones_v)
    pltpu.sync_copy(zero_in, deg_sh.at[pl.ds(s * ROWS_PER_TILE, ROWS_PER_TILE)])
    plsc.subcore_barrier()
    row_base = (c * NS + s) * CHUNKS_PER_TILE
    pltpu.sync_copy(dst2d.at[pl.ds(row_base, CHUNKS_PER_TILE)], idx_v)

    @pl.loop(0, CHUNKS_PER_TILE)
    def _chunk(j):
        pltpu.async_copy(ones_v, deg_sh.at[idx_v.at[j]], sem, add=True)

    @pl.loop(0, CHUNKS_PER_TILE)
    def _drain(j):
        pltpu.make_async_copy(ones_v, deg_sh.at[idx_v.at[0]], sem).wait()

    plsc.subcore_barrier()
    pltpu.sync_copy(deg_sh.at[pl.ds(s * ROWS_PER_TILE, ROWS_PER_TILE)],
                    out.at[c, pl.ds(s * ROWS_PER_TILE, ROWS_PER_TILE)])


_sc_deg = pl.kernel(
    _sc_deg_body,
    out_type=jax.ShapeDtypeStruct((NC, N_PAD, D), jnp.float32),
    mesh=_MESH,
    scratch_types=[
        pltpu.VMEM((CH, D), jnp.float32),
        pltpu.VMEM((CHUNKS_PER_TILE, CH), jnp.int32),
        pltpu.SemaphoreType.DMA,
        pltpu.VMEM_SHARED((N_PAD, D), jnp.float32),
    ],
)


CG = 64
NCH = E_PAD // (NC * NS * CG)
GA = 40
NBUF = 4


def _sc_agg_body(hs, src2d, dst2d, zero_in, out, srcv, dstv,
                 r0, r1, r2, r3, g0, g1, g2, g3, s0, s1, s2, s3, acc_sh):
    c = lax.axis_index("c")
    s = lax.axis_index("s")
    bufs = (r0, r1, r2, r3)
    gsem = (g0, g1, g2, g3)
    ssem = (s0, s1, s2, s3)
    pltpu.sync_copy(zero_in, acc_sh.at[pl.ds(s * ROWS_PER_TILE, ROWS_PER_TILE)])
    plsc.subcore_barrier()
    row_base = (c * NS + s) * NCH

    for grp in range(NCH // GA):
        pltpu.sync_copy(src2d.at[pl.ds(row_base + grp * GA, GA)], srcv)
        pltpu.sync_copy(dst2d.at[pl.ds(row_base + grp * GA, GA)], dstv)
        for k in range(NBUF):
            pltpu.async_copy(hs.at[srcv.at[k]], bufs[k], gsem[k])

        @pl.loop(0, GA, step=NBUF)
        def _quad(j):
            for k in range(NBUF):
                pltpu.make_async_copy(hs.at[srcv.at[j + k]], bufs[k], gsem[k]).wait()
                pltpu.async_copy(bufs[k], acc_sh.at[dstv.at[j + k]], ssem[k], add=True)
            for k in range(NBUF):
                pltpu.make_async_copy(bufs[k], acc_sh.at[dstv.at[j + k]], ssem[k]).wait()
                pltpu.async_copy(hs.at[srcv.at[jnp.minimum(j + NBUF + k, GA - 1)]],
                                 bufs[k], gsem[k])

        for k in range(NBUF):
            pltpu.make_async_copy(hs.at[srcv.at[GA - 1]], bufs[k], gsem[k]).wait()

    plsc.subcore_barrier()
    pltpu.sync_copy(acc_sh.at[pl.ds(s * ROWS_PER_TILE, ROWS_PER_TILE)],
                    out.at[c, pl.ds(s * ROWS_PER_TILE, ROWS_PER_TILE)])


_sc_agg = pl.kernel(
    _sc_agg_body,
    out_type=jax.ShapeDtypeStruct((NC, N_PAD, D), jnp.float32),
    mesh=_MESH,
    scratch_types=[
        pltpu.VMEM((GA, CG), jnp.int32),
        pltpu.VMEM((GA, CG), jnp.int32),
        pltpu.VMEM((CG, D), jnp.float32),
        pltpu.VMEM((CG, D), jnp.float32),
        pltpu.VMEM((CG, D), jnp.float32),
        pltpu.VMEM((CG, D), jnp.float32),
        pltpu.SemaphoreType.DMA,
        pltpu.SemaphoreType.DMA,
        pltpu.SemaphoreType.DMA,
        pltpu.SemaphoreType.DMA,
        pltpu.SemaphoreType.DMA,
        pltpu.SemaphoreType.DMA,
        pltpu.SemaphoreType.DMA,
        pltpu.SemaphoreType.DMA,
        pltpu.VMEM_SHARED((N_PAD, D), jnp.float32),
    ],
)


RB = 400
GRID = N // RB


def _tc_mm_body(x_ref, w_ref, out_ref):
    out_ref[...] = jnp.dot(x_ref[...], w_ref[...],
                           preferred_element_type=jnp.float32)


def _tc_scale_body(deg_ref, t_ref, hs_ref, dis_ref):
    dp = deg_ref[...]
    deg = 1.0 + dp[0, :, 0:1] + dp[1, :, 0:1]
    dis = lax.rsqrt(deg)
    hs_ref[...] = dis * t_ref[...]
    dis_ref[...] = dis


def _tc2_body(parts_ref, hs_ref, dis_ref, b_ref, w_ref, out_ref):
    p = parts_ref[...]
    dis = dis_ref[...]
    z = dis * (p[0] + p[1] + hs_ref[...]) + b_ref[...]
    h = jnp.maximum(z, 0.0)
    out_ref[...] = dis * jnp.dot(h, w_ref[...], preferred_element_type=jnp.float32)


def _tc3_body(parts_ref, hs_ref, dis_ref, b_ref, out_ref):
    p = parts_ref[...]
    out_ref[...] = dis_ref[...] * (p[0] + p[1] + hs_ref[...]) + b_ref[...]


_tc_mm = pl.pallas_call(
    _tc_mm_body,
    grid=(GRID,),
    in_specs=[
        pl.BlockSpec((RB, D), lambda i: (i, 0)),
        pl.BlockSpec((D, D), lambda i: (0, 0)),
    ],
    out_specs=pl.BlockSpec((RB, D), lambda i: (i, 0)),
    out_shape=jax.ShapeDtypeStruct((N, D), jnp.float32),
)

_tc_scale = pl.pallas_call(
    _tc_scale_body,
    grid=(GRID,),
    in_specs=[
        pl.BlockSpec((NC, RB, D), lambda i: (0, i, 0)),
        pl.BlockSpec((RB, D), lambda i: (i, 0)),
    ],
    out_specs=[
        pl.BlockSpec((RB, D), lambda i: (i, 0)),
        pl.BlockSpec((RB, 1), lambda i: (i, 0)),
    ],
    out_shape=[
        jax.ShapeDtypeStruct((N, D), jnp.float32),
        jax.ShapeDtypeStruct((N, 1), jnp.float32),
    ],
)

_tc2 = pl.pallas_call(
    _tc2_body,
    grid=(GRID,),
    in_specs=[
        pl.BlockSpec((NC, RB, D), lambda i: (0, i, 0)),
        pl.BlockSpec((RB, D), lambda i: (i, 0)),
        pl.BlockSpec((RB, 1), lambda i: (i, 0)),
        pl.BlockSpec((1, D), lambda i: (0, 0)),
        pl.BlockSpec((D, D), lambda i: (0, 0)),
    ],
    out_specs=pl.BlockSpec((RB, D), lambda i: (i, 0)),
    out_shape=jax.ShapeDtypeStruct((N, D), jnp.float32),
)

_tc3 = pl.pallas_call(
    _tc3_body,
    grid=(GRID,),
    in_specs=[
        pl.BlockSpec((NC, RB, D), lambda i: (0, i, 0)),
        pl.BlockSpec((RB, D), lambda i: (i, 0)),
        pl.BlockSpec((RB, 1), lambda i: (i, 0)),
        pl.BlockSpec((1, D), lambda i: (0, 0)),
    ],
    out_specs=pl.BlockSpec((RB, D), lambda i: (i, 0)),
    out_shape=jax.ShapeDtypeStruct((N, D), jnp.float32),
)


def kernel(x, edge_index, W1, b1, W2, b2):
    npad = E_PAD - E
    pad_src = jnp.arange(npad, dtype=jnp.int32) % N
    pad_dst = N + (jnp.arange(npad, dtype=jnp.int32) % (N_PAD - N))
    src_pad = jnp.concatenate([edge_index[0], pad_src])
    dst_pad = jnp.concatenate([edge_index[1], pad_dst])
    src2d = src_pad.reshape(E_PAD // CG, CG)
    dst2d = dst_pad.reshape(E_PAD // CG, CG)
    dst2d_deg = dst_pad.reshape(E_PAD // CH, CH)

    ones_rows = jnp.ones((CH, D), jnp.float32)
    zero_rows = jnp.zeros((ROWS_PER_TILE, D), jnp.float32)

    deg_parts = _sc_deg(ones_rows, zero_rows, dst2d_deg)
    t1 = _tc_mm(x, W1)
    hs1, dis = _tc_scale(deg_parts, t1)
    parts1 = _sc_agg(hs1, src2d, dst2d, zero_rows)
    hs2 = _tc2(parts1, hs1, dis, b1.reshape(1, D), W2)
    parts2 = _sc_agg(hs2, src2d, dst2d, zero_rows)
    return _tc3(parts2, hs2, dis, b2.reshape(1, D))

# --- scband reference (transcript-rebuilt; emitter-appended) ---
"""Pipeline reference for scband-gcnlayers-21835613733678 (READ-ONLY COPY).

The authoritative reference and input builder live on the scoring server;
editing this copy changes nothing except your own understanding.
"""

import jax, jax.numpy as jnp
import numpy as np

N = 10000
E = 320000
D_IN = 128
D_HID = 128
D_OUT = 128


def glorot(key, shape):
    fan_in, fan_out = shape[0], shape[1]
    limit = np.sqrt(6.0 / (fan_in + fan_out))
    return jax.random.uniform(key, shape, dtype=jnp.float32, minval=-limit, maxval=limit)


def setup_inputs(seed: int = 0) -> dict:
    key = jax.random.key(seed)
    k1, k2, k3, k4 = jax.random.split(key, 4)
    x = jax.random.normal(k1, (N, D_IN), dtype=jnp.float32)
    edge_index = jax.random.randint(k2, (2, E), 0, N, dtype=jnp.int32)
    W1 = glorot(k3, (D_IN, D_HID))
    b1 = jnp.zeros((D_HID,), dtype=jnp.float32)
    W2 = glorot(k4, (D_HID, D_OUT))
    b2 = jnp.zeros((D_OUT,), dtype=jnp.float32)
    return {"x": x, "edge_index": edge_index, "W1": W1, "b1": b1, "W2": W2, "b2": b2}


def gcn_conv(x, edge_index, W, b):
    # PyG GCNConv: add self-loops, symmetric normalization D^-1/2 (A+I) D^-1/2, linear transform, bias.
    n = x.shape[0]
    src = edge_index[0]
    dst = edge_index[1]
    loop = jnp.arange(n, dtype=src.dtype)
    src = jnp.concatenate([src, loop])
    dst = jnp.concatenate([dst, loop])
    deg = jnp.zeros((n,), dtype=x.dtype).at[dst].add(1.0)
    deg_inv_sqrt = jnp.where(deg > 0, jax.lax.rsqrt(jnp.maximum(deg, 1e-12)), 0.0)
    norm = deg_inv_sqrt[src] * deg_inv_sqrt[dst]
    h = x @ W
    msg = h[src] * norm[:, None]
    out = jnp.zeros_like(h).at[dst].add(msg)
    return out + b


def reference(x, edge_index, W1, b1, W2, b2):
    h = gcn_conv(x, edge_index, W1, b1)
    h = jax.nn.relu(h)
    # Dropout(0.1) is identity in eval mode
    out = gcn_conv(h, edge_index, W2, b2)
    return out

if __name__ == "__main__":
    import jax
    _d = setup_inputs()
    print(jax.jit(kernel)(*tuple(_d.values())))

</pallas_src>

<mosaic_0001>
#map = affine_map<(d0, d1) -> (0, 0)>
#map1 = affine_map<(d0, d1) -> (0, 0, 0)>
module attributes {stable_mosaic.version = 14 : i64} {
  func.func @_sc_deg_body(%arg0: i32, %arg1: i32, %arg2: memref<128x128xf32, #tpu.memory_space<hbm>>, %arg3: memref<632x128xf32, #tpu.memory_space<hbm>>, %arg4: memref<2560x128xi32, #tpu.memory_space<hbm>>, %arg5: memref<2x10112x128xf32, #tpu.memory_space<hbm>>, %arg6: memref<128x128xf32, #tpu.memory_space<vmem>>, %arg7: memref<80x128xi32, #tpu.memory_space<vmem>>, %arg8: memref<!tpu.dma_semaphore, #tpu.memory_space<semaphore_mem>>, %arg9: memref<10112x128xf32, #tpu.memory_space<vmem_shared>>) attributes {dimension_semantics = [#tpu.dimension_semantics<core_parallel>, #tpu.dimension_semantics<subcore_parallel>], iteration_bounds = array<i64: 2, 16>, scalar_prefetch = 0 : i64, scratch_operands = 4 : i64, tpu.core_type = #tpu.core_type<sc_vector_subcore>, window_params = [{transform_indices = #map}, {transform_indices = #map}, {transform_indices = #map}, {transform_indices = #map1}]} {
    "tpu.region"() ({
      %run_scoped3A = tpu.sem_alloc : memref<!tpu.dma_semaphore, #tpu.memory_space<semaphore_mem>>
      tpu.enqueue_dma source(%arg2 : memref<128x128xf32, #tpu.memory_space<hbm>>) target(%arg6 : memref<128x128xf32, #tpu.memory_space<vmem>>) target_semaphore(%run_scoped3A : memref<!tpu.dma_semaphore, #tpu.memory_space<semaphore_mem>>)
      tpu.wait_dma2 semaphore(%run_scoped3A : memref<!tpu.dma_semaphore, #tpu.memory_space<semaphore_mem>>) src(%arg2 : memref<128x128xf32, #tpu.memory_space<hbm>>) dst(%arg6 : memref<128x128xf32, #tpu.memory_space<vmem>>)
      tpu.yield
    }) : () -> ()
    %mul3A = arith.constant 632 : i32
    %mul3A_0 = arith.muli %arg1, %mul3A : i32
    "tpu.region"() ({
      %run_scoped3A = tpu.sem_alloc : memref<!tpu.dma_semaphore, #tpu.memory_space<semaphore_mem>>
      %dma_start3A = arith.constant 0 : i32
      %dma_start3A_19 = tpu.memref_slice %arg9[%mul3A_0, %dma_start3A] : memref<10112x128xf32, #tpu.memory_space<vmem_shared>> -> memref<632x128xf32, #tpu.memory_space<vmem_shared>>
      tpu.enqueue_dma source(%arg3 : memref<632x128xf32, #tpu.memory_space<hbm>>) target(%dma_start3A_19 : memref<632x128xf32, #tpu.memory_space<vmem_shared>>) target_semaphore(%run_scoped3A : memref<!tpu.dma_semaphore, #tpu.memory_space<semaphore_mem>>)
      %dma_wait3A = arith.constant 0 : i32
      %dma_wait3A_20 = tpu.memref_slice %arg9[%mul3A_0, %dma_wait3A] : memref<10112x128xf32, #tpu.memory_space<vmem_shared>> -> memref<632x128xf32, #tpu.memory_space<vmem_shared>>
      tpu.wait_dma2 semaphore(%run_scoped3A : memref<!tpu.dma_semaphore, #tpu.memory_space<semaphore_mem>>) src(%arg3 : memref<632x128xf32, #tpu.memory_space<hbm>>) dst(%dma_wait3A_20 : memref<632x128xf32, #tpu.memory_space<vmem_shared>>)
      tpu.yield
    }) : () -> ()
    %barrier3A = arith.constant 0 : index
    tpu.barrier barrier_id(%barrier3A)
    %mul3A_1 = arith.constant 16 : i32
    %mul3A_2 = arith.muli %arg0, %mul3A_1 : i32
    %add3A = arith.addi %mul3A_2, %arg1 : i32
    %mul3A_3 = arith.constant 80 : i32
    %mul3A_4 = arith.muli %add3A, %mul3A_3 : i32
    "tpu.region"() ({
      %run_scoped3A = tpu.sem_alloc : memref<!tpu.dma_semaphore, #tpu.memory_space<semaphore_mem>>
      %dma_start3A = arith.constant 0 : i32
      %dma_start3A_19 = tpu.memref_slice %arg4[%mul3A_4, %dma_start3A] : memref<2560x128xi32, #tpu.memory_space<hbm>> -> memref<80x128xi32, #tpu.memory_space<hbm>>
      %dma_start3A_20 = arith.constant 0 : i32
      %dma_start3A_21 = tpu.memref_slice %arg4[%mul3A_4, %dma_start3A_20] : memref<2560x128xi32, #tpu.memory_space<hbm>> -> memref<80x128xi32, #tpu.memory_space<hbm>>
      tpu.enqueue_dma source(%dma_start3A_21 : memref<80x128xi32, #tpu.memory_space<hbm>>) target(%arg7 : memref<80x128xi32, #tpu.memory_space<vmem>>) target_semaphore(%run_scoped3A : memref<!tpu.dma_semaphore, #tpu.memory_space<semaphore_mem>>)
      %dma_wait3A = arith.constant 0 : i32
      %dma_wait3A_22 = tpu.memref_slice %arg4[%mul3A_4, %dma_wait3A] : memref<2560x128xi32, #tpu.memory_space<hbm>> -> memref<80x128xi32, #tpu.memory_space<hbm>>
      %dma_wait3A_23 = arith.constant 0 : i32
      %dma_wait3A_24 = tpu.memref_slice %arg4[%mul3A_4, %dma_wait3A_23] : memref<2560x128xi32, #tpu.memory_space<hbm>> -> memref<80x128xi32, #tpu.memory_space<hbm>>
      tpu.wait_dma2 semaphore(%run_scoped3A : memref<!tpu.dma_semaphore, #tpu.memory_space<semaphore_mem>>) src(%dma_wait3A_24 : memref<80x128xi32, #tpu.memory_space<hbm>>) dst(%arg7 : memref<80x128xi32, #tpu.memory_space<vmem>>)
      tpu.yield
    }) : () -> ()
    %scan3A = arith.constant 0 : i32
    %scan3A_5 = arith.constant 80 : i32
    %scan3A_6 = arith.addi %scan3A, %scan3A_5 : i32
    %scan3A_7 = arith.constant 1 : i32
    scf.for %scan3A_19 = %scan3A to %scan3A_6 step %scan3A_7  : i32 {
      %mul3A_20 = arith.constant 1 : i32
      %mul3A_21 = arith.muli %scan3A_19, %mul3A_20 : i32
      %add3A_22 = arith.constant 0 : i32
      %add3A_23 = arith.addi %add3A_22, %mul3A_21 : i32
      %dma_start3A = arith.constant 0 : i32
      %dma_start3A_24 = tpu.memref_slice %arg7[%add3A_23, %dma_start3A] : memref<80x128xi32, #tpu.memory_space<vmem>> -> memref<1x128xi32, #tpu.memory_space<vmem>>
      %dma_start3A_25 = tpu.memref_squeeze %dma_start3A_24 : memref<1x128xi32, #tpu.memory_space<vmem>> -> memref<128xi32, #tpu.memory_space<vmem>>
      %dma_start3A_26 = arith.constant 0 : i32
      %dma_start3A_27 = arith.constant 0 : i32
      %dma_start3A_28 = tpu.memref_slice %arg9[%dma_start3A_26, %dma_start3A_27] : memref<10112x128xf32, #tpu.memory_space<vmem_shared>> -> memref<10112x128xf32, #tpu.memory_space<vmem_shared>>
      tpu.enqueue_indirect_dma source(%arg6 : memref<128x128xf32, #tpu.memory_space<vmem>>) target(%dma_start3A_28 : memref<10112x128xf32, #tpu.memory_space<vmem_shared>>) offsets(%dma_start3A_25 : memref<128xi32, #tpu.memory_space<vmem>>) semaphore(%arg8 : memref<!tpu.dma_semaphore, #tpu.memory_space<semaphore_mem>>) {add = true}
    }
    %scan3A_8 = arith.constant 80 : i32
    %scan3A_9 = arith.constant 0 : i32
    %scan3A_10 = arith.constant 80 : i32
    %scan3A_11 = arith.addi %scan3A_9, %scan3A_10 : i32
    %scan3A_12 = arith.constant 1 : i32
    scf.for %scan3A_19 = %scan3A_9 to %scan3A_11 step %scan3A_12  : i32 {
      %mul3A_20 = arith.constant 1 : i32
      %mul3A_21 = arith.muli %scan3A_19, %mul3A_20 : i32
      %add3A_22 = arith.constant 0 : i32
      %add3A_23 = arith.addi %add3A_22, %mul3A_21 : i32
      %dma_wait3A = arith.constant 0 : i32
      %dma_wait3A_24 = arith.constant 0 : i32
      %dma_wait3A_25 = tpu.memref_slice %arg7[%dma_wait3A, %dma_wait3A_24] : memref<80x128xi32, #tpu.memory_space<vmem>> -> memref<1x128xi32, #tpu.memory_space<vmem>>
      %dma_wait3A_26 = tpu.memref_squeeze %dma_wait3A_25 : memref<1x128xi32, #tpu.memory_space<vmem>> -> memref<128xi32, #tpu.memory_space<vmem>>
      %dma_wait3A_27 = arith.constant 0 : i32
      %dma_wait3A_28 = arith.constant 0 : i32
      %dma_wait3A_29 = tpu.memref_slice %arg9[%dma_wait3A_27, %dma_wait3A_28] : memref<10112x128xf32, #tpu.memory_space<vmem_shared>> -> memref<10112x128xf32, #tpu.memory_space<vmem_shared>>
      tpu.wait_indirect_dma semaphore(%arg8 : memref<!tpu.dma_semaphore, #tpu.memory_space<semaphore_mem>>) src(%arg6 : memref<128x128xf32, #tpu.memory_space<vmem>>) dst(%dma_wait3A_29 : memref<10112x128xf32, #tpu.memory_space<vmem_shared>>)
    }
    %scan3A_13 = arith.constant 80 : i32
    %barrier3A_14 = arith.constant 0 : index
    tpu.barrier barrier_id(%barrier3A_14)
    %mul3A_15 = arith.constant 632 : i32
    %mul3A_16 = arith.muli %arg1, %mul3A_15 : i32
    %mul3A_17 = arith.constant 632 : i32
    %mul3A_18 = arith.muli %arg1, %mul3A_17 : i32
    "tpu.region"() ({
      %run_scoped3A = tpu.sem_alloc : memref<!tpu.dma_semaphore, #tpu.memory_space<semaphore_mem>>
      %dma_start3A = arith.constant 0 : i32
      %dma_start3A_19 = tpu.memref_slice %arg5[%arg0, %mul3A_18, %dma_start3A] : memref<2x10112x128xf32, #tpu.memory_space<hbm>> -> memref<1x632x128xf32, #tpu.memory_space<hbm>>
      %dma_start3A_20 = tpu.memref_squeeze %dma_start3A_19 : memref<1x632x128xf32, #tpu.memory_space<hbm>> -> memref<632x128xf32, #tpu.memory_space<hbm>>
      %dma_start3A_21 = arith.constant 0 : i32
      %dma_start3A_22 = tpu.memref_slice %arg9[%mul3A_16, %dma_start3A_21] : memref<10112x128xf32, #tpu.memory_space<vmem_shared>> -> memref<632x128xf32, #tpu.memory_space<vmem_shared>>
      tpu.enqueue_dma source(%dma_start3A_22 : memref<632x128xf32, #tpu.memory_space<vmem_shared>>) target(%dma_start3A_20 : memref<632x128xf32, #tpu.memory_space<hbm>>) target_semaphore(%run_scoped3A : memref<!tpu.dma_semaphore, #tpu.memory_space<semaphore_mem>>)
      %dma_wait3A = arith.constant 0 : i32
      %dma_wait3A_23 = tpu.memref_slice %arg5[%arg0, %mul3A_18, %dma_wait3A] : memref<2x10112x128xf32, #tpu.memory_space<hbm>> -> memref<1x632x128xf32, #tpu.memory_space<hbm>>
      %dma_wait3A_24 = tpu.memref_squeeze %dma_wait3A_23 : memref<1x632x128xf32, #tpu.memory_space<hbm>> -> memref<632x128xf32, #tpu.memory_space<hbm>>
      %dma_wait3A_25 = arith.constant 0 : i32
      %dma_wait3A_26 = tpu.memref_slice %arg9[%mul3A_16, %dma_wait3A_25] : memref<10112x128xf32, #tpu.memory_space<vmem_shared>> -> memref<632x128xf32, #tpu.memory_space<vmem_shared>>
      tpu.wait_dma2 semaphore(%run_scoped3A : memref<!tpu.dma_semaphore, #tpu.memory_space<semaphore_mem>>) src(%dma_wait3A_26 : memref<632x128xf32, #tpu.memory_space<vmem_shared>>) dst(%dma_wait3A_24 : memref<632x128xf32, #tpu.memory_space<hbm>>)
      tpu.yield
    }) : () -> ()
    return
  }
}

#map = affine_map<(d0, d1) -> (0, 0)>
#map1 = affine_map<(d0, d1) -> (0, 0, 0)>
module attributes {stable_mosaic.version = 14 : i64} {
  func.func @_sc_agg_body(%arg0: i32, %arg1: i32, %arg2: memref<10000x128xf32, #tpu.memory_space<hbm>>, %arg3: memref<5120x64xi32, #tpu.memory_space<hbm>>, %arg4: memref<5120x64xi32, #tpu.memory_space<hbm>>, %arg5: memref<632x128xf32, #tpu.memory_space<hbm>>, %arg6: memref<2x10112x128xf32, #tpu.memory_space<hbm>>, %arg7: memref<40x64xi32, #tpu.memory_space<vmem>>, %arg8: memref<40x64xi32, #tpu.memory_space<vmem>>, %arg9: memref<64x128xf32, #tpu.memory_space<vmem>>, %arg10: memref<64x128xf32, #tpu.memory_space<vmem>>, %arg11: memref<64x128xf32, #tpu.memory_space<vmem>>, %arg12: memref<64x128xf32, #tpu.memory_space<vmem>>, %arg13: memref<!tpu.dma_semaphore, #tpu.memory_space<semaphore_mem>>, %arg14: memref<!tpu.dma_semaphore, #tpu.memory_space<semaphore_mem>>, %arg15: memref<!tpu.dma_semaphore, #tpu.memory_space<semaphore_mem>>, %arg16: memref<!tpu.dma_semaphore, #tpu.memory_space<semaphore_mem>>, %arg17: memref<!tpu.dma_semaphore, #tpu.memory_space<semaphore_mem>>, %arg18: memref<!tpu.dma_semaphore, #tpu.memory_space<semaphore_mem>>, %arg19: memref<!tpu.dma_semaphore, #tpu.memory_space<semaphore_mem>>, %arg20: memref<!tpu.dma_semaphore, #tpu.memory_space<semaphore_mem>>, %arg21: memref<10112x128xf32, #tpu.memory_space<vmem_shared>>) attributes {dimension_semantics = [#tpu.dimension_semantics<core_parallel>, #tpu.dimension_semantics<subcore_parallel>], iteration_bounds = array<i64: 2, 16>, scalar_prefetch = 0 : i64, scratch_operands = 15 : i64, tpu.core_type = #tpu.core_type<sc_vector_subcore>, window_params = [{transform_indices = #map}, {transform_indices = #map}, {transform_indices = #map}, {transform_indices = #map}, {transform_indices = #map1}]} {
    %mul3A = arith.constant 632 : i32
    %mul3A_0 = arith.muli %arg1, %mul3A : i32
    "tpu.region"() ({
      %run_scoped3A = tpu.sem_alloc : memref<!tpu.dma_semaphore, #tpu.memory_space<semaphore_mem>>
      %dma_start3A_267 = arith.constant 0 : i32
      %dma_start3A_268 = tpu.memref_slice %arg21[%mul3A_0, %dma_start3A_267] : memref<10112x128xf32, #tpu.memory_space<vmem_shared>> -> memref<632x128xf32, #tpu.memory_space<vmem_shared>>
      tpu.enqueue_dma source(%arg5 : memref<632x128xf32, #tpu.memory_space<hbm>>) target(%dma_start3A_268 : memref<632x128xf32, #tpu.memory_space<vmem_shared>>) target_semaphore(%run_scoped3A : memref<!tpu.dma_semaphore, #tpu.memory_space<semaphore_mem>>)
      %dma_wait3A_269 = arith.constant 0 : i32
      %dma_wait3A_270 = tpu.memref_slice %arg21[%mul3A_0, %dma_wait3A_269] : memref<10112x128xf32, #tpu.memory_space<vmem_shared>> -> memref<632x128xf32, #tpu.memory_space<vmem_shared>>
      tpu.wait_dma2 semaphore(%run_scoped3A : memref<!tpu.dma_semaphore, #tpu.memory_space<semaphore_mem>>) src(%arg5 : memref<632x128xf32, #tpu.memory_space<hbm>>) dst(%dma_wait3A_270 : memref<632x128xf32, #tpu.memory_space<vmem_shared>>)
      tpu.yield
    }) : () -> ()
    %barrier3A = arith.constant 0 : index
    tpu.barrier barrier_id(%barrier3A)
    %mul3A_1 = arith.constant 16 : i32
    %mul3A_2 = arith.muli %arg0, %mul3A_1 : i32
    %add3A = arith.addi %mul3A_2, %arg1 : i32
    %mul3A_3 = arith.constant 160 : i32
    %mul3A_4 = arith.muli %add3A, %mul3A_3 : i32
    %add3A_5 = arith.constant 0 : i32
    %add3A_6 = arith.addi %mul3A_4, %add3A_5 : i32
    "tpu.region"() ({
      %run_scoped3A = tpu.sem_alloc : memref<!tpu.dma_semaphore, #tpu.memory_space<semaphore_mem>>
      %dma_start3A_267 = arith.constant 0 : i32
      %dma_start3A_268 = tpu.memref_slice %arg3[%add3A_6, %dma_start3A_267] : memref<5120x64xi32, #tpu.memory_space<hbm>> -> memref<40x64xi32, #tpu.memory_space<hbm>>
      %dma_start3A_269 = arith.constant 0 : i32
      %dma_start3A_270 = tpu.memref_slice %arg3[%add3A_6, %dma_start3A_269] : memref<5120x64xi32, #tpu.memory_space<hbm>> -> memref<40x64xi32, #tpu.memory_space<hbm>>
      tpu.enqueue_dma source(%dma_start3A_270 : memref<40x64xi32, #tpu.memory_space<hbm>>) target(%arg7 : memref<40x64xi32, #tpu.memory_space<vmem>>) target_semaphore(%run_scoped3A : memref<!tpu.dma_semaphore, #tpu.memory_space<semaphore_mem>>)
      %dma_wait3A_271 = arith.constant 0 : i32
      %dma_wait3A_272 = tpu.memref_slice %arg3[%add3A_6, %dma_wait3A_271] : memref<5120x64xi32, #tpu.memory_space<hbm>> -> memref<40x64xi32, #tpu.memory_space<hbm>>
      %dma_wait3A_273 = arith.constant 0 : i32
      %dma_wait3A_274 = tpu.memref_slice %arg3[%add3A_6, %dma_wait3A_273] : memref<5120x64xi32, #tpu.memory_space<hbm>> -> memref<40x64xi32, #tpu.memory_space<hbm>>
      tpu.wait_dma2 semaphore(%run_scoped3A : memref<!tpu.dma_semaphore, #tpu.memory_space<semaphore_mem>>) src(%dma_wait3A_274 : memref<40x64xi32, #tpu.memory_space<hbm>>) dst(%arg7 : memref<40x64xi32, #tpu.memory_space<vmem>>)
      tpu.yield
    }) : () -> ()
    %add3A_7 = arith.constant 0 : i32
    %add3A_8 = arith.addi %mul3A_4, %add3A_7 : i32
    "tpu.region"() ({
      %run_scoped3A = tpu.sem_alloc : memref<!tpu.dma_semaphore, #tpu.memory_space<semaphore_mem>>
      %dma_start3A_267 = arith.constant 0 : i32
      %dma_start3A_268 = tpu.memref_slice %arg4[%add3A_8, %dma_start3A_267] : memref<5120x64xi32, #tpu.memory_space<hbm>> -> memref<40x64xi32, #tpu.memory_space<hbm>>
      %dma_start3A_269 = arith.constant 0 : i32
      %dma_start3A_270 = tpu.memref_slice %arg4[%add3A_8, %dma_start3A_269] : memref<5120x64xi32, #tpu.memory_space<hbm>> -> memref<40x64xi32, #tpu.memory_space<hbm>>
      tpu.enqueue_dma source(%dma_start3A_270 : memref<40x64xi32, #tpu.memory_space<hbm>>) target(%arg8 : memref<40x64xi32, #tpu.memory_space<vmem>>) target_semaphore(%run_scoped3A : memref<!tpu.dma_semaphore, #tpu.memory_space<semaphore_mem>>)
      %dma_wait3A_271 = arith.constant 0 : i32
      %dma_wait3A_272 = tpu.memref_slice %arg4[%add3A_8, %dma_wait3A_271] : memref<5120x64xi32, #tpu.memory_space<hbm>> -> memref<40x64xi32, #tpu.memory_space<hbm>>
      %dma_wait3A_273 = arith.constant 0 : i32
      %dma_wait3A_274 = tpu.memref_slice %arg4[%add3A_8, %dma_wait3A_273] : memref<5120x64xi32, #tpu.memory_space<hbm>> -> memref<40x64xi32, #tpu.memory_space<hbm>>
      tpu.wait_dma2 semaphore(%run_scoped3A : memref<!tpu.dma_semaphore, #tpu.memory_space<semaphore_mem>>) src(%dma_wait3A_274 : memref<40x64xi32, #tpu.memory_space<hbm>>) dst(%arg8 : memref<40x64xi32, #tpu.memory_space<vmem>>)
      tpu.yield
    }) : () -> ()
    %dma_start3A = arith.constant 0 : i32
    %dma_start3A_9 = arith.constant 0 : i32
    %dma_start3A_10 = tpu.memref_slice %arg7[%dma_start3A, %dma_start3A_9] : memref<40x64xi32, #tpu.memory_space<vmem>> -> memref<1x64xi32, #tpu.memory_space<vmem>>
    %dma_start3A_11 = tpu.memref_squeeze %dma_start3A_10 : memref<1x64xi32, #tpu.memory_space<vmem>> -> memref<64xi32, #tpu.memory_space<vmem>>
    %dma_start3A_12 = arith.constant 0 : i32
    %dma_start3A_13 = arith.constant 0 : i32
    %dma_start3A_14 = tpu.memref_slice %arg2[%dma_start3A_12, %dma_start3A_13] : memref<10000x128xf32, #tpu.memory_space<hbm>> -> memref<10000x128xf32, #tpu.memory_space<hbm>>
    tpu.enqueue_indirect_dma source(%dma_start3A_14 : memref<10000x128xf32, #tpu.memory_space<hbm>>) target(%arg9 : memref<64x128xf32, #tpu.memory_space<vmem>>) offsets(%dma_start3A_11 : memref<64xi32, #tpu.memory_space<vmem>>) semaphore(%arg13 : memref<!tpu.dma_semaphore, #tpu.memory_space<semaphore_mem>>)
    %dma_start3A_15 = arith.constant 1 : i32
    %dma_start3A_16 = arith.constant 0 : i32
    %dma_start3A_17 = tpu.memref_slice %arg7[%dma_start3A_15, %dma_start3A_16] : memref<40x64xi32, #tpu.memory_space<vmem>> -> memref<1x64xi32, #tpu.memory_space<vmem>>
    %dma_start3A_18 = tpu.memref_squeeze %dma_start3A_17 : memref<1x64xi32, #tpu.memory_space<vmem>> -> memref<64xi32, #tpu.memory_space<vmem>>
    %dma_start3A_19 = arith.constant 0 : i32
    %dma_start3A_20 = arith.constant 0 : i32
    %dma_start3A_21 = tpu.memref_slice %arg2[%dma_start3A_19, %dma_start3A_20] : memref<10000x128xf32, #tpu.memory_space<hbm>> -> memref<10000x128xf32, #tpu.memory_space<hbm>>
    tpu.enqueue_indirect_dma source(%dma_start3A_21 : memref<10000x128xf32, #tpu.memory_space<hbm>>) target(%arg10 : memref<64x128xf32, #tpu.memory_space<vmem>>) offsets(%dma_start3A_18 : memref<64xi32, #tpu.memory_space<vmem>>) semaphore(%arg14 : memref<!tpu.dma_semaphore, #tpu.memory_space<semaphore_mem>>)
    %dma_start3A_22 = arith.constant 2 : i32
    %dma_start3A_23 = arith.constant 0 : i32
    %dma_start3A_24 = tpu.memref_slice %arg7[%dma_start3A_22, %dma_start3A_23] : memref<40x64xi32, #tpu.memory_space<vmem>> -> memref<1x64xi32, #tpu.memory_space<vmem>>
    %dma_start3A_25 = tpu.memref_squeeze %dma_start3A_24 : memref<1x64xi32, #tpu.memory_space<vmem>> -> memref<64xi32, #tpu.memory_space<vmem>>
    %dma_start3A_26 = arith.constant 0 : i32
    %dma_start3A_27 = arith.constant 0 : i32
    %dma_start3A_28 = tpu.memref_slice %arg2[%dma_start3A_26, %dma_start3A_27] : memref<10000x128xf32, #tpu.memory_space<hbm>> -> memref<10000x128xf32, #tpu.memory_space<hbm>>
    tpu.enqueue_indirect_dma source(%dma_start3A_28 : memref<10000x128xf32, #tpu.memory_space<hbm>>) target(%arg11 : memref<64x128xf32, #tpu.memory_space<vmem>>) offsets(%dma_start3A_25 : memref<64xi32, #tpu.memory_space<vmem>>) semaphore(%arg15 : memref<!tpu.dma_semaphore, #tpu.memory_space<semaphore_mem>>)
    %dma_start3A_29 = arith.constant 3 : i32
    %dma_start3A_30 = arith.constant 0 : i32
    %dma_start3A_31 = tpu.memref_slice %arg7[%dma_start3A_29, %dma_start3A_30] : memref<40x64xi32, #tpu.memory_space<vmem>> -> memref<1x64xi32, #tpu.memory_space<vmem>>
    %dma_start3A_32 = tpu.memref_squeeze %dma_start3A_31 : memref<1x64xi32, #tpu.memory_space<vmem>> -> memref<64xi32, #tpu.memory_space<vmem>>
    %dma_start3A_33 = arith.constant 0 : i32
    %dma_start3A_34 = arith.constant 0 : i32
    %dma_start3A_35 = tpu.memref_slice %arg2[%dma_start3A_33, %dma_start3A_34] : memref<10000x128xf32, #tpu.memory_space<hbm>> -> memref<10000x128xf32, #tpu.memory_space<hbm>>
    tpu.enqueue_indirect_dma source(%dma_start3A_35 : memref<10000x128xf32, #tpu.memory_space<hbm>>) target(%arg12 : memref<64x128xf32, #tpu.memory_space<vmem>>) offsets(%dma_start3A_32 : memref<64xi32, #tpu.memory_space<vmem>>) semaphore(%arg16 : memref<!tpu.dma_semaphore, #tpu.memory_space<semaphore_mem>>)
    %scan3A = arith.constant 0 : i32
    %scan3A_36 = arith.constant 10 : i32
    %scan3A_37 = arith.addi %scan3A, %scan3A_36 : i32
    %scan3A_38 = arith.constant 1 : i32
    scf.for %scan3A_267 = %scan3A to %scan3A_37 step %scan3A_38  : i32 {
      %mul3A_268 = arith.constant 4 : i32
      %mul3A_269 = arith.muli %scan3A_267, %mul3A_268 : i32
      %add3A_270 = arith.constant 0 : i32
      %add3A_271 = arith.addi %add3A_270, %mul3A_269 : i32
      %add3A_272 = arith.constant 0 : i32
      %add3A_273 = arith.addi %add3A_271, %add3A_272 : i32
      %dma_wait3A_274 = arith.constant 0 : i32
      %dma_wait3A_275 = tpu.memref_slice %arg7[%add3A_273, %dma_wait3A_274] : memref<40x64xi32, #tpu.memory_space<vmem>> -> memref<1x64xi32, #tpu.memory_space<vmem>>
      %dma_wait3A_276 = tpu.memref_squeeze %dma_wait3A_275 : memref<1x64xi32, #tpu.memory_space<vmem>> -> memref<64xi32, #tpu.memory_space<vmem>>
      %dma_wait3A_277 = arith.constant 0 : i32
      %dma_wait3A_278 = arith.constant 0 : i32
      %dma_wait3A_279 = tpu.memref_slice %arg2[%dma_wait3A_277, %dma_wait3A_278] : memref<10000x128xf32, #tpu.memory_space<hbm>> -> memref<10000x128xf32, #tpu.memory_space<hbm>>
      tpu.wait_indirect_dma semaphore(%arg13 : memref<!tpu.dma_semaphore, #tpu.memory_space<semaphore_mem>>) src(%dma_wait3A_279 : memref<10000x128xf32, #tpu.memory_space<hbm>>) dst(%arg9 : memref<64x128xf32, #tpu.memory_space<vmem>>)
      %add3A_280 = arith.constant 0 : i32
      %add3A_281 = arith.addi %add3A_271, %add3A_280 : i32
      %dma_start3A_282 = arith.constant 0 : i32
      %dma_start3A_283 = tpu.memref_slice %arg8[%add3A_281, %dma_start3A_282] : memref<40x64xi32, #tpu.memory_space<vmem>> -> memref<1x64xi32, #tpu.memory_space<vmem>>
      %dma_start3A_284 = tpu.memref_squeeze %dma_start3A_283 : memref<1x64xi32, #tpu.memory_space<vmem>> -> memref<64xi32, #tpu.memory_space<vmem>>
      %dma_start3A_285 = arith.constant 0 : i32
      %dma_start3A_286 = arith.constant 0 : i32
      %dma_start3A_287 = tpu.memref_slice %arg21[%dma_start3A_285, %dma_start3A_286] : memref<10112x128xf32, #tpu.memory_space<vmem_shared>> -> memref<10112x128xf32, #tpu.memory_space<vmem_shared>>
      tpu.enqueue_indirect_dma source(%arg9 : memref<64x128xf32, #tpu.memory_space<vmem>>) target(%dma_start3A_287 : memref<10112x128xf32, #tpu.memory_space<vmem_shared>>) offsets(%dma_start3A_284 : memref<64xi32, #tpu.memory_space<vmem>>) semaphore(%arg17 : memref<!tpu.dma_semaphore, #tpu.memory_space<semaphore_mem>>) {add = true}
      %add3A_288 = arith.constant 1 : i32
      %add3A_289 = arith.addi %add3A_271, %add3A_288 : i32
      %dma_wait3A_290 = arith.constant 0 : i32
      %dma_wait3A_291 = tpu.memref_slice %arg7[%add3A_289, %dma_wait3A_290] : memref<40x64xi32, #tpu.memory_space<vmem>> -> memref<1x64xi32, #tpu.memory_space<vmem>>
      %dma_wait3A_292 = tpu.memref_squeeze %dma_wait3A_291 : memref<1x64xi32, #tpu.memory_space<vmem>> -> memref<64xi32, #tpu.memory_space<vmem>>
      %dma_wait3A_293 = arith.constant 0 : i32
      %dma_wait3A_294 = arith.constant 0 : i32
      %dma_wait3A_295 = tpu.memref_slice %arg2[%dma_wait3A_293, %dma_wait3A_294] : memref<10000x128xf32, #tpu.memory_space<hbm>> -> memref<10000x128xf32, #tpu.memory_space<hbm>>
      tpu.wait_indirect_dma semaphore(%arg14 : memref<!tpu.dma_semaphore, #tpu.memory_space<semaphore_mem>>) src(%dma_wait3A_295 : memref<10000x128xf32, #tpu.memory_space<hbm>>) dst(%arg10 : memref<64x128xf32, #tpu.memory_space<vmem>>)
      %add3A_296 = arith.constant 1 : i32
      %add3A_297 = arith.addi %add3A_271, %add3A_296 : i32
      %dma_start3A_298 = arith.constant 0 : i32
      %dma_start3A_299 = tpu.memref_slice %arg8[%add3A_297, %dma_start3A_298] : memref<40x64xi32, #tpu.memory_space<vmem>> -> memref<1x64xi32, #tpu.memory_space<vmem>>
      %dma_start3A_300 = tpu.memref_squeeze %dma_start3A_299 : memref<1x64xi32, #tpu.memory_space<vmem>> -> memref<64xi32, #tpu.memory_space<vmem>>
      %dma_start3A_301 = arith.constant 0 : i32
      %dma_start3A_302 = arith.constant 0 : i32
      %dma_start3A_303 = tpu.memref_slice %arg21[%dma_start3A_301, %dma_start3A_302] : memref<10112x128xf32, #tpu.memory_space<vmem_shared>> -> memref<10112x128xf32, #tpu.memory_space<vmem_shared>>
      tpu.enqueue_indirect_dma source(%arg10 : memref<64x128xf32, #tpu.memory_space<vmem>>) target(%dma_start3A_303 : memref<10112x128xf32, #tpu.memory_space<vmem_shared>>) offsets(%dma_start3A_300 : memref<64xi32, #tpu.memory_space<vmem>>) semaphore(%arg18 : memref<!tpu.dma_semaphore, #tpu.memory_space<semaphore_mem>>) {add = true}
      %add3A_304 = arith.constant 2 : i32
      %add3A_305 = arith.addi %add3A_271, %add3A_304 : i32
      %dma_wait3A_306 = arith.constant 0 : i32
      %dma_wait3A_307 = tpu.memref_slice %arg7[%add3A_305, %dma_wait3A_306] : memref<40x64xi32, #tpu.memory_space<vmem>> -> memref<1x64xi32, #tpu.memory_space<vmem>>
      %dma_wait3A_308 = tpu.memref_squeeze %dma_wait3A_307 : memref<1x64xi32, #tpu.memory_space<vmem>> -> memref<64xi32, #tpu.memory_space<vmem>>
      %dma_wait3A_309 = arith.constant 0 : i32
      %dma_wait3A_310 = arith.constant 0 : i32
      %dma_wait3A_311 = tpu.memref_slice %arg2[%dma_wait3A_309, %dma_wait3A_310] : memref<10000x128xf32, #tpu.memory_space<hbm>> -> memref<10000x128xf32, #tpu.memory_space<hbm>>
      tpu.wait_indirect_dma semaphore(%arg15 : memref<!tpu.dma_semaphore, #tpu.memory_space<semaphore_mem>>) src(%dma_wait3A_311 : memref<10000x128xf32, #tpu.memory_space<hbm>>) dst(%arg11 : memref<64x128xf32, #tpu.memory_space<vmem>>)
      %add3A_312 = arith.constant 2 : i32
      %add3A_313 = arith.addi %add3A_271, %add3A_312 : i32
      %dma_start3A_314 = arith.constant 0 : i32
      %dma_start3A_315 = tpu.memref_slice %arg8[%add3A_313, %dma_start3A_314] : memref<40x64xi32, #tpu.memory_space<vmem>> -> memref<1x64xi32, #tpu.memory_space<vmem>>
      %dma_start3A_316 = tpu.memref_squeeze %dma_start3A_315 : memref<1x64xi32, #tpu.memory_space<vmem>> -> memref<64xi32, #tpu.memory_space<vmem>>
      %dma_start3A_317 = arith.constant 0 : i32
      %dma_start3A_318 = arith.constant 0 : i32
      %dma_start3A_319 = tpu.memref_slice %arg21[%dma_start3A_317, %dma_start3A_318] : memref<10112x128xf32, #tpu.memory_space<vmem_shared>> -> memref<10112x128xf32, #tpu.memory_space<vmem_shared>>
      tpu.enqueue_indirect_dma source(%arg11 : memref<64x128xf32, #tpu.memory_space<vmem>>) target(%dma_start3A_319 : memref<10112x128xf32, #tpu.memory_space<vmem_shared>>) offsets(%dma_start3A_316 : memref<64xi32, #tpu.memory_space<vmem>>) semaphore(%arg19 : memref<!tpu.dma_semaphore, #tpu.memory_space<semaphore_mem>>) {add = true}
      %add3A_320 = arith.constant 3 : i32
      %add3A_321 = arith.addi %add3A_271, %add3A_320 : i32
      %dma_wait3A_322 = arith.constant 0 : i32
      %dma_wait3A_323 = tpu.memref_slice %arg7[%add3A_321, %dma_wait3A_322] : memref<40x64xi32, #tpu.memory_space<vmem>> -> memref<1x64xi32, #tpu.memory_space<vmem>>
      %dma_wait3A_324 = tpu.memref_squeeze %dma_wait3A_323 : memref<1x64xi32, #tpu.memory_space<vmem>> -> memref<64xi32, #tpu.memory_space<vmem>>
      %dma_wait3A_325 = arith.constant 0 : i32
      %dma_wait3A_326 = arith.constant 0 : i32
      %dma_wait3A_327 = tpu.memref_slice %arg2[%dma_wait3A_325, %dma_wait3A_326] : memref<10000x128xf32, #tpu.memory_space<hbm>> -> memref<10000x128xf32, #tpu.memory_space<hbm>>
      tpu.wait_indirect_dma semaphore(%arg16 : memref<!tpu.dma_semaphore, #tpu.memory_space<semaphore_mem>>) src(%dma_wait3A_327 : memref<10000x128xf32, #tpu.memory_space<hbm>>) dst(%arg12 : memref<64x128xf32, #tpu.memory_space<vmem>>)
      %add3A_328 = arith.constant 3 : i32
      %add3A_329 = arith.addi %add3A_271, %add3A_328 : i32
      %dma_start3A_330 = arith.constant 0 : i32
      %dma_start3A_331 = tpu.memref_slice %arg8[%add3A_329, %dma_start3A_330] : memref<40x64xi32, #tpu.memory_space<vmem>> -> memref<1x64xi32, #tpu.memory_space<vmem>>
      %dma_start3A_332 = tpu.memref_squeeze %dma_start3A_331 : memref<1x64xi32, #tpu.memory_space<vmem>> -> memref<64xi32, #tpu.memory_space<vmem>>
      %dma_start3A_333 = arith.constant 0 : i32
      %dma_start3A_334 = arith.constant 0 : i32
      %dma_start3A_335 = tpu.memref_slice %arg21[%dma_start3A_333, %dma_start3A_334] : memref<10112x128xf32, #tpu.memory_space<vmem_shared>> -> memref<10112x128xf32, #tpu.memory_space<vmem_shared>>
      tpu.enqueue_indirect_dma source(%arg12 : memref<64x128xf32, #tpu.memory_space<vmem>>) target(%dma_start3A_335 : memref<10112x128xf32, #tpu.memory_space<vmem_shared>>) offsets(%dma_start3A_332 : memref<64xi32, #tpu.memory_space<vmem>>) semaphore(%arg20 : memref<!tpu.dma_semaphore, #tpu.memory_space<semaphore_mem>>) {add = true}
      %add3A_336 = arith.constant 0 : i32
      %add3A_337 = arith.addi %add3A_271, %add3A_336 : i32
      %dma_wait3A_338 = arith.constant 0 : i32
      %dma_wait3A_339 = tpu.memref_slice %arg8[%add3A_337, %dma_wait3A_338] : memref<40x64xi32, #tpu.memory_space<vmem>> -> memref<1x64xi32, #tpu.memory_space<vmem>>
      %dma_wait3A_340 = tpu.memref_squeeze %dma_wait3A_339 : memref<1x64xi32, #tpu.memory_space<vmem>> -> memref<64xi32, #tpu.memory_space<vmem>>
      %dma_wait3A_341 = arith.constant 0 : i32
      %dma_wait3A_342 = arith.constant 0 : i32
      %dma_wait3A_343 = tpu.memref_slice %arg21[%dma_wait3A_341, %dma_wait3A_342] : memref<10112x128xf32, #tpu.memory_space<vmem_shared>> -> memref<10112x128xf32, #tpu.memory_space<vmem_shared>>
      tpu.wait_indirect_dma semaphore(%arg17 : memref<!tpu.dma_semaphore, #tpu.memory_space<semaphore_mem>>) src(%arg9 : memref<64x128xf32, #tpu.memory_space<vmem>>) dst(%dma_wait3A_343 : memref<10112x128xf32, #tpu.memory_space<vmem_shared>>)
      %add3A_344 = arith.constant 4 : i32
      %add3A_345 = arith.addi %add3A_271, %add3A_344 : i32
      %add3A_346 = arith.constant 0 : i32
      %add3A_347 = arith.addi %add3A_345, %add3A_346 : i32
      %min3A = arith.constant 39 : i32
      %min3A_348 = arith.minsi %add3A_347, %min3A : i32
      %dma_start3A_349 = arith.constant 0 : i32
      %dma_start3A_350 = tpu.memref_slice %arg7[%min3A_348, %dma_start3A_349] : memref<40x64xi32, #tpu.memory_space<vmem>> -> memref<1x64xi32, #tpu.memory_space<vmem>>
      %dma_start3A_351 = tpu.memref_squeeze %dma_start3A_350 : memref<1x64xi32, #tpu.memory_space<vmem>> -> memref<64xi32, #tpu.memory_space<vmem>>
      %dma_start3A_352 = arith.constant 0 : i32
      %dma_start3A_353 = arith.constant 0 : i32
      %dma_start3A_354 = tpu.memref_slice %arg2[%dma_start3A_352, %dma_start3A_353] : memref<10000x128xf32, #tpu.memory_space<hbm>> -> memref<10000x128xf32, #tpu.memory_space<hbm>>
      tpu.enqueue_indirect_dma source(%dma_start3A_354 : memref<10000x128xf32, #tpu.memory_space<hbm>>) target(%arg9 : memref<64x128xf32, #tpu.memory_space<vmem>>) offsets(%dma_start3A_351 : memref<64xi32, #tpu.memory_space<vmem>>) semaphore(%arg13 : memref<!tpu.dma_semaphore, #tpu.memory_space<semaphore_mem>>)
      %add3A_355 = arith.constant 1 : i32
      %add3A_356 = arith.addi %add3A_271, %add3A_355 : i32
      %dma_wait3A_357 = arith.constant 0 : i32
      %dma_wait3A_358 = tpu.memref_slice %arg8[%add3A_356, %dma_wait3A_357] : memref<40x64xi32, #tpu.memory_space<vmem>> -> memref<1x64xi32, #tpu.memory_space<vmem>>
      %dma_wait3A_359 = tpu.memref_squeeze %dma_wait3A_358 : memref<1x64xi32, #tpu.memory_space<vmem>> -> memref<64xi32, #tpu.memory_space<vmem>>
      %dma_wait3A_360 = arith.constant 0 : i32
      %dma_wait3A_361 = arith.constant 0 : i32
      %dma_wait3A_362 = tpu.memref_slice %arg21[%dma_wait3A_360, %dma_wait3A_361] : memref<10112x128xf32, #tpu.memory_space<vmem_shared>> -> memref<10112x128xf32, #tpu.memory_space<vmem_shared>>
      tpu.wait_indirect_dma semaphore(%arg18 : memref<!tpu.dma_semaphore, #tpu.memory_space<semaphore_mem>>) src(%arg10 : memref<64x128xf32, #tpu.memory_space<vmem>>) dst(%dma_wait3A_362 : memref<10112x128xf32, #tpu.memory_space<vmem_shared>>)
      %add3A_363 = arith.constant 4 : i32
      %add3A_364 = arith.addi %add3A_271, %add3A_363 : i32
      %add3A_365 = arith.constant 1 : i32
      %add3A_366 = arith.addi %add3A_364, %add3A_365 : i32
      %min3A_367 = arith.constant 39 : i32
      %min3A_368 = arith.minsi %add3A_366, %min3A_367 : i32
      %dma_start3A_369 = arith.constant 0 : i32
      %dma_start3A_370 = tpu.memref_slice %arg7[%min3A_368, %dma_start3A_369] : memref<40x64xi32, #tpu.memory_space<vmem>> -> memref<1x64xi32, #tpu.memory_space<vmem>>
      %dma_start3A_371 = tpu.memref_squeeze %dma_start3A_370 : memref<1x64xi32, #tpu.memory_space<vmem>> -> memref<64xi32, #tpu.memory_space<vmem>>
      %dma_start3A_372 = arith.constant 0 : i32
      %dma_start3A_373 = arith.constant 0 : i32
      %dma_start3A_374 = tpu.memref_slice %arg2[%dma_start3A_372, %dma_start3A_373] : memref<10000x128xf32, #tpu.memory_space<hbm>> -> memref<10000x128xf32, #tpu.memory_space<hbm>>
      tpu.enqueue_indirect_dma source(%dma_start3A_374 : memref<10000x128xf32, #tpu.memory_space<hbm>>) target(%arg10 : memref<64x128xf32, #tpu.memory_space<vmem>>) offsets(%dma_start3A_371 : memref<64xi32, #tpu.memory_space<vmem>>) semaphore(%arg14 : memref<!tpu.dma_semaphore, #tpu.memory_space<semaphore_mem>>)
      %add3A_375 = arith.constant 2 : i32
      %add3A_376 = arith.addi %add3A_271, %add3A_375 : i32
      %dma_wait3A_377 = arith.constant 0 : i32
      %dma_wait3A_378 = tpu.memref_slice %arg8[%add3A_376, %dma_wait3A_377] : memref<40x64xi32, #tpu.memory_space<vmem>> -> memref<1x64xi32, #tpu.memory_space<vmem>>
      %dma_wait3A_379 = tpu.memref_squeeze %dma_wait3A_378 : memref<1x64xi32, #tpu.memory_space<vmem>> -> memref<64xi32, #tpu.memory_space<vmem>>
      %dma_wait3A_380 = arith.constant 0 : i32
      %dma_wait3A_381 = arith.constant 0 : i32
      %dma_wait3A_382 = tpu.memref_slice %arg21[%dma_wait3A_380, %dma_wait3A_381] : memref<10112x128xf32, #tpu.memory_space<vmem_shared>> -> memref<10112x128xf32, #tpu.memory_space<vmem_shared>>
      tpu.wait_indirect_dma semaphore(%arg19 : memref<!tpu.dma_semaphore, #tpu.memory_space<semaphore_mem>>) src(%arg11 : memref<64x128xf32, #tpu.memory_space<vmem>>) dst(%dma_wait3A_382 : memref<10112x128xf32, #tpu.memory_space<vmem_shared>>)
      %add3A_383 = arith.constant 4 : i32
      %add3A_384 = arith.addi %add3A_271, %add3A_383 : i32
      %add3A_385 = arith.constant 2 : i32
      %add3A_386 = arith.addi %add3A_384, %add3A_385 : i32
      %min3A_387 = arith.constant 39 : i32
      %min3A_388 = arith.minsi %add3A_386, %min3A_387 : i32
      %dma_start3A_389 = arith.constant 0 : i32
      %dma_start3A_390 = tpu.memref_slice %arg7[%min3A_388, %dma_start3A_389] : memref<40x64xi32, #tpu.memory_space<vmem>> -> memref<1x64xi32, #tpu.memory_space<vmem>>
      %dma_start3A_391 = tpu.memref_squeeze %dma_start3A_390 : memref<1x64xi32, #tpu.memory_space<vmem>> -> memref<64xi32, #tpu.memory_space<vmem>>
      %dma_start3A_392 = arith.constant 0 : i32
      %dma_start3A_393 = arith.constant 0 : i32
      %dma_start3A_394 = tpu.memref_slice %arg2[%dma_start3A_392, %dma_start3A_393] : memref<10000x128xf32, #tpu.memory_space<hbm>> -> memref<10000x128xf32, #tpu.memory_space<hbm>>
      tpu.enqueue_indirect_dma source(%dma_start3A_394 : memref<10000x128xf32, #tpu.memory_space<hbm>>) target(%arg11 : memref<64x128xf32, #tpu.memory_space<vmem>>) offsets(%dma_start3A_391 : memref<64xi32, #tpu.memory_space<vmem>>) semaphore(%arg15 : memref<!tpu.dma_semaphore, #tpu.memory_space<semaphore_mem>>)
      %add3A_395 = arith.constant 3 : i32
      %add3A_396 = arith.addi %add3A_271, %add3A_395 : i32
      %dma_wait3A_397 = arith.constant 0 : i32
      %dma_wait3A_398 = tpu.memref_slice %arg8[%add3A_396, %dma_wait3A_397] : memref<40x64xi32, #tpu.memory_space<vmem>> -> memref<1x64xi32, #tpu.memory_space<vmem>>
      %dma_wait3A_399 = tpu.memref_squeeze %dma_wait3A_398 : memref<1x64xi32, #tpu.memory_space<vmem>> -> memref<64xi32, #tpu.memory_space<vmem>>
      %dma_wait3A_400 = arith.constant 0 : i32
      %dma_wait3A_401 = arith.constant 0 : i32
      %dma_wait3A_402 = tpu.memref_slice %arg21[%dma_wait3A_400, %dma_wait3A_401] : memref<10112x128xf32, #tpu.memory_space<vmem_shared>> -> memref<10112x128xf32, #tpu.memory_space<vmem_shared>>
      tpu.wait_indirect_dma semaphore(%arg20 : memref<!tpu.dma_semaphore, #tpu.memory_space<semaphore_mem>>) src(%arg12 : memref<64x128xf32, #tpu.memory_space<vmem>>) dst(%dma_wait3A_402 : memref<10112x128xf32, #tpu.memory_space<vmem_shared>>)
      %add3A_403 = arith.constant 4 : i32
      %add3A_404 = arith.addi %add3A_271, %add3A_403 : i32
      %add3A_405 = arith.constant 3 : i32
      %add3A_406 = arith.addi %add3A_404, %add3A_405 : i32
      %min3A_407 = arith.constant 39 : i32
      %min3A_408 = arith.minsi %add3A_406, %min3A_407 : i32
      %dma_start3A_409 = arith.constant 0 : i32
      %dma_start3A_410 = tpu.memref_slice %arg7[%min3A_408, %dma_start3A_409] : memref<40x64xi32, #tpu.memory_space<vmem>> -> memref<1x64xi32, #tpu.memory_space<vmem>>
      %dma_start3A_411 = tpu.memref_squeeze %dma_start3A_410 : memref<1x64xi32, #tpu.memory_space<vmem>> -> memref<64xi32, #tpu.memory_space<vmem>>
      %dma_start3A_412 = arith.constant 0 : i32
      %dma_start3A_413 = arith.constant 0 : i32
      %dma_start3A_414 = tpu.memref_slice %arg2[%dma_start3A_412, %dma_start3A_413] : memref<10000x128xf32, #tpu.memory_space<hbm>> -> memref<10000x128xf32, #tpu.memory_space<hbm>>
      tpu.enqueue_indirect_dma source(%dma_start3A_414 : memref<10000x128xf32, #tpu.memory_space<hbm>>) target(%arg12 : memref<64x128xf32, #tpu.memory_space<vmem>>) offsets(%dma_start3A_411 : memref<64xi32, #tpu.memory_space<vmem>>) semaphore(%arg16 : memref<!tpu.dma_semaphore, #tpu.memory_space<semaphore_mem>>)
    }
    %scan3A_39 = arith.constant 10 : i32
    %dma_wait3A = arith.constant 39 : i32
    %dma_wait3A_40 = arith.constant 0 : i32
    %dma_wait3A_41 = tpu.memref_slice %arg7[%dma_wait3A, %dma_wait3A_40] : memref<40x64xi32, #tpu.memory_space<vmem>> -> memref<1x64xi32, #tpu.memory_space<vmem>>
    %dma_wait3A_42 = tpu.memref_squeeze %dma_wait3A_41 : memref<1x64xi32, #tpu.memory_space<vmem>> -> memref<64xi32, #tpu.memory_space<vmem>>
    %dma_wait3A_43 = arith.constant 0 : i32
    %dma_wait3A_44 = arith.constant 0 : i32
    %dma_wait3A_45 = tpu.memref_slice %arg2[%dma_wait3A_43, %dma_wait3A_44] : memref<10000x128xf32, #tpu.memory_space<hbm>> -> memref<10000x128xf32, #tpu.memory_space<hbm>>
    tpu.wait_indirect_dma semaphore(%arg13 : memref<!tpu.dma_semaphore, #tpu.memory_space<semaphore_mem>>) src(%dma_wait3A_45 : memref<10000x128xf32, #tpu.memory_space<hbm>>) dst(%arg9 : memref<64x128xf32, #tpu.memory_space<vmem>>)
    %dma_wait3A_46 = arith.constant 39 : i32
    %dma_wait3A_47 = arith.constant 0 : i32
    %dma_wait3A_48 = tpu.memref_slice %arg7[%dma_wait3A_46, %dma_wait3A_47] : memref<40x64xi32, #tpu.memory_space<vmem>> -> memref<1x64xi32, #tpu.memory_space<vmem>>
    %dma_wait3A_49 = tpu.memref_squeeze %dma_wait3A_48 : memref<1x64xi32, #tpu.memory_space<vmem>> -> memref<64xi32, #tpu.memory_space<vmem>>
    %dma_wait3A_50 = arith.constant 0 : i32
    %dma_wait3A_51 = arith.constant 0 : i32
    %dma_wait3A_52 = tpu.memref_slice %arg2[%dma_wait3A_50, %dma_wait3A_51] : memref<10000x128xf32, #tpu.memory_space<hbm>> -> memref<10000x128xf32, #tpu.memory_space<hbm>>
    tpu.wait_indirect_dma semaphore(%arg14 : memref<!tpu.dma_semaphore, #tpu.memory_space<semaphore_mem>>) src(%dma_wait3A_52 : memref<10000x128xf32, #tpu.memory_space<hbm>>) dst(%arg10 : memref<64x128xf32, #tpu.memory_space<vmem>>)
    %dma_wait3A_53 = arith.constant 39 : i32
    %dma_wait3A_54 = arith.constant 0 : i32
    %dma_wait3A_55 = tpu.memref_slice %arg7[%dma_wait3A_53, %dma_wait3A_54] : memref<40x64xi32, #tpu.memory_space<vmem>> -> memref<1x64xi32, #tpu.memory_space<vmem>>
    %dma_wait3A_56 = tpu.memref_squeeze %dma_wait3A_55 : memref<1x64xi32, #tpu.memory_space<vmem>> -> memref<64xi32, #tpu.memory_space<vmem>>
    %dma_wait3A_57 = arith.constant 0 : i32
    %dma_wait3A_58 = arith.constant 0 : i32
    %dma_wait3A_59 = tpu.memref_slice %arg2[%dma_wait3A_57, %dma_wait3A_58] : memref<10000x128xf32, #tpu.memory_space<hbm>> -> memref<10000x128xf32, #tpu.memory_space<hbm>>
    tpu.wait_indirect_dma semaphore(%arg15 : memref<!tpu.dma_semaphore, #tpu.memory_space<semaphore_mem>>) src(%dma_wait3A_59 : memref<10000x128xf32, #tpu.memory_space<hbm>>) dst(%arg11 : memref<64x128xf32, #tpu.memory_space<vmem>>)
    %dma_wait3A_60 = arith.constant 39 : i32
    %dma_wait3A_61 = arith.constant 0 : i32
    %dma_wait3A_62 = tpu.memref_slice %arg7[%dma_wait3A_60, %dma_wait3A_61] : memref<40x64xi32, #tpu.memory_space<vmem>> -> memref<1x64xi32, #tpu.memory_space<vmem>>
    %dma_wait3A_63 = tpu.memref_squeeze %dma_wait3A_62 : memref<1x64xi32, #tpu.memory_space<vmem>> -> memref<64xi32, #tpu.memory_space<vmem>>
    %dma_wait3A_64 = arith.constant 0 : i32
    %dma_wait3A_65 = arith.constant 0 : i32
    %dma_wait3A_66 = tpu.memref_slice %arg2[%dma_wait3A_64, %dma_wait3A_65] : memref<10000x128xf32, #tpu.memory_space<hbm>> -> memref<10000x128xf32, #tpu.memory_space<hbm>>
    tpu.wait_indirect_dma semaphore(%arg16 : memref<!tpu.dma_semaphore, #tpu.memory_space<semaphore_mem>>) src(%dma_wait3A_66 : memref<10000x128xf32, #tpu.memory_space<hbm>>) dst(%arg12 : memref<64x128xf32, #tpu.memory_space<vmem>>)
    %add3A_67 = arith.constant 40 : i32
    %add3A_68 = arith.addi %mul3A_4, %add3A_67 : i32
    "tpu.region"() ({
      %run_scoped3A = tpu.sem_alloc : memref<!tpu.dma_semaphore, #tpu.memory_space<semaphore_mem>>
      %dma_start3A_267 = arith.constant 0 : i32
      %dma_start3A_268 = tpu.memref_slice %arg3[%add3A_68, %dma_start3A_267] : memref<5120x64xi32, #tpu.memory_space<hbm>> -> memref<40x64xi32, #tpu.memory_space<hbm>>
      %dma_start3A_269 = arith.constant 0 : i32
      %dma_start3A_270 = tpu.memref_slice %arg3[%add3A_68, %dma_start3A_269] : memref<5120x64xi32, #tpu.memory_space<hbm>> -> memref<40x64xi32, #tpu.memory_space<hbm>>
      tpu.enqueue_dma source(%dma_start3A_270 : memref<40x64xi32, #tpu.memory_space<hbm>>) target(%arg7 : memref<40x64xi32, #tpu.memory_space<vmem>>) target_semaphore(%run_scoped3A : memref<!tpu.dma_semaphore, #tpu.memory_space<semaphore_mem>>)
      %dma_wait3A_271 = arith.constant 0 : i32
      %dma_wait3A_272 = tpu.memref_slice %arg3[%add3A_68, %dma_wait3A_271] : memref<5120x64xi32, #tpu.memory_space<hbm>> -> memref<40x64xi32, #tpu.memory_space<hbm>>
      %dma_wait3A_273 = arith.constant 0 : i32
      %dma_wait3A_274 = tpu.memref_slice %arg3[%add3A_68, %dma_wait3A_273] : memref<5120x64xi32, #tpu.memory_space<hbm>> -> memref<40x64xi32, #tpu.memory_space<hbm>>
      tpu.wait_dma2 semaphore(%run_scoped3A : memref<!tpu.dma_semaphore, #tpu.memory_space<semaphore_mem>>) src(%dma_wait3A_274 : memref<40x64xi32, #tpu.memory_space<hbm>>) dst(%arg7 : memref<40x64xi32, #tpu.memory_space<vmem>>)
      tpu.yield
    }) : () -> ()
    %add3A_69 = arith.constant 40 : i32
    %add3A_70 = arith.addi %mul3A_4, %add3A_69 : i32
    "tpu.region"() ({
      %run_scoped3A = tpu.sem_alloc : memref<!tpu.dma_semaphore, #tpu.memory_space<semaphore_mem>>
      %dma_start3A_267 = arith.constant 0 : i32
      %dma_start3A_268 = tpu.memref_slice %arg4[%add3A_70, %dma_start3A_267] : memref<5120x64xi32, #tpu.memory_space<hbm>> -> memref<40x64xi32, #tpu.memory_space<hbm>>
      %dma_start3A_269 = arith.constant 0 : i32
      %dma_start3A_270 = tpu.memref_slice %arg4[%add3A_70, %dma_start3A_269] : memref<5120x64xi32, #tpu.memory_space<hbm>> -> memref<40x64xi32, #tpu.memory_space<hbm>>
      tpu.enqueue_dma source(%dma_start3A_270 : memref<40x64xi32, #tpu.memory_space<hbm>>) target(%arg8 : memref<40x64xi32, #tpu.memory_space<vmem>>) target_semaphore(%run_scoped3A : memref<!tpu.dma_semaphore, #tpu.memory_space<semaphore_mem>>)
      %dma_wait3A_271 = arith.constant 0 : i32
      %dma_wait3A_272 = tpu.memref_slice %arg4[%add3A_70, %dma_wait3A_271] : memref<5120x64xi32, #tpu.memory_space<hbm>> -> memref<40x64xi32, #tpu.memory_space<hbm>>
      %dma_wait3A_273 = arith.constant 0 : i32
      %dma_wait3A_274 = tpu.memref_slice %arg4[%add3A_70, %dma_wait3A_273] : memref<5120x64xi32, #tpu.memory_space<hbm>> -> memref<40x64xi32, #tpu.memory_space<hbm>>
      tpu.wait_dma2 semaphore(%run_scoped3A : memref<!tpu.dma_semaphore, #tpu.memory_space<semaphore_mem>>) src(%dma_wait3A_274 : memref<40x64xi32, #tpu.memory_space<hbm>>) dst(%arg8 : memref<40x64xi32, #tpu.memory_space<vmem>>)
      tpu.yield
    }) : () -> ()
    %dma_start3A_71 = arith.constant 0 : i32
    %dma_start3A_72 = arith.constant 0 : i32
    %dma_start3A_73 = tpu.memref_slice %arg7[%dma_start3A_71, %dma_start3A_72] : memref<40x64xi32, #tpu.memory_space<vmem>> -> memref<1x64xi32, #tpu.memory_space<vmem>>
    %dma_start3A_74 = tpu.memref_squeeze %dma_start3A_73 : memref<1x64xi32, #tpu.memory_space<vmem>> -> memref<64xi32, #tpu.memory_space<vmem>>
    %dma_start3A_75 = arith.constant 0 : i32
    %dma_start3A_76 = arith.constant 0 : i32
    %dma_start3A_77 = tpu.memref_slice %arg2[%dma_start3A_75, %dma_start3A_76] : memref<10000x128xf32, #tpu.memory_space<hbm>> -> memref<10000x128xf32, #tpu.memory_space<hbm>>
    tpu.enqueue_indirect_dma source(%dma_start3A_77 : memref<10000x128xf32, #tpu.memory_space<hbm>>) target(%arg9 : memref<64x128xf32, #tpu.memory_space<vmem>>) offsets(%dma_start3A_74 : memref<64xi32, #tpu.memory_space<vmem>>) semaphore(%arg13 : memref<!tpu.dma_semaphore, #tpu.memory_space<semaphore_mem>>)
    %dma_start3A_78 = arith.constant 1 : i32
    %dma_start3A_79 = arith.constant 0 : i32
    %dma_start3A_80 = tpu.memref_slice %arg7[%dma_start3A_78, %dma_start3A_79] : memref<40x64xi32, #tpu.memory_space<vmem>> -> memref<1x64xi32, #tpu.memory_space<vmem>>
    %dma_start3A_81 = tpu.memref_squeeze %dma_start3A_80 : memref<1x64xi32, #tpu.memory_space<vmem>> -> memref<64xi32, #tpu.memory_space<vmem>>
    %dma_start3A_82 = arith.constant 0 : i32
    %dma_start3A_83 = arith.constant 0 : i32
    %dma_start3A_84 = tpu.memref_slice %arg2[%dma_start3A_82, %dma_start3A_83] : memref<10000x128xf32, #tpu.memory_space<hbm>> -> memref<10000x128xf32, #tpu.memory_space<hbm>>
    tpu.enqueue_indirect_dma source(%dma_start3A_84 : memref<10000x128xf32, #tpu.memory_space<hbm>>) target(%arg10 : memref<64x128xf32, #tpu.memory_space<vmem>>) offsets(%dma_start3A_81 : memref<64xi32, #tpu.memory_space<vmem>>) semaphore(%arg14 : memref<!tpu.dma_semaphore, #tpu.memory_space<semaphore_mem>>)
    %dma_start3A_85 = arith.constant 2 : i32
    %dma_start3A_86 = arith.constant 0 : i32
    %dma_start3A_87 = tpu.memref_slice %arg7[%dma_start3A_85, %dma_start3A_86] : memref<40x64xi32, #tpu.memory_space<vmem>> -> memref<1x64xi32, #tpu.memory_space<vmem>>
    %dma_start3A_88 = tpu.memref_squeeze %dma_start3A_87 : memref<1x64xi32, #tpu.memory_space<vmem>> -> memref<64xi32, #tpu.memory_space<vmem>>
    %dma_start3A_89 = arith.constant 0 : i32
    %dma_start3A_90 = arith.constant 0 : i32
    %dma_start3A_91 = tpu.memref_slice %arg2[%dma_start3A_89, %dma_start3A_90] : memref<10000x128xf32, #tpu.memory_space<hbm>> -> memref<10000x128xf32, #tpu.memory_space<hbm>>
    tpu.enqueue_indirect_dma source(%dma_start3A_91 : memref<10000x128xf32, #tpu.memory_space<hbm>>) target(%arg11 : memref<64x128xf32, #tpu.memory_space<vmem>>) offsets(%dma_start3A_88 : memref<64xi32, #tpu.memory_space<vmem>>) semaphore(%arg15 : memref<!tpu.dma_semaphore, #tpu.memory_space<semaphore_mem>>)
    %dma_start3A_92 = arith.constant 3 : i32
    %dma_start3A_93 = arith.constant 0 : i32
    %dma_start3A_94 = tpu.memref_slice %arg7[%dma_start3A_92, %dma_start3A_93] : memref<40x64xi32, #tpu.memory_space<vmem>> -> memref<1x64xi32, #tpu.memory_space<vmem>>
    %dma_start3A_95 = tpu.memref_squeeze %dma_start3A_94 : memref<1x64xi32, #tpu.memory_space<vmem>> -> memref<64xi32, #tpu.memory_space<vmem>>
    %dma_start3A_96 = arith.constant 0 : i32
    %dma_start3A_97 = arith.constant 0 : i32
    %dma_start3A_98 = tpu.memref_slice %arg2[%dma_start3A_96, %dma_start3A_97] : memref<10000x128xf32, #tpu.memory_space<hbm>> -> memref<10000x128xf32, #tpu.memory_space<hbm>>
    tpu.enqueue_indirect_dma source(%dma_start3A_98 : memref<10000x128xf32, #tpu.memory_space<hbm>>) target(%arg12 : memref<64x128xf32, #tpu.memory_space<vmem>>) offsets(%dma_start3A_95 : memref<64xi32, #tpu.memory_space<vmem>>) semaphore(%arg16 : memref<!tpu.dma_semaphore, #tpu.memory_space<semaphore_mem>>)
    %scan3A_99 = arith.constant 0 : i32
    %scan3A_100 = arith.constant 10 : i32
    %scan3A_101 = arith.addi %scan3A_99, %scan3A_100 : i32
    %scan3A_102 = arith.constant 1 : i32
    scf.for %scan3A_267 = %scan3A_99 to %scan3A_101 step %scan3A_102  : i32 {
      %mul3A_268 = arith.constant 4 : i32
      %mul3A_269 = arith.muli %scan3A_267, %mul3A_268 : i32
      %add3A_270 = arith.constant 0 : i32
      %add3A_271 = arith.addi %add3A_270, %mul3A_269 : i32
      %add3A_272 = arith.constant 0 : i32
      %add3A_273 = arith.addi %add3A_271, %add3A_272 : i32
      %dma_wait3A_274 = arith.constant 0 : i32
      %dma_wait3A_275 = tpu.memref_slice %arg7[%add3A_273, %dma_wait3A_274] : memref<40x64xi32, #tpu.memory_space<vmem>> -> memref<1x64xi32, #tpu.memory_space<vmem>>
      %dma_wait3A_276 = tpu.memref_squeeze %dma_wait3A_275 : memref<1x64xi32, #tpu.memory_space<vmem>> -> memref<64xi32, #tpu.memory_space<vmem>>
      %dma_wait3A_277 = arith.constant 0 : i32
      %dma_wait3A_278 = arith.constant 0 : i32
      %dma_wait3A_279 = tpu.memref_slice %arg2[%dma_wait3A_277, %dma_wait3A_278] : memref<10000x128xf32, #tpu.memory_space<hbm>> -> memref<10000x128xf32, #tpu.memory_space<hbm>>
      tpu.wait_indirect_dma semaphore(%arg13 : memref<!tpu.dma_semaphore, #tpu.memory_space<semaphore_mem>>) src(%dma_wait3A_279 : memref<10000x128xf32, #tpu.memory_space<hbm>>) dst(%arg9 : memref<64x128xf32, #tpu.memory_space<vmem>>)
      %add3A_280 = arith.constant 0 : i32
      %add3A_281 = arith.addi %add3A_271, %add3A_280 : i32
      %dma_start3A_282 = arith.constant 0 : i32
      %dma_start3A_283 = tpu.memref_slice %arg8[%add3A_281, %dma_start3A_282] : memref<40x64xi32, #tpu.memory_space<vmem>> -> memref<1x64xi32, #tpu.memory_space<vmem>>
      %dma_start3A_284 = tpu.memref_squeeze %dma_start3A_283 : memref<1x64xi32, #tpu.memory_space<vmem>> -> memref<64xi32, #tpu.memory_space<vmem>>
      %dma_start3A_285 = arith.constant 0 : i32
      %dma_start3A_286 = arith.constant 0 : i32
      %dma_start3A_287 = tpu.memref_slice %arg21[%dma_start3A_285, %dma_start3A_286] : memref<10112x128xf32, #tpu.memory_space<vmem_shared>> -> memref<10112x128xf32, #tpu.memory_space<vmem_shared>>
      tpu.enqueue_indirect_dma source(%arg9 : memref<64x128xf32, #tpu.memory_space<vmem>>) target(%dma_start3A_287 : memref<10112x128xf32, #tpu.memory_space<vmem_shared>>) offsets(%dma_start3A_284 : memref<64xi32, #tpu.memory_space<vmem>>) semaphore(%arg17 : memref<!tpu.dma_semaphore, #tpu.memory_space<semaphore_mem>>) {add = true}
      %add3A_288 = arith.constant 1 : i32
      %add3A_289 = arith.addi %add3A_271, %add3A_288 : i32
      %dma_wait3A_290 = arith.constant 0 : i32
      %dma_wait3A_291 = tpu.memref_slice %arg7[%add3A_289, %dma_wait3A_290] : memref<40x64xi32, #tpu.memory_space<vmem>> -> memref<1x64xi32, #tpu.memory_space<vmem>>
      %dma_wait3A_292 = tpu.memref_squeeze %dma_wait3A_291 : memref<1x64xi32, #tpu.memory_space<vmem>> -> memref<64xi32, #tpu.memory_space<vmem>>
      %dma_wait3A_293 = arith.constant 0 : i32
      %dma_wait3A_294 = arith.constant 0 : i32
      %dma_wait3A_295 = tpu.memref_slice %arg2[%dma_wait3A_293, %dma_wait3A_294] : memref<10000x128xf32, #tpu.memory_space<hbm>> -> memref<10000x128xf32, #tpu.memory_space<hbm>>
      tpu.wait_indirect_dma semaphore(%arg14 : memref<!tpu.dma_semaphore, #tpu.memory_space<semaphore_mem>>) src(%dma_wait3A_295 : memref<10000x128xf32, #tpu.memory_space<hbm>>) dst(%arg10 : memref<64x128xf32, #tpu.memory_space<vmem>>)
      %add3A_296 = arith.constant 1 : i32
      %add3A_297 = arith.addi %add3A_271, %add3A_296 : i32
      %dma_start3A_298 = arith.constant 0 : i32
      %dma_start3A_299 = tpu.memref_slice %arg8[%add3A_297, %dma_start3A_298] : memref<40x64xi32, #tpu.memory_space<vmem>> -> memref<1x64xi32, #tpu.memory_space<vmem>>
      %dma_start3A_300 = tpu.memref_squeeze %dma_start3A_299 : memref<1x64xi32, #tpu.memory_space<vmem>> -> memref<64xi32, #tpu.memory_space<vmem>>
      %dma_start3A_301 = arith.constant 0 : i32
      %dma_start3A_302 = arith.constant 0 : i32
      %dma_start3A_303 = tpu.memref_slice %arg21[%dma_start3A_301, %dma_start3A_302] : memref<10112x128xf32, #tpu.memory_space<vmem_shared>> -> memref<10112x128xf32, #tpu.memory_space<vmem_shared>>
      tpu.enqueue_indirect_dma source(%arg10 : memref<64x128xf32, #tpu.memory_space<vmem>>) target(%dma_start3A_303 : memref<10112x128xf32, #tpu.memory_space<vmem_shared>>) offsets(%dma_start3A_300 : memref<64xi32, #tpu.memory_space<vmem>>) semaphore(%arg18 : memref<!tpu.dma_semaphore, #tpu.memory_space<semaphore_mem>>) {add = true}
      %add3A_304 = arith.constant 2 : i32
      %add3A_305 = arith.addi %add3A_271, %add3A_304 : i32
      %dma_wait3A_306 = arith.constant 0 : i32
      %dma_wait3A_307 = tpu.memref_slice %arg7[%add3A_305, %dma_wait3A_306] : memref<40x64xi32, #tpu.memory_space<vmem>> -> memref<1x64xi32, #tpu.memory_space<vmem>>
      %dma_wait3A_308 = tpu.memref_squeeze %dma_wait3A_307 : memref<1x64xi32, #tpu.memory_space<vmem>> -> memref<64xi32, #tpu.memory_space<vmem>>
      %dma_wait3A_309 = arith.constant 0 : i32
      %dma_wait3A_310 = arith.constant 0 : i32
      %dma_wait3A_311 = tpu.memref_slice %arg2[%dma_wait3A_309, %dma_wait3A_310] : memref<10000x128xf32, #tpu.memory_space<hbm>> -> memref<10000x128xf32, #tpu.memory_space<hbm>>
      tpu.wait_indirect_dma semaphore(%arg15 : memref<!tpu.dma_semaphore, #tpu.memory_space<semaphore_mem>>) src(%dma_wait3A_311 : memref<10000x128xf32, #tpu.memory_space<hbm>>) dst(%arg11 : memref<64x128xf32, #tpu.memory_space<vmem>>)
      %add3A_312 = arith.constant 2 : i32
      %add3A_313 = arith.addi %add3A_271, %add3A_312 : i32
      %dma_start3A_314 = arith.constant 0 : i32
      %dma_start3A_315 = tpu.memref_slice %arg8[%add3A_313, %dma_start3A_314] : memref<40x64xi32, #tpu.memory_space<vmem>> -> memref<1x64xi32, #tpu.memory_space<vmem>>
      %dma_start3A_316 = tpu.memref_squeeze %dma_start3A_315 : memref<1x64xi32, #tpu.memory_space<vmem>> -> memref<64xi32, #tpu.memory_space<vmem>>
      %dma_start3A_317 = arith.constant 0 : i32
      %dma_start3A_318 = arith.constant 0 : i32
      %dma_start3A_319 = tpu.memref_slice %arg21[%dma_start3A_317, %dma_start3A_318] : memref<10112x128xf32, #tpu.memory_space<vmem_shared>> -> memref<10112x128xf32, #tpu.memory_space<vmem_shared>>
      tpu.enqueue_indirect_dma source(%arg11 : memref<64x128xf32, #tpu.memory_space<vmem>>) target(%dma_start3A_319 : memref<10112x128xf32, #tpu.memory_space<vmem_shared>>) offsets(%dma_start3A_316 : memref<64xi32, #tpu.memory_space<vmem>>) semaphore(%arg19 : memref<!tpu.dma_semaphore, #tpu.memory_space<semaphore_mem>>) {add = true}
      %add3A_320 = arith.constant 3 : i32
      %add3A_321 = arith.addi %add3A_271, %add3A_320 : i32
      %dma_wait3A_322 = arith.constant 0 : i32
      %dma_wait3A_323 = tpu.memref_slice %arg7[%add3A_321, %dma_wait3A_322] : memref<40x64xi32, #tpu.memory_space<vmem>> -> memref<1x64xi32, #tpu.memory_space<vmem>>
      %dma_wait3A_324 = tpu.memref_squeeze %dma_wait3A_323 : memref<1x64xi32, #tpu.memory_space<vmem>> -> memref<64xi32, #tpu.memory_space<vmem>>
      %dma_wait3A_325 = arith.constant 0 : i32
      %dma_wait3A_326 = arith.constant 0 : i32
      %dma_wait3A_327 = tpu.memref_slice %arg2[%dma_wait3A_325, %dma_wait3A_326] : memref<10000x128xf32, #tpu.memory_space<hbm>> -> memref<10000x128xf32, #tpu.memory_space<hbm>>
      tpu.wait_indirect_dma semaphore(%arg16 : memref<!tpu.dma_semaphore, #tpu.memory_space<semaphore_mem>>) src(%dma_wait3A_327 : memref<10000x128xf32, #tpu.memory_space<hbm>>) dst(%arg12 : memref<64x128xf32, #tpu.memory_space<vmem>>)
      %add3A_328 = arith.constant 3 : i32
      %add3A_329 = arith.addi %add3A_271, %add3A_328 : i32
      %dma_start3A_330 = arith.constant 0 : i32
      %dma_start3A_331 = tpu.memref_slice %arg8[%add3A_329, %dma_start3A_330] : memref<40x64xi32, #tpu.memory_space<vmem>> -> memref<1x64xi32, #tpu.memory_space<vmem>>
      %dma_start3A_332 = tpu.memref_squeeze %dma_start3A_331 : memref<1x64xi32, #tpu.memory_space<vmem>> -> memref<64xi32, #tpu.memory_space<vmem>>
      %dma_start3A_333 = arith.constant 0 : i32
      %dma_start3A_334 = arith.constant 0 : i32
      %dma_start3A_335 = tpu.memref_slice %arg21[%dma_start3A_333, %dma_start3A_334] : memref<10112x128xf32, #tpu.memory_space<vmem_shared>> -> memref<10112x128xf32, #tpu.memory_space<vmem_shared>>
      tpu.enqueue_indirect_dma source(%arg12 : memref<64x128xf32, #tpu.memory_space<vmem>>) target(%dma_start3A_335 : memref<10112x128xf32, #tpu.memory_space<vmem_shared>>) offsets(%dma_start3A_332 : memref<64xi32, #tpu.memory_space<vmem>>) semaphore(%arg20 : memref<!tpu.dma_semaphore, #tpu.memory_space<semaphore_mem>>) {add = true}
      %add3A_336 = arith.constant 0 : i32
      %add3A_337 = arith.addi %add3A_271, %add3A_336 : i32
      %dma_wait3A_338 = arith.constant 0 : i32
      %dma_wait3A_339 = tpu.memref_slice %arg8[%add3A_337, %dma_wait3A_338] : memref<40x64xi32, #tpu.memory_space<vmem>> -> memref<1x64xi32, #tpu.memory_space<vmem>>
      %dma_wait3A_340 = tpu.memref_squeeze %dma_wait3A_339 : memref<1x64xi32, #tpu.memory_space<vmem>> -> memref<64xi32, #tpu.memory_space<vmem>>
      %dma_wait3A_341 = arith.constant 0 : i32
      %dma_wait3A_342 = arith.constant 0 : i32
      %dma_wait3A_343 = tpu.memref_slice %arg21[%dma_wait3A_341, %dma_wait3A_342] : memref<10112x128xf32, #tpu.memory_space<vmem_shared>> -> memref<10112x128xf32, #tpu.memory_space<vmem_shared>>
      tpu.wait_indirect_dma semaphore(%arg17 : memref<!tpu.dma_semaphore, #tpu.memory_space<semaphore_mem>>) src(%arg9 : memref<64x128xf32, #tpu.memory_space<vmem>>) dst(%dma_wait3A_343 : memref<10112x128xf32, #tpu.memory_space<vmem_shared>>)
      %add3A_344 = arith.constant 4 : i32
      %add3A_345 = arith.addi %add3A_271, %add3A_344 : i32
      %add3A_346 = arith.constant 0 : i32
      %add3A_347 = arith.addi %add3A_345, %add3A_346 : i32
      %min3A = arith.constant 39 : i32
      %min3A_348 = arith.minsi %add3A_347, %min3A : i32
      %dma_start3A_349 = arith.constant 0 : i32
      %dma_start3A_350 = tpu.memref_slice %arg7[%min3A_348, %dma_start3A_349] : memref<40x64xi32, #tpu.memory_space<vmem>> -> memref<1x64xi32, #tpu.memory_space<vmem>>
      %dma_start3A_351 = tpu.memref_squeeze %dma_start3A_350 : memref<1x64xi32, #tpu.memory_space<vmem>> -> memref<64xi32, #tpu.memory_space<vmem>>
      %dma_start3A_352 = arith.constant 0 : i32
      %dma_start3A_353 = arith.constant 0 : i32
      %dma_start3A_354 = tpu.memref_slice %arg2[%dma_start3A_352, %dma_start3A_353] : memref<10000x128xf32, #tpu.memory_space<hbm>> -> memref<10000x128xf32, #tpu.memory_space<hbm>>
      tpu.enqueue_indirect_dma source(%dma_start3A_354 : memref<10000x128xf32, #tpu.memory_space<hbm>>) target(%arg9 : memref<64x128xf32, #tpu.memory_space<vmem>>) offsets(%dma_start3A_351 : memref<64xi32, #tpu.memory_space<vmem>>) semaphore(%arg13 : memref<!tpu.dma_semaphore, #tpu.memory_space<semaphore_mem>>)
      %add3A_355 = arith.constant 1 : i32
      %add3A_356 = arith.addi %add3A_271, %add3A_355 : i32
      %dma_wait3A_357 = arith.constant 0 : i32
      %dma_wait3A_358 = tpu.memref_slice %arg8[%add3A_356, %dma_wait3A_357] : memref<40x64xi32, #tpu.memory_space<vmem>> -> memref<1x64xi32, #tpu.memory_space<vmem>>
      %dma_wait3A_359 = tpu.memref_squeeze %dma_wait3A_358 : memref<1x64xi32, #tpu.memory_space<vmem>> -> memref<64xi32, #tpu.memory_space<vmem>>
      %dma_wait3A_360 = arith.constant 0 : i32
      %dma_wait3A_361 = arith.constant 0 : i32
      %dma_wait3A_362 = tpu.memref_slice %arg21[%dma_wait3A_360, %dma_wait3A_361] : memref<10112x128xf32, #tpu.memory_space<vmem_shared>> -> memref<10112x128xf32, #tpu.memory_space<vmem_shared>>
      tpu.wait_indirect_dma semaphore(%arg18 : memref<!tpu.dma_semaphore, #tpu.memory_space<semaphore_mem>>) src(%arg10 : memref<64x128xf32, #tpu.memory_space<vmem>>) dst(%dma_wait3A_362 : memref<10112x128xf32, #tpu.memory_space<vmem_shared>>)
      %add3A_363 = arith.constant 4 : i32
      %add3A_364 = arith.addi %add3A_271, %add3A_363 : i32
      %add3A_365 = arith.constant 1 : i32
      %add3A_366 = arith.addi %add3A_364, %add3A_365 : i32
      %min3A_367 = arith.constant 39 : i32
      %min3A_368 = arith.minsi %add3A_366, %min3A_367 : i32
      %dma_start3A_369 = arith.constant 0 : i32
      %dma_start3A_370 = tpu.memref_slice %arg7[%min3A_368, %dma_start3A_369] : memref<40x64xi32, #tpu.memory_space<vmem>> -> memref<1x64xi32, #tpu.memory_space<vmem>>
      %dma_start3A_371 = tpu.memref_squeeze %dma_start3A_370 : memref<1x64xi32, #tpu.memory_space<vmem>> -> memref<64xi32, #tpu.memory_space<vmem>>
      %dma_start3A_372 = arith.constant 0 : i32
      %dma_start3A_373 = arith.constant 0 : i32
      %dma_start3A_374 = tpu.memref_slice %arg2[%dma_start3A_372, %dma_start3A_373] : memref<10000x128xf32, #tpu.memory_space<hbm>> -> memref<10000x128xf32, #tpu.memory_space<hbm>>
      tpu.enqueue_indirect_dma source(%dma_start3A_374 : memref<10000x128xf32, #tpu.memory_space<hbm>>) target(%arg10 : memref<64x128xf32, #tpu.memory_space<vmem>>) offsets(%dma_start3A_371 : memref<64xi32, #tpu.memory_space<vmem>>) semaphore(%arg14 : memref<!tpu.dma_semaphore, #tpu.memory_space<semaphore_mem>>)
      %add3A_375 = arith.constant 2 : i32
      %add3A_376 = arith.addi %add3A_271, %add3A_375 : i32
      %dma_wait3A_377 = arith.constant 0 : i32
      %dma_wait3A_378 = tpu.memref_slice %arg8[%add3A_376, %dma_wait3A_377] : memref<40x64xi32, #tpu.memory_space<vmem>> -> memref<1x64xi32, #tpu.memory_space<vmem>>
      %dma_wait3A_379 = tpu.memref_squeeze %dma_wait3A_378 : memref<1x64xi32, #tpu.memory_space<vmem>> -> memref<64xi32, #tpu.memory_space<vmem>>
      %dma_wait3A_380 = arith.constant 0 : i32
      %dma_wait3A_381 = arith.constant 0 : i32
      %dma_wait3A_382 = tpu.memref_slice %arg21[%dma_wait3A_380, %dma_wait3A_381] : memref<10112x128xf32, #tpu.memory_space<vmem_shared>> -> memref<10112x128xf32, #tpu.memory_space<vmem_shared>>
      tpu.wait_indirect_dma semaphore(%arg19 : memref<!tpu.dma_semaphore, #tpu.memory_space<semaphore_mem>>) src(%arg11 : memref<64x128xf32, #tpu.memory_space<vmem>>) dst(%dma_wait3A_382 : memref<10112x128xf32, #tpu.memory_space<vmem_shared>>)
      %add3A_383 = arith.constant 4 : i32
      %add3A_384 = arith.addi %add3A_271, %add3A_383 : i32
      %add3A_385 = arith.constant 2 : i32
      %add3A_386 = arith.addi %add3A_384, %add3A_385 : i32
      %min3A_387 = arith.constant 39 : i32
      %min3A_388 = arith.minsi %add3A_386, %min3A_387 : i32
      %dma_start3A_389 = arith.constant 0 : i32
      %dma_start3A_390 = tpu.memref_slice %arg7[%min3A_388, %dma_start3A_389] : memref<40x64xi32, #tpu.memory_space<vmem>> -> memref<1x64xi32, #tpu.memory_space<vmem>>
      %dma_start3A_391 = tpu.memref_squeeze %dma_start3A_390 : memref<1x64xi32, #tpu.memory_space<vmem>> -> memref<64xi32, #tpu.memory_space<vmem>>
      %dma_start3A_392 = arith.constant 0 : i32
      %dma_start3A_393 = arith.constant 0 : i32
      %dma_start3A_394 = tpu.memref_slice %arg2[%dma_start3A_392, %dma_start3A_393] : memref<10000x128xf32, #tpu.memory_space<hbm>> -> memref<10000x128xf32, #tpu.memory_space<hbm>>
      tpu.enqueue_indirect_dma source(%dma_start3A_394 : memref<10000x128xf32, #tpu.memory_space<hbm>>) target(%arg11 : memref<64x128xf32, #tpu.memory_space<vmem>>) offsets(%dma_start3A_391 : memref<64xi32, #tpu.memory_space<vmem>>) semaphore(%arg15 : memref<!tpu.dma_semaphore, #tpu.memory_space<semaphore_mem>>)
      %add3A_395 = arith.constant 3 : i32
      %add3A_396 = arith.addi %add3A_271, %add3A_395 : i32
      %dma_wait3A_397 = arith.constant 0 : i32
      %dma_wait3A_398 = tpu.memref_slice %arg8[%add3A_396, %dma_wait3A_397] : memref<40x64xi32, #tpu.memory_space<vmem>> -> memref<1x64xi32, #tpu.memory_space<vmem>>
      %dma_wait3A_399 = tpu.memref_squeeze %dma_wait3A_398 : memref<1x64xi32, #tpu.memory_space<vmem>> -> memref<64xi32, #tpu.memory_space<vmem>>
      %dma_wait3A_400 = arith.constant 0 : i32
      %dma_wait3A_401 = arith.constant 0 : i32
      %dma_wait3A_402 = tpu.memref_slice %arg21[%dma_wait3A_400, %dma_wait3A_401] : memref<10112x128xf32, #tpu.memory_space<vmem_shared>> -> memref<10112x128xf32, #tpu.memory_space<vmem_shared>>
      tpu.wait_indirect_dma semaphore(%arg20 : memref<!tpu.dma_semaphore, #tpu.memory_space<semaphore_mem>>) src(%arg12 : memref<64x128xf32, #tpu.memory_space<vmem>>) dst(%dma_wait3A_402 : memref<10112x128xf32, #tpu.memory_space<vmem_shared>>)
      %add3A_403 = arith.constant 4 : i32
      %add3A_404 = arith.addi %add3A_271, %add3A_403 : i32
      %add3A_405 = arith.constant 3 : i32
      %add3A_406 = arith.addi %add3A_404, %add3A_405 : i32
      %min3A_407 = arith.constant 39 : i32
      %min3A_408 = arith.minsi %add3A_406, %min3A_407 : i32
      %dma_start3A_409 = arith.constant 0 : i32
      %dma_start3A_410 = tpu.memref_slice %arg7[%min3A_408, %dma_start3A_409] : memref<40x64xi32, #tpu.memory_space<vmem>> -> memref<1x64xi32, #tpu.memory_space<vmem>>
      %dma_start3A_411 = tpu.memref_squeeze %dma_start3A_410 : memref<1x64xi32, #tpu.memory_space<vmem>> -> memref<64xi32, #tpu.memory_space<vmem>>
      %dma_start3A_412 = arith.constant 0 : i32
      %dma_start3A_413 = arith.constant 0 : i32
      %dma_start3A_414 = tpu.memref_slice %arg2[%dma_start3A_412, %dma_start3A_413] : memref<10000x128xf32, #tpu.memory_space<hbm>> -> memref<10000x128xf32, #tpu.memory_space<hbm>>
      tpu.enqueue_indirect_dma source(%dma_start3A_414 : memref<10000x128xf32, #tpu.memory_space<hbm>>) target(%arg12 : memref<64x128xf32, #tpu.memory_space<vmem>>) offsets(%dma_start3A_411 : memref<64xi32, #tpu.memory_space<vmem>>) semaphore(%arg16 : memref<!tpu.dma_semaphore, #tpu.memory_space<semaphore_mem>>)
    }
    %scan3A_103 = arith.constant 10 : i32
    %dma_wait3A_104 = arith.constant 39 : i32
    %dma_wait3A_105 = arith.constant 0 : i32
    %dma_wait3A_106 = tpu.memref_slice %arg7[%dma_wait3A_104, %dma_wait3A_105] : memref<40x64xi32, #tpu.memory_space<vmem>> -> memref<1x64xi32, #tpu.memory_space<vmem>>
    %dma_wait3A_107 = tpu.memref_squeeze %dma_wait3A_106 : memref<1x64xi32, #tpu.memory_space<vmem>> -> memref<64xi32, #tpu.memory_space<vmem>>
    %dma_wait3A_108 = arith.constant 0 : i32
    %dma_wait3A_109 = arith.constant 0 : i32
    %dma_wait3A_110 = tpu.memref_slice %arg2[%dma_wait3A_108, %dma_wait3A_109] : memref<10000x128xf32, #tpu.memory_space<hbm>> -> memref<10000x128xf32, #tpu.memory_space<hbm>>
    tpu.wait_indirect_dma semaphore(%arg13 : memref<!tpu.dma_semaphore, #tpu.memory_space<semaphore_mem>>) src(%dma_wait3A_110 : memref<10000x128xf32, #tpu.memory_space<hbm>>) dst(%arg9 : memref<64x128xf32, #tpu.memory_space<vmem>>)
    %dma_wait3A_111 = arith.constant 39 : i32
    %dma_wait3A_112 = arith.constant 0 : i32
    %dma_wait3A_113 = tpu.memref_slice %arg7[%dma_wait3A_111, %dma_wait3A_112] : memref<40x64xi32, #tpu.memory_space<vmem>> -> memref<1x64xi32, #tpu.memory_space<vmem>>
    %dma_wait3A_114 = tpu.memref_squeeze %dma_wait3A_113 : memref<1x64xi32, #tpu.memory_space<vmem>> -> memref<64xi32, #tpu.memory_space<vmem>>
    %dma_wait3A_115 = arith.constant 0 : i32
    %dma_wait3A_116 = arith.constant 0 : i32
    %dma_wait3A_117 = tpu.memref_slice %arg2[%dma_wait3A_115, %dma_wait3A_116] : memref<10000x128xf32, #tpu.memory_space<hbm>> -> memref<10000x128xf32, #tpu.memory_space<hbm>>
    tpu.wait_indirect_dma semaphore(%arg14 : memref<!tpu.dma_semaphore, #tpu.memory_space<semaphore_mem>>) src(%dma_wait3A_117 : memref<10000x128xf32, #tpu.memory_space<hbm>>) dst(%arg10 : memref<64x128xf32, #tpu.memory_space<vmem>>)
    %dma_wait3A_118 = arith.constant 39 : i32
    %dma_wait3A_119 = arith.constant 0 : i32
    %dma_wait3A_120 = tpu.memref_slice %arg7[%dma_wait3A_118, %dma_wait3A_119] : memref<40x64xi32, #tpu.memory_space<vmem>> -> memref<1x64xi32, #tpu.memory_space<vmem>>
    %dma_wait3A_121 = tpu.memref_squeeze %dma_wait3A_120 : memref<1x64xi32, #tpu.memory_space<vmem>> -> memref<64xi32, #tpu.memory_space<vmem>>
    %dma_wait3A_122 = arith.constant 0 : i32
    %dma_wait3A_123 = arith.constant 0 : i32
    %dma_wait3A_124 = tpu.memref_slice %arg2[%dma_wait3A_122, %dma_wait3A_123] : memref<10000x128xf32, #tpu.memory_space<hbm>> -> memref<10000x128xf32, #tpu.memory_space<hbm>>
    tpu.wait_indirect_dma semaphore(%arg15 : memref<!tpu.dma_semaphore, #tpu.memory_space<semaphore_mem>>) src(%dma_wait3A_124 : memref<10000x128xf32, #tpu.memory_space<hbm>>) dst(%arg11 : memref<64x128xf32, #tpu.memory_space<vmem>>)
    %dma_wait3A_125 = arith.constant 39 : i32
    %dma_wait3A_126 = arith.constant 0 : i32
    %dma_wait3A_127 = tpu.memref_slice %arg7[%dma_wait3A_125, %dma_wait3A_126] : memref<40x64xi32, #tpu.memory_space<vmem>> -> memref<1x64xi32, #tpu.memory_space<vmem>>
    %dma_wait3A_128 = tpu.memref_squeeze %dma_wait3A_127 : memref<1x64xi32, #tpu.memory_space<vmem>> -> memref<64xi32, #tpu.memory_space<vmem>>
    %dma_wait3A_129 = arith.constant 0 : i32
    %dma_wait3A_130 = arith.constant 0 : i32
    %dma_wait3A_131 = tpu.memref_slice %arg2[%dma_wait3A_129, %dma_wait3A_130] : memref<10000x128xf32, #tpu.memory_space<hbm>> -> memref<10000x128xf32, #tpu.memory_space<hbm>>
    tpu.wait_indirect_dma semaphore(%arg16 : memref<!tpu.dma_semaphore, #tpu.memory_space<semaphore_mem>>) src(%dma_wait3A_131 : memref<10000x128xf32, #tpu.memory_space<hbm>>) dst(%arg12 : memref<64x128xf32, #tpu.memory_space<vmem>>)
    %add3A_132 = arith.constant 80 : i32
    %add3A_133 = arith.addi %mul3A_4, %add3A_132 : i32
    "tpu.region"() ({
      %run_scoped3A = tpu.sem_alloc : memref<!tpu.dma_semaphore, #tpu.memory_space<semaphore_mem>>
      %dma_start3A_267 = arith.constant 0 : i32
      %dma_start3A_268 = tpu.memref_slice %arg3[%add3A_133, %dma_start3A_267] : memref<5120x64xi32, #tpu.memory_space<hbm>> -> memref<40x64xi32, #tpu.memory_space<hbm>>
      %dma_start3A_269 = arith.constant 0 : i32
      %dma_start3A_270 = tpu.memref_slice %arg3[%add3A_133, %dma_start3A_269] : memref<5120x64xi32, #tpu.memory_space<hbm>> -> memref<40x64xi32, #tpu.memory_space<hbm>>
      tpu.enqueue_dma source(%dma_start3A_270 : memref<40x64xi32, #tpu.memory_space<hbm>>) target(%arg7 : memref<40x64xi32, #tpu.memory_space<vmem>>) target_semaphore(%run_scoped3A : memref<!tpu.dma_semaphore, #tpu.memory_space<semaphore_mem>>)
      %dma_wait3A_271 = arith.constant 0 : i32
      %dma_wait3A_272 = tpu.memref_slice %arg3[%add3A_133, %dma_wait3A_271] : memref<5120x64xi32, #tpu.memory_space<hbm>> -> memref<40x64xi32, #tpu.memory_space<hbm>>
      %dma_wait3A_273 = arith.constant 0 : i32
      %dma_wait3A_274 = tpu.memref_slice %arg3[%add3A_133, %dma_wait3A_273] : memref<5120x64xi32, #tpu.memory_space<hbm>> -> memref<40x64xi32, #tpu.memory_space<hbm>>
      tpu.wait_dma2 semaphore(%run_scoped3A : memref<!tpu.dma_semaphore, #tpu.memory_space<semaphore_mem>>) src(%dma_wait3A_274 : memref<40x64xi32, #tpu.memory_space<hbm>>) dst(%arg7 : memref<40x64xi32, #tpu.memory_space<vmem>>)
      tpu.yield
    }) : () -> ()
    %add3A_134 = arith.constant 80 : i32
    %add3A_135 = arith.addi %mul3A_4, %add3A_134 : i32
    "tpu.region"() ({
      %run_scoped3A = tpu.sem_alloc : memref<!tpu.dma_semaphore, #tpu.memory_space<semaphore_mem>>
      %dma_start3A_267 = arith.constant 0 : i32
      %dma_start3A_268 = tpu.memref_slice %arg4[%add3A_135, %dma_start3A_267] : memref<5120x64xi32, #tpu.memory_space<hbm>> -> memref<40x64xi32, #tpu.memory_space<hbm>>
      %dma_start3A_269 = arith.constant 0 : i32
      %dma_start3A_270 = tpu.memref_slice %arg4[%add3A_135, %dma_start3A_269] : memref<5120x64xi32, #tpu.memory_space<hbm>> -> memref<40x64xi32, #tpu.memory_space<hbm>>
      tpu.enqueue_dma source(%dma_start3A_270 : memref<40x64xi32, #tpu.memory_space<hbm>>) target(%arg8 : memref<40x64xi32, #tpu.memory_space<vmem>>) target_semaphore(%run_scoped3A : memref<!tpu.dma_semaphore, #tpu.memory_space<semaphore_mem>>)
      %dma_wait3A_271 = arith.constant 0 : i32
      %dma_wait3A_272 = tpu.memref_slice %arg4[%add3A_135, %dma_wait3A_271] : memref<5120x64xi32, #tpu.memory_space<hbm>> -> memref<40x64xi32, #tpu.memory_space<hbm>>
      %dma_wait3A_273 = arith.constant 0 : i32
      %dma_wait3A_274 = tpu.memref_slice %arg4[%add3A_135, %dma_wait3A_273] : memref<5120x64xi32, #tpu.memory_space<hbm>> -> memref<40x64xi32, #tpu.memory_space<hbm>>
      tpu.wait_dma2 semaphore(%run_scoped3A : memref<!tpu.dma_semaphore, #tpu.memory_space<semaphore_mem>>) src(%dma_wait3A_274 : memref<40x64xi32, #tpu.memory_space<hbm>>) dst(%arg8 : memref<40x64xi32, #tpu.memory_space<vmem>>)
      tpu.yield
    }) : () -> ()
    %dma_start3A_136 = arith.constant 0 : i32
    %dma_start3A_137 = arith.constant 0 : i32
    %dma_start3A_138 = tpu.memref_slice %arg7[%dma_start3A_136, %dma_start3A_137] : memref<40x64xi32, #tpu.memory_space<vmem>> -> memref<1x64xi32, #tpu.memory_space<vmem>>
    %dma_start3A_139 = tpu.memref_squeeze %dma_start3A_138 : memref<1x64xi32, #tpu.memory_space<vmem>> -> memref<64xi32, #tpu.memory_space<vmem>>
    %dma_start3A_140 = arith.constant 0 : i32
    %dma_start3A_141 = arith.constant 0 : i32
    %dma_start3A_142 = tpu.memref_slice %arg2[%dma_start3A_140, %dma_start3A_141] : memref<10000x128xf32, #tpu.memory_space<hbm>> -> memref<10000x128xf32, #tpu.memory_space<hbm>>
    tpu.enqueue_indirect_dma source(%dma_start3A_142 : memref<10000x128xf32, #tpu.memory_space<hbm>>) target(%arg9 : memref<64x128xf32, #tpu.memory_space<vmem>>) offsets(%dma_start3A_139 : memref<64xi32, #tpu.memory_space<vmem>>) semaphore(%arg13 : memref<!tpu.dma_semaphore, #tpu.memory_space<semaphore_mem>>)
    %dma_start3A_143 = arith.constant 1 : i32
    %dma_start3A_144 = arith.constant 0 : i32
    %dma_start3A_145 = tpu.memref_slice %arg7[%dma_start3A_143, %dma_start3A_144] : memref<40x64xi32, #tpu.memory_space<vmem>> -> memref<1x64xi32, #tpu.memory_space<vmem>>
    %dma_start3A_146 = tpu.memref_squeeze %dma_start3A_145 : memref<1x64xi32, #tpu.memory_space<vmem>> -> memref<64xi32, #tpu.memory_space<vmem>>
    %dma_start3A_147 = arith.constant 0 : i32
    %dma_start3A_148 = arith.constant 0 : i32
    %dma_start3A_149 = tpu.memref_slice %arg2[%dma_start3A_147, %dma_start3A_148] : memref<10000x128xf32, #tpu.memory_space<hbm>> -> memref<10000x128xf32, #tpu.memory_space<hbm>>
    tpu.enqueue_indirect_dma source(%dma_start3A_149 : memref<10000x128xf32, #tpu.memory_space<hbm>>) target(%arg10 : memref<64x128xf32, #tpu.memory_space<vmem>>) offsets(%dma_start3A_146 : memref<64xi32, #tpu.memory_space<vmem>>) semaphore(%arg14 : memref<!tpu.dma_semaphore, #tpu.memory_space<semaphore_mem>>)
    %dma_start3A_150 = arith.constant 2 : i32
    %dma_start3A_151 = arith.constant 0 : i32
    %dma_start3A_152 = tpu.memref_slice %arg7[%dma_start3A_150, %dma_start3A_151] : memref<40x64xi32, #tpu.memory_space<vmem>> -> memref<1x64xi32, #tpu.memory_space<vmem>>
    %dma_start3A_153 = tpu.memref_squeeze %dma_start3A_152 : memref<1x64xi32, #tpu.memory_space<vmem>> -> memref<64xi32, #tpu.memory_space<vmem>>
    %dma_start3A_154 = arith.constant 0 : i32
    %dma_start3A_155 = arith.constant 0 : i32
    %dma_start3A_156 = tpu.memref_slice %arg2[%dma_start3A_154, %dma_start3A_155] : memref<10000x128xf32, #tpu.memory_space<hbm>> -> memref<10000x128xf32, #tpu.memory_space<hbm>>
    tpu.enqueue_indirect_dma source(%dma_start3A_156 : memref<10000x128xf32, #tpu.memory_space<hbm>>) target(%arg11 : memref<64x128xf32, #tpu.memory_space<vmem>>) offsets(%dma_start3A_153 : memref<64xi32, #tpu.memory_space<vmem>>) semaphore(%arg15 : memref<!tpu.dma_semaphore, #tpu.memory_space<semaphore_mem>>)
    %dma_start3A_157 = arith.constant 3 : i32
    %dma_start3A_158 = arith.constant 0 : i32
    %dma_start3A_159 = tpu.memref_slice %arg7[%dma_start3A_157, %dma_start3A_158] : memref<40x64xi32, #tpu.memory_space<vmem>> -> memref<1x64xi32, #tpu.memory_space<vmem>>
    %dma_start3A_160 = tpu.memref_squeeze %dma_start3A_159 : memref<1x64xi32, #tpu.memory_space<vmem>> -> memref<64xi32, #tpu.memory_space<vmem>>
    %dma_start3A_161 = arith.constant 0 : i32
    %dma_start3A_162 = arith.constant 0 : i32
    %dma_start3A_163 = tpu.memref_slice %arg2[%dma_start3A_161, %dma_start3A_162] : memref<10000x128xf32, #tpu.memory_space<hbm>> -> memref<10000x128xf32, #tpu.memory_space<hbm>>
    tpu.enqueue_indirect_dma source(%dma_start3A_163 : memref<10000x128xf32, #tpu.memory_space<hbm>>) target(%arg12 : memref<64x128xf32, #tpu.memory_space<vmem>>) offsets(%dma_start3A_160 : memref<64xi32, #tpu.memory_space<vmem>>) semaphore(%arg16 : memref<!tpu.dma_semaphore, #tpu.memory_space<semaphore_mem>>)
    %scan3A_164 = arith.constant 0 : i32
    %scan3A_165 = arith.constant 10 : i32
    %scan3A_166 = arith.addi %scan3A_164, %scan3A_165 : i32
    %scan3A_167 = arith.constant 1 : i32
    scf.for %scan3A_267 = %scan3A_164 to %scan3A_166 step %scan3A_167  : i32 {
      %mul3A_268 = arith.constant 4 : i32
      %mul3A_269 = arith.muli %scan3A_267, %mul3A_268 : i32
      %add3A_270 = arith.constant 0 : i32
      %add3A_271 = arith.addi %add3A_270, %mul3A_269 : i32
      %add3A_272 = arith.constant 0 : i32
      %add3A_273 = arith.addi %add3A_271, %add3A_272 : i32
      %dma_wait3A_274 = arith.constant 0 : i32
      %dma_wait3A_275 = tpu.memref_slice %arg7[%add3A_273, %dma_wait3A_274] : memref<40x64xi32, #tpu.memory_space<vmem>> -> memref<1x64xi32, #tpu.memory_space<vmem>>
      %dma_wait3A_276 = tpu.memref_squeeze %dma_wait3A_275 : memref<1x64xi32, #tpu.memory_space<vmem>> -> memref<64xi32, #tpu.memory_space<vmem>>
      %dma_wait3A_277 = arith.constant 0 : i32
      %dma_wait3A_278 = arith.constant 0 : i32
      %dma_wait3A_279 = tpu.memref_slice %arg2[%dma_wait3A_277, %dma_wait3A_278] : memref<10000x128xf32, #tpu.memory_space<hbm>> -> memref<10000x128xf32, #tpu.memory_space<hbm>>
      tpu.wait_indirect_dma semaphore(%arg13 : memref<!tpu.dma_semaphore, #tpu.memory_space<semaphore_mem>>) src(%dma_wait3A_279 : memref<10000x128xf32, #tpu.memory_space<hbm>>) dst(%arg9 : memref<64x128xf32, #tpu.memory_space<vmem>>)
      %add3A_280 = arith.constant 0 : i32
      %add3A_281 = arith.addi %add3A_271, %add3A_280 : i32
      %dma_start3A_282 = arith.constant 0 : i32
      %dma_start3A_283 = tpu.memref_slice %arg8[%add3A_281, %dma_start3A_282] : memref<40x64xi32, #tpu.memory_space<vmem>> -> memref<1x64xi32, #tpu.memory_space<vmem>>
      %dma_start3A_284 = tpu.memref_squeeze %dma_start3A_283 : memref<1x64xi32, #tpu.memory_space<vmem>> -> memref<64xi32, #tpu.memory_space<vmem>>
      %dma_start3A_285 = arith.constant 0 : i32
      %dma_start3A_286 = arith.constant 0 : i32
      %dma_start3A_287 = tpu.memref_slice %arg21[%dma_start3A_285, %dma_start3A_286] : memref<10112x128xf32, #tpu.memory_space<vmem_shared>> -> memref<10112x128xf32, #tpu.memory_space<vmem_shared>>
      tpu.enqueue_indirect_dma source(%arg9 : memref<64x128xf32, #tpu.memory_space<vmem>>) target(%dma_start3A_287 : memref<10112x128xf32, #tpu.memory_space<vmem_shared>>) offsets(%dma_start3A_284 : memref<64xi32, #tpu.memory_space<vmem>>) semaphore(%arg17 : memref<!tpu.dma_semaphore, #tpu.memory_space<semaphore_mem>>) {add = true}
      %add3A_288 = arith.constant 1 : i32
      %add3A_289 = arith.addi %add3A_271, %add3A_288 : i32
      %dma_wait3A_290 = arith.constant 0 : i32
      %dma_wait3A_291 = tpu.memref_slice %arg7[%add3A_289, %dma_wait3A_290] : memref<40x64xi32, #tpu.memory_space<vmem>> -> memref<1x64xi32, #tpu.memory_space<vmem>>
      %dma_wait3A_292 = tpu.memref_squeeze %dma_wait3A_291 : memref<1x64xi32, #tpu.memory_space<vmem>> -> memref<64xi32, #tpu.memory_space<vmem>>
      %dma_wait3A_293 = arith.constant 0 : i32
      %dma_wait3A_294 = arith.constant 0 : i32
      %dma_wait3A_295 = tpu.memref_slice %arg2[%dma_wait3A_293, %dma_wait3A_294] : memref<10000x128xf32, #tpu.memory_space<hbm>> -> memref<10000x128xf32, #tpu.memory_space<hbm>>
      tpu.wait_indirect_dma semaphore(%arg14 : memref<!tpu.dma_semaphore, #tpu.memory_space<semaphore_mem>>) src(%dma_wait3A_295 : memref<10000x128xf32, #tpu.memory_space<hbm>>) dst(%arg10 : memref<64x128xf32, #tpu.memory_space<vmem>>)
      %add3A_296 = arith.constant 1 : i32
      %add3A_297 = arith.addi %add3A_271, %add3A_296 : i32
      %dma_start3A_298 = arith.constant 0 : i32
      %dma_start3A_299 = tpu.memref_slice %arg8[%add3A_297, %dma_start3A_298] : memref<40x64xi32, #tpu.memory_space<vmem>> -> memref<1x64xi32, #tpu.memory_space<vmem>>
      %dma_start3A_300 = tpu.memref_squeeze %dma_start3A_299 : memref<1x64xi32, #tpu.memory_space<vmem>> -> memref<64xi32, #tpu.memory_space<vmem>>
      %dma_start3A_301 = arith.constant 0 : i32
      %dma_start3A_302 = arith.constant 0 : i32
      %dma_start3A_303 = tpu.memref_slice %arg21[%dma_start3A_301, %dma_start3A_302] : memref<10112x128xf32, #tpu.memory_space<vmem_shared>> -> memref<10112x128xf32, #tpu.memory_space<vmem_shared>>
      tpu.enqueue_indirect_dma source(%arg10 : memref<64x128xf32, #tpu.memory_space<vmem>>) target(%dma_start3A_303 : memref<10112x128xf32, #tpu.memory_space<vmem_shared>>) offsets(%dma_start3A_300 : memref<64xi32, #tpu.memory_space<vmem>>) semaphore(%arg18 : memref<!tpu.dma_semaphore, #tpu.memory_space<semaphore_mem>>) {add = true}
      %add3A_304 = arith.constant 2 : i32
      %add3A_305 = arith.addi %add3A_271, %add3A_304 : i32
      %dma_wait3A_306 = arith.constant 0 : i32
      %dma_wait3A_307 = tpu.memref_slice %arg7[%add3A_305, %dma_wait3A_306] : memref<40x64xi32, #tpu.memory_space<vmem>> -> memref<1x64xi32, #tpu.memory_space<vmem>>
      %dma_wait3A_308 = tpu.memref_squeeze %dma_wait3A_307 : memref<1x64xi32, #tpu.memory_space<vmem>> -> memref<64xi32, #tpu.memory_space<vmem>>
      %dma_wait3A_309 = arith.constant 0 : i32
      %dma_wait3A_310 = arith.constant 0 : i32
      %dma_wait3A_311 = tpu.memref_slice %arg2[%dma_wait3A_309, %dma_wait3A_310] : memref<10000x128xf32, #tpu.memory_space<hbm>> -> memref<10000x128xf32, #tpu.memory_space<hbm>>
      tpu.wait_indirect_dma semaphore(%arg15 : memref<!tpu.dma_semaphore, #tpu.memory_space<semaphore_mem>>) src(%dma_wait3A_311 : memref<10000x128xf32, #tpu.memory_space<hbm>>) dst(%arg11 : memref<64x128xf32, #tpu.memory_space<vmem>>)
      %add3A_312 = arith.constant 2 : i32
      %add3A_313 = arith.addi %add3A_271, %add3A_312 : i32
      %dma_start3A_314 = arith.constant 0 : i32
      %dma_start3A_315 = tpu.memref_slice %arg8[%add3A_313, %dma_start3A_314] : memref<40x64xi32, #tpu.memory_space<vmem>> -> memref<1x64xi32, #tpu.memory_space<vmem>>
      %dma_start3A_316 = tpu.memref_squeeze %dma_start3A_315 : memref<1x64xi32, #tpu.memory_space<vmem>> -> memref<64xi32, #tpu.memory_space<vmem>>
      %dma_start3A_317 = arith.constant 0 : i32
      %dma_start3A_318 = arith.constant 0 : i32
      %dma_start3A_319 = tpu.memref_slice %arg21[%dma_start3A_317, %dma_start3A_318] : memref<10112x128xf32, #tpu.memory_space<vmem_shared>> -> memref<10112x128xf32, #tpu.memory_space<vmem_shared>>
      tpu.enqueue_indirect_dma source(%arg11 : memref<64x128xf32, #tpu.memory_space<vmem>>) target(%dma_start3A_319 : memref<10112x128xf32, #tpu.memory_space<vmem_shared>>) offsets(%dma_start3A_316 : memref<64xi32, #tpu.memory_space<vmem>>) semaphore(%arg19 : memref<!tpu.dma_semaphore, #tpu.memory_space<semaphore_mem>>) {add = true}
      %add3A_320 = arith.constant 3 : i32
      %add3A_321 = arith.addi %add3A_271, %add3A_320 : i32
      %dma_wait3A_322 = arith.constant 0 : i32
      %dma_wait3A_323 = tpu.memref_slice %arg7[%add3A_321, %dma_wait3A_322] : memref<40x64xi32, #tpu.memory_space<vmem>> -> memref<1x64xi32, #tpu.memory_space<vmem>>
      %dma_wait3A_324 = tpu.memref_squeeze %dma_wait3A_323 : memref<1x64xi32, #tpu.memory_space<vmem>> -> memref<64xi32, #tpu.memory_space<vmem>>
      %dma_wait3A_325 = arith.constant 0 : i32
      %dma_wait3A_326 = arith.constant 0 : i32
      %dma_wait3A_327 = tpu.memref_slice %arg2[%dma_wait3A_325, %dma_wait3A_326] : memref<10000x128xf32, #tpu.memory_space<hbm>> -> memref<10000x128xf32, #tpu.memory_space<hbm>>
      tpu.wait_indirect_dma semaphore(%arg16 : memref<!tpu.dma_semaphore, #tpu.memory_space<semaphore_mem>>) src(%dma_wait3A_327 : memref<10000x128xf32, #tpu.memory_space<hbm>>) dst(%arg12 : memref<64x128xf32, #tpu.memory_space<vmem>>)
      %add3A_328 = arith.constant 3 : i32
      %add3A_329 = arith.addi %add3A_271, %add3A_328 : i32
      %dma_start3A_330 = arith.constant 0 : i32
      %dma_start3A_331 = tpu.memref_slice %arg8[%add3A_329, %dma_start3A_330] : memref<40x64xi32, #tpu.memory_space<vmem>> -> memref<1x64xi32, #tpu.memory_space<vmem>>
      %dma_start3A_332 = tpu.memref_squeeze %dma_start3A_331 : memref<1x64xi32, #tpu.memory_space<vmem>> -> memref<64xi32, #tpu.memory_space<vmem>>
      %dma_start3A_333 = arith.constant 0 : i32
      %dma_start3A_334 = arith.constant 0 : i32
      %dma_start3A_335 = tpu.memref_slice %arg21[%dma_start3A_333, %dma_start3A_334] : memref<10112x128xf32, #tpu.memory_space<vmem_shared>> -> memref<10112x128xf32, #tpu.memory_space<vmem_shared>>
      tpu.enqueue_indirect_dma source(%arg12 : memref<64x128xf32, #tpu.memory_space<vmem>>) target(%dma_start3A_335 : memref<10112x128xf32, #tpu.memory_space<vmem_shared>>) offsets(%dma_start3A_332 : memref<64xi32, #tpu.memory_space<vmem>>) semaphore(%arg20 : memref<!tpu.dma_semaphore, #tpu.memory_space<semaphore_mem>>) {add = true}
      %add3A_336 = arith.constant 0 : i32
      %add3A_337 = arith.addi %add3A_271, %add3A_336 : i32
      %dma_wait3A_338 = arith.constant 0 : i32
      %dma_wait3A_339 = tpu.memref_slice %arg8[%add3A_337, %dma_wait3A_338] : memref<40x64xi32, #tpu.memory_space<vmem>> -> memref<1x64xi32, #tpu.memory_space<vmem>>
      %dma_wait3A_340 = tpu.memref_squeeze %dma_wait3A_339 : memref<1x64xi32, #tpu.memory_space<vmem>> -> memref<64xi32, #tpu.memory_space<vmem>>
      %dma_wait3A_341 = arith.constant 0 : i32
      %dma_wait3A_342 = arith.constant 0 : i32
      %dma_wait3A_343 = tpu.memref_slice %arg21[%dma_wait3A_341, %dma_wait3A_342] : memref<10112x128xf32, #tpu.memory_space<vmem_shared>> -> memref<10112x128xf32, #tpu.memory_space<vmem_shared>>
      tpu.wait_indirect_dma semaphore(%arg17 : memref<!tpu.dma_semaphore, #tpu.memory_space<semaphore_mem>>) src(%arg9 : memref<64x128xf32, #tpu.memory_space<vmem>>) dst(%dma_wait3A_343 : memref<10112x128xf32, #tpu.memory_space<vmem_shared>>)
      %add3A_344 = arith.constant 4 : i32
      %add3A_345 = arith.addi %add3A_271, %add3A_344 : i32
      %add3A_346 = arith.constant 0 : i32
      %add3A_347 = arith.addi %add3A_345, %add3A_346 : i32
      %min3A = arith.constant 39 : i32
      %min3A_348 = arith.minsi %add3A_347, %min3A : i32
      %dma_start3A_349 = arith.constant 0 : i32
      %dma_start3A_350 = tpu.memref_slice %arg7[%min3A_348, %dma_start3A_349] : memref<40x64xi32, #tpu.memory_space<vmem>> -> memref<1x64xi32, #tpu.memory_space<vmem>>
      %dma_start3A_351 = tpu.memref_squeeze %dma_start3A_350 : memref<1x64xi32, #tpu.memory_space<vmem>> -> memref<64xi32, #tpu.memory_space<vmem>>
      %dma_start3A_352 = arith.constant 0 : i32
      %dma_start3A_353 = arith.constant 0 : i32
      %dma_start3A_354 = tpu.memref_slice %arg2[%dma_start3A_352, %dma_start3A_353] : memref<10000x128xf32, #tpu.memory_space<hbm>> -> memref<10000x128xf32, #tpu.memory_space<hbm>>
      tpu.enqueue_indirect_dma source(%dma_start3A_354 : memref<10000x128xf32, #tpu.memory_space<hbm>>) target(%arg9 : memref<64x128xf32, #tpu.memory_space<vmem>>) offsets(%dma_start3A_351 : memref<64xi32, #tpu.memory_space<vmem>>) semaphore(%arg13 : memref<!tpu.dma_semaphore, #tpu.memory_space<semaphore_mem>>)
      %add3A_355 = arith.constant 1 : i32
      %add3A_356 = arith.addi %add3A_271, %add3A_355 : i32
      %dma_wait3A_357 = arith.constant 0 : i32
      %dma_wait3A_358 = tpu.memref_slice %arg8[%add3A_356, %dma_wait3A_357] : memref<40x64xi32, #tpu.memory_space<vmem>> -> memref<1x64xi32, #tpu.memory_space<vmem>>
      %dma_wait3A_359 = tpu.memref_squeeze %dma_wait3A_358 : memref<1x64xi32, #tpu.memory_space<vmem>> -> memref<64xi32, #tpu.memory_space<vmem>>
      %dma_wait3A_360 = arith.constant 0 : i32
      %dma_wait3A_361 = arith.constant 0 : i32
      %dma_wait3A_362 = tpu.memref_slice %arg21[%dma_wait3A_360, %dma_wait3A_361] : memref<10112x128xf32, #tpu.memory_space<vmem_shared>> -> memref<10112x128xf32, #tpu.memory_space<vmem_shared>>
      tpu.wait_indirect_dma semaphore(%arg18 : memref<!tpu.dma_semaphore, #tpu.memory_space<semaphore_mem>>) src(%arg10 : memref<64x128xf32, #tpu.memory_space<vmem>>) dst(%dma_wait3A_362 : memref<10112x128xf32, #tpu.memory_space<vmem_shared>>)
      %add3A_363 = arith.constant 4 : i32
      %add3A_364 = arith.addi %add3A_271, %add3A_363 : i32
      %add3A_365 = arith.constant 1 : i32
      %add3A_366 = arith.addi %add3A_364, %add3A_365 : i32
      %min3A_367 = arith.constant 39 : i32
      %min3A_368 = arith.minsi %add3A_366, %min3A_367 : i32
      %dma_start3A_369 = arith.constant 0 : i32
      %dma_start3A_370 = tpu.memref_slice %arg7[%min3A_368, %dma_start3A_369] : memref<40x64xi32, #tpu.memory_space<vmem>> -> memref<1x64xi32, #tpu.memory_space<vmem>>
      %dma_start3A_371 = tpu.memref_squeeze %dma_start3A_370 : memref<1x64xi32, #tpu.memory_space<vmem>> -> memref<64xi32, #tpu.memory_space<vmem>>
      %dma_start3A_372 = arith.constant 0 : i32
      %dma_start3A_373 = arith.constant 0 : i32
      %dma_start3A_374 = tpu.memref_slice %arg2[%dma_start3A_372, %dma_start3A_373] : memref<10000x128xf32, #tpu.memory_space<hbm>> -> memref<10000x128xf32, #tpu.memory_space<hbm>>
      tpu.enqueue_indirect_dma source(%dma_start3A_374 : memref<10000x128xf32, #tpu.memory_space<hbm>>) target(%arg10 : memref<64x128xf32, #tpu.memory_space<vmem>>) offsets(%dma_start3A_371 : memref<64xi32, #tpu.memory_space<vmem>>) semaphore(%arg14 : memref<!tpu.dma_semaphore, #tpu.memory_space<semaphore_mem>>)
      %add3A_375 = arith.constant 2 : i32
      %add3A_376 = arith.addi %add3A_271, %add3A_375 : i32
      %dma_wait3A_377 = arith.constant 0 : i32
      %dma_wait3A_378 = tpu.memref_slice %arg8[%add3A_376, %dma_wait3A_377] : memref<40x64xi32, #tpu.memory_space<vmem>> -> memref<1x64xi32, #tpu.memory_space<vmem>>
      %dma_wait3A_379 = tpu.memref_squeeze %dma_wait3A_378 : memref<1x64xi32, #tpu.memory_space<vmem>> -> memref<64xi32, #tpu.memory_space<vmem>>
      %dma_wait3A_380 = arith.constant 0 : i32
      %dma_wait3A_381 = arith.constant 0 : i32
      %dma_wait3A_382 = tpu.memref_slice %arg21[%dma_wait3A_380, %dma_wait3A_381] : memref<10112x128xf32, #tpu.memory_space<vmem_shared>> -> memref<10112x128xf32, #tpu.memory_space<vmem_shared>>
      tpu.wait_indirect_dma semaphore(%arg19 : memref<!tpu.dma_semaphore, #tpu.memory_space<semaphore_mem>>) src(%arg11 : memref<64x128xf32, #tpu.memory_space<vmem>>) dst(%dma_wait3A_382 : memref<10112x128xf32, #tpu.memory_space<vmem_shared>>)
      %add3A_383 = arith.constant 4 : i32
      %add3A_384 = arith.addi %add3A_271, %add3A_383 : i32
      %add3A_385 = arith.constant 2 : i32
      %add3A_386 = arith.addi %add3A_384, %add3A_385 : i32
      %min3A_387 = arith.constant 39 : i32
      %min3A_388 = arith.minsi %add3A_386, %min3A_387 : i32
      %dma_start3A_389 = arith.constant 0 : i32
      %dma_start3A_390 = tpu.memref_slice %arg7[%min3A_388, %dma_start3A_389] : memref<40x64xi32, #tpu.memory_space<vmem>> -> memref<1x64xi32, #tpu.memory_space<vmem>>
      %dma_start3A_391 = tpu.memref_squeeze %dma_start3A_390 : memref<1x64xi32, #tpu.memory_space<vmem>> -> memref<64xi32, #tpu.memory_space<vmem>>
      %dma_start3A_392 = arith.constant 0 : i32
      %dma_start3A_393 = arith.constant 0 : i32
      %dma_start3A_394 = tpu.memref_slice %arg2[%dma_start3A_392, %dma_start3A_393] : memref<10000x128xf32, #tpu.memory_space<hbm>> -> memref<10000x128xf32, #tpu.memory_space<hbm>>
      tpu.enqueue_indirect_dma source(%dma_start3A_394 : memref<10000x128xf32, #tpu.memory_space<hbm>>) target(%arg11 : memref<64x128xf32, #tpu.memory_space<vmem>>) offsets(%dma_start3A_391 : memref<64xi32, #tpu.memory_space<vmem>>) semaphore(%arg15 : memref<!tpu.dma_semaphore, #tpu.memory_space<semaphore_mem>>)
      %add3A_395 = arith.constant 3 : i32
      %add3A_396 = arith.addi %add3A_271, %add3A_395 : i32
      %dma_wait3A_397 = arith.constant 0 : i32
      %dma_wait3A_398 = tpu.memref_slice %arg8[%add3A_396, %dma_wait3A_397] : memref<40x64xi32, #tpu.memory_space<vmem>> -> memref<1x64xi32, #tpu.memory_space<vmem>>
      %dma_wait3A_399 = tpu.memref_squeeze %dma_wait3A_398 : memref<1x64xi32, #tpu.memory_space<vmem>> -> memref<64xi32, #tpu.memory_space<vmem>>
      %dma_wait3A_400 = arith.constant 0 : i32
      %dma_wait3A_401 = arith.constant 0 : i32
      %dma_wait3A_402 = tpu.memref_slice %arg21[%dma_wait3A_400, %dma_wait3A_401] : memref<10112x128xf32, #tpu.memory_space<vmem_shared>> -> memref<10112x128xf32, #tpu.memory_space<vmem_shared>>
      tpu.wait_indirect_dma semaphore(%arg20 : memref<!tpu.dma_semaphore, #tpu.memory_space<semaphore_mem>>) src(%arg12 : memref<64x128xf32, #tpu.memory_space<vmem>>) dst(%dma_wait3A_402 : memref<10112x128xf32, #tpu.memory_space<vmem_shared>>)
      %add3A_403 = arith.constant 4 : i32
      %add3A_404 = arith.addi %add3A_271, %add3A_403 : i32
      %add3A_405 = arith.constant 3 : i32
      %add3A_406 = arith.addi %add3A_404, %add3A_405 : i32
      %min3A_407 = arith.constant 39 : i32
      %min3A_408 = arith.minsi %add3A_406, %min3A_407 : i32
      %dma_start3A_409 = arith.constant 0 : i32
      %dma_start3A_410 = tpu.memref_slice %arg7[%min3A_408, %dma_start3A_409] : memref<40x64xi32, #tpu.memory_space<vmem>> -> memref<1x64xi32, #tpu.memory_space<vmem>>
      %dma_start3A_411 = tpu.memref_squeeze %dma_start3A_410 : memref<1x64xi32, #tpu.memory_space<vmem>> -> memref<64xi32, #tpu.memory_space<vmem>>
      %dma_start3A_412 = arith.constant 0 : i32
      %dma_start3A_413 = arith.constant 0 : i32
      %dma_start3A_414 = tpu.memref_slice %arg2[%dma_start3A_412, %dma_start3A_413] : memref<10000x128xf32, #tpu.memory_space<hbm>> -> memref<10000x128xf32, #tpu.memory_space<hbm>>
      tpu.enqueue_indirect_dma source(%dma_start3A_414 : memref<10000x128xf32, #tpu.memory_space<hbm>>) target(%arg12 : memref<64x128xf32, #tpu.memory_space<vmem>>) offsets(%dma_start3A_411 : memref<64xi32, #tpu.memory_space<vmem>>) semaphore(%arg16 : memref<!tpu.dma_semaphore, #tpu.memory_space<semaphore_mem>>)
    }
    %scan3A_168 = arith.constant 10 : i32
    %dma_wait3A_169 = arith.constant 39 : i32
    %dma_wait3A_170 = arith.constant 0 : i32
    %dma_wait3A_171 = tpu.memref_slice %arg7[%dma_wait3A_169, %dma_wait3A_170] : memref<40x64xi32, #tpu.memory_space<vmem>> -> memref<1x64xi32, #tpu.memory_space<vmem>>
    %dma_wait3A_172 = tpu.memref_squeeze %dma_wait3A_171 : memref<1x64xi32, #tpu.memory_space<vmem>> -> memref<64xi32, #tpu.memory_space<vmem>>
    %dma_wait3A_173 = arith.constant 0 : i32
    %dma_wait3A_174 = arith.constant 0 : i32
    %dma_wait3A_175 = tpu.memref_slice %arg2[%dma_wait3A_173, %dma_wait3A_174] : memref<10000x128xf32, #tpu.memory_space<hbm>> -> memref<10000x128xf32, #tpu.memory_space<hbm>>
    tpu.wait_indirect_dma semaphore(%arg13 : memref<!tpu.dma_semaphore, #tpu.memory_space<semaphore_mem>>) src(%dma_wait3A_175 : memref<10000x128xf32, #tpu.memory_space<hbm>>) dst(%arg9 : memref<64x128xf32, #tpu.memory_space<vmem>>)
    %dma_wait3A_176 = arith.constant 39 : i32
    %dma_wait3A_177 = arith.constant 0 : i32
    %dma_wait3A_178 = tpu.memref_slice %arg7[%dma_wait3A_176, %dma_wait3A_177] : memref<40x64xi32, #tpu.memory_space<vmem>> -> memref<1x64xi32, #tpu.memory_space<vmem>>
    %dma_wait3A_179 = tpu.memref_squeeze %dma_wait3A_178 : memref<1x64xi32, #tpu.memory_space<vmem>> -> memref<64xi32, #tpu.memory_space<vmem>>
    %dma_wait3A_180 = arith.constant 0 : i32
    %dma_wait3A_181 = arith.constant 0 : i32
    %dma_wait3A_182 = tpu.memref_slice %arg2[%dma_wait3A_180, %dma_wait3A_181] : memref<10000x128xf32, #tpu.memory_space<hbm>> -> memref<10000x128xf32, #tpu.memory_space<hbm>>
    tpu.wait_indirect_dma semaphore(%arg14 : memref<!tpu.dma_semaphore, #tpu.memory_space<semaphore_mem>>) src(%dma_wait3A_182 : memref<10000x128xf32, #tpu.memory_space<hbm>>) dst(%arg10 : memref<64x128xf32, #tpu.memory_space<vmem>>)
    %dma_wait3A_183 = arith.constant 39 : i32
    %dma_wait3A_184 = arith.constant 0 : i32
    %dma_wait3A_185 = tpu.memref_slice %arg7[%dma_wait3A_183, %dma_wait3A_184] : memref<40x64xi32, #tpu.memory_space<vmem>> -> memref<1x64xi32, #tpu.memory_space<vmem>>
    %dma_wait3A_186 = tpu.memref_squeeze %dma_wait3A_185 : memref<1x64xi32, #tpu.memory_space<vmem>> -> memref<64xi32, #tpu.memory_space<vmem>>
    %dma_wait3A_187 = arith.constant 0 : i32
    %dma_wait3A_188 = arith.constant 0 : i32
    %dma_wait3A_189 = tpu.memref_slice %arg2[%dma_wait3A_187, %dma_wait3A_188] : memref<10000x128xf32, #tpu.memory_space<hbm>> -> memref<10000x128xf32, #tpu.memory_space<hbm>>
    tpu.wait_indirect_dma semaphore(%arg15 : memref<!tpu.dma_semaphore, #tpu.memory_space<semaphore_mem>>) src(%dma_wait3A_189 : memref<10000x128xf32, #tpu.memory_space<hbm>>) dst(%arg11 : memref<64x128xf32, #tpu.memory_space<vmem>>)
    %dma_wait3A_190 = arith.constant 39 : i32
    %dma_wait3A_191 = arith.constant 0 : i32
    %dma_wait3A_192 = tpu.memref_slice %arg7[%dma_wait3A_190, %dma_wait3A_191] : memref<40x64xi32, #tpu.memory_space<vmem>> -> memref<1x64xi32, #tpu.memory_space<vmem>>
    %dma_wait3A_193 = tpu.memref_squeeze %dma_wait3A_192 : memref<1x64xi32, #tpu.memory_space<vmem>> -> memref<64xi32, #tpu.memory_space<vmem>>
    %dma_wait3A_194 = arith.constant 0 : i32
    %dma_wait3A_195 = arith.constant 0 : i32
    %dma_wait3A_196 = tpu.memref_slice %arg2[%dma_wait3A_194, %dma_wait3A_195] : memref<10000x128xf32, #tpu.memory_space<hbm>> -> memref<10000x128xf32, #tpu.memory_space<hbm>>
    tpu.wait_indirect_dma semaphore(%arg16 : memref<!tpu.dma_semaphore, #tpu.memory_space<semaphore_mem>>) src(%dma_wait3A_196 : memref<10000x128xf32, #tpu.memory_space<hbm>>) dst(%arg12 : memref<64x128xf32, #tpu.memory_space<vmem>>)
    %add3A_197 = arith.constant 120 : i32
    %add3A_198 = arith.addi %mul3A_4, %add3A_197 : i32
    "tpu.region"() ({
      %run_scoped3A = tpu.sem_alloc : memref<!tpu.dma_semaphore, #tpu.memory_space<semaphore_mem>>
      %dma_start3A_267 = arith.constant 0 : i32
      %dma_start3A_268 = tpu.memref_slice %arg3[%add3A_198, %dma_start3A_267] : memref<5120x64xi32, #tpu.memory_space<hbm>> -> memref<40x64xi32, #tpu.memory_space<hbm>>
      %dma_start3A_269 = arith.constant 0 : i32
      %dma_start3A_270 = tpu.memref_slice %arg3[%add3A_198, %dma_start3A_269] : memref<5120x64xi32, #tpu.memory_space<hbm>> -> memref<40x64xi32, #tpu.memory_space<hbm>>
      tpu.enqueue_dma source(%dma_start3A_270 : memref<40x64xi32, #tpu.memory_space<hbm>>) target(%arg7 : memref<40x64xi32, #tpu.memory_space<vmem>>) target_semaphore(%run_scoped3A : memref<!tpu.dma_semaphore, #tpu.memory_space<semaphore_mem>>)
      %dma_wait3A_271 = arith.constant 0 : i32
      %dma_wait3A_272 = tpu.memref_slice %arg3[%add3A_198, %dma_wait3A_271] : memref<5120x64xi32, #tpu.memory_space<hbm>> -> memref<40x64xi32, #tpu.memory_space<hbm>>
      %dma_wait3A_273 = arith.constant 0 : i32
      %dma_wait3A_274 = tpu.memref_slice %arg3[%add3A_198, %dma_wait3A_273] : memref<5120x64xi32, #tpu.memory_space<hbm>> -> memref<40x64xi32, #tpu.memory_space<hbm>>
      tpu.wait_dma2 semaphore(%run_scoped3A : memref<!tpu.dma_semaphore, #tpu.memory_space<semaphore_mem>>) src(%dma_wait3A_274 : memref<40x64xi32, #tpu.memory_space<hbm>>) dst(%arg7 : memref<40x64xi32, #tpu.memory_space<vmem>>)
      tpu.yield
    }) : () -> ()
    %add3A_199 = arith.constant 120 : i32
    %add3A_200 = arith.addi %mul3A_4, %add3A_199 : i32
    "tpu.region"() ({
      %run_scoped3A = tpu.sem_alloc : memref<!tpu.dma_semaphore, #tpu.memory_space<semaphore_mem>>
      %dma_start3A_267 = arith.constant 0 : i32
      %dma_start3A_268 = tpu.memref_slice %arg4[%add3A_200, %dma_start3A_267] : memref<5120x64xi32, #tpu.memory_space<hbm>> -> memref<40x64xi32, #tpu.memory_space<hbm>>
      %dma_start3A_269 = arith.constant 0 : i32
      %dma_start3A_270 = tpu.memref_slice %arg4[%add3A_200, %dma_start3A_269] : memref<5120x64xi32, #tpu.memory_space<hbm>> -> memref<40x64xi32, #tpu.memory_space<hbm>>
      tpu.enqueue_dma source(%dma_start3A_270 : memref<40x64xi32, #tpu.memory_space<hbm>>) target(%arg8 : memref<40x64xi32, #tpu.memory_space<vmem>>) target_semaphore(%run_scoped3A : memref<!tpu.dma_semaphore, #tpu.memory_space<semaphore_mem>>)
      %dma_wait3A_271 = arith.constant 0 : i32
      %dma_wait3A_272 = tpu.memref_slice %arg4[%add3A_200, %dma_wait3A_271] : memref<5120x64xi32, #tpu.memory_space<hbm>> -> memref<40x64xi32, #tpu.memory_space<hbm>>
      %dma_wait3A_273 = arith.constant 0 : i32
      %dma_wait3A_274 = tpu.memref_slice %arg4[%add3A_200, %dma_wait3A_273] : memref<5120x64xi32, #tpu.memory_space<hbm>> -> memref<40x64xi32, #tpu.memory_space<hbm>>
      tpu.wait_dma2 semaphore(%run_scoped3A : memref<!tpu.dma_semaphore, #tpu.memory_space<semaphore_mem>>) src(%dma_wait3A_274 : memref<40x64xi32, #tpu.memory_space<hbm>>) dst(%arg8 : memref<40x64xi32, #tpu.memory_space<vmem>>)
      tpu.yield
    }) : () -> ()
    %dma_start3A_201 = arith.constant 0 : i32
    %dma_start3A_202 = arith.constant 0 : i32
    %dma_start3A_203 = tpu.memref_slice %arg7[%dma_start3A_201, %dma_start3A_202] : memref<40x64xi32, #tpu.memory_space<vmem>> -> memref<1x64xi32, #tpu.memory_space<vmem>>
    %dma_start3A_204 = tpu.memref_squeeze %dma_start3A_203 : memref<1x64xi32, #tpu.memory_space<vmem>> -> memref<64xi32, #tpu.memory_space<vmem>>
    %dma_start3A_205 = arith.constant 0 : i32
    %dma_start3A_206 = arith.constant 0 : i32
    %dma_start3A_207 = tpu.memref_slice %arg2[%dma_start3A_205, %dma_start3A_206] : memref<10000x128xf32, #tpu.memory_space<hbm>> -> memref<10000x128xf32, #tpu.memory_space<hbm>>
    tpu.enqueue_indirect_dma source(%dma_start3A_207 : memref<10000x128xf32, #tpu.memory_space<hbm>>) target(%arg9 : memref<64x128xf32, #tpu.memory_space<vmem>>) offsets(%dma_start3A_204 : memref<64xi32, #tpu.memory_space<vmem>>) semaphore(%arg13 : memref<!tpu.dma_semaphore, #tpu.memory_space<semaphore_mem>>)
    %dma_start3A_208 = arith.constant 1 : i32
    %dma_start3A_209 = arith.constant 0 : i32
    %dma_start3A_210 = tpu.memref_slice %arg7[%dma_start3A_208, %dma_start3A_209] : memref<40x64xi32, #tpu.memory_space<vmem>> -> memref<1x64xi32, #tpu.memory_space<vmem>>
    %dma_start3A_211 = tpu.memref_squeeze %dma_start3A_210 : memref<1x64xi32, #tpu.memory_space<vmem>> -> memref<64xi32, #tpu.memory_space<vmem>>
    %dma_start3A_212 = arith.constant 0 : i32
    %dma_start3A_213 = arith.constant 0 : i32
    %dma_start3A_214 = tpu.memref_slice %arg2[%dma_start3A_212, %dma_start3A_213] : memref<10000x128xf32, #tpu.memory_space<hbm>> -> memref<10000x128xf32, #tpu.memory_space<hbm>>
    tpu.enqueue_indirect_dma source(%dma_start3A_214 : memref<10000x128xf32, #tpu.memory_space<hbm>>) target(%arg10 : memref<64x128xf32, #tpu.memory_space<vmem>>) offsets(%dma_start3A_211 : memref<64xi32, #tpu.memory_space<vmem>>) semaphore(%arg14 : memref<!tpu.dma_semaphore, #tpu.memory_space<semaphore_mem>>)
    %dma_start3A_215 = arith.constant 2 : i32
    %dma_start3A_216 = arith.constant 0 : i32
    %dma_start3A_217 = tpu.memref_slice %arg7[%dma_start3A_215, %dma_start3A_216] : memref<40x64xi32, #tpu.memory_space<vmem>> -> memref<1x64xi32, #tpu.memory_space<vmem>>
    %dma_start3A_218 = tpu.memref_squeeze %dma_start3A_217 : memref<1x64xi32, #tpu.memory_space<vmem>> -> memref<64xi32, #tpu.memory_space<vmem>>
    %dma_start3A_219 = arith.constant 0 : i32
    %dma_start3A_220 = arith.constant 0 : i32
    %dma_start3A_221 = tpu.memref_slice %arg2[%dma_start3A_219, %dma_start3A_220] : memref<10000x128xf32, #tpu.memory_space<hbm>> -> memref<10000x128xf32, #tpu.memory_space<hbm>>
    tpu.enqueue_indirect_dma source(%dma_start3A_221 : memref<10000x128xf32, #tpu.memory_space<hbm>>) target(%arg11 : memref<64x128xf32, #tpu.memory_space<vmem>>) offsets(%dma_start3A_218 : memref<64xi32, #tpu.memory_space<vmem>>) semaphore(%arg15 : memref<!tpu.dma_semaphore, #tpu.memory_space<semaphore_mem>>)
    %dma_start3A_222 = arith.constant 3 : i32
    %dma_start3A_223 = arith.constant 0 : i32
    %dma_start3A_224 = tpu.memref_slice %arg7[%dma_start3A_222, %dma_start3A_223] : memref<40x64xi32, #tpu.memory_space<vmem>> -> memref<1x64xi32, #tpu.memory_space<vmem>>
    %dma_start3A_225 = tpu.memref_squeeze %dma_start3A_224 : memref<1x64xi32, #tpu.memory_space<vmem>> -> memref<64xi32, #tpu.memory_space<vmem>>
    %dma_start3A_226 = arith.constant 0 : i32
    %dma_start3A_227 = arith.constant 0 : i32
    %dma_start3A_228 = tpu.memref_slice %arg2[%dma_start3A_226, %dma_start3A_227] : memref<10000x128xf32, #tpu.memory_space<hbm>> -> memref<10000x128xf32, #tpu.memory_space<hbm>>
    tpu.enqueue_indirect_dma source(%dma_start3A_228 : memref<10000x128xf32, #tpu.memory_space<hbm>>) target(%arg12 : memref<64x128xf32, #tpu.memory_space<vmem>>) offsets(%dma_start3A_225 : memref<64xi32, #tpu.memory_space<vmem>>) semaphore(%arg16 : memref<!tpu.dma_semaphore, #tpu.memory_space<semaphore_mem>>)
    %scan3A_229 = arith.constant 0 : i32
    %scan3A_230 = arith.constant 10 : i32
    %scan3A_231 = arith.addi %scan3A_229, %scan3A_230 : i32
    %scan3A_232 = arith.constant 1 : i32
    scf.for %scan3A_267 = %scan3A_229 to %scan3A_231 step %scan3A_232  : i32 {
      %mul3A_268 = arith.constant 4 : i32
      %mul3A_269 = arith.muli %scan3A_267, %mul3A_268 : i32
      %add3A_270 = arith.constant 0 : i32
      %add3A_271 = arith.addi %add3A_270, %mul3A_269 : i32
      %add3A_272 = arith.constant 0 : i32
      %add3A_273 = arith.addi %add3A_271, %add3A_272 : i32
      %dma_wait3A_274 = arith.constant 0 : i32
      %dma_wait3A_275 = tpu.memref_slice %arg7[%add3A_273, %dma_wait3A_274] : memref<40x64xi32, #tpu.memory_space<vmem>> -> memref<1x64xi32, #tpu.memory_space<vmem>>
      %dma_wait3A_276 = tpu.memref_squeeze %dma_wait3A_275 : memref<1x64xi32, #tpu.memory_space<vmem>> -> memref<64xi32, #tpu.memory_space<vmem>>
      %dma_wait3A_277 = arith.constant 0 : i32
      %dma_wait3A_278 = arith.constant 0 : i32
      %dma_wait3A_279 = tpu.memref_slice %arg2[%dma_wait3A_277, %dma_wait3A_278] : memref<10000x128xf32, #tpu.memory_space<hbm>> -> memref<10000x128xf32, #tpu.memory_space<hbm>>
      tpu.wait_indirect_dma semaphore(%arg13 : memref<!tpu.dma_semaphore, #tpu.memory_space<semaphore_mem>>) src(%dma_wait3A_279 : memref<10000x128xf32, #tpu.memory_space<hbm>>) dst(%arg9 : memref<64x128xf32, #tpu.memory_space<vmem>>)
      %add3A_280 = arith.constant 0 : i32
      %add3A_281 = arith.addi %add3A_271, %add3A_280 : i32
      %dma_start3A_282 = arith.constant 0 : i32
      %dma_start3A_283 = tpu.memref_slice %arg8[%add3A_281, %dma_start3A_282] : memref<40x64xi32, #tpu.memory_space<vmem>> -> memref<1x64xi32, #tpu.memory_space<vmem>>
      %dma_start3A_284 = tpu.memref_squeeze %dma_start3A_283 : memref<1x64xi32, #tpu.memory_space<vmem>> -> memref<64xi32, #tpu.memory_space<vmem>>
      %dma_start3A_285 = arith.constant 0 : i32
      %dma_start3A_286 = arith.constant 0 : i32
      %dma_start3A_287 = tpu.memref_slice %arg21[%dma_start3A_285, %dma_start3A_286] : memref<10112x128xf32, #tpu.memory_space<vmem_shared>> -> memref<10112x128xf32, #tpu.memory_space<vmem_shared>>
      tpu.enqueue_indirect_dma source(%arg9 : memref<64x128xf32, #tpu.memory_space<vmem>>) target(%dma_start3A_287 : memref<10112x128xf32, #tpu.memory_space<vmem_shared>>) offsets(%dma_start3A_284 : memref<64xi32, #tpu.memory_space<vmem>>) semaphore(%arg17 : memref<!tpu.dma_semaphore, #tpu.memory_space<semaphore_mem>>) {add = true}
      %add3A_288 = arith.constant 1 : i32
      %add3A_289 = arith.addi %add3A_271, %add3A_288 : i32
      %dma_wait3A_290 = arith.constant 0 : i32
      %dma_wait3A_291 = tpu.memref_slice %arg7[%add3A_289, %dma_wait3A_290] : memref<40x64xi32, #tpu.memory_space<vmem>> -> memref<1x64xi32, #tpu.memory_space<vmem>>
      %dma_wait3A_292 = tpu.memref_squeeze %dma_wait3A_291 : memref<1x64xi32, #tpu.memory_space<vmem>> -> memref<64xi32, #tpu.memory_space<vmem>>
      %dma_wait3A_293 = arith.constant 0 : i32
      %dma_wait3A_294 = arith.constant 0 : i32
      %dma_wait3A_295 = tpu.memref_slice %arg2[%dma_wait3A_293, %dma_wait3A_294] : memref<10000x128xf32, #tpu.memory_space<hbm>> -> memref<10000x128xf32, #tpu.memory_space<hbm>>
      tpu.wait_indirect_dma semaphore(%arg14 : memref<!tpu.dma_semaphore, #tpu.memory_space<semaphore_mem>>) src(%dma_wait3A_295 : memref<10000x128xf32, #tpu.memory_space<hbm>>) dst(%arg10 : memref<64x128xf32, #tpu.memory_space<vmem>>)
      %add3A_296 = arith.constant 1 : i32
      %add3A_297 = arith.addi %add3A_271, %add3A_296 : i32
      %dma_start3A_298 = arith.constant 0 : i32
      %dma_start3A_299 = tpu.memref_slice %arg8[%add3A_297, %dma_start3A_298] : memref<40x64xi32, #tpu.memory_space<vmem>> -> memref<1x64xi32, #tpu.memory_space<vmem>>
      %dma_start3A_300 = tpu.memref_squeeze %dma_start3A_299 : memref<1x64xi32, #tpu.memory_space<vmem>> -> memref<64xi32, #tpu.memory_space<vmem>>
      %dma_start3A_301 = arith.constant 0 : i32
      %dma_start3A_302 = arith.constant 0 : i32
      %dma_start3A_303 = tpu.memref_slice %arg21[%dma_start3A_301, %dma_start3A_302] : memref<10112x128xf32, #tpu.memory_space<vmem_shared>> -> memref<10112x128xf32, #tpu.memory_space<vmem_shared>>
      tpu.enqueue_indirect_dma source(%arg10 : memref<64x128xf32, #tpu.memory_space<vmem>>) target(%dma_start3A_303 : memref<10112x128xf32, #tpu.memory_space<vmem_shared>>) offsets(%dma_start3A_300 : memref<64xi32, #tpu.memory_space<vmem>>) semaphore(%arg18 : memref<!tpu.dma_semaphore, #tpu.memory_space<semaphore_mem>>) {add = true}
      %add3A_304 = arith.constant 2 : i32
      %add3A_305 = arith.addi %add3A_271, %add3A_304 : i32
      %dma_wait3A_306 = arith.constant 0 : i32
      %dma_wait3A_307 = tpu.memref_slice %arg7[%add3A_305, %dma_wait3A_306] : memref<40x64xi32, #tpu.memory_space<vmem>> -> memref<1x64xi32, #tpu.memory_space<vmem>>
      %dma_wait3A_308 = tpu.memref_squeeze %dma_wait3A_307 : memref<1x64xi32, #tpu.memory_space<vmem>> -> memref<64xi32, #tpu.memory_space<vmem>>
      %dma_wait3A_309 = arith.constant 0 : i32
      %dma_wait3A_310 = arith.constant 0 : i32
      %dma_wait3A_311 = tpu.memref_slice %arg2[%dma_wait3A_309, %dma_wait3A_310] : memref<10000x128xf32, #tpu.memory_space<hbm>> -> memref<10000x128xf32, #tpu.memory_space<hbm>>
      tpu.wait_indirect_dma semaphore(%arg15 : memref<!tpu.dma_semaphore, #tpu.memory_space<semaphore_mem>>) src(%dma_wait3A_311 : memref<10000x128xf32, #tpu.memory_space<hbm>>) dst(%arg11 : memref<64x128xf32, #tpu.memory_space<vmem>>)
      %add3A_312 = arith.constant 2 : i32
      %add3A_313 = arith.addi %add3A_271, %add3A_312 : i32
      %dma_start3A_314 = arith.constant 0 : i32
      %dma_start3A_315 = tpu.memref_slice %arg8[%add3A_313, %dma_start3A_314] : memref<40x64xi32, #tpu.memory_space<vmem>> -> memref<1x64xi32, #tpu.memory_space<vmem>>
      %dma_start3A_316 = tpu.memref_squeeze %dma_start3A_315 : memref<1x64xi32, #tpu.memory_space<vmem>> -> memref<64xi32, #tpu.memory_space<vmem>>
      %dma_start3A_317 = arith.constant 0 : i32
      %dma_start3A_318 = arith.constant 0 : i32
      %dma_start3A_319 = tpu.memref_slice %arg21[%dma_start3A_317, %dma_start3A_318] : memref<10112x128xf32, #tpu.memory_space<vmem_shared>> -> memref<10112x128xf32, #tpu.memory_space<vmem_shared>>
      tpu.enqueue_indirect_dma source(%arg11 : memref<64x128xf32, #tpu.memory_space<vmem>>) target(%dma_start3A_319 : memref<10112x128xf32, #tpu.memory_space<vmem_shared>>) offsets(%dma_start3A_316 : memref<64xi32, #tpu.memory_space<vmem>>) semaphore(%arg19 : memref<!tpu.dma_semaphore, #tpu.memory_space<semaphore_mem>>) {add = true}
      %add3A_320 = arith.constant 3 : i32
      %add3A_321 = arith.addi %add3A_271, %add3A_320 : i32
      %dma_wait3A_322 = arith.constant 0 : i32
      %dma_wait3A_323 = tpu.memref_slice %arg7[%add3A_321, %dma_wait3A_322] : memref<40x64xi32, #tpu.memory_space<vmem>> -> memref<1x64xi32, #tpu.memory_space<vmem>>
      %dma_wait3A_324 = tpu.memref_squeeze %dma_wait3A_323 : memref<1x64xi32, #tpu.memory_space<vmem>> -> memref<64xi32, #tpu.memory_space<vmem>>
      %dma_wait3A_325 = arith.constant 0 : i32
      %dma_wait3A_326 = arith.constant 0 : i32
      %dma_wait3A_327 = tpu.memref_slice %arg2[%dma_wait3A_325, %dma_wait3A_326] : memref<10000x128xf32, #tpu.memory_space<hbm>> -> memref<10000x128xf32, #tpu.memory_space<hbm>>
      tpu.wait_indirect_dma semaphore(%arg16 : memref<!tpu.dma_semaphore, #tpu.memory_space<semaphore_mem>>) src(%dma_wait3A_327 : memref<10000x128xf32, #tpu.memory_space<hbm>>) dst(%arg12 : memref<64x128xf32, #tpu.memory_space<vmem>>)
      %add3A_328 = arith.constant 3 : i32
      %add3A_329 = arith.addi %add3A_271, %add3A_328 : i32
      %dma_start3A_330 = arith.constant 0 : i32
      %dma_start3A_331 = tpu.memref_slice %arg8[%add3A_329, %dma_start3A_330] : memref<40x64xi32, #tpu.memory_space<vmem>> -> memref<1x64xi32, #tpu.memory_space<vmem>>
      %dma_start3A_332 = tpu.memref_squeeze %dma_start3A_331 : memref<1x64xi32, #tpu.memory_space<vmem>> -> memref<64xi32, #tpu.memory_space<vmem>>
      %dma_start3A_333 = arith.constant 0 : i32
      %dma_start3A_334 = arith.constant 0 : i32
      %dma_start3A_335 = tpu.memref_slice %arg21[%dma_start3A_333, %dma_start3A_334] : memref<10112x128xf32, #tpu.memory_space<vmem_shared>> -> memref<10112x128xf32, #tpu.memory_space<vmem_shared>>
      tpu.enqueue_indirect_dma source(%arg12 : memref<64x128xf32, #tpu.memory_space<vmem>>) target(%dma_start3A_335 : memref<10112x128xf32, #tpu.memory_space<vmem_shared>>) offsets(%dma_start3A_332 : memref<64xi32, #tpu.memory_space<vmem>>) semaphore(%arg20 : memref<!tpu.dma_semaphore, #tpu.memory_space<semaphore_mem>>) {add = true}
      %add3A_336 = arith.constant 0 : i32
      %add3A_337 = arith.addi %add3A_271, %add3A_336 : i32
      %dma_wait3A_338 = arith.constant 0 : i32
      %dma_wait3A_339 = tpu.memref_slice %arg8[%add3A_337, %dma_wait3A_338] : memref<40x64xi32, #tpu.memory_space<vmem>> -> memref<1x64xi32, #tpu.memory_space<vmem>>
      %dma_wait3A_340 = tpu.memref_squeeze %dma_wait3A_339 : memref<1x64xi32, #tpu.memory_space<vmem>> -> memref<64xi32, #tpu.memory_space<vmem>>
      %dma_wait3A_341 = arith.constant 0 : i32
      %dma_wait3A_342 = arith.constant 0 : i32
      %dma_wait3A_343 = tpu.memref_slice %arg21[%dma_wait3A_341, %dma_wait3A_342] : memref<10112x128xf32, #tpu.memory_space<vmem_shared>> -> memref<10112x128xf32, #tpu.memory_space<vmem_shared>>
      tpu.wait_indirect_dma semaphore(%arg17 : memref<!tpu.dma_semaphore, #tpu.memory_space<semaphore_mem>>) src(%arg9 : memref<64x128xf32, #tpu.memory_space<vmem>>) dst(%dma_wait3A_343 : memref<10112x128xf32, #tpu.memory_space<vmem_shared>>)
      %add3A_344 = arith.constant 4 : i32
      %add3A_345 = arith.addi %add3A_271, %add3A_344 : i32
      %add3A_346 = arith.constant 0 : i32
      %add3A_347 = arith.addi %add3A_345, %add3A_346 : i32
      %min3A = arith.constant 39 : i32
      %min3A_348 = arith.minsi %add3A_347, %min3A : i32
      %dma_start3A_349 = arith.constant 0 : i32
      %dma_start3A_350 = tpu.memref_slice %arg7[%min3A_348, %dma_start3A_349] : memref<40x64xi32, #tpu.memory_space<vmem>> -> memref<1x64xi32, #tpu.memory_space<vmem>>
      %dma_start3A_351 = tpu.memref_squeeze %dma_start3A_350 : memref<1x64xi32, #tpu.memory_space<vmem>> -> memref<64xi32, #tpu.memory_space<vmem>>
      %dma_start3A_352 = arith.constant 0 : i32
      %dma_start3A_353 = arith.constant 0 : i32
      %dma_start3A_354 = tpu.memref_slice %arg2[%dma_start3A_352, %dma_start3A_353] : memref<10000x128xf32, #tpu.memory_space<hbm>> -> memref<10000x128xf32, #tpu.memory_space<hbm>>
      tpu.enqueue_indirect_dma source(%dma_start3A_354 : memref<10000x128xf32, #tpu.memory_space<hbm>>) target(%arg9 : memref<64x128xf32, #tpu.memory_space<vmem>>) offsets(%dma_start3A_351 : memref<64xi32, #tpu.memory_space<vmem>>) semaphore(%arg13 : memref<!tpu.dma_semaphore, #tpu.memory_space<semaphore_mem>>)
      %add3A_355 = arith.constant 1 : i32
      %add3A_356 = arith.addi %add3A_271, %add3A_355 : i32
      %dma_wait3A_357 = arith.constant 0 : i32
      %dma_wait3A_358 = tpu.memref_slice %arg8[%add3A_356, %dma_wait3A_357] : memref<40x64xi32, #tpu.memory_space<vmem>> -> memref<1x64xi32, #tpu.memory_space<vmem>>
      %dma_wait3A_359 = tpu.memref_squeeze %dma_wait3A_358 : memref<1x64xi32, #tpu.memory_space<vmem>> -> memref<64xi32, #tpu.memory_space<vmem>>
      %dma_wait3A_360 = arith.constant 0 : i32
      %dma_wait3A_361 = arith.constant 0 : i32
      %dma_wait3A_362 = tpu.memref_slice %arg21[%dma_wait3A_360, %dma_wait3A_361] : memref<10112x128xf32, #tpu.memory_space<vmem_shared>> -> memref<10112x128xf32, #tpu.memory_space<vmem_shared>>
      tpu.wait_indirect_dma semaphore(%arg18 : memref<!tpu.dma_semaphore, #tpu.memory_space<semaphore_mem>>) src(%arg10 : memref<64x128xf32, #tpu.memory_space<vmem>>) dst(%dma_wait3A_362 : memref<10112x128xf32, #tpu.memory_space<vmem_shared>>)
      %add3A_363 = arith.constant 4 : i32
      %add3A_364 = arith.addi %add3A_271, %add3A_363 : i32
      %add3A_365 = arith.constant 1 : i32
      %add3A_366 = arith.addi %add3A_364, %add3A_365 : i32
      %min3A_367 = arith.constant 39 : i32
      %min3A_368 = arith.minsi %add3A_366, %min3A_367 : i32
      %dma_start3A_369 = arith.constant 0 : i32
      %dma_start3A_370 = tpu.memref_slice %arg7[%min3A_368, %dma_start3A_369] : memref<40x64xi32, #tpu.memory_space<vmem>> -> memref<1x64xi32, #tpu.memory_space<vmem>>
      %dma_start3A_371 = tpu.memref_squeeze %dma_start3A_370 : memref<1x64xi32, #tpu.memory_space<vmem>> -> memref<64xi32, #tpu.memory_space<vmem>>
      %dma_start3A_372 = arith.constant 0 : i32
      %dma_start3A_373 = arith.constant 0 : i32
      %dma_start3A_374 = tpu.memref_slice %arg2[%dma_start3A_372, %dma_start3A_373] : memref<10000x128xf32, #tpu.memory_space<hbm>> -> memref<10000x128xf32, #tpu.memory_space<hbm>>
      tpu.enqueue_indirect_dma source(%dma_start3A_374 : memref<10000x128xf32, #tpu.memory_space<hbm>>) target(%arg10 : memref<64x128xf32, #tpu.memory_space<vmem>>) offsets(%dma_start3A_371 : memref<64xi32, #tpu.memory_space<vmem>>) semaphore(%arg14 : memref<!tpu.dma_semaphore, #tpu.memory_space<semaphore_mem>>)
      %add3A_375 = arith.constant 2 : i32
      %add3A_376 = arith.addi %add3A_271, %add3A_375 : i32
      %dma_wait3A_377 = arith.constant 0 : i32
      %dma_wait3A_378 = tpu.memref_slice %arg8[%add3A_376, %dma_wait3A_377] : memref<40x64xi32, #tpu.memory_space<vmem>> -> memref<1x64xi32, #tpu.memory_space<vmem>>
      %dma_wait3A_379 = tpu.memref_squeeze %dma_wait3A_378 : memref<1x64xi32, #tpu.memory_space<vmem>> -> memref<64xi32, #tpu.memory_space<vmem>>
      %dma_wait3A_380 = arith.constant 0 : i32
      %dma_wait3A_381 = arith.constant 0 : i32
      %dma_wait3A_382 = tpu.memref_slice %arg21[%dma_wait3A_380, %dma_wait3A_381] : memref<10112x128xf32, #tpu.memory_space<vmem_shared>> -> memref<10112x128xf32, #tpu.memory_space<vmem_shared>>
      tpu.wait_indirect_dma semaphore(%arg19 : memref<!tpu.dma_semaphore, #tpu.memory_space<semaphore_mem>>) src(%arg11 : memref<64x128xf32, #tpu.memory_space<vmem>>) dst(%dma_wait3A_382 : memref<10112x128xf32, #tpu.memory_space<vmem_shared>>)
      %add3A_383 = arith.constant 4 : i32
      %add3A_384 = arith.addi %add3A_271, %add3A_383 : i32
      %add3A_385 = arith.constant 2 : i32
      %add3A_386 = arith.addi %add3A_384, %add3A_385 : i32
      %min3A_387 = arith.constant 39 : i32
      %min3A_388 = arith.minsi %add3A_386, %min3A_387 : i32
      %dma_start3A_389 = arith.constant 0 : i32
      %dma_start3A_390 = tpu.memref_slice %arg7[%min3A_388, %dma_start3A_389] : memref<40x64xi32, #tpu.memory_space<vmem>> -> memref<1x64xi32, #tpu.memory_space<vmem>>
      %dma_start3A_391 = tpu.memref_squeeze %dma_start3A_390 : memref<1x64xi32, #tpu.memory_space<vmem>> -> memref<64xi32, #tpu.memory_space<vmem>>
      %dma_start3A_392 = arith.constant 0 : i32
      %dma_start3A_393 = arith.constant 0 : i32
      %dma_start3A_394 = tpu.memref_slice %arg2[%dma_start3A_392, %dma_start3A_393] : memref<10000x128xf32, #tpu.memory_space<hbm>> -> memref<10000x128xf32, #tpu.memory_space<hbm>>
      tpu.enqueue_indirect_dma source(%dma_start3A_394 : memref<10000x128xf32, #tpu.memory_space<hbm>>) target(%arg11 : memref<64x128xf32, #tpu.memory_space<vmem>>) offsets(%dma_start3A_391 : memref<64xi32, #tpu.memory_space<vmem>>) semaphore(%arg15 : memref<!tpu.dma_semaphore, #tpu.memory_space<semaphore_mem>>)
      %add3A_395 = arith.constant 3 : i32
      %add3A_396 = arith.addi %add3A_271, %add3A_395 : i32
      %dma_wait3A_397 = arith.constant 0 : i32
      %dma_wait3A_398 = tpu.memref_slice %arg8[%add3A_396, %dma_wait3A_397] : memref<40x64xi32, #tpu.memory_space<vmem>> -> memref<1x64xi32, #tpu.memory_space<vmem>>
      %dma_wait3A_399 = tpu.memref_squeeze %dma_wait3A_398 : memref<1x64xi32, #tpu.memory_space<vmem>> -> memref<64xi32, #tpu.memory_space<vmem>>
      %dma_wait3A_400 = arith.constant 0 : i32
      %dma_wait3A_401 = arith.constant 0 : i32
      %dma_wait3A_402 = tpu.memref_slice %arg21[%dma_wait3A_400, %dma_wait3A_401] : memref<10112x128xf32, #tpu.memory_space<vmem_shared>> -> memref<10112x128xf32, #tpu.memory_space<vmem_shared>>
      tpu.wait_indirect_dma semaphore(%arg20 : memref<!tpu.dma_semaphore, #tpu.memory_space<semaphore_mem>>) src(%arg12 : memref<64x128xf32, #tpu.memory_space<vmem>>) dst(%dma_wait3A_402 : memref<10112x128xf32, #tpu.memory_space<vmem_shared>>)
      %add3A_403 = arith.constant 4 : i32
      %add3A_404 = arith.addi %add3A_271, %add3A_403 : i32
      %add3A_405 = arith.constant 3 : i32
      %add3A_406 = arith.addi %add3A_404, %add3A_405 : i32
      %min3A_407 = arith.constant 39 : i32
      %min3A_408 = arith.minsi %add3A_406, %min3A_407 : i32
      %dma_start3A_409 = arith.constant 0 : i32
      %dma_start3A_410 = tpu.memref_slice %arg7[%min3A_408, %dma_start3A_409] : memref<40x64xi32, #tpu.memory_space<vmem>> -> memref<1x64xi32, #tpu.memory_space<vmem>>
      %dma_start3A_411 = tpu.memref_squeeze %dma_start3A_410 : memref<1x64xi32, #tpu.memory_space<vmem>> -> memref<64xi32, #tpu.memory_space<vmem>>
      %dma_start3A_412 = arith.constant 0 : i32
      %dma_start3A_413 = arith.constant 0 : i32
      %dma_start3A_414 = tpu.memref_slice %arg2[%dma_start3A_412, %dma_start3A_413] : memref<10000x128xf32, #tpu.memory_space<hbm>> -> memref<10000x128xf32, #tpu.memory_space<hbm>>
      tpu.enqueue_indirect_dma source(%dma_start3A_414 : memref<10000x128xf32, #tpu.memory_space<hbm>>) target(%arg12 : memref<64x128xf32, #tpu.memory_space<vmem>>) offsets(%dma_start3A_411 : memref<64xi32, #tpu.memory_space<vmem>>) semaphore(%arg16 : memref<!tpu.dma_semaphore, #tpu.memory_space<semaphore_mem>>)
    }
    %scan3A_233 = arith.constant 10 : i32
    %dma_wait3A_234 = arith.constant 39 : i32
    %dma_wait3A_235 = arith.constant 0 : i32
    %dma_wait3A_236 = tpu.memref_slice %arg7[%dma_wait3A_234, %dma_wait3A_235] : memref<40x64xi32, #tpu.memory_space<vmem>> -> memref<1x64xi32, #tpu.memory_space<vmem>>
    %dma_wait3A_237 = tpu.memref_squeeze %dma_wait3A_236 : memref<1x64xi32, #tpu.memory_space<vmem>> -> memref<64xi32, #tpu.memory_space<vmem>>
    %dma_wait3A_238 = arith.constant 0 : i32
    %dma_wait3A_239 = arith.constant 0 : i32
    %dma_wait3A_240 = tpu.memref_slice %arg2[%dma_wait3A_238, %dma_wait3A_239] : memref<10000x128xf32, #tpu.memory_space<hbm>> -> memref<10000x128xf32, #tpu.memory_space<hbm>>
    tpu.wait_indirect_dma semaphore(%arg13 : memref<!tpu.dma_semaphore, #tpu.memory_space<semaphore_mem>>) src(%dma_wait3A_240 : memref<10000x128xf32, #tpu.memory_space<hbm>>) dst(%arg9 : memref<64x128xf32, #tpu.memory_space<vmem>>)
    %dma_wait3A_241 = arith.constant 39 : i32
    %dma_wait3A_242 = arith.constant 0 : i32
    %dma_wait3A_243 = tpu.memref_slice %arg7[%dma_wait3A_241, %dma_wait3A_242] : memref<40x64xi32, #tpu.memory_space<vmem>> -> memref<1x64xi32, #tpu.memory_space<vmem>>
    %dma_wait3A_244 = tpu.memref_squeeze %dma_wait3A_243 : memref<1x64xi32, #tpu.memory_space<vmem>> -> memref<64xi32, #tpu.memory_space<vmem>>
    %dma_wait3A_245 = arith.constant 0 : i32
    %dma_wait3A_246 = arith.constant 0 : i32
    %dma_wait3A_247 = tpu.memref_slice %arg2[%dma_wait3A_245, %dma_wait3A_246] : memref<10000x128xf32, #tpu.memory_space<hbm>> -> memref<10000x128xf32, #tpu.memory_space<hbm>>
    tpu.wait_indirect_dma semaphore(%arg14 : memref<!tpu.dma_semaphore, #tpu.memory_space<semaphore_mem>>) src(%dma_wait3A_247 : memref<10000x128xf32, #tpu.memory_space<hbm>>) dst(%arg10 : memref<64x128xf32, #tpu.memory_space<vmem>>)
    %dma_wait3A_248 = arith.constant 39 : i32
    %dma_wait3A_249 = arith.constant 0 : i32
    %dma_wait3A_250 = tpu.memref_slice %arg7[%dma_wait3A_248, %dma_wait3A_249] : memref<40x64xi32, #tpu.memory_space<vmem>> -> memref<1x64xi32, #tpu.memory_space<vmem>>
    %dma_wait3A_251 = tpu.memref_squeeze %dma_wait3A_250 : memref<1x64xi32, #tpu.memory_space<vmem>> -> memref<64xi32, #tpu.memory_space<vmem>>
    %dma_wait3A_252 = arith.constant 0 : i32
    %dma_wait3A_253 = arith.constant 0 : i32
    %dma_wait3A_254 = tpu.memref_slice %arg2[%dma_wait3A_252, %dma_wait3A_253] : memref<10000x128xf32, #tpu.memory_space<hbm>> -> memref<10000x128xf32, #tpu.memory_space<hbm>>
    tpu.wait_indirect_dma semaphore(%arg15 : memref<!tpu.dma_semaphore, #tpu.memory_space<semaphore_mem>>) src(%dma_wait3A_254 : memref<10000x128xf32, #tpu.memory_space<hbm>>) dst(%arg11 : memref<64x128xf32, #tpu.memory_space<vmem>>)
    %dma_wait3A_255 = arith.constant 39 : i32
    %dma_wait3A_256 = arith.constant 0 : i32
    %dma_wait3A_257 = tpu.memref_slice %arg7[%dma_wait3A_255, %dma_wait3A_256] : memref<40x64xi32, #tpu.memory_space<vmem>> -> memref<1x64xi32, #tpu.memory_space<vmem>>
    %dma_wait3A_258 = tpu.memref_squeeze %dma_wait3A_257 : memref<1x64xi32, #tpu.memory_space<vmem>> -> memref<64xi32, #tpu.memory_space<vmem>>
    %dma_wait3A_259 = arith.constant 0 : i32
    %dma_wait3A_260 = arith.constant 0 : i32
    %dma_wait3A_261 = tpu.memref_slice %arg2[%dma_wait3A_259, %dma_wait3A_260] : memref<10000x128xf32, #tpu.memory_space<hbm>> -> memref<10000x128xf32, #tpu.memory_space<hbm>>
    tpu.wait_indirect_dma semaphore(%arg16 : memref<!tpu.dma_semaphore, #tpu.memory_space<semaphore_mem>>) src(%dma_wait3A_261 : memref<10000x128xf32, #tpu.memory_space<hbm>>) dst(%arg12 : memref<64x128xf32, #tpu.memory_space<vmem>>)
    %barrier3A_262 = arith.constant 0 : index
    tpu.barrier barrier_id(%barrier3A_262)
    %mul3A_263 = arith.constant 632 : i32
    %mul3A_264 = arith.muli %arg1, %mul3A_263 : i32
    %mul3A_265 = arith.constant 632 : i32
    %mul3A_266 = arith.muli %arg1, %mul3A_265 : i32
    "tpu.region"() ({
      %run_scoped3A = tpu.sem_alloc : memref<!tpu.dma_semaphore, #tpu.memory_space<semaphore_mem>>
      %dma_start3A_267 = arith.constant 0 : i32
      %dma_start3A_268 = tpu.memref_slice %arg6[%arg0, %mul3A_266, %dma_start3A_267] : memref<2x10112x128xf32, #tpu.memory_space<hbm>> -> memref<1x632x128xf32, #tpu.memory_space<hbm>>
      %dma_start3A_269 = tpu.memref_squeeze %dma_start3A_268 : memref<1x632x128xf32, #tpu.memory_space<hbm>> -> memref<632x128xf32, #tpu.memory_space<hbm>>
      %dma_start3A_270 = arith.constant 0 : i32
      %dma_start3A_271 = tpu.memref_slice %arg21[%mul3A_264, %dma_start3A_270] : memref<10112x128xf32, #tpu.memory_space<vmem_shared>> -> memref<632x128xf32, #tpu.memory_space<vmem_shared>>
      tpu.enqueue_dma source(%dma_start3A_271 : memref<632x128xf32, #tpu.memory_space<vmem_shared>>) target(%dma_start3A_269 : memref<632x128xf32, #tpu.memory_space<hbm>>) target_semaphore(%run_scoped3A : memref<!tpu.dma_semaphore, #tpu.memory_space<semaphore_mem>>)
      %dma_wait3A_272 = arith.constant 0 : i32
      %dma_wait3A_273 = tpu.memref_slice %arg6[%arg0, %mul3A_266, %dma_wait3A_272] : memref<2x10112x128xf32, #tpu.memory_space<hbm>> -> memref<1x632x128xf32, #tpu.memory_space<hbm>>
      %dma_wait3A_274 = tpu.memref_squeeze %dma_wait3A_273 : memref<1x632x128xf32, #tpu.memory_space<hbm>> -> memref<632x128xf32, #tpu.memory_space<hbm>>
      %dma_wait3A_275 = arith.constant 0 : i32
      %dma_wait3A_276 = tpu.memref_slice %arg21[%mul3A_264, %dma_wait3A_275] : memref<10112x128xf32, #tpu.memory_space<vmem_shared>> -> memref<632x128xf32, #tpu.memory_space<vmem_shared>>
      tpu.wait_dma2 semaphore(%run_scoped3A : memref<!tpu.dma_semaphore, #tpu.memory_space<semaphore_mem>>) src(%dma_wait3A_276 : memref<632x128xf32, #tpu.memory_space<vmem_shared>>) dst(%dma_wait3A_274 : memref<632x128xf32, #tpu.memory_space<hbm>>)
      tpu.yield
    }) : () -> ()
    return
  }
}

#map = affine_map<(d0, d1) -> (0, 0)>
#map1 = affine_map<(d0, d1) -> (0, 0, 0)>
module attributes {stable_mosaic.version = 14 : i64} {
  func.func @_sc_agg_body(%arg0: i32, %arg1: i32, %arg2: memref<10000x128xf32, #tpu.memory_space<hbm>>, %arg3: memref<5120x64xi32, #tpu.memory_space<hbm>>, %arg4: memref<5120x64xi32, #tpu.memory_space<hbm>>, %arg5: memref<632x128xf32, #tpu.memory_space<hbm>>, %arg6: memref<2x10112x128xf32, #tpu.memory_space<hbm>>, %arg7: memref<40x64xi32, #tpu.memory_space<vmem>>, %arg8: memref<40x64xi32, #tpu.memory_space<vmem>>, %arg9: memref<64x128xf32, #tpu.memory_space<vmem>>, %arg10: memref<64x128xf32, #tpu.memory_space<vmem>>, %arg11: memref<64x128xf32, #tpu.memory_space<vmem>>, %arg12: memref<64x128xf32, #tpu.memory_space<vmem>>, %arg13: memref<!tpu.dma_semaphore, #tpu.memory_space<semaphore_mem>>, %arg14: memref<!tpu.dma_semaphore, #tpu.memory_space<semaphore_mem>>, %arg15: memref<!tpu.dma_semaphore, #tpu.memory_space<semaphore_mem>>, %arg16: memref<!tpu.dma_semaphore, #tpu.memory_space<semaphore_mem>>, %arg17: memref<!tpu.dma_semaphore, #tpu.memory_space<semaphore_mem>>, %arg18: memref<!tpu.dma_semaphore, #tpu.memory_space<semaphore_mem>>, %arg19: memref<!tpu.dma_semaphore, #tpu.memory_space<semaphore_mem>>, %arg20: memref<!tpu.dma_semaphore, #tpu.memory_space<semaphore_mem>>, %arg21: memref<10112x128xf32, #tpu.memory_space<vmem_shared>>) attributes {dimension_semantics = [#tpu.dimension_semantics<core_parallel>, #tpu.dimension_semantics<subcore_parallel>], iteration_bounds = array<i64: 2, 16>, scalar_prefetch = 0 : i64, scratch_operands = 15 : i64, tpu.core_type = #tpu.core_type<sc_vector_subcore>, window_params = [{transform_indices = #map}, {transform_indices = #map}, {transform_indices = #map}, {transform_indices = #map}, {transform_indices = #map1}]} {
    %mul3A = arith.constant 632 : i32
    %mul3A_0 = arith.muli %arg1, %mul3A : i32
    "tpu.region"() ({
      %run_scoped3A = tpu.sem_alloc : memref<!tpu.dma_semaphore, #tpu.memory_space<semaphore_mem>>
      %dma_start3A_267 = arith.constant 0 : i32
      %dma_start3A_268 = tpu.memref_slice %arg21[%mul3A_0, %dma_start3A_267] : memref<10112x128xf32, #tpu.memory_space<vmem_shared>> -> memref<632x128xf32, #tpu.memory_space<vmem_shared>>
      tpu.enqueue_dma source(%arg5 : memref<632x128xf32, #tpu.memory_space<hbm>>) target(%dma_start3A_268 : memref<632x128xf32, #tpu.memory_space<vmem_shared>>) target_semaphore(%run_scoped3A : memref<!tpu.dma_semaphore, #tpu.memory_space<semaphore_mem>>)
      %dma_wait3A_269 = arith.constant 0 : i32
      %dma_wait3A_270 = tpu.memref_slice %arg21[%mul3A_0, %dma_wait3A_269] : memref<10112x128xf32, #tpu.memory_space<vmem_shared>> -> memref<632x128xf32, #tpu.memory_space<vmem_shared>>
      tpu.wait_dma2 semaphore(%run_scoped3A : memref<!tpu.dma_semaphore, #tpu.memory_space<semaphore_mem>>) src(%arg5 : memref<632x128xf32, #tpu.memory_space<hbm>>) dst(%dma_wait3A_270 : memref<632x128xf32, #tpu.memory_space<vmem_shared>>)
      tpu.yield
    }) : () -> ()
    %barrier3A = arith.constant 0 : index
    tpu.barrier barrier_id(%barrier3A)
    %mul3A_1 = arith.constant 16 : i32
    %mul3A_2 = arith.muli %arg0, %mul3A_1 : i32
    %add3A = arith.addi %mul3A_2, %arg1 : i32
    %mul3A_3 = arith.constant 160 : i32
    %mul3A_4 = arith.muli %add3A, %mul3A_3 : i32
    %add3A_5 = arith.constant 0 : i32
    %add3A_6 = arith.addi %mul3A_4, %add3A_5 : i32
    "tpu.region"() ({
      %run_scoped3A = tpu.sem_alloc : memref<!tpu.dma_semaphore, #tpu.memory_space<semaphore_mem>>
      %dma_start3A_267 = arith.constant 0 : i32
      %dma_start3A_268 = tpu.memref_slice %arg3[%add3A_6, %dma_start3A_267] : memref<5120x64xi32, #tpu.memory_space<hbm>> -> memref<40x64xi32, #tpu.memory_space<hbm>>
      %dma_start3A_269 = arith.constant 0 : i32
      %dma_start3A_270 = tpu.memref_slice %arg3[%add3A_6, %dma_start3A_269] : memref<5120x64xi32, #tpu.memory_space<hbm>> -> memref<40x64xi32, #tpu.memory_space<hbm>>
      tpu.enqueue_dma source(%dma_start3A_270 : memref<40x64xi32, #tpu.memory_space<hbm>>) target(%arg7 : memref<40x64xi32, #tpu.memory_space<vmem>>) target_semaphore(%run_scoped3A : memref<!tpu.dma_semaphore, #tpu.memory_space<semaphore_mem>>)
      %dma_wait3A_271 = arith.constant 0 : i32
      %dma_wait3A_272 = tpu.memref_slice %arg3[%add3A_6, %dma_wait3A_271] : memref<5120x64xi32, #tpu.memory_space<hbm>> -> memref<40x64xi32, #tpu.memory_space<hbm>>
      %dma_wait3A_273 = arith.constant 0 : i32
      %dma_wait3A_274 = tpu.memref_slice %arg3[%add3A_6, %dma_wait3A_273] : memref<5120x64xi32, #tpu.memory_space<hbm>> -> memref<40x64xi32, #tpu.memory_space<hbm>>
      tpu.wait_dma2 semaphore(%run_scoped3A : memref<!tpu.dma_semaphore, #tpu.memory_space<semaphore_mem>>) src(%dma_wait3A_274 : memref<40x64xi32, #tpu.memory_space<hbm>>) dst(%arg7 : memref<40x64xi32, #tpu.memory_space<vmem>>)
      tpu.yield
    }) : () -> ()
    %add3A_7 = arith.constant 0 : i32
    %add3A_8 = arith.addi %mul3A_4, %add3A_7 : i32
    "tpu.region"() ({
      %run_scoped3A = tpu.sem_alloc : memref<!tpu.dma_semaphore, #tpu.memory_space<semaphore_mem>>
      %dma_start3A_267 = arith.constant 0 : i32
      %dma_start3A_268 = tpu.memref_slice %arg4[%add3A_8, %dma_start3A_267] : memref<5120x64xi32, #tpu.memory_space<hbm>> -> memref<40x64xi32, #tpu.memory_space<hbm>>
      %dma_start3A_269 = arith.constant 0 : i32
      %dma_start3A_270 = tpu.memref_slice %arg4[%add3A_8, %dma_start3A_269] : memref<5120x64xi32, #tpu.memory_space<hbm>> -> memref<40x64xi32, #tpu.memory_space<hbm>>
      tpu.enqueue_dma source(%dma_start3A_270 : memref<40x64xi32, #tpu.memory_space<hbm>>) target(%arg8 : memref<40x64xi32, #tpu.memory_space<vmem>>) target_semaphore(%run_scoped3A : memref<!tpu.dma_semaphore, #tpu.memory_space<semaphore_mem>>)
      %dma_wait3A_271 = arith.constant 0 : i32
      %dma_wait3A_272 = tpu.memref_slice %arg4[%add3A_8, %dma_wait3A_271] : memref<5120x64xi32, #tpu.memory_space<hbm>> -> memref<40x64xi32, #tpu.memory_space<hbm>>
      %dma_wait3A_273 = arith.constant 0 : i32
      %dma_wait3A_274 = tpu.memref_slice %arg4[%add3A_8, %dma_wait3A_273] : memref<5120x64xi32, #tpu.memory_space<hbm>> -> memref<40x64xi32, #tpu.memory_space<hbm>>
      tpu.wait_dma2 semaphore(%run_scoped3A : memref<!tpu.dma_semaphore, #tpu.memory_space<semaphore_mem>>) src(%dma_wait3A_274 : memref<40x64xi32, #tpu.memory_space<hbm>>) dst(%arg8 : memref<40x64xi32, #tpu.memory_space<vmem>>)
      tpu.yield
    }) : () -> ()
    %dma_start3A = arith.constant 0 : i32
    %dma_start3A_9 = arith.constant 0 : i32
    %dma_start3A_10 = tpu.memref_slice %arg7[%dma_start3A, %dma_start3A_9] : memref<40x64xi32, #tpu.memory_space<vmem>> -> memref<1x64xi32, #tpu.memory_space<vmem>>
    %dma_start3A_11 = tpu.memref_squeeze %dma_start3A_10 : memref<1x64xi32, #tpu.memory_space<vmem>> -> memref<64xi32, #tpu.memory_space<vmem>>
    %dma_start3A_12 = arith.constant 0 : i32
    %dma_start3A_13 = arith.constant 0 : i32
    %dma_start3A_14 = tpu.memref_slice %arg2[%dma_start3A_12, %dma_start3A_13] : memref<10000x128xf32, #tpu.memory_space<hbm>> -> memref<10000x128xf32, #tpu.memory_space<hbm>>
    tpu.enqueue_indirect_dma source(%dma_start3A_14 : memref<10000x128xf32, #tpu.memory_space<hbm>>) target(%arg9 : memref<64x128xf32, #tpu.memory_space<vmem>>) offsets(%dma_start3A_11 : memref<64xi32, #tpu.memory_space<vmem>>) semaphore(%arg13 : memref<!tpu.dma_semaphore, #tpu.memory_space<semaphore_mem>>)
    %dma_start3A_15 = arith.constant 1 : i32
    %dma_start3A_16 = arith.constant 0 : i32
    %dma_start3A_17 = tpu.memref_slice %arg7[%dma_start3A_15, %dma_start3A_16] : memref<40x64xi32, #tpu.memory_space<vmem>> -> memref<1x64xi32, #tpu.memory_space<vmem>>
    %dma_start3A_18 = tpu.memref_squeeze %dma_start3A_17 : memref<1x64xi32, #tpu.memory_space<vmem>> -> memref<64xi32, #tpu.memory_space<vmem>>
    %dma_start3A_19 = arith.constant 0 : i32
    %dma_start3A_20 = arith.constant 0 : i32
    %dma_start3A_21 = tpu.memref_slice %arg2[%dma_start3A_19, %dma_start3A_20] : memref<10000x128xf32, #tpu.memory_space<hbm>> -> memref<10000x128xf32, #tpu.memory_space<hbm>>
    tpu.enqueue_indirect_dma source(%dma_start3A_21 : memref<10000x128xf32, #tpu.memory_space<hbm>>) target(%arg10 : memref<64x128xf32, #tpu.memory_space<vmem>>) offsets(%dma_start3A_18 : memref<64xi32, #tpu.memory_space<vmem>>) semaphore(%arg14 : memref<!tpu.dma_semaphore, #tpu.memory_space<semaphore_mem>>)
    %dma_start3A_22 = arith.constant 2 : i32
    %dma_start3A_23 = arith.constant 0 : i32
    %dma_start3A_24 = tpu.memref_slice %arg7[%dma_start3A_22, %dma_start3A_23] : memref<40x64xi32, #tpu.memory_space<vmem>> -> memref<1x64xi32, #tpu.memory_space<vmem>>
    %dma_start3A_25 = tpu.memref_squeeze %dma_start3A_24 : memref<1x64xi32, #tpu.memory_space<vmem>> -> memref<64xi32, #tpu.memory_space<vmem>>
    %dma_start3A_26 = arith.constant 0 : i32
    %dma_start3A_27 = arith.constant 0 : i32
    %dma_start3A_28 = tpu.memref_slice %arg2[%dma_start3A_26, %dma_start3A_27] : memref<10000x128xf32, #tpu.memory_space<hbm>> -> memref<10000x128xf32, #tpu.memory_space<hbm>>
    tpu.enqueue_indirect_dma source(%dma_start3A_28 : memref<10000x128xf32, #tpu.memory_space<hbm>>) target(%arg11 : memref<64x128xf32, #tpu.memory_space<vmem>>) offsets(%dma_start3A_25 : memref<64xi32, #tpu.memory_space<vmem>>) semaphore(%arg15 : memref<!tpu.dma_semaphore, #tpu.memory_space<semaphore_mem>>)
    %dma_start3A_29 = arith.constant 3 : i32
    %dma_start3A_30 = arith.constant 0 : i32
    %dma_start3A_31 = tpu.memref_slice %arg7[%dma_start3A_29, %dma_start3A_30] : memref<40x64xi32, #tpu.memory_space<vmem>> -> memref<1x64xi32, #tpu.memory_space<vmem>>
    %dma_start3A_32 = tpu.memref_squeeze %dma_start3A_31 : memref<1x64xi32, #tpu.memory_space<vmem>> -> memref<64xi32, #tpu.memory_space<vmem>>
    %dma_start3A_33 = arith.constant 0 : i32
    %dma_start3A_34 = arith.constant 0 : i32
    %dma_start3A_35 = tpu.memref_slice %arg2[%dma_start3A_33, %dma_start3A_34] : memref<10000x128xf32, #tpu.memory_space<hbm>> -> memref<10000x128xf32, #tpu.memory_space<hbm>>
    tpu.enqueue_indirect_dma source(%dma_start3A_35 : memref<10000x128xf32, #tpu.memory_space<hbm>>) target(%arg12 : memref<64x128xf32, #tpu.memory_space<vmem>>) offsets(%dma_start3A_32 : memref<64xi32, #tpu.memory_space<vmem>>) semaphore(%arg16 : memref<!tpu.dma_semaphore, #tpu.memory_space<semaphore_mem>>)
    %scan3A = arith.constant 0 : i32
    %scan3A_36 = arith.constant 10 : i32
    %scan3A_37 = arith.addi %scan3A, %scan3A_36 : i32
    %scan3A_38 = arith.constant 1 : i32
    scf.for %scan3A_267 = %scan3A to %scan3A_37 step %scan3A_38  : i32 {
      %mul3A_268 = arith.constant 4 : i32
      %mul3A_269 = arith.muli %scan3A_267, %mul3A_268 : i32
      %add3A_270 = arith.constant 0 : i32
      %add3A_271 = arith.addi %add3A_270, %mul3A_269 : i32
      %add3A_272 = arith.constant 0 : i32
      %add3A_273 = arith.addi %add3A_271, %add3A_272 : i32
      %dma_wait3A_274 = arith.constant 0 : i32
      %dma_wait3A_275 = tpu.memref_slice %arg7[%add3A_273, %dma_wait3A_274] : memref<40x64xi32, #tpu.memory_space<vmem>> -> memref<1x64xi32, #tpu.memory_space<vmem>>
      %dma_wait3A_276 = tpu.memref_squeeze %dma_wait3A_275 : memref<1x64xi32, #tpu.memory_space<vmem>> -> memref<64xi32, #tpu.memory_space<vmem>>
      %dma_wait3A_277 = arith.constant 0 : i32
      %dma_wait3A_278 = arith.constant 0 : i32
      %dma_wait3A_279 = tpu.memref_slice %arg2[%dma_wait3A_277, %dma_wait3A_278] : memref<10000x128xf32, #tpu.memory_space<hbm>> -> memref<10000x128xf32, #tpu.memory_space<hbm>>
      tpu.wait_indirect_dma semaphore(%arg13 : memref<!tpu.dma_semaphore, #tpu.memory_space<semaphore_mem>>) src(%dma_wait3A_279 : memref<10000x128xf32, #tpu.memory_space<hbm>>) dst(%arg9 : memref<64x128xf32, #tpu.memory_space<vmem>>)
      %add3A_280 = arith.constant 0 : i32
      %add3A_281 = arith.addi %add3A_271, %add3A_280 : i32
      %dma_start3A_282 = arith.constant 0 : i32
      %dma_start3A_283 = tpu.memref_slice %arg8[%add3A_281, %dma_start3A_282] : memref<40x64xi32, #tpu.memory_space<vmem>> -> memref<1x64xi32, #tpu.memory_space<vmem>>
      %dma_start3A_284 = tpu.memref_squeeze %dma_start3A_283 : memref<1x64xi32, #tpu.memory_space<vmem>> -> memref<64xi32, #tpu.memory_space<vmem>>
      %dma_start3A_285 = arith.constant 0 : i32
      %dma_start3A_286 = arith.constant 0 : i32
      %dma_start3A_287 = tpu.memref_slice %arg21[%dma_start3A_285, %dma_start3A_286] : memref<10112x128xf32, #tpu.memory_space<vmem_shared>> -> memref<10112x128xf32, #tpu.memory_space<vmem_shared>>
      tpu.enqueue_indirect_dma source(%arg9 : memref<64x128xf32, #tpu.memory_space<vmem>>) target(%dma_start3A_287 : memref<10112x128xf32, #tpu.memory_space<vmem_shared>>) offsets(%dma_start3A_284 : memref<64xi32, #tpu.memory_space<vmem>>) semaphore(%arg17 : memref<!tpu.dma_semaphore, #tpu.memory_space<semaphore_mem>>) {add = true}
      %add3A_288 = arith.constant 1 : i32
      %add3A_289 = arith.addi %add3A_271, %add3A_288 : i32
      %dma_wait3A_290 = arith.constant 0 : i32
      %dma_wait3A_291 = tpu.memref_slice %arg7[%add3A_289, %dma_wait3A_290] : memref<40x64xi32, #tpu.memory_space<vmem>> -> memref<1x64xi32, #tpu.memory_space<vmem>>
      %dma_wait3A_292 = tpu.memref_squeeze %dma_wait3A_291 : memref<1x64xi32, #tpu.memory_space<vmem>> -> memref<64xi32, #tpu.memory_space<vmem>>
      %dma_wait3A_293 = arith.constant 0 : i32
      %dma_wait3A_294 = arith.constant 0 : i32
      %dma_wait3A_295 = tpu.memref_slice %arg2[%dma_wait3A_293, %dma_wait3A_294] : memref<10000x128xf32, #tpu.memory_space<hbm>> -> memref<10000x128xf32, #tpu.memory_space<hbm>>
      tpu.wait_indirect_dma semaphore(%arg14 : memref<!tpu.dma_semaphore, #tpu.memory_space<semaphore_mem>>) src(%dma_wait3A_295 : memref<10000x128xf32, #tpu.memory_space<hbm>>) dst(%arg10 : memref<64x128xf32, #tpu.memory_space<vmem>>)
      %add3A_296 = arith.constant 1 : i32
      %add3A_297 = arith.addi %add3A_271, %add3A_296 : i32
      %dma_start3A_298 = arith.constant 0 : i32
      %dma_start3A_299 = tpu.memref_slice %arg8[%add3A_297, %dma_start3A_298] : memref<40x64xi32, #tpu.memory_space<vmem>> -> memref<1x64xi32, #tpu.memory_space<vmem>>
      %dma_start3A_300 = tpu.memref_squeeze %dma_start3A_299 : memref<1x64xi32, #tpu.memory_space<vmem>> -> memref<64xi32, #tpu.memory_space<vmem>>
      %dma_start3A_301 = arith.constant 0 : i32
      %dma_start3A_302 = arith.constant 0 : i32
      %dma_start3A_303 = tpu.memref_slice %arg21[%dma_start3A_301, %dma_start3A_302] : memref<10112x128xf32, #tpu.memory_space<vmem_shared>> -> memref<10112x128xf32, #tpu.memory_space<vmem_shared>>
      tpu.enqueue_indirect_dma source(%arg10 : memref<64x128xf32, #tpu.memory_space<vmem>>) target(%dma_start3A_303 : memref<10112x128xf32, #tpu.memory_space<vmem_shared>>) offsets(%dma_start3A_300 : memref<64xi32, #tpu.memory_space<vmem>>) semaphore(%arg18 : memref<!tpu.dma_semaphore, #tpu.memory_space<semaphore_mem>>) {add = true}
      %add3A_304 = arith.constant 2 : i32
      %add3A_305 = arith.addi %add3A_271, %add3A_304 : i32
      %dma_wait3A_306 = arith.constant 0 : i32
      %dma_wait3A_307 = tpu.memref_slice %arg7[%add3A_305, %dma_wait3A_306] : memref<40x64xi32, #tpu.memory_space<vmem>> -> memref<1x64xi32, #tpu.memory_space<vmem>>
      %dma_wait3A_308 = tpu.memref_squeeze %dma_wait3A_307 : memref<1x64xi32, #tpu.memory_space<vmem>> -> memref<64xi32, #tpu.memory_space<vmem>>
      %dma_wait3A_309 = arith.constant 0 : i32
      %dma_wait3A_310 = arith.constant 0 : i32
      %dma_wait3A_311 = tpu.memref_slice %arg2[%dma_wait3A_309, %dma_wait3A_310] : memref<10000x128xf32, #tpu.memory_space<hbm>> -> memref<10000x128xf32, #tpu.memory_space<hbm>>
      tpu.wait_indirect_dma semaphore(%arg15 : memref<!tpu.dma_semaphore, #tpu.memory_space<semaphore_mem>>) src(%dma_wait3A_311 : memref<10000x128xf32, #tpu.memory_space<hbm>>) dst(%arg11 : memref<64x128xf32, #tpu.memory_space<vmem>>)
      %add3A_312 = arith.constant 2 : i32
      %add3A_313 = arith.addi %add3A_271, %add3A_312 : i32
      %dma_start3A_314 = arith.constant 0 : i32
      %dma_start3A_315 = tpu.memref_slice %arg8[%add3A_313, %dma_start3A_314] : memref<40x64xi32, #tpu.memory_space<vmem>> -> memref<1x64xi32, #tpu.memory_space<vmem>>
      %dma_start3A_316 = tpu.memref_squeeze %dma_start3A_315 : memref<1x64xi32, #tpu.memory_space<vmem>> -> memref<64xi32, #tpu.memory_space<vmem>>
      %dma_start3A_317 = arith.constant 0 : i32
      %dma_start3A_318 = arith.constant 0 : i32
      %dma_start3A_319 = tpu.memref_slice %arg21[%dma_start3A_317, %dma_start3A_318] : memref<10112x128xf32, #tpu.memory_space<vmem_shared>> -> memref<10112x128xf32, #tpu.memory_space<vmem_shared>>
      tpu.enqueue_indirect_dma source(%arg11 : memref<64x128xf32, #tpu.memory_space<vmem>>) target(%dma_start3A_319 : memref<10112x128xf32, #tpu.memory_space<vmem_shared>>) offsets(%dma_start3A_316 : memref<64xi32, #tpu.memory_space<vmem>>) semaphore(%arg19 : memref<!tpu.dma_semaphore, #tpu.memory_space<semaphore_mem>>) {add = true}
      %add3A_320 = arith.constant 3 : i32
      %add3A_321 = arith.addi %add3A_271, %add3A_320 : i32
      %dma_wait3A_322 = arith.constant 0 : i32
      %dma_wait3A_323 = tpu.memref_slice %arg7[%add3A_321, %dma_wait3A_322] : memref<40x64xi32, #tpu.memory_space<vmem>> -> memref<1x64xi32, #tpu.memory_space<vmem>>
      %dma_wait3A_324 = tpu.memref_squeeze %dma_wait3A_323 : memref<1x64xi32, #tpu.memory_space<vmem>> -> memref<64xi32, #tpu.memory_space<vmem>>
      %dma_wait3A_325 = arith.constant 0 : i32
      %dma_wait3A_326 = arith.constant 0 : i32
      %dma_wait3A_327 = tpu.memref_slice %arg2[%dma_wait3A_325, %dma_wait3A_326] : memref<10000x128xf32, #tpu.memory_space<hbm>> -> memref<10000x128xf32, #tpu.memory_space<hbm>>
      tpu.wait_indirect_dma semaphore(%arg16 : memref<!tpu.dma_semaphore, #tpu.memory_space<semaphore_mem>>) src(%dma_wait3A_327 : memref<10000x128xf32, #tpu.memory_space<hbm>>) dst(%arg12 : memref<64x128xf32, #tpu.memory_space<vmem>>)
      %add3A_328 = arith.constant 3 : i32
      %add3A_329 = arith.addi %add3A_271, %add3A_328 : i32
      %dma_start3A_330 = arith.constant 0 : i32
      %dma_start3A_331 = tpu.memref_slice %arg8[%add3A_329, %dma_start3A_330] : memref<40x64xi32, #tpu.memory_space<vmem>> -> memref<1x64xi32, #tpu.memory_space<vmem>>
      %dma_start3A_332 = tpu.memref_squeeze %dma_start3A_331 : memref<1x64xi32, #tpu.memory_space<vmem>> -> memref<64xi32, #tpu.memory_space<vmem>>
      %dma_start3A_333 = arith.constant 0 : i32
      %dma_start3A_334 = arith.constant 0 : i32
      %dma_start3A_335 = tpu.memref_slice %arg21[%dma_start3A_333, %dma_start3A_334] : memref<10112x128xf32, #tpu.memory_space<vmem_shared>> -> memref<10112x128xf32, #tpu.memory_space<vmem_shared>>
      tpu.enqueue_indirect_dma source(%arg12 : memref<64x128xf32, #tpu.memory_space<vmem>>) target(%dma_start3A_335 : memref<10112x128xf32, #tpu.memory_space<vmem_shared>>) offsets(%dma_start3A_332 : memref<64xi32, #tpu.memory_space<vmem>>) semaphore(%arg20 : memref<!tpu.dma_semaphore, #tpu.memory_space<semaphore_mem>>) {add = true}
      %add3A_336 = arith.constant 0 : i32
      %add3A_337 = arith.addi %add3A_271, %add3A_336 : i32
      %dma_wait3A_338 = arith.constant 0 : i32
      %dma_wait3A_339 = tpu.memref_slice %arg8[%add3A_337, %dma_wait3A_338] : memref<40x64xi32, #tpu.memory_space<vmem>> -> memref<1x64xi32, #tpu.memory_space<vmem>>
      %dma_wait3A_340 = tpu.memref_squeeze %dma_wait3A_339 : memref<1x64xi32, #tpu.memory_space<vmem>> -> memref<64xi32, #tpu.memory_space<vmem>>
      %dma_wait3A_341 = arith.constant 0 : i32
      %dma_wait3A_342 = arith.constant 0 : i32
      %dma_wait3A_343 = tpu.memref_slice %arg21[%dma_wait3A_341, %dma_wait3A_342] : memref<10112x128xf32, #tpu.memory_space<vmem_shared>> -> memref<10112x128xf32, #tpu.memory_space<vmem_shared>>
      tpu.wait_indirect_dma semaphore(%arg17 : memref<!tpu.dma_semaphore, #tpu.memory_space<semaphore_mem>>) src(%arg9 : memref<64x128xf32, #tpu.memory_space<vmem>>) dst(%dma_wait3A_343 : memref<10112x128xf32, #tpu.memory_space<vmem_shared>>)
      %add3A_344 = arith.constant 4 : i32
      %add3A_345 = arith.addi %add3A_271, %add3A_344 : i32
      %add3A_346 = arith.constant 0 : i32
      %add3A_347 = arith.addi %add3A_345, %add3A_346 : i32
      %min3A = arith.constant 39 : i32
      %min3A_348 = arith.minsi %add3A_347, %min3A : i32
      %dma_start3A_349 = arith.constant 0 : i32
      %dma_start3A_350 = tpu.memref_slice %arg7[%min3A_348, %dma_start3A_349] : memref<40x64xi32, #tpu.memory_space<vmem>> -> memref<1x64xi32, #tpu.memory_space<vmem>>
      %dma_start3A_351 = tpu.memref_squeeze %dma_start3A_350 : memref<1x64xi32, #tpu.memory_space<vmem>> -> memref<64xi32, #tpu.memory_space<vmem>>
      %dma_start3A_352 = arith.constant 0 : i32
      %dma_start3A_353 = arith.constant 0 : i32
      %dma_start3A_354 = tpu.memref_slice %arg2[%dma_start3A_352, %dma_start3A_353] : memref<10000x128xf32, #tpu.memory_space<hbm>> -> memref<10000x128xf32, #tpu.memory_space<hbm>>
      tpu.enqueue_indirect_dma source(%dma_start3A_354 : memref<10000x128xf32, #tpu.memory_space<hbm>>) target(%arg9 : memref<64x128xf32, #tpu.memory_space<vmem>>) offsets(%dma_start3A_351 : memref<64xi32, #tpu.memory_space<vmem>>) semaphore(%arg13 : memref<!tpu.dma_semaphore, #tpu.memory_space<semaphore_mem>>)
      %add3A_355 = arith.constant 1 : i32
      %add3A_356 = arith.addi %add3A_271, %add3A_355 : i32
      %dma_wait3A_357 = arith.constant 0 : i32
      %dma_wait3A_358 = tpu.memref_slice %arg8[%add3A_356, %dma_wait3A_357] : memref<40x64xi32, #tpu.memory_space<vmem>> -> memref<1x64xi32, #tpu.memory_space<vmem>>
      %dma_wait3A_359 = tpu.memref_squeeze %dma_wait3A_358 : memref<1x64xi32, #tpu.memory_space<vmem>> -> memref<64xi32, #tpu.memory_space<vmem>>
      %dma_wait3A_360 = arith.constant 0 : i32
      %dma_wait3A_361 = arith.constant 0 : i32
      %dma_wait3A_362 = tpu.memref_slice %arg21[%dma_wait3A_360, %dma_wait3A_361] : memref<10112x128xf32, #tpu.memory_space<vmem_shared>> -> memref<10112x128xf32, #tpu.memory_space<vmem_shared>>
      tpu.wait_indirect_dma semaphore(%arg18 : memref<!tpu.dma_semaphore, #tpu.memory_space<semaphore_mem>>) src(%arg10 : memref<64x128xf32, #tpu.memory_space<vmem>>) dst(%dma_wait3A_362 : memref<10112x128xf32, #tpu.memory_space<vmem_shared>>)
      %add3A_363 = arith.constant 4 : i32
      %add3A_364 = arith.addi %add3A_271, %add3A_363 : i32
      %add3A_365 = arith.constant 1 : i32
      %add3A_366 = arith.addi %add3A_364, %add3A_365 : i32
      %min3A_367 = arith.constant 39 : i32
      %min3A_368 = arith.minsi %add3A_366, %min3A_367 : i32
      %dma_start3A_369 = arith.constant 0 : i32
      %dma_start3A_370 = tpu.memref_slice %arg7[%min3A_368, %dma_start3A_369] : memref<40x64xi32, #tpu.memory_space<vmem>> -> memref<1x64xi32, #tpu.memory_space<vmem>>
      %dma_start3A_371 = tpu.memref_squeeze %dma_start3A_370 : memref<1x64xi32, #tpu.memory_space<vmem>> -> memref<64xi32, #tpu.memory_space<vmem>>
      %dma_start3A_372 = arith.constant 0 : i32
      %dma_start3A_373 = arith.constant 0 : i32
      %dma_start3A_374 = tpu.memref_slice %arg2[%dma_start3A_372, %dma_start3A_373] : memref<10000x128xf32, #tpu.memory_space<hbm>> -> memref<10000x128xf32, #tpu.memory_space<hbm>>
      tpu.enqueue_indirect_dma source(%dma_start3A_374 : memref<10000x128xf32, #tpu.memory_space<hbm>>) target(%arg10 : memref<64x128xf32, #tpu.memory_space<vmem>>) offsets(%dma_start3A_371 : memref<64xi32, #tpu.memory_space<vmem>>) semaphore(%arg14 : memref<!tpu.dma_semaphore, #tpu.memory_space<semaphore_mem>>)
      %add3A_375 = arith.constant 2 : i32
      %add3A_376 = arith.addi %add3A_271, %add3A_375 : i32
      %dma_wait3A_377 = arith.constant 0 : i32
      %dma_wait3A_378 = tpu.memref_slice %arg8[%add3A_376, %dma_wait3A_377] : memref<40x64xi32, #tpu.memory_space<vmem>> -> memref<1x64xi32, #tpu.memory_space<vmem>>
      %dma_wait3A_379 = tpu.memref_squeeze %dma_wait3A_378 : memref<1x64xi32, #tpu.memory_space<vmem>> -> memref<64xi32, #tpu.memory_space<vmem>>
      %dma_wait3A_380 = arith.constant 0 : i32
      %dma_wait3A_381 = arith.constant 0 : i32
      %dma_wait3A_382 = tpu.memref_slice %arg21[%dma_wait3A_380, %dma_wait3A_381] : memref<10112x128xf32, #tpu.memory_space<vmem_shared>> -> memref<10112x128xf32, #tpu.memory_space<vmem_shared>>
      tpu.wait_indirect_dma semaphore(%arg19 : memref<!tpu.dma_semaphore, #tpu.memory_space<semaphore_mem>>) src(%arg11 : memref<64x128xf32, #tpu.memory_space<vmem>>) dst(%dma_wait3A_382 : memref<10112x128xf32, #tpu.memory_space<vmem_shared>>)
      %add3A_383 = arith.constant 4 : i32
      %add3A_384 = arith.addi %add3A_271, %add3A_383 : i32
      %add3A_385 = arith.constant 2 : i32
      %add3A_386 = arith.addi %add3A_384, %add3A_385 : i32
      %min3A_387 = arith.constant 39 : i32
      %min3A_388 = arith.minsi %add3A_386, %min3A_387 : i32
      %dma_start3A_389 = arith.constant 0 : i32
      %dma_start3A_390 = tpu.memref_slice %arg7[%min3A_388, %dma_start3A_389] : memref<40x64xi32, #tpu.memory_space<vmem>> -> memref<1x64xi32, #tpu.memory_space<vmem>>
      %dma_start3A_391 = tpu.memref_squeeze %dma_start3A_390 : memref<1x64xi32, #tpu.memory_space<vmem>> -> memref<64xi32, #tpu.memory_space<vmem>>
      %dma_start3A_392 = arith.constant 0 : i32
      %dma_start3A_393 = arith.constant 0 : i32
      %dma_start3A_394 = tpu.memref_slice %arg2[%dma_start3A_392, %dma_start3A_393] : memref<10000x128xf32, #tpu.memory_space<hbm>> -> memref<10000x128xf32, #tpu.memory_space<hbm>>
      tpu.enqueue_indirect_dma source(%dma_start3A_394 : memref<10000x128xf32, #tpu.memory_space<hbm>>) target(%arg11 : memref<64x128xf32, #tpu.memory_space<vmem>>) offsets(%dma_start3A_391 : memref<64xi32, #tpu.memory_space<vmem>>) semaphore(%arg15 : memref<!tpu.dma_semaphore, #tpu.memory_space<semaphore_mem>>)
      %add3A_395 = arith.constant 3 : i32
      %add3A_396 = arith.addi %add3A_271, %add3A_395 : i32
      %dma_wait3A_397 = arith.constant 0 : i32
      %dma_wait3A_398 = tpu.memref_slice %arg8[%add3A_396, %dma_wait3A_397] : memref<40x64xi32, #tpu.memory_space<vmem>> -> memref<1x64xi32, #tpu.memory_space<vmem>>
      %dma_wait3A_399 = tpu.memref_squeeze %dma_wait3A_398 : memref<1x64xi32, #tpu.memory_space<vmem>> -> memref<64xi32, #tpu.memory_space<vmem>>
      %dma_wait3A_400 = arith.constant 0 : i32
      %dma_wait3A_401 = arith.constant 0 : i32
      %dma_wait3A_402 = tpu.memref_slice %arg21[%dma_wait3A_400, %dma_wait3A_401] : memref<10112x128xf32, #tpu.memory_space<vmem_shared>> -> memref<10112x128xf32, #tpu.memory_space<vmem_shared>>
      tpu.wait_indirect_dma semaphore(%arg20 : memref<!tpu.dma_semaphore, #tpu.memory_space<semaphore_mem>>) src(%arg12 : memref<64x128xf32, #tpu.memory_space<vmem>>) dst(%dma_wait3A_402 : memref<10112x128xf32, #tpu.memory_space<vmem_shared>>)
      %add3A_403 = arith.constant 4 : i32
      %add3A_404 = arith.addi %add3A_271, %add3A_403 : i32
      %add3A_405 = arith.constant 3 : i32
      %add3A_406 = arith.addi %add3A_404, %add3A_405 : i32
      %min3A_407 = arith.constant 39 : i32
      %min3A_408 = arith.minsi %add3A_406, %min3A_407 : i32
      %dma_start3A_409 = arith.constant 0 : i32
      %dma_start3A_410 = tpu.memref_slice %arg7[%min3A_408, %dma_start3A_409] : memref<40x64xi32, #tpu.memory_space<vmem>> -> memref<1x64xi32, #tpu.memory_space<vmem>>
      %dma_start3A_411 = tpu.memref_squeeze %dma_start3A_410 : memref<1x64xi32, #tpu.memory_space<vmem>> -> memref<64xi32, #tpu.memory_space<vmem>>
      %dma_start3A_412 = arith.constant 0 : i32
      %dma_start3A_413 = arith.constant 0 : i32
      %dma_start3A_414 = tpu.memref_slice %arg2[%dma_start3A_412, %dma_start3A_413] : memref<10000x128xf32, #tpu.memory_space<hbm>> -> memref<10000x128xf32, #tpu.memory_space<hbm>>
      tpu.enqueue_indirect_dma source(%dma_start3A_414 : memref<10000x128xf32, #tpu.memory_space<hbm>>) target(%arg12 : memref<64x128xf32, #tpu.memory_space<vmem>>) offsets(%dma_start3A_411 : memref<64xi32, #tpu.memory_space<vmem>>) semaphore(%arg16 : memref<!tpu.dma_semaphore, #tpu.memory_space<semaphore_mem>>)
    }
    %scan3A_39 = arith.constant 10 : i32
    %dma_wait3A = arith.constant 39 : i32
    %dma_wait3A_40 = arith.constant 0 : i32
    %dma_wait3A_41 = tpu.memref_slice %arg7[%dma_wait3A, %dma_wait3A_40] : memref<40x64xi32, #tpu.memory_space<vmem>> -> memref<1x64xi32, #tpu.memory_space<vmem>>
    %dma_wait3A_42 = tpu.memref_squeeze %dma_wait3A_41 : memref<1x64xi32, #tpu.memory_space<vmem>> -> memref<64xi32, #tpu.memory_space<vmem>>
    %dma_wait3A_43 = arith.constant 0 : i32
    %dma_wait3A_44 = arith.constant 0 : i32
    %dma_wait3A_45 = tpu.memref_slice %arg2[%dma_wait3A_43, %dma_wait3A_44] : memref<10000x128xf32, #tpu.memory_space<hbm>> -> memref<10000x128xf32, #tpu.memory_space<hbm>>
    tpu.wait_indirect_dma semaphore(%arg13 : memref<!tpu.dma_semaphore, #tpu.memory_space<semaphore_mem>>) src(%dma_wait3A_45 : memref<10000x128xf32, #tpu.memory_space<hbm>>) dst(%arg9 : memref<64x128xf32, #tpu.memory_space<vmem>>)
    %dma_wait3A_46 = arith.constant 39 : i32
    %dma_wait3A_47 = arith.constant 0 : i32
    %dma_wait3A_48 = tpu.memref_slice %arg7[%dma_wait3A_46, %dma_wait3A_47] : memref<40x64xi32, #tpu.memory_space<vmem>> -> memref<1x64xi32, #tpu.memory_space<vmem>>
    %dma_wait3A_49 = tpu.memref_squeeze %dma_wait3A_48 : memref<1x64xi32, #tpu.memory_space<vmem>> -> memref<64xi32, #tpu.memory_space<vmem>>
    %dma_wait3A_50 = arith.constant 0 : i32
    %dma_wait3A_51 = arith.constant 0 : i32
    %dma_wait3A_52 = tpu.memref_slice %arg2[%dma_wait3A_50, %dma_wait3A_51] : memref<10000x128xf32, #tpu.memory_space<hbm>> -> memref<10000x128xf32, #tpu.memory_space<hbm>>
    tpu.wait_indirect_dma semaphore(%arg14 : memref<!tpu.dma_semaphore, #tpu.memory_space<semaphore_mem>>) src(%dma_wait3A_52 : memref<10000x128xf32, #tpu.memory_space<hbm>>) dst(%arg10 : memref<64x128xf32, #tpu.memory_space<vmem>>)
    %dma_wait3A_53 = arith.constant 39 : i32
    %dma_wait3A_54 = arith.constant 0 : i32
    %dma_wait3A_55 = tpu.memref_slice %arg7[%dma_wait3A_53, %dma_wait3A_54] : memref<40x64xi32, #tpu.memory_space<vmem>> -> memref<1x64xi32, #tpu.memory_space<vmem>>
    %dma_wait3A_56 = tpu.memref_squeeze %dma_wait3A_55 : memref<1x64xi32, #tpu.memory_space<vmem>> -> memref<64xi32, #tpu.memory_space<vmem>>
    %dma_wait3A_57 = arith.constant 0 : i32
    %dma_wait3A_58 = arith.constant 0 : i32
    %dma_wait3A_59 = tpu.memref_slice %arg2[%dma_wait3A_57, %dma_wait3A_58] : memref<10000x128xf32, #tpu.memory_space<hbm>> -> memref<10000x128xf32, #tpu.memory_space<hbm>>
    tpu.wait_indirect_dma semaphore(%arg15 : memref<!tpu.dma_semaphore, #tpu.memory_space<semaphore_mem>>) src(%dma_wait3A_59 : memref<10000x128xf32, #tpu.memory_space<hbm>>) dst(%arg11 : memref<64x128xf32, #tpu.memory_space<vmem>>)
    %dma_wait3A_60 = arith.constant 39 : i32
    %dma_wait3A_61 = arith.constant 0 : i32
    %dma_wait3A_62 = tpu.memref_slice %arg7[%dma_wait3A_60, %dma_wait3A_61] : memref<40x64xi32, #tpu.memory_space<vmem>> -> memref<1x64xi32, #tpu.memory_space<vmem>>
    %dma_wait3A_63 = tpu.memref_squeeze %dma_wait3A_62 : memref<1x64xi32, #tpu.memory_space<vmem>> -> memref<64xi32, #tpu.memory_space<vmem>>
    %dma_wait3A_64 = arith.constant 0 : i32
    %dma_wait3A_65 = arith.constant 0 : i32
    %dma_wait3A_66 = tpu.memref_slice %arg2[%dma_wait3A_64, %dma_wait3A_65] : memref<10000x128xf32, #tpu.memory_space<hbm>> -> memref<10000x128xf32, #tpu.memory_space<hbm>>
    tpu.wait_indirect_dma semaphore(%arg16 : memref<!tpu.dma_semaphore, #tpu.memory_space<semaphore_mem>>) src(%dma_wait3A_66 : memref<10000x128xf32, #tpu.memory_space<hbm>>) dst(%arg12 : memref<64x128xf32, #tpu.memory_space<vmem>>)
    %add3A_67 = arith.constant 40 : i32
    %add3A_68 = arith.addi %mul3A_4, %add3A_67 : i32
    "tpu.region"() ({
      %run_scoped3A = tpu.sem_alloc : memref<!tpu.dma_semaphore, #tpu.memory_space<semaphore_mem>>
      %dma_start3A_267 = arith.constant 0 : i32
      %dma_start3A_268 = tpu.memref_slice %arg3[%add3A_68, %dma_start3A_267] : memref<5120x64xi32, #tpu.memory_space<hbm>> -> memref<40x64xi32, #tpu.memory_space<hbm>>
      %dma_start3A_269 = arith.constant 0 : i32
      %dma_start3A_270 = tpu.memref_slice %arg3[%add3A_68, %dma_start3A_269] : memref<5120x64xi32, #tpu.memory_space<hbm>> -> memref<40x64xi32, #tpu.memory_space<hbm>>
      tpu.enqueue_dma source(%dma_start3A_270 : memref<40x64xi32, #tpu.memory_space<hbm>>) target(%arg7 : memref<40x64xi32, #tpu.memory_space<vmem>>) target_semaphore(%run_scoped3A : memref<!tpu.dma_semaphore, #tpu.memory_space<semaphore_mem>>)
      %dma_wait3A_271 = arith.constant 0 : i32
      %dma_wait3A_272 = tpu.memref_slice %arg3[%add3A_68, %dma_wait3A_271] : memref<5120x64xi32, #tpu.memory_space<hbm>> -> memref<40x64xi32, #tpu.memory_space<hbm>>
      %dma_wait3A_273 = arith.constant 0 : i32
      %dma_wait3A_274 = tpu.memref_slice %arg3[%add3A_68, %dma_wait3A_273] : memref<5120x64xi32, #tpu.memory_space<hbm>> -> memref<40x64xi32, #tpu.memory_space<hbm>>
      tpu.wait_dma2 semaphore(%run_scoped3A : memref<!tpu.dma_semaphore, #tpu.memory_space<semaphore_mem>>) src(%dma_wait3A_274 : memref<40x64xi32, #tpu.memory_space<hbm>>) dst(%arg7 : memref<40x64xi32, #tpu.memory_space<vmem>>)
      tpu.yield
    }) : () -> ()
    %add3A_69 = arith.constant 40 : i32
    %add3A_70 = arith.addi %mul3A_4, %add3A_69 : i32
    "tpu.region"() ({
      %run_scoped3A = tpu.sem_alloc : memref<!tpu.dma_semaphore, #tpu.memory_space<semaphore_mem>>
      %dma_start3A_267 = arith.constant 0 : i32
      %dma_start3A_268 = tpu.memref_slice %arg4[%add3A_70, %dma_start3A_267] : memref<5120x64xi32, #tpu.memory_space<hbm>> -> memref<40x64xi32, #tpu.memory_space<hbm>>
      %dma_start3A_269 = arith.constant 0 : i32
      %dma_start3A_270 = tpu.memref_slice %arg4[%add3A_70, %dma_start3A_269] : memref<5120x64xi32, #tpu.memory_space<hbm>> -> memref<40x64xi32, #tpu.memory_space<hbm>>
      tpu.enqueue_dma source(%dma_start3A_270 : memref<40x64xi32, #tpu.memory_space<hbm>>) target(%arg8 : memref<40x64xi32, #tpu.memory_space<vmem>>) target_semaphore(%run_scoped3A : memref<!tpu.dma_semaphore, #tpu.memory_space<semaphore_mem>>)
      %dma_wait3A_271 = arith.constant 0 : i32
      %dma_wait3A_272 = tpu.memref_slice %arg4[%add3A_70, %dma_wait3A_271] : memref<5120x64xi32, #tpu.memory_space<hbm>> -> memref<40x64xi32, #tpu.memory_space<hbm>>
      %dma_wait3A_273 = arith.constant 0 : i32
      %dma_wait3A_274 = tpu.memref_slice %arg4[%add3A_70, %dma_wait3A_273] : memref<5120x64xi32, #tpu.memory_space<hbm>> -> memref<40x64xi32, #tpu.memory_space<hbm>>
      tpu.wait_dma2 semaphore(%run_scoped3A : memref<!tpu.dma_semaphore, #tpu.memory_space<semaphore_mem>>) src(%dma_wait3A_274 : memref<40x64xi32, #tpu.memory_space<hbm>>) dst(%arg8 : memref<40x64xi32, #tpu.memory_space<vmem>>)
      tpu.yield
    }) : () -> ()
    %dma_start3A_71 = arith.constant 0 : i32
    %dma_start3A_72 = arith.constant 0 : i32
    %dma_start3A_73 = tpu.memref_slice %arg7[%dma_start3A_71, %dma_start3A_72] : memref<40x64xi32, #tpu.memory_space<vmem>> -> memref<1x64xi32, #tpu.memory_space<vmem>>
    %dma_start3A_74 = tpu.memref_squeeze %dma_start3A_73 : memref<1x64xi32, #tpu.memory_space<vmem>> -> memref<64xi32, #tpu.memory_space<vmem>>
    %dma_start3A_75 = arith.constant 0 : i32
    %dma_start3A_76 = arith.constant 0 : i32
    %dma_start3A_77 = tpu.memref_slice %arg2[%dma_start3A_75, %dma_start3A_76] : memref<10000x128xf32, #tpu.memory_space<hbm>> -> memref<10000x128xf32, #tpu.memory_space<hbm>>
    tpu.enqueue_indirect_dma source(%dma_start3A_77 : memref<10000x128xf32, #tpu.memory_space<hbm>>) target(%arg9 : memref<64x128xf32, #tpu.memory_space<vmem>>) offsets(%dma_start3A_74 : memref<64xi32, #tpu.memory_space<vmem>>) semaphore(%arg13 : memref<!tpu.dma_semaphore, #tpu.memory_space<semaphore_mem>>)
    %dma_start3A_78 = arith.constant 1 : i32
    %dma_start3A_79 = arith.constant 0 : i32
    %dma_start3A_80 = tpu.memref_slice %arg7[%dma_start3A_78, %dma_start3A_79] : memref<40x64xi32, #tpu.memory_space<vmem>> -> memref<1x64xi32, #tpu.memory_space<vmem>>
    %dma_start3A_81 = tpu.memref_squeeze %dma_start3A_80 : memref<1x64xi32, #tpu.memory_space<vmem>> -> memref<64xi32, #tpu.memory_space<vmem>>
    %dma_start3A_82 = arith.constant 0 : i32
    %dma_start3A_83 = arith.constant 0 : i32
    %dma_start3A_84 = tpu.memref_slice %arg2[%dma_start3A_82, %dma_start3A_83] : memref<10000x128xf32, #tpu.memory_space<hbm>> -> memref<10000x128xf32, #tpu.memory_space<hbm>>
    tpu.enqueue_indirect_dma source(%dma_start3A_84 : memref<10000x128xf32, #tpu.memory_space<hbm>>) target(%arg10 : memref<64x128xf32, #tpu.memory_space<vmem>>) offsets(%dma_start3A_81 : memref<64xi32, #tpu.memory_space<vmem>>) semaphore(%arg14 : memref<!tpu.dma_semaphore, #tpu.memory_space<semaphore_mem>>)
    %dma_start3A_85 = arith.constant 2 : i32
    %dma_start3A_86 = arith.constant 0 : i32
    %dma_start3A_87 = tpu.memref_slice %arg7[%dma_start3A_85, %dma_start3A_86] : memref<40x64xi32, #tpu.memory_space<vmem>> -> memref<1x64xi32, #tpu.memory_space<vmem>>
    %dma_start3A_88 = tpu.memref_squeeze %dma_start3A_87 : memref<1x64xi32, #tpu.memory_space<vmem>> -> memref<64xi32, #tpu.memory_space<vmem>>
    %dma_start3A_89 = arith.constant 0 : i32
    %dma_start3A_90 = arith.constant 0 : i32
    %dma_start3A_91 = tpu.memref_slice %arg2[%dma_start3A_89, %dma_start3A_90] : memref<10000x128xf32, #tpu.memory_space<hbm>> -> memref<10000x128xf32, #tpu.memory_space<hbm>>
    tpu.enqueue_indirect_dma source(%dma_start3A_91 : memref<10000x128xf32, #tpu.memory_space<hbm>>) target(%arg11 : memref<64x128xf32, #tpu.memory_space<vmem>>) offsets(%dma_start3A_88 : memref<64xi32, #tpu.memory_space<vmem>>) semaphore(%arg15 : memref<!tpu.dma_semaphore, #tpu.memory_space<semaphore_mem>>)
    %dma_start3A_92 = arith.constant 3 : i32
    %dma_start3A_93 = arith.constant 0 : i32
    %dma_start3A_94 = tpu.memref_slice %arg7[%dma_start3A_92, %dma_start3A_93] : memref<40x64xi32, #tpu.memory_space<vmem>> -> memref<1x64xi32, #tpu.memory_space<vmem>>
    %dma_start3A_95 = tpu.memref_squeeze %dma_start3A_94 : memref<1x64xi32, #tpu.memory_space<vmem>> -> memref<64xi32, #tpu.memory_space<vmem>>
    %dma_start3A_96 = arith.constant 0 : i32
    %dma_start3A_97 = arith.constant 0 : i32
    %dma_start3A_98 = tpu.memref_slice %arg2[%dma_start3A_96, %dma_start3A_97] : memref<10000x128xf32, #tpu.memory_space<hbm>> -> memref<10000x128xf32, #tpu.memory_space<hbm>>
    tpu.enqueue_indirect_dma source(%dma_start3A_98 : memref<10000x128xf32, #tpu.memory_space<hbm>>) target(%arg12 : memref<64x128xf32, #tpu.memory_space<vmem>>) offsets(%dma_start3A_95 : memref<64xi32, #tpu.memory_space<vmem>>) semaphore(%arg16 : memref<!tpu.dma_semaphore, #tpu.memory_space<semaphore_mem>>)
    %scan3A_99 = arith.constant 0 : i32
    %scan3A_100 = arith.constant 10 : i32
    %scan3A_101 = arith.addi %scan3A_99, %scan3A_100 : i32
    %scan3A_102 = arith.constant 1 : i32
    scf.for %scan3A_267 = %scan3A_99 to %scan3A_101 step %scan3A_102  : i32 {
      %mul3A_268 = arith.constant 4 : i32
      %mul3A_269 = arith.muli %scan3A_267, %mul3A_268 : i32
      %add3A_270 = arith.constant 0 : i32
      %add3A_271 = arith.addi %add3A_270, %mul3A_269 : i32
      %add3A_272 = arith.constant 0 : i32
      %add3A_273 = arith.addi %add3A_271, %add3A_272 : i32
      %dma_wait3A_274 = arith.constant 0 : i32
      %dma_wait3A_275 = tpu.memref_slice %arg7[%add3A_273, %dma_wait3A_274] : memref<40x64xi32, #tpu.memory_space<vmem>> -> memref<1x64xi32, #tpu.memory_space<vmem>>
      %dma_wait3A_276 = tpu.memref_squeeze %dma_wait3A_275 : memref<1x64xi32, #tpu.memory_space<vmem>> -> memref<64xi32, #tpu.memory_space<vmem>>
      %dma_wait3A_277 = arith.constant 0 : i32
      %dma_wait3A_278 = arith.constant 0 : i32
      %dma_wait3A_279 = tpu.memref_slice %arg2[%dma_wait3A_277, %dma_wait3A_278] : memref<10000x128xf32, #tpu.memory_space<hbm>> -> memref<10000x128xf32, #tpu.memory_space<hbm>>
      tpu.wait_indirect_dma semaphore(%arg13 : memref<!tpu.dma_semaphore, #tpu.memory_space<semaphore_mem>>) src(%dma_wait3A_279 : memref<10000x128xf32, #tpu.memory_space<hbm>>) dst(%arg9 : memref<64x128xf32, #tpu.memory_space<vmem>>)
      %add3A_280 = arith.constant 0 : i32
      %add3A_281 = arith.addi %add3A_271, %add3A_280 : i32
      %dma_start3A_282 = arith.constant 0 : i32
      %dma_start3A_283 = tpu.memref_slice %arg8[%add3A_281, %dma_start3A_282] : memref<40x64xi32, #tpu.memory_space<vmem>> -> memref<1x64xi32, #tpu.memory_space<vmem>>
      %dma_start3A_284 = tpu.memref_squeeze %dma_start3A_283 : memref<1x64xi32, #tpu.memory_space<vmem>> -> memref<64xi32, #tpu.memory_space<vmem>>
      %dma_start3A_285 = arith.constant 0 : i32
      %dma_start3A_286 = arith.constant 0 : i32
      %dma_start3A_287 = tpu.memref_slice %arg21[%dma_start3A_285, %dma_start3A_286] : memref<10112x128xf32, #tpu.memory_space<vmem_shared>> -> memref<10112x128xf32, #tpu.memory_space<vmem_shared>>
      tpu.enqueue_indirect_dma source(%arg9 : memref<64x128xf32, #tpu.memory_space<vmem>>) target(%dma_start3A_287 : memref<10112x128xf32, #tpu.memory_space<vmem_shared>>) offsets(%dma_start3A_284 : memref<64xi32, #tpu.memory_space<vmem>>) semaphore(%arg17 : memref<!tpu.dma_semaphore, #tpu.memory_space<semaphore_mem>>) {add = true}
      %add3A_288 = arith.constant 1 : i32
      %add3A_289 = arith.addi %add3A_271, %add3A_288 : i32
      %dma_wait3A_290 = arith.constant 0 : i32
      %dma_wait3A_291 = tpu.memref_slice %arg7[%add3A_289, %dma_wait3A_290] : memref<40x64xi32, #tpu.memory_space<vmem>> -> memref<1x64xi32, #tpu.memory_space<vmem>>
      %dma_wait3A_292 = tpu.memref_squeeze %dma_wait3A_291 : memref<1x64xi32, #tpu.memory_space<vmem>> -> memref<64xi32, #tpu.memory_space<vmem>>
      %dma_wait3A_293 = arith.constant 0 : i32
      %dma_wait3A_294 = arith.constant 0 : i32
      %dma_wait3A_295 = tpu.memref_slice %arg2[%dma_wait3A_293, %dma_wait3A_294] : memref<10000x128xf32, #tpu.memory_space<hbm>> -> memref<10000x128xf32, #tpu.memory_space<hbm>>
      tpu.wait_indirect_dma semaphore(%arg14 : memref<!tpu.dma_semaphore, #tpu.memory_space<semaphore_mem>>) src(%dma_wait3A_295 : memref<10000x128xf32, #tpu.memory_space<hbm>>) dst(%arg10 : memref<64x128xf32, #tpu.memory_space<vmem>>)
      %add3A_296 = arith.constant 1 : i32
      %add3A_297 = arith.addi %add3A_271, %add3A_296 : i32
      %dma_start3A_298 = arith.constant 0 : i32
      %dma_start3A_299 = tpu.memref_slice %arg8[%add3A_297, %dma_start3A_298] : memref<40x64xi32, #tpu.memory_space<vmem>> -> memref<1x64xi32, #tpu.memory_space<vmem>>
      %dma_start3A_300 = tpu.memref_squeeze %dma_start3A_299 : memref<1x64xi32, #tpu.memory_space<vmem>> -> memref<64xi32, #tpu.memory_space<vmem>>
      %dma_start3A_301 = arith.constant 0 : i32
      %dma_start3A_302 = arith.constant 0 : i32
      %dma_start3A_303 = tpu.memref_slice %arg21[%dma_start3A_301, %dma_start3A_302] : memref<10112x128xf32, #tpu.memory_space<vmem_shared>> -> memref<10112x128xf32, #tpu.memory_space<vmem_shared>>
      tpu.enqueue_indirect_dma source(%arg10 : memref<64x128xf32, #tpu.memory_space<vmem>>) target(%dma_start3A_303 : memref<10112x128xf32, #tpu.memory_space<vmem_shared>>) offsets(%dma_start3A_300 : memref<64xi32, #tpu.memory_space<vmem>>) semaphore(%arg18 : memref<!tpu.dma_semaphore, #tpu.memory_space<semaphore_mem>>) {add = true}
      %add3A_304 = arith.constant 2 : i32
      %add3A_305 = arith.addi %add3A_271, %add3A_304 : i32
      %dma_wait3A_306 = arith.constant 0 : i32
      %dma_wait3A_307 = tpu.memref_slice %arg7[%add3A_305, %dma_wait3A_306] : memref<40x64xi32, #tpu.memory_space<vmem>> -> memref<1x64xi32, #tpu.memory_space<vmem>>
      %dma_wait3A_308 = tpu.memref_squeeze %dma_wait3A_307 : memref<1x64xi32, #tpu.memory_space<vmem>> -> memref<64xi32, #tpu.memory_space<vmem>>
      %dma_wait3A_309 = arith.constant 0 : i32
      %dma_wait3A_310 = arith.constant 0 : i32
      %dma_wait3A_311 = tpu.memref_slice %arg2[%dma_wait3A_309, %dma_wait3A_310] : memref<10000x128xf32, #tpu.memory_space<hbm>> -> memref<10000x128xf32, #tpu.memory_space<hbm>>
      tpu.wait_indirect_dma semaphore(%arg15 : memref<!tpu.dma_semaphore, #tpu.memory_space<semaphore_mem>>) src(%dma_wait3A_311 : memref<10000x128xf32, #tpu.memory_space<hbm>>) dst(%arg11 : memref<64x128xf32, #tpu.memory_space<vmem>>)
      %add3A_312 = arith.constant 2 : i32
      %add3A_313 = arith.addi %add3A_271, %add3A_312 : i32
      %dma_start3A_314 = arith.constant 0 : i32
      %dma_start3A_315 = tpu.memref_slice %arg8[%add3A_313, %dma_start3A_314] : memref<40x64xi32, #tpu.memory_space<vmem>> -> memref<1x64xi32, #tpu.memory_space<vmem>>
      %dma_start3A_316 = tpu.memref_squeeze %dma_start3A_315 : memref<1x64xi32, #tpu.memory_space<vmem>> -> memref<64xi32, #tpu.memory_space<vmem>>
      %dma_start3A_317 = arith.constant 0 : i32
      %dma_start3A_318 = arith.constant 0 : i32
      %dma_start3A_319 = tpu.memref_slice %arg21[%dma_start3A_317, %dma_start3A_318] : memref<10112x128xf32, #tpu.memory_space<vmem_shared>> -> memref<10112x128xf32, #tpu.memory_space<vmem_shared>>
      tpu.enqueue_indirect_dma source(%arg11 : memref<64x128xf32, #tpu.memory_space<vmem>>) target(%dma_start3A_319 : memref<10112x128xf32, #tpu.memory_space<vmem_shared>>) offsets(%dma_start3A_316 : memref<64xi32, #tpu.memory_space<vmem>>) semaphore(%arg19 : memref<!tpu.dma_semaphore, #tpu.memory_space<semaphore_mem>>) {add = true}
      %add3A_320 = arith.constant 3 : i32
      %add3A_321 = arith.addi %add3A_271, %add3A_320 : i32
      %dma_wait3A_322 = arith.constant 0 : i32
      %dma_wait3A_323 = tpu.memref_slice %arg7[%add3A_321, %dma_wait3A_322] : memref<40x64xi32, #tpu.memory_space<vmem>> -> memref<1x64xi32, #tpu.memory_space<vmem>>
      %dma_wait3A_324 = tpu.memref_squeeze %dma_wait3A_323 : memref<1x64xi32, #tpu.memory_space<vmem>> -> memref<64xi32, #tpu.memory_space<vmem>>
      %dma_wait3A_325 = arith.constant 0 : i32
      %dma_wait3A_326 = arith.constant 0 : i32
      %dma_wait3A_327 = tpu.memref_slice %arg2[%dma_wait3A_325, %dma_wait3A_326] : memref<10000x128xf32, #tpu.memory_space<hbm>> -> memref<10000x128xf32, #tpu.memory_space<hbm>>
      tpu.wait_indirect_dma semaphore(%arg16 : memref<!tpu.dma_semaphore, #tpu.memory_space<semaphore_mem>>) src(%dma_wait3A_327 : memref<10000x128xf32, #tpu.memory_space<hbm>>) dst(%arg12 : memref<64x128xf32, #tpu.memory_space<vmem>>)
      %add3A_328 = arith.constant 3 : i32
      %add3A_329 = arith.addi %add3A_271, %add3A_328 : i32
      %dma_start3A_330 = arith.constant 0 : i32
      %dma_start3A_331 = tpu.memref_slice %arg8[%add3A_329, %dma_start3A_330] : memref<40x64xi32, #tpu.memory_space<vmem>> -> memref<1x64xi32, #tpu.memory_space<vmem>>
      %dma_start3A_332 = tpu.memref_squeeze %dma_start3A_331 : memref<1x64xi32, #tpu.memory_space<vmem>> -> memref<64xi32, #tpu.memory_space<vmem>>
      %dma_start3A_333 = arith.constant 0 : i32
      %dma_start3A_334 = arith.constant 0 : i32
      %dma_start3A_335 = tpu.memref_slice %arg21[%dma_start3A_333, %dma_start3A_334] : memref<10112x128xf32, #tpu.memory_space<vmem_shared>> -> memref<10112x128xf32, #tpu.memory_space<vmem_shared>>
      tpu.enqueue_indirect_dma source(%arg12 : memref<64x128xf32, #tpu.memory_space<vmem>>) target(%dma_start3A_335 : memref<10112x128xf32, #tpu.memory_space<vmem_shared>>) offsets(%dma_start3A_332 : memref<64xi32, #tpu.memory_space<vmem>>) semaphore(%arg20 : memref<!tpu.dma_semaphore, #tpu.memory_space<semaphore_mem>>) {add = true}
      %add3A_336 = arith.constant 0 : i32
      %add3A_337 = arith.addi %add3A_271, %add3A_336 : i32
      %dma_wait3A_338 = arith.constant 0 : i32
      %dma_wait3A_339 = tpu.memref_slice %arg8[%add3A_337, %dma_wait3A_338] : memref<40x64xi32, #tpu.memory_space<vmem>> -> memref<1x64xi32, #tpu.memory_space<vmem>>
      %dma_wait3A_340 = tpu.memref_squeeze %dma_wait3A_339 : memref<1x64xi32, #tpu.memory_space<vmem>> -> memref<64xi32, #tpu.memory_space<vmem>>
      %dma_wait3A_341 = arith.constant 0 : i32
      %dma_wait3A_342 = arith.constant 0 : i32
      %dma_wait3A_343 = tpu.memref_slice %arg21[%dma_wait3A_341, %dma_wait3A_342] : memref<10112x128xf32, #tpu.memory_space<vmem_shared>> -> memref<10112x128xf32, #tpu.memory_space<vmem_shared>>
      tpu.wait_indirect_dma semaphore(%arg17 : memref<!tpu.dma_semaphore, #tpu.memory_space<semaphore_mem>>) src(%arg9 : memref<64x128xf32, #tpu.memory_space<vmem>>) dst(%dma_wait3A_343 : memref<10112x128xf32, #tpu.memory_space<vmem_shared>>)
      %add3A_344 = arith.constant 4 : i32
      %add3A_345 = arith.addi %add3A_271, %add3A_344 : i32
      %add3A_346 = arith.constant 0 : i32
      %add3A_347 = arith.addi %add3A_345, %add3A_346 : i32
      %min3A = arith.constant 39 : i32
      %min3A_348 = arith.minsi %add3A_347, %min3A : i32
      %dma_start3A_349 = arith.constant 0 : i32
      %dma_start3A_350 = tpu.memref_slice %arg7[%min3A_348, %dma_start3A_349] : memref<40x64xi32, #tpu.memory_space<vmem>> -> memref<1x64xi32, #tpu.memory_space<vmem>>
      %dma_start3A_351 = tpu.memref_squeeze %dma_start3A_350 : memref<1x64xi32, #tpu.memory_space<vmem>> -> memref<64xi32, #tpu.memory_space<vmem>>
      %dma_start3A_352 = arith.constant 0 : i32
      %dma_start3A_353 = arith.constant 0 : i32
      %dma_start3A_354 = tpu.memref_slice %arg2[%dma_start3A_352, %dma_start3A_353] : memref<10000x128xf32, #tpu.memory_space<hbm>> -> memref<10000x128xf32, #tpu.memory_space<hbm>>
      tpu.enqueue_indirect_dma source(%dma_start3A_354 : memref<10000x128xf32, #tpu.memory_space<hbm>>) target(%arg9 : memref<64x128xf32, #tpu.memory_space<vmem>>) offsets(%dma_start3A_351 : memref<64xi32, #tpu.memory_space<vmem>>) semaphore(%arg13 : memref<!tpu.dma_semaphore, #tpu.memory_space<semaphore_mem>>)
      %add3A_355 = arith.constant 1 : i32
      %add3A_356 = arith.addi %add3A_271, %add3A_355 : i32
      %dma_wait3A_357 = arith.constant 0 : i32
      %dma_wait3A_358 = tpu.memref_slice %arg8[%add3A_356, %dma_wait3A_357] : memref<40x64xi32, #tpu.memory_space<vmem>> -> memref<1x64xi32, #tpu.memory_space<vmem>>
      %dma_wait3A_359 = tpu.memref_squeeze %dma_wait3A_358 : memref<1x64xi32, #tpu.memory_space<vmem>> -> memref<64xi32, #tpu.memory_space<vmem>>
      %dma_wait3A_360 = arith.constant 0 : i32
      %dma_wait3A_361 = arith.constant 0 : i32
      %dma_wait3A_362 = tpu.memref_slice %arg21[%dma_wait3A_360, %dma_wait3A_361] : memref<10112x128xf32, #tpu.memory_space<vmem_shared>> -> memref<10112x128xf32, #tpu.memory_space<vmem_shared>>
      tpu.wait_indirect_dma semaphore(%arg18 : memref<!tpu.dma_semaphore, #tpu.memory_space<semaphore_mem>>) src(%arg10 : memref<64x128xf32, #tpu.memory_space<vmem>>) dst(%dma_wait3A_362 : memref<10112x128xf32, #tpu.memory_space<vmem_shared>>)
      %add3A_363 = arith.constant 4 : i32
      %add3A_364 = arith.addi %add3A_271, %add3A_363 : i32
      %add3A_365 = arith.constant 1 : i32
      %add3A_366 = arith.addi %add3A_364, %add3A_365 : i32
      %min3A_367 = arith.constant 39 : i32
      %min3A_368 = arith.minsi %add3A_366, %min3A_367 : i32
      %dma_start3A_369 = arith.constant 0 : i32
      %dma_start3A_370 = tpu.memref_slice %arg7[%min3A_368, %dma_start3A_369] : memref<40x64xi32, #tpu.memory_space<vmem>> -> memref<1x64xi32, #tpu.memory_space<vmem>>
      %dma_start3A_371 = tpu.memref_squeeze %dma_start3A_370 : memref<1x64xi32, #tpu.memory_space<vmem>> -> memref<64xi32, #tpu.memory_space<vmem>>
      %dma_start3A_372 = arith.constant 0 : i32
      %dma_start3A_373 = arith.constant 0 : i32
      %dma_start3A_374 = tpu.memref_slice %arg2[%dma_start3A_372, %dma_start3A_373] : memref<10000x128xf32, #tpu.memory_space<hbm>> -> memref<10000x128xf32, #tpu.memory_space<hbm>>
      tpu.enqueue_indirect_dma source(%dma_start3A_374 : memref<10000x128xf32, #tpu.memory_space<hbm>>) target(%arg10 : memref<64x128xf32, #tpu.memory_space<vmem>>) offsets(%dma_start3A_371 : memref<64xi32, #tpu.memory_space<vmem>>) semaphore(%arg14 : memref<!tpu.dma_semaphore, #tpu.memory_space<semaphore_mem>>)
      %add3A_375 = arith.constant 2 : i32
      %add3A_376 = arith.addi %add3A_271, %add3A_375 : i32
      %dma_wait3A_377 = arith.constant 0 : i32
      %dma_wait3A_378 = tpu.memref_slice %arg8[%add3A_376, %dma_wait3A_377] : memref<40x64xi32, #tpu.memory_space<vmem>> -> memref<1x64xi32, #tpu.memory_space<vmem>>
      %dma_wait3A_379 = tpu.memref_squeeze %dma_wait3A_378 : memref<1x64xi32, #tpu.memory_space<vmem>> -> memref<64xi32, #tpu.memory_space<vmem>>
      %dma_wait3A_380 = arith.constant 0 : i32
      %dma_wait3A_381 = arith.constant 0 : i32
      %dma_wait3A_382 = tpu.memref_slice %arg21[%dma_wait3A_380, %dma_wait3A_381] : memref<10112x128xf32, #tpu.memory_space<vmem_shared>> -> memref<10112x128xf32, #tpu.memory_space<vmem_shared>>
      tpu.wait_indirect_dma semaphore(%arg19 : memref<!tpu.dma_semaphore, #tpu.memory_space<semaphore_mem>>) src(%arg11 : memref<64x128xf32, #tpu.memory_space<vmem>>) dst(%dma_wait3A_382 : memref<10112x128xf32, #tpu.memory_space<vmem_shared>>)
      %add3A_383 = arith.constant 4 : i32
      %add3A_384 = arith.addi %add3A_271, %add3A_383 : i32
      %add3A_385 = arith.constant 2 : i32
      %add3A_386 = arith.addi %add3A_384, %add3A_385 : i32
      %min3A_387 = arith.constant 39 : i32
      %min3A_388 = arith.minsi %add3A_386, %min3A_387 : i32
      %dma_start3A_389 = arith.constant 0 : i32
      %dma_start3A_390 = tpu.memref_slice %arg7[%min3A_388, %dma_start3A_389] : memref<40x64xi32, #tpu.memory_space<vmem>> -> memref<1x64xi32, #tpu.memory_space<vmem>>
      %dma_start3A_391 = tpu.memref_squeeze %dma_start3A_390 : memref<1x64xi32, #tpu.memory_space<vmem>> -> memref<64xi32, #tpu.memory_space<vmem>>
      %dma_start3A_392 = arith.constant 0 : i32
      %dma_start3A_393 = arith.constant 0 : i32
      %dma_start3A_394 = tpu.memref_slice %arg2[%dma_start3A_392, %dma_start3A_393] : memref<10000x128xf32, #tpu.memory_space<hbm>> -> memref<10000x128xf32, #tpu.memory_space<hbm>>
      tpu.enqueue_indirect_dma source(%dma_start3A_394 : memref<10000x128xf32, #tpu.memory_space<hbm>>) target(%arg11 : memref<64x128xf32, #tpu.memory_space<vmem>>) offsets(%dma_start3A_391 : memref<64xi32, #tpu.memory_space<vmem>>) semaphore(%arg15 : memref<!tpu.dma_semaphore, #tpu.memory_space<semaphore_mem>>)
      %add3A_395 = arith.constant 3 : i32
      %add3A_396 = arith.addi %add3A_271, %add3A_395 : i32
      %dma_wait3A_397 = arith.constant 0 : i32
      %dma_wait3A_398 = tpu.memref_slice %arg8[%add3A_396, %dma_wait3A_397] : memref<40x64xi32, #tpu.memory_space<vmem>> -> memref<1x64xi32, #tpu.memory_space<vmem>>
      %dma_wait3A_399 = tpu.memref_squeeze %dma_wait3A_398 : memref<1x64xi32, #tpu.memory_space<vmem>> -> memref<64xi32, #tpu.memory_space<vmem>>
      %dma_wait3A_400 = arith.constant 0 : i32
      %dma_wait3A_401 = arith.constant 0 : i32
      %dma_wait3A_402 = tpu.memref_slice %arg21[%dma_wait3A_400, %dma_wait3A_401] : memref<10112x128xf32, #tpu.memory_space<vmem_shared>> -> memref<10112x128xf32, #tpu.memory_space<vmem_shared>>
      tpu.wait_indirect_dma semaphore(%arg20 : memref<!tpu.dma_semaphore, #tpu.memory_space<semaphore_mem>>) src(%arg12 : memref<64x128xf32, #tpu.memory_space<vmem>>) dst(%dma_wait3A_402 : memref<10112x128xf32, #tpu.memory_space<vmem_shared>>)
      %add3A_403 = arith.constant 4 : i32
      %add3A_404 = arith.addi %add3A_271, %add3A_403 : i32
      %add3A_405 = arith.constant 3 : i32
      %add3A_406 = arith.addi %add3A_404, %add3A_405 : i32
      %min3A_407 = arith.constant 39 : i32
      %min3A_408 = arith.minsi %add3A_406, %min3A_407 : i32
      %dma_start3A_409 = arith.constant 0 : i32
      %dma_start3A_410 = tpu.memref_slice %arg7[%min3A_408, %dma_start3A_409] : memref<40x64xi32, #tpu.memory_space<vmem>> -> memref<1x64xi32, #tpu.memory_space<vmem>>
      %dma_start3A_411 = tpu.memref_squeeze %dma_start3A_410 : memref<1x64xi32, #tpu.memory_space<vmem>> -> memref<64xi32, #tpu.memory_space<vmem>>
      %dma_start3A_412 = arith.constant 0 : i32
      %dma_start3A_413 = arith.constant 0 : i32
      %dma_start3A_414 = tpu.memref_slice %arg2[%dma_start3A_412, %dma_start3A_413] : memref<10000x128xf32, #tpu.memory_space<hbm>> -> memref<10000x128xf32, #tpu.memory_space<hbm>>
      tpu.enqueue_indirect_dma source(%dma_start3A_414 : memref<10000x128xf32, #tpu.memory_space<hbm>>) target(%arg12 : memref<64x128xf32, #tpu.memory_space<vmem>>) offsets(%dma_start3A_411 : memref<64xi32, #tpu.memory_space<vmem>>) semaphore(%arg16 : memref<!tpu.dma_semaphore, #tpu.memory_space<semaphore_mem>>)
    }
    %scan3A_103 = arith.constant 10 : i32
    %dma_wait3A_104 = arith.constant 39 : i32
    %dma_wait3A_105 = arith.constant 0 : i32
    %dma_wait3A_106 = tpu.memref_slice %arg7[%dma_wait3A_104, %dma_wait3A_105] : memref<40x64xi32, #tpu.memory_space<vmem>> -> memref<1x64xi32, #tpu.memory_space<vmem>>
    %dma_wait3A_107 = tpu.memref_squeeze %dma_wait3A_106 : memref<1x64xi32, #tpu.memory_space<vmem>> -> memref<64xi32, #tpu.memory_space<vmem>>
    %dma_wait3A_108 = arith.constant 0 : i32
    %dma_wait3A_109 = arith.constant 0 : i32
    %dma_wait3A_110 = tpu.memref_slice %arg2[%dma_wait3A_108, %dma_wait3A_109] : memref<10000x128xf32, #tpu.memory_space<hbm>> -> memref<10000x128xf32, #tpu.memory_space<hbm>>
    tpu.wait_indirect_dma semaphore(%arg13 : memref<!tpu.dma_semaphore, #tpu.memory_space<semaphore_mem>>) src(%dma_wait3A_110 : memref<10000x128xf32, #tpu.memory_space<hbm>>) dst(%arg9 : memref<64x128xf32, #tpu.memory_space<vmem>>)
    %dma_wait3A_111 = arith.constant 39 : i32
    %dma_wait3A_112 = arith.constant 0 : i32
    %dma_wait3A_113 = tpu.memref_slice %arg7[%dma_wait3A_111, %dma_wait3A_112] : memref<40x64xi32, #tpu.memory_space<vmem>> -> memref<1x64xi32, #tpu.memory_space<vmem>>
    %dma_wait3A_114 = tpu.memref_squeeze %dma_wait3A_113 : memref<1x64xi32, #tpu.memory_space<vmem>> -> memref<64xi32, #tpu.memory_space<vmem>>
    %dma_wait3A_115 = arith.constant 0 : i32
    %dma_wait3A_116 = arith.constant 0 : i32
    %dma_wait3A_117 = tpu.memref_slice %arg2[%dma_wait3A_115, %dma_wait3A_116] : memref<10000x128xf32, #tpu.memory_space<hbm>> -> memref<10000x128xf32, #tpu.memory_space<hbm>>
    tpu.wait_indirect_dma semaphore(%arg14 : memref<!tpu.dma_semaphore, #tpu.memory_space<semaphore_mem>>) src(%dma_wait3A_117 : memref<10000x128xf32, #tpu.memory_space<hbm>>) dst(%arg10 : memref<64x128xf32, #tpu.memory_space<vmem>>)
    %dma_wait3A_118 = arith.constant 39 : i32
    %dma_wait3A_119 = arith.constant 0 : i32
    %dma_wait3A_120 = tpu.memref_slice %arg7[%dma_wait3A_118, %dma_wait3A_119] : memref<40x64xi32, #tpu.memory_space<vmem>> -> memref<1x64xi32, #tpu.memory_space<vmem>>
    %dma_wait3A_121 = tpu.memref_squeeze %dma_wait3A_120 : memref<1x64xi32, #tpu.memory_space<vmem>> -> memref<64xi32, #tpu.memory_space<vmem>>
    %dma_wait3A_122 = arith.constant 0 : i32
    %dma_wait3A_123 = arith.constant 0 : i32
    %dma_wait3A_124 = tpu.memref_slice %arg2[%dma_wait3A_122, %dma_wait3A_123] : memref<10000x128xf32, #tpu.memory_space<hbm>> -> memref<10000x128xf32, #tpu.memory_space<hbm>>
    tpu.wait_indirect_dma semaphore(%arg15 : memref<!tpu.dma_semaphore, #tpu.memory_space<semaphore_mem>>) src(%dma_wait3A_124 : memref<10000x128xf32, #tpu.memory_space<hbm>>) dst(%arg11 : memref<64x128xf32, #tpu.memory_space<vmem>>)
    %dma_wait3A_125 = arith.constant 39 : i32
    %dma_wait3A_126 = arith.constant 0 : i32
    %dma_wait3A_127 = tpu.memref_slice %arg7[%dma_wait3A_125, %dma_wait3A_126] : memref<40x64xi32, #tpu.memory_space<vmem>> -> memref<1x64xi32, #tpu.memory_space<vmem>>
    %dma_wait3A_128 = tpu.memref_squeeze %dma_wait3A_127 : memref<1x64xi32, #tpu.memory_space<vmem>> -> memref<64xi32, #tpu.memory_space<vmem>>
    %dma_wait3A_129 = arith.constant 0 : i32
    %dma_wait3A_130 = arith.constant 0 : i32
    %dma_wait3A_131 = tpu.memref_slice %arg2[%dma_wait3A_129, %dma_wait3A_130] : memref<10000x128xf32, #tpu.memory_space<hbm>> -> memref<10000x128xf32, #tpu.memory_space<hbm>>
    tpu.wait_indirect_dma semaphore(%arg16 : memref<!tpu.dma_semaphore, #tpu.memory_space<semaphore_mem>>) src(%dma_wait3A_131 : memref<10000x128xf32, #tpu.memory_space<hbm>>) dst(%arg12 : memref<64x128xf32, #tpu.memory_space<vmem>>)
    %add3A_132 = arith.constant 80 : i32
    %add3A_133 = arith.addi %mul3A_4, %add3A_132 : i32
    "tpu.region"() ({
      %run_scoped3A = tpu.sem_alloc : memref<!tpu.dma_semaphore, #tpu.memory_space<semaphore_mem>>
      %dma_start3A_267 = arith.constant 0 : i32
      %dma_start3A_268 = tpu.memref_slice %arg3[%add3A_133, %dma_start3A_267] : memref<5120x64xi32, #tpu.memory_space<hbm>> -> memref<40x64xi32, #tpu.memory_space<hbm>>
      %dma_start3A_269 = arith.constant 0 : i32
      %dma_start3A_270 = tpu.memref_slice %arg3[%add3A_133, %dma_start3A_269] : memref<5120x64xi32, #tpu.memory_space<hbm>> -> memref<40x64xi32, #tpu.memory_space<hbm>>
      tpu.enqueue_dma source(%dma_start3A_270 : memref<40x64xi32, #tpu.memory_space<hbm>>) target(%arg7 : memref<40x64xi32, #tpu.memory_space<vmem>>) target_semaphore(%run_scoped3A : memref<!tpu.dma_semaphore, #tpu.memory_space<semaphore_mem>>)
      %dma_wait3A_271 = arith.constant 0 : i32
      %dma_wait3A_272 = tpu.memref_slice %arg3[%add3A_133, %dma_wait3A_271] : memref<5120x64xi32, #tpu.memory_space<hbm>> -> memref<40x64xi32, #tpu.memory_space<hbm>>
      %dma_wait3A_273 = arith.constant 0 : i32
      %dma_wait3A_274 = tpu.memref_slice %arg3[%add3A_133, %dma_wait3A_273] : memref<5120x64xi32, #tpu.memory_space<hbm>> -> memref<40x64xi32, #tpu.memory_space<hbm>>
      tpu.wait_dma2 semaphore(%run_scoped3A : memref<!tpu.dma_semaphore, #tpu.memory_space<semaphore_mem>>) src(%dma_wait3A_274 : memref<40x64xi32, #tpu.memory_space<hbm>>) dst(%arg7 : memref<40x64xi32, #tpu.memory_space<vmem>>)
      tpu.yield
    }) : () -> ()
    %add3A_134 = arith.constant 80 : i32
    %add3A_135 = arith.addi %mul3A_4, %add3A_134 : i32
    "tpu.region"() ({
      %run_scoped3A = tpu.sem_alloc : memref<!tpu.dma_semaphore, #tpu.memory_space<semaphore_mem>>
      %dma_start3A_267 = arith.constant 0 : i32
      %dma_start3A_268 = tpu.memref_slice %arg4[%add3A_135, %dma_start3A_267] : memref<5120x64xi32, #tpu.memory_space<hbm>> -> memref<40x64xi32, #tpu.memory_space<hbm>>
      %dma_start3A_269 = arith.constant 0 : i32
      %dma_start3A_270 = tpu.memref_slice %arg4[%add3A_135, %dma_start3A_269] : memref<5120x64xi32, #tpu.memory_space<hbm>> -> memref<40x64xi32, #tpu.memory_space<hbm>>
      tpu.enqueue_dma source(%dma_start3A_270 : memref<40x64xi32, #tpu.memory_space<hbm>>) target(%arg8 : memref<40x64xi32, #tpu.memory_space<vmem>>) target_semaphore(%run_scoped3A : memref<!tpu.dma_semaphore, #tpu.memory_space<semaphore_mem>>)
      %dma_wait3A_271 = arith.constant 0 : i32
      %dma_wait3A_272 = tpu.memref_slice %arg4[%add3A_135, %dma_wait3A_271] : memref<5120x64xi32, #tpu.memory_space<hbm>> -> memref<40x64xi32, #tpu.memory_space<hbm>>
      %dma_wait3A_273 = arith.constant 0 : i32
      %dma_wait3A_274 = tpu.memref_slice %arg4[%add3A_135, %dma_wait3A_273] : memref<5120x64xi32, #tpu.memory_space<hbm>> -> memref<40x64xi32, #tpu.memory_space<hbm>>
      tpu.wait_dma2 semaphore(%run_scoped3A : memref<!tpu.dma_semaphore, #tpu.memory_space<semaphore_mem>>) src(%dma_wait3A_274 : memref<40x64xi32, #tpu.memory_space<hbm>>) dst(%arg8 : memref<40x64xi32, #tpu.memory_space<vmem>>)
      tpu.yield
    }) : () -> ()
    %dma_start3A_136 = arith.constant 0 : i32
    %dma_start3A_137 = arith.constant 0 : i32
    %dma_start3A_138 = tpu.memref_slice %arg7[%dma_start3A_136, %dma_start3A_137] : memref<40x64xi32, #tpu.memory_space<vmem>> -> memref<1x64xi32, #tpu.memory_space<vmem>>
    %dma_start3A_139 = tpu.memref_squeeze %dma_start3A_138 : memref<1x64xi32, #tpu.memory_space<vmem>> -> memref<64xi32, #tpu.memory_space<vmem>>
    %dma_start3A_140 = arith.constant 0 : i32
    %dma_start3A_141 = arith.constant 0 : i32
    %dma_start3A_142 = tpu.memref_slice %arg2[%dma_start3A_140, %dma_start3A_141] : memref<10000x128xf32, #tpu.memory_space<hbm>> -> memref<10000x128xf32, #tpu.memory_space<hbm>>
    tpu.enqueue_indirect_dma source(%dma_start3A_142 : memref<10000x128xf32, #tpu.memory_space<hbm>>) target(%arg9 : memref<64x128xf32, #tpu.memory_space<vmem>>) offsets(%dma_start3A_139 : memref<64xi32, #tpu.memory_space<vmem>>) semaphore(%arg13 : memref<!tpu.dma_semaphore, #tpu.memory_space<semaphore_mem>>)
    %dma_start3A_143 = arith.constant 1 : i32
    %dma_start3A_144 = arith.constant 0 : i32
    %dma_start3A_145 = tpu.memref_slice %arg7[%dma_start3A_143, %dma_start3A_144] : memref<40x64xi32, #tpu.memory_space<vmem>> -> memref<1x64xi32, #tpu.memory_space<vmem>>
    %dma_start3A_146 = tpu.memref_squeeze %dma_start3A_145 : memref<1x64xi32, #tpu.memory_space<vmem>> -> memref<64xi32, #tpu.memory_space<vmem>>
    %dma_start3A_147 = arith.constant 0 : i32
    %dma_start3A_148 = arith.constant 0 : i32
    %dma_start3A_149 = tpu.memref_slice %arg2[%dma_start3A_147, %dma_start3A_148] : memref<10000x128xf32, #tpu.memory_space<hbm>> -> memref<10000x128xf32, #tpu.memory_space<hbm>>
    tpu.enqueue_indirect_dma source(%dma_start3A_149 : memref<10000x128xf32, #tpu.memory_space<hbm>>) target(%arg10 : memref<64x128xf32, #tpu.memory_space<vmem>>) offsets(%dma_start3A_146 : memref<64xi32, #tpu.memory_space<vmem>>) semaphore(%arg14 : memref<!tpu.dma_semaphore, #tpu.memory_space<semaphore_mem>>)
    %dma_start3A_150 = arith.constant 2 : i32
    %dma_start3A_151 = arith.constant 0 : i32
    %dma_start3A_152 = tpu.memref_slice %arg7[%dma_start3A_150, %dma_start3A_151] : memref<40x64xi32, #tpu.memory_space<vmem>> -> memref<1x64xi32, #tpu.memory_space<vmem>>
    %dma_start3A_153 = tpu.memref_squeeze %dma_start3A_152 : memref<1x64xi32, #tpu.memory_space<vmem>> -> memref<64xi32, #tpu.memory_space<vmem>>
    %dma_start3A_154 = arith.constant 0 : i32
    %dma_start3A_155 = arith.constant 0 : i32
    %dma_start3A_156 = tpu.memref_slice %arg2[%dma_start3A_154, %dma_start3A_155] : memref<10000x128xf32, #tpu.memory_space<hbm>> -> memref<10000x128xf32, #tpu.memory_space<hbm>>
    tpu.enqueue_indirect_dma source(%dma_start3A_156 : memref<10000x128xf32, #tpu.memory_space<hbm>>) target(%arg11 : memref<64x128xf32, #tpu.memory_space<vmem>>) offsets(%dma_start3A_153 : memref<64xi32, #tpu.memory_space<vmem>>) semaphore(%arg15 : memref<!tpu.dma_semaphore, #tpu.memory_space<semaphore_mem>>)
    %dma_start3A_157 = arith.constant 3 : i32
    %dma_start3A_158 = arith.constant 0 : i32
    %dma_start3A_159 = tpu.memref_slice %arg7[%dma_start3A_157, %dma_start3A_158] : memref<40x64xi32, #tpu.memory_space<vmem>> -> memref<1x64xi32, #tpu.memory_space<vmem>>
    %dma_start3A_160 = tpu.memref_squeeze %dma_start3A_159 : memref<1x64xi32, #tpu.memory_space<vmem>> -> memref<64xi32, #tpu.memory_space<vmem>>
    %dma_start3A_161 = arith.constant 0 : i32
    %dma_start3A_162 = arith.constant 0 : i32
    %dma_start3A_163 = tpu.memref_slice %arg2[%dma_start3A_161, %dma_start3A_162] : memref<10000x128xf32, #tpu.memory_space<hbm>> -> memref<10000x128xf32, #tpu.memory_space<hbm>>
    tpu.enqueue_indirect_dma source(%dma_start3A_163 : memref<10000x128xf32, #tpu.memory_space<hbm>>) target(%arg12 : memref<64x128xf32, #tpu.memory_space<vmem>>) offsets(%dma_start3A_160 : memref<64xi32, #tpu.memory_space<vmem>>) semaphore(%arg16 : memref<!tpu.dma_semaphore, #tpu.memory_space<semaphore_mem>>)
    %scan3A_164 = arith.constant 0 : i32
    %scan3A_165 = arith.constant 10 : i32
    %scan3A_166 = arith.addi %scan3A_164, %scan3A_165 : i32
    %scan3A_167 = arith.constant 1 : i32
    scf.for %scan3A_267 = %scan3A_164 to %scan3A_166 step %scan3A_167  : i32 {
      %mul3A_268 = arith.constant 4 : i32
      %mul3A_269 = arith.muli %scan3A_267, %mul3A_268 : i32
      %add3A_270 = arith.constant 0 : i32
      %add3A_271 = arith.addi %add3A_270, %mul3A_269 : i32
      %add3A_272 = arith.constant 0 : i32
      %add3A_273 = arith.addi %add3A_271, %add3A_272 : i32
      %dma_wait3A_274 = arith.constant 0 : i32
      %dma_wait3A_275 = tpu.memref_slice %arg7[%add3A_273, %dma_wait3A_274] : memref<40x64xi32, #tpu.memory_space<vmem>> -> memref<1x64xi32, #tpu.memory_space<vmem>>
      %dma_wait3A_276 = tpu.memref_squeeze %dma_wait3A_275 : memref<1x64xi32, #tpu.memory_space<vmem>> -> memref<64xi32, #tpu.memory_space<vmem>>
      %dma_wait3A_277 = arith.constant 0 : i32
      %dma_wait3A_278 = arith.constant 0 : i32
      %dma_wait3A_279 = tpu.memref_slice %arg2[%dma_wait3A_277, %dma_wait3A_278] : memref<10000x128xf32, #tpu.memory_space<hbm>> -> memref<10000x128xf32, #tpu.memory_space<hbm>>
      tpu.wait_indirect_dma semaphore(%arg13 : memref<!tpu.dma_semaphore, #tpu.memory_space<semaphore_mem>>) src(%dma_wait3A_279 : memref<10000x128xf32, #tpu.memory_space<hbm>>) dst(%arg9 : memref<64x128xf32, #tpu.memory_space<vmem>>)
      %add3A_280 = arith.constant 0 : i32
      %add3A_281 = arith.addi %add3A_271, %add3A_280 : i32
      %dma_start3A_282 = arith.constant 0 : i32
      %dma_start3A_283 = tpu.memref_slice %arg8[%add3A_281, %dma_start3A_282] : memref<40x64xi32, #tpu.memory_space<vmem>> -> memref<1x64xi32, #tpu.memory_space<vmem>>
      %dma_start3A_284 = tpu.memref_squeeze %dma_start3A_283 : memref<1x64xi32, #tpu.memory_space<vmem>> -> memref<64xi32, #tpu.memory_space<vmem>>
      %dma_start3A_285 = arith.constant 0 : i32
      %dma_start3A_286 = arith.constant 0 : i32
      %dma_start3A_287 = tpu.memref_slice %arg21[%dma_start3A_285, %dma_start3A_286] : memref<10112x128xf32, #tpu.memory_space<vmem_shared>> -> memref<10112x128xf32, #tpu.memory_space<vmem_shared>>
      tpu.enqueue_indirect_dma source(%arg9 : memref<64x128xf32, #tpu.memory_space<vmem>>) target(%dma_start3A_287 : memref<10112x128xf32, #tpu.memory_space<vmem_shared>>) offsets(%dma_start3A_284 : memref<64xi32, #tpu.memory_space<vmem>>) semaphore(%arg17 : memref<!tpu.dma_semaphore, #tpu.memory_space<semaphore_mem>>) {add = true}
      %add3A_288 = arith.constant 1 : i32
      %add3A_289 = arith.addi %add3A_271, %add3A_288 : i32
      %dma_wait3A_290 = arith.constant 0 : i32
      %dma_wait3A_291 = tpu.memref_slice %arg7[%add3A_289, %dma_wait3A_290] : memref<40x64xi32, #tpu.memory_space<vmem>> -> memref<1x64xi32, #tpu.memory_space<vmem>>
      %dma_wait3A_292 = tpu.memref_squeeze %dma_wait3A_291 : memref<1x64xi32, #tpu.memory_space<vmem>> -> memref<64xi32, #tpu.memory_space<vmem>>
      %dma_wait3A_293 = arith.constant 0 : i32
      %dma_wait3A_294 = arith.constant 0 : i32
      %dma_wait3A_295 = tpu.memref_slice %arg2[%dma_wait3A_293, %dma_wait3A_294] : memref<10000x128xf32, #tpu.memory_space<hbm>> -> memref<10000x128xf32, #tpu.memory_space<hbm>>
      tpu.wait_indirect_dma semaphore(%arg14 : memref<!tpu.dma_semaphore, #tpu.memory_space<semaphore_mem>>) src(%dma_wait3A_295 : memref<10000x128xf32, #tpu.memory_space<hbm>>) dst(%arg10 : memref<64x128xf32, #tpu.memory_space<vmem>>)
      %add3A_296 = arith.constant 1 : i32
      %add3A_297 = arith.addi %add3A_271, %add3A_296 : i32
      %dma_start3A_298 = arith.constant 0 : i32
      %dma_start3A_299 = tpu.memref_slice %arg8[%add3A_297, %dma_start3A_298] : memref<40x64xi32, #tpu.memory_space<vmem>> -> memref<1x64xi32, #tpu.memory_space<vmem>>
      %dma_start3A_300 = tpu.memref_squeeze %dma_start3A_299 : memref<1x64xi32, #tpu.memory_space<vmem>> -> memref<64xi32, #tpu.memory_space<vmem>>
      %dma_start3A_301 = arith.constant 0 : i32
      %dma_start3A_302 = arith.constant 0 : i32
      %dma_start3A_303 = tpu.memref_slice %arg21[%dma_start3A_301, %dma_start3A_302] : memref<10112x128xf32, #tpu.memory_space<vmem_shared>> -> memref<10112x128xf32, #tpu.memory_space<vmem_shared>>
      tpu.enqueue_indirect_dma source(%arg10 : memref<64x128xf32, #tpu.memory_space<vmem>>) target(%dma_start3A_303 : memref<10112x128xf32, #tpu.memory_space<vmem_shared>>) offsets(%dma_start3A_300 : memref<64xi32, #tpu.memory_space<vmem>>) semaphore(%arg18 : memref<!tpu.dma_semaphore, #tpu.memory_space<semaphore_mem>>) {add = true}
      %add3A_304 = arith.constant 2 : i32
      %add3A_305 = arith.addi %add3A_271, %add3A_304 : i32
      %dma_wait3A_306 = arith.constant 0 : i32
      %dma_wait3A_307 = tpu.memref_slice %arg7[%add3A_305, %dma_wait3A_306] : memref<40x64xi32, #tpu.memory_space<vmem>> -> memref<1x64xi32, #tpu.memory_space<vmem>>
      %dma_wait3A_308 = tpu.memref_squeeze %dma_wait3A_307 : memref<1x64xi32, #tpu.memory_space<vmem>> -> memref<64xi32, #tpu.memory_space<vmem>>
      %dma_wait3A_309 = arith.constant 0 : i32
      %dma_wait3A_310 = arith.constant 0 : i32
      %dma_wait3A_311 = tpu.memref_slice %arg2[%dma_wait3A_309, %dma_wait3A_310] : memref<10000x128xf32, #tpu.memory_space<hbm>> -> memref<10000x128xf32, #tpu.memory_space<hbm>>
      tpu.wait_indirect_dma semaphore(%arg15 : memref<!tpu.dma_semaphore, #tpu.memory_space<semaphore_mem>>) src(%dma_wait3A_311 : memref<10000x128xf32, #tpu.memory_space<hbm>>) dst(%arg11 : memref<64x128xf32, #tpu.memory_space<vmem>>)
      %add3A_312 = arith.constant 2 : i32
      %add3A_313 = arith.addi %add3A_271, %add3A_312 : i32
      %dma_start3A_314 = arith.constant 0 : i32
      %dma_start3A_315 = tpu.memref_slice %arg8[%add3A_313, %dma_start3A_314] : memref<40x64xi32, #tpu.memory_space<vmem>> -> memref<1x64xi32, #tpu.memory_space<vmem>>
      %dma_start3A_316 = tpu.memref_squeeze %dma_start3A_315 : memref<1x64xi32, #tpu.memory_space<vmem>> -> memref<64xi32, #tpu.memory_space<vmem>>
      %dma_start3A_317 = arith.constant 0 : i32
      %dma_start3A_318 = arith.constant 0 : i32
      %dma_start3A_319 = tpu.memref_slice %arg21[%dma_start3A_317, %dma_start3A_318] : memref<10112x128xf32, #tpu.memory_space<vmem_shared>> -> memref<10112x128xf32, #tpu.memory_space<vmem_shared>>
      tpu.enqueue_indirect_dma source(%arg11 : memref<64x128xf32, #tpu.memory_space<vmem>>) target(%dma_start3A_319 : memref<10112x128xf32, #tpu.memory_space<vmem_shared>>) offsets(%dma_start3A_316 : memref<64xi32, #tpu.memory_space<vmem>>) semaphore(%arg19 : memref<!tpu.dma_semaphore, #tpu.memory_space<semaphore_mem>>) {add = true}
      %add3A_320 = arith.constant 3 : i32
      %add3A_321 = arith.addi %add3A_271, %add3A_320 : i32
      %dma_wait3A_322 = arith.constant 0 : i32
      %dma_wait3A_323 = tpu.memref_slice %arg7[%add3A_321, %dma_wait3A_322] : memref<40x64xi32, #tpu.memory_space<vmem>> -> memref<1x64xi32, #tpu.memory_space<vmem>>
      %dma_wait3A_324 = tpu.memref_squeeze %dma_wait3A_323 : memref<1x64xi32, #tpu.memory_space<vmem>> -> memref<64xi32, #tpu.memory_space<vmem>>
      %dma_wait3A_325 = arith.constant 0 : i32
      %dma_wait3A_326 = arith.constant 0 : i32
      %dma_wait3A_327 = tpu.memref_slice %arg2[%dma_wait3A_325, %dma_wait3A_326] : memref<10000x128xf32, #tpu.memory_space<hbm>> -> memref<10000x128xf32, #tpu.memory_space<hbm>>
      tpu.wait_indirect_dma semaphore(%arg16 : memref<!tpu.dma_semaphore, #tpu.memory_space<semaphore_mem>>) src(%dma_wait3A_327 : memref<10000x128xf32, #tpu.memory_space<hbm>>) dst(%arg12 : memref<64x128xf32, #tpu.memory_space<vmem>>)
      %add3A_328 = arith.constant 3 : i32
      %add3A_329 = arith.addi %add3A_271, %add3A_328 : i32
      %dma_start3A_330 = arith.constant 0 : i32
      %dma_start3A_331 = tpu.memref_slice %arg8[%add3A_329, %dma_start3A_330] : memref<40x64xi32, #tpu.memory_space<vmem>> -> memref<1x64xi32, #tpu.memory_space<vmem>>
      %dma_start3A_332 = tpu.memref_squeeze %dma_start3A_331 : memref<1x64xi32, #tpu.memory_space<vmem>> -> memref<64xi32, #tpu.memory_space<vmem>>
      %dma_start3A_333 = arith.constant 0 : i32
      %dma_start3A_334 = arith.constant 0 : i32
      %dma_start3A_335 = tpu.memref_slice %arg21[%dma_start3A_333, %dma_start3A_334] : memref<10112x128xf32, #tpu.memory_space<vmem_shared>> -> memref<10112x128xf32, #tpu.memory_space<vmem_shared>>
      tpu.enqueue_indirect_dma source(%arg12 : memref<64x128xf32, #tpu.memory_space<vmem>>) target(%dma_start3A_335 : memref<10112x128xf32, #tpu.memory_space<vmem_shared>>) offsets(%dma_start3A_332 : memref<64xi32, #tpu.memory_space<vmem>>) semaphore(%arg20 : memref<!tpu.dma_semaphore, #tpu.memory_space<semaphore_mem>>) {add = true}
      %add3A_336 = arith.constant 0 : i32
      %add3A_337 = arith.addi %add3A_271, %add3A_336 : i32
      %dma_wait3A_338 = arith.constant 0 : i32
      %dma_wait3A_339 = tpu.memref_slice %arg8[%add3A_337, %dma_wait3A_338] : memref<40x64xi32, #tpu.memory_space<vmem>> -> memref<1x64xi32, #tpu.memory_space<vmem>>
      %dma_wait3A_340 = tpu.memref_squeeze %dma_wait3A_339 : memref<1x64xi32, #tpu.memory_space<vmem>> -> memref<64xi32, #tpu.memory_space<vmem>>
      %dma_wait3A_341 = arith.constant 0 : i32
      %dma_wait3A_342 = arith.constant 0 : i32
      %dma_wait3A_343 = tpu.memref_slice %arg21[%dma_wait3A_341, %dma_wait3A_342] : memref<10112x128xf32, #tpu.memory_space<vmem_shared>> -> memref<10112x128xf32, #tpu.memory_space<vmem_shared>>
      tpu.wait_indirect_dma semaphore(%arg17 : memref<!tpu.dma_semaphore, #tpu.memory_space<semaphore_mem>>) src(%arg9 : memref<64x128xf32, #tpu.memory_space<vmem>>) dst(%dma_wait3A_343 : memref<10112x128xf32, #tpu.memory_space<vmem_shared>>)
      %add3A_344 = arith.constant 4 : i32
      %add3A_345 = arith.addi %add3A_271, %add3A_344 : i32
      %add3A_346 = arith.constant 0 : i32
      %add3A_347 = arith.addi %add3A_345, %add3A_346 : i32
      %min3A = arith.constant 39 : i32
      %min3A_348 = arith.minsi %add3A_347, %min3A : i32
      %dma_start3A_349 = arith.constant 0 : i32
      %dma_start3A_350 = tpu.memref_slice %arg7[%min3A_348, %dma_start3A_349] : memref<40x64xi32, #tpu.memory_space<vmem>> -> memref<1x64xi32, #tpu.memory_space<vmem>>
      %dma_start3A_351 = tpu.memref_squeeze %dma_start3A_350 : memref<1x64xi32, #tpu.memory_space<vmem>> -> memref<64xi32, #tpu.memory_space<vmem>>
      %dma_start3A_352 = arith.constant 0 : i32
      %dma_start3A_353 = arith.constant 0 : i32
      %dma_start3A_354 = tpu.memref_slice %arg2[%dma_start3A_352, %dma_start3A_353] : memref<10000x128xf32, #tpu.memory_space<hbm>> -> memref<10000x128xf32, #tpu.memory_space<hbm>>
      tpu.enqueue_indirect_dma source(%dma_start3A_354 : memref<10000x128xf32, #tpu.memory_space<hbm>>) target(%arg9 : memref<64x128xf32, #tpu.memory_space<vmem>>) offsets(%dma_start3A_351 : memref<64xi32, #tpu.memory_space<vmem>>) semaphore(%arg13 : memref<!tpu.dma_semaphore, #tpu.memory_space<semaphore_mem>>)
      %add3A_355 = arith.constant 1 : i32
      %add3A_356 = arith.addi %add3A_271, %add3A_355 : i32
      %dma_wait3A_357 = arith.constant 0 : i32
      %dma_wait3A_358 = tpu.memref_slice %arg8[%add3A_356, %dma_wait3A_357] : memref<40x64xi32, #tpu.memory_space<vmem>> -> memref<1x64xi32, #tpu.memory_space<vmem>>
      %dma_wait3A_359 = tpu.memref_squeeze %dma_wait3A_358 : memref<1x64xi32, #tpu.memory_space<vmem>> -> memref<64xi32, #tpu.memory_space<vmem>>
      %dma_wait3A_360 = arith.constant 0 : i32
      %dma_wait3A_361 = arith.constant 0 : i32
      %dma_wait3A_362 = tpu.memref_slice %arg21[%dma_wait3A_360, %dma_wait3A_361] : memref<10112x128xf32, #tpu.memory_space<vmem_shared>> -> memref<10112x128xf32, #tpu.memory_space<vmem_shared>>
      tpu.wait_indirect_dma semaphore(%arg18 : memref<!tpu.dma_semaphore, #tpu.memory_space<semaphore_mem>>) src(%arg10 : memref<64x128xf32, #tpu.memory_space<vmem>>) dst(%dma_wait3A_362 : memref<10112x128xf32, #tpu.memory_space<vmem_shared>>)
      %add3A_363 = arith.constant 4 : i32
      %add3A_364 = arith.addi %add3A_271, %add3A_363 : i32
      %add3A_365 = arith.constant 1 : i32
      %add3A_366 = arith.addi %add3A_364, %add3A_365 : i32
      %min3A_367 = arith.constant 39 : i32
      %min3A_368 = arith.minsi %add3A_366, %min3A_367 : i32
      %dma_start3A_369 = arith.constant 0 : i32
      %dma_start3A_370 = tpu.memref_slice %arg7[%min3A_368, %dma_start3A_369] : memref<40x64xi32, #tpu.memory_space<vmem>> -> memref<1x64xi32, #tpu.memory_space<vmem>>
      %dma_start3A_371 = tpu.memref_squeeze %dma_start3A_370 : memref<1x64xi32, #tpu.memory_space<vmem>> -> memref<64xi32, #tpu.memory_space<vmem>>
      %dma_start3A_372 = arith.constant 0 : i32
      %dma_start3A_373 = arith.constant 0 : i32
      %dma_start3A_374 = tpu.memref_slice %arg2[%dma_start3A_372, %dma_start3A_373] : memref<10000x128xf32, #tpu.memory_space<hbm>> -> memref<10000x128xf32, #tpu.memory_space<hbm>>
      tpu.enqueue_indirect_dma source(%dma_start3A_374 : memref<10000x128xf32, #tpu.memory_space<hbm>>) target(%arg10 : memref<64x128xf32, #tpu.memory_space<vmem>>) offsets(%dma_start3A_371 : memref<64xi32, #tpu.memory_space<vmem>>) semaphore(%arg14 : memref<!tpu.dma_semaphore, #tpu.memory_space<semaphore_mem>>)
      %add3A_375 = arith.constant 2 : i32
      %add3A_376 = arith.addi %add3A_271, %add3A_375 : i32
      %dma_wait3A_377 = arith.constant 0 : i32
      %dma_wait3A_378 = tpu.memref_slice %arg8[%add3A_376, %dma_wait3A_377] : memref<40x64xi32, #tpu.memory_space<vmem>> -> memref<1x64xi32, #tpu.memory_space<vmem>>
      %dma_wait3A_379 = tpu.memref_squeeze %dma_wait3A_378 : memref<1x64xi32, #tpu.memory_space<vmem>> -> memref<64xi32, #tpu.memory_space<vmem>>
      %dma_wait3A_380 = arith.constant 0 : i32
      %dma_wait3A_381 = arith.constant 0 : i32
      %dma_wait3A_382 = tpu.memref_slice %arg21[%dma_wait3A_380, %dma_wait3A_381] : memref<10112x128xf32, #tpu.memory_space<vmem_shared>> -> memref<10112x128xf32, #tpu.memory_space<vmem_shared>>
      tpu.wait_indirect_dma semaphore(%arg19 : memref<!tpu.dma_semaphore, #tpu.memory_space<semaphore_mem>>) src(%arg11 : memref<64x128xf32, #tpu.memory_space<vmem>>) dst(%dma_wait3A_382 : memref<10112x128xf32, #tpu.memory_space<vmem_shared>>)
      %add3A_383 = arith.constant 4 : i32
      %add3A_384 = arith.addi %add3A_271, %add3A_383 : i32
      %add3A_385 = arith.constant 2 : i32
      %add3A_386 = arith.addi %add3A_384, %add3A_385 : i32
      %min3A_387 = arith.constant 39 : i32
      %min3A_388 = arith.minsi %add3A_386, %min3A_387 : i32
      %dma_start3A_389 = arith.constant 0 : i32
      %dma_start3A_390 = tpu.memref_slice %arg7[%min3A_388, %dma_start3A_389] : memref<40x64xi32, #tpu.memory_space<vmem>> -> memref<1x64xi32, #tpu.memory_space<vmem>>
      %dma_start3A_391 = tpu.memref_squeeze %dma_start3A_390 : memref<1x64xi32, #tpu.memory_space<vmem>> -> memref<64xi32, #tpu.memory_space<vmem>>
      %dma_start3A_392 = arith.constant 0 : i32
      %dma_start3A_393 = arith.constant 0 : i32
      %dma_start3A_394 = tpu.memref_slice %arg2[%dma_start3A_392, %dma_start3A_393] : memref<10000x128xf32, #tpu.memory_space<hbm>> -> memref<10000x128xf32, #tpu.memory_space<hbm>>
      tpu.enqueue_indirect_dma source(%dma_start3A_394 : memref<10000x128xf32, #tpu.memory_space<hbm>>) target(%arg11 : memref<64x128xf32, #tpu.memory_space<vmem>>) offsets(%dma_start3A_391 : memref<64xi32, #tpu.memory_space<vmem>>) semaphore(%arg15 : memref<!tpu.dma_semaphore, #tpu.memory_space<semaphore_mem>>)
      %add3A_395 = arith.constant 3 : i32
      %add3A_396 = arith.addi %add3A_271, %add3A_395 : i32
      %dma_wait3A_397 = arith.constant 0 : i32
      %dma_wait3A_398 = tpu.memref_slice %arg8[%add3A_396, %dma_wait3A_397] : memref<40x64xi32, #tpu.memory_space<vmem>> -> memref<1x64xi32, #tpu.memory_space<vmem>>
      %dma_wait3A_399 = tpu.memref_squeeze %dma_wait3A_398 : memref<1x64xi32, #tpu.memory_space<vmem>> -> memref<64xi32, #tpu.memory_space<vmem>>
      %dma_wait3A_400 = arith.constant 0 : i32
      %dma_wait3A_401 = arith.constant 0 : i32
      %dma_wait3A_402 = tpu.memref_slice %arg21[%dma_wait3A_400, %dma_wait3A_401] : memref<10112x128xf32, #tpu.memory_space<vmem_shared>> -> memref<10112x128xf32, #tpu.memory_space<vmem_shared>>
      tpu.wait_indirect_dma semaphore(%arg20 : memref<!tpu.dma_semaphore, #tpu.memory_space<semaphore_mem>>) src(%arg12 : memref<64x128xf32, #tpu.memory_space<vmem>>) dst(%dma_wait3A_402 : memref<10112x128xf32, #tpu.memory_space<vmem_shared>>)
      %add3A_403 = arith.constant 4 : i32
      %add3A_404 = arith.addi %add3A_271, %add3A_403 : i32
      %add3A_405 = arith.constant 3 : i32
      %add3A_406 = arith.addi %add3A_404, %add3A_405 : i32
      %min3A_407 = arith.constant 39 : i32
      %min3A_408 = arith.minsi %add3A_406, %min3A_407 : i32
      %dma_start3A_409 = arith.constant 0 : i32
      %dma_start3A_410 = tpu.memref_slice %arg7[%min3A_408, %dma_start3A_409] : memref<40x64xi32, #tpu.memory_space<vmem>> -> memref<1x64xi32, #tpu.memory_space<vmem>>
      %dma_start3A_411 = tpu.memref_squeeze %dma_start3A_410 : memref<1x64xi32, #tpu.memory_space<vmem>> -> memref<64xi32, #tpu.memory_space<vmem>>
      %dma_start3A_412 = arith.constant 0 : i32
      %dma_start3A_413 = arith.constant 0 : i32
      %dma_start3A_414 = tpu.memref_slice %arg2[%dma_start3A_412, %dma_start3A_413] : memref<10000x128xf32, #tpu.memory_space<hbm>> -> memref<10000x128xf32, #tpu.memory_space<hbm>>
      tpu.enqueue_indirect_dma source(%dma_start3A_414 : memref<10000x128xf32, #tpu.memory_space<hbm>>) target(%arg12 : memref<64x128xf32, #tpu.memory_space<vmem>>) offsets(%dma_start3A_411 : memref<64xi32, #tpu.memory_space<vmem>>) semaphore(%arg16 : memref<!tpu.dma_semaphore, #tpu.memory_space<semaphore_mem>>)
    }
    %scan3A_168 = arith.constant 10 : i32
    %dma_wait3A_169 = arith.constant 39 : i32
    %dma_wait3A_170 = arith.constant 0 : i32
    %dma_wait3A_171 = tpu.memref_slice %arg7[%dma_wait3A_169, %dma_wait3A_170] : memref<40x64xi32, #tpu.memory_space<vmem>> -> memref<1x64xi32, #tpu.memory_space<vmem>>
    %dma_wait3A_172 = tpu.memref_squeeze %dma_wait3A_171 : memref<1x64xi32, #tpu.memory_space<vmem>> -> memref<64xi32, #tpu.memory_space<vmem>>
    %dma_wait3A_173 = arith.constant 0 : i32
    %dma_wait3A_174 = arith.constant 0 : i32
    %dma_wait3A_175 = tpu.memref_slice %arg2[%dma_wait3A_173, %dma_wait3A_174] : memref<10000x128xf32, #tpu.memory_space<hbm>> -> memref<10000x128xf32, #tpu.memory_space<hbm>>
    tpu.wait_indirect_dma semaphore(%arg13 : memref<!tpu.dma_semaphore, #tpu.memory_space<semaphore_mem>>) src(%dma_wait3A_175 : memref<10000x128xf32, #tpu.memory_space<hbm>>) dst(%arg9 : memref<64x128xf32, #tpu.memory_space<vmem>>)
    %dma_wait3A_176 = arith.constant 39 : i32
    %dma_wait3A_177 = arith.constant 0 : i32
    %dma_wait3A_178 = tpu.memref_slice %arg7[%dma_wait3A_176, %dma_wait3A_177] : memref<40x64xi32, #tpu.memory_space<vmem>> -> memref<1x64xi32, #tpu.memory_space<vmem>>
    %dma_wait3A_179 = tpu.memref_squeeze %dma_wait3A_178 : memref<1x64xi32, #tpu.memory_space<vmem>> -> memref<64xi32, #tpu.memory_space<vmem>>
    %dma_wait3A_180 = arith.constant 0 : i32
    %dma_wait3A_181 = arith.constant 0 : i32
    %dma_wait3A_182 = tpu.memref_slice %arg2[%dma_wait3A_180, %dma_wait3A_181] : memref<10000x128xf32, #tpu.memory_space<hbm>> -> memref<10000x128xf32, #tpu.memory_space<hbm>>
    tpu.wait_indirect_dma semaphore(%arg14 : memref<!tpu.dma_semaphore, #tpu.memory_space<semaphore_mem>>) src(%dma_wait3A_182 : memref<10000x128xf32, #tpu.memory_space<hbm>>) dst(%arg10 : memref<64x128xf32, #tpu.memory_space<vmem>>)
    %dma_wait3A_183 = arith.constant 39 : i32
    %dma_wait3A_184 = arith.constant 0 : i32
    %dma_wait3A_185 = tpu.memref_slice %arg7[%dma_wait3A_183, %dma_wait3A_184] : memref<40x64xi32, #tpu.memory_space<vmem>> -> memref<1x64xi32, #tpu.memory_space<vmem>>
    %dma_wait3A_186 = tpu.memref_squeeze %dma_wait3A_185 : memref<1x64xi32, #tpu.memory_space<vmem>> -> memref<64xi32, #tpu.memory_space<vmem>>
    %dma_wait3A_187 = arith.constant 0 : i32
    %dma_wait3A_188 = arith.constant 0 : i32
    %dma_wait3A_189 = tpu.memref_slice %arg2[%dma_wait3A_187, %dma_wait3A_188] : memref<10000x128xf32, #tpu.memory_space<hbm>> -> memref<10000x128xf32, #tpu.memory_space<hbm>>
    tpu.wait_indirect_dma semaphore(%arg15 : memref<!tpu.dma_semaphore, #tpu.memory_space<semaphore_mem>>) src(%dma_wait3A_189 : memref<10000x128xf32, #tpu.memory_space<hbm>>) dst(%arg11 : memref<64x128xf32, #tpu.memory_space<vmem>>)
    %dma_wait3A_190 = arith.constant 39 : i32
    %dma_wait3A_191 = arith.constant 0 : i32
    %dma_wait3A_192 = tpu.memref_slice %arg7[%dma_wait3A_190, %dma_wait3A_191] : memref<40x64xi32, #tpu.memory_space<vmem>> -> memref<1x64xi32, #tpu.memory_space<vmem>>
    %dma_wait3A_193 = tpu.memref_squeeze %dma_wait3A_192 : memref<1x64xi32, #tpu.memory_space<vmem>> -> memref<64xi32, #tpu.memory_space<vmem>>
    %dma_wait3A_194 = arith.constant 0 : i32
    %dma_wait3A_195 = arith.constant 0 : i32
    %dma_wait3A_196 = tpu.memref_slice %arg2[%dma_wait3A_194, %dma_wait3A_195] : memref<10000x128xf32, #tpu.memory_space<hbm>> -> memref<10000x128xf32, #tpu.memory_space<hbm>>
    tpu.wait_indirect_dma semaphore(%arg16 : memref<!tpu.dma_semaphore, #tpu.memory_space<semaphore_mem>>) src(%dma_wait3A_196 : memref<10000x128xf32, #tpu.memory_space<hbm>>) dst(%arg12 : memref<64x128xf32, #tpu.memory_space<vmem>>)
    %add3A_197 = arith.constant 120 : i32
    %add3A_198 = arith.addi %mul3A_4, %add3A_197 : i32
    "tpu.region"() ({
      %run_scoped3A = tpu.sem_alloc : memref<!tpu.dma_semaphore, #tpu.memory_space<semaphore_mem>>
      %dma_start3A_267 = arith.constant 0 : i32
      %dma_start3A_268 = tpu.memref_slice %arg3[%add3A_198, %dma_start3A_267] : memref<5120x64xi32, #tpu.memory_space<hbm>> -> memref<40x64xi32, #tpu.memory_space<hbm>>
      %dma_start3A_269 = arith.constant 0 : i32
      %dma_start3A_270 = tpu.memref_slice %arg3[%add3A_198, %dma_start3A_269] : memref<5120x64xi32, #tpu.memory_space<hbm>> -> memref<40x64xi32, #tpu.memory_space<hbm>>
      tpu.enqueue_dma source(%dma_start3A_270 : memref<40x64xi32, #tpu.memory_space<hbm>>) target(%arg7 : memref<40x64xi32, #tpu.memory_space<vmem>>) target_semaphore(%run_scoped3A : memref<!tpu.dma_semaphore, #tpu.memory_space<semaphore_mem>>)
      %dma_wait3A_271 = arith.constant 0 : i32
      %dma_wait3A_272 = tpu.memref_slice %arg3[%add3A_198, %dma_wait3A_271] : memref<5120x64xi32, #tpu.memory_space<hbm>> -> memref<40x64xi32, #tpu.memory_space<hbm>>
      %dma_wait3A_273 = arith.constant 0 : i32
      %dma_wait3A_274 = tpu.memref_slice %arg3[%add3A_198, %dma_wait3A_273] : memref<5120x64xi32, #tpu.memory_space<hbm>> -> memref<40x64xi32, #tpu.memory_space<hbm>>
      tpu.wait_dma2 semaphore(%run_scoped3A : memref<!tpu.dma_semaphore, #tpu.memory_space<semaphore_mem>>) src(%dma_wait3A_274 : memref<40x64xi32, #tpu.memory_space<hbm>>) dst(%arg7 : memref<40x64xi32, #tpu.memory_space<vmem>>)
      tpu.yield
    }) : () -> ()
    %add3A_199 = arith.constant 120 : i32
    %add3A_200 = arith.addi %mul3A_4, %add3A_199 : i32
    "tpu.region"() ({
      %run_scoped3A = tpu.sem_alloc : memref<!tpu.dma_semaphore, #tpu.memory_space<semaphore_mem>>
      %dma_start3A_267 = arith.constant 0 : i32
      %dma_start3A_268 = tpu.memref_slice %arg4[%add3A_200, %dma_start3A_267] : memref<5120x64xi32, #tpu.memory_space<hbm>> -> memref<40x64xi32, #tpu.memory_space<hbm>>
      %dma_start3A_269 = arith.constant 0 : i32
      %dma_start3A_270 = tpu.memref_slice %arg4[%add3A_200, %dma_start3A_269] : memref<5120x64xi32, #tpu.memory_space<hbm>> -> memref<40x64xi32, #tpu.memory_space<hbm>>
      tpu.enqueue_dma source(%dma_start3A_270 : memref<40x64xi32, #tpu.memory_space<hbm>>) target(%arg8 : memref<40x64xi32, #tpu.memory_space<vmem>>) target_semaphore(%run_scoped3A : memref<!tpu.dma_semaphore, #tpu.memory_space<semaphore_mem>>)
      %dma_wait3A_271 = arith.constant 0 : i32
      %dma_wait3A_272 = tpu.memref_slice %arg4[%add3A_200, %dma_wait3A_271] : memref<5120x64xi32, #tpu.memory_space<hbm>> -> memref<40x64xi32, #tpu.memory_space<hbm>>
      %dma_wait3A_273 = arith.constant 0 : i32
      %dma_wait3A_274 = tpu.memref_slice %arg4[%add3A_200, %dma_wait3A_273] : memref<5120x64xi32, #tpu.memory_space<hbm>> -> memref<40x64xi32, #tpu.memory_space<hbm>>
      tpu.wait_dma2 semaphore(%run_scoped3A : memref<!tpu.dma_semaphore, #tpu.memory_space<semaphore_mem>>) src(%dma_wait3A_274 : memref<40x64xi32, #tpu.memory_space<hbm>>) dst(%arg8 : memref<40x64xi32, #tpu.memory_space<vmem>>)
      tpu.yield
    }) : () -> ()
    %dma_start3A_201 = arith.constant 0 : i32
    %dma_start3A_202 = arith.constant 0 : i32
    %dma_start3A_203 = tpu.memref_slice %arg7[%dma_start3A_201, %dma_start3A_202] : memref<40x64xi32, #tpu.memory_space<vmem>> -> memref<1x64xi32, #tpu.memory_space<vmem>>
    %dma_start3A_204 = tpu.memref_squeeze %dma_start3A_203 : memref<1x64xi32, #tpu.memory_space<vmem>> -> memref<64xi32, #tpu.memory_space<vmem>>
    %dma_start3A_205 = arith.constant 0 : i32
    %dma_start3A_206 = arith.constant 0 : i32
    %dma_start3A_207 = tpu.memref_slice %arg2[%dma_start3A_205, %dma_start3A_206] : memref<10000x128xf32, #tpu.memory_space<hbm>> -> memref<10000x128xf32, #tpu.memory_space<hbm>>
    tpu.enqueue_indirect_dma source(%dma_start3A_207 : memref<10000x128xf32, #tpu.memory_space<hbm>>) target(%arg9 : memref<64x128xf32, #tpu.memory_space<vmem>>) offsets(%dma_start3A_204 : memref<64xi32, #tpu.memory_space<vmem>>) semaphore(%arg13 : memref<!tpu.dma_semaphore, #tpu.memory_space<semaphore_mem>>)
    %dma_start3A_208 = arith.constant 1 : i32
    %dma_start3A_209 = arith.constant 0 : i32
    %dma_start3A_210 = tpu.memref_slice %arg7[%dma_start3A_208, %dma_start3A_209] : memref<40x64xi32, #tpu.memory_space<vmem>> -> memref<1x64xi32, #tpu.memory_space<vmem>>
    %dma_start3A_211 = tpu.memref_squeeze %dma_start3A_210 : memref<1x64xi32, #tpu.memory_space<vmem>> -> memref<64xi32, #tpu.memory_space<vmem>>
    %dma_start3A_212 = arith.constant 0 : i32
    %dma_start3A_213 = arith.constant 0 : i32
    %dma_start3A_214 = tpu.memref_slice %arg2[%dma_start3A_212, %dma_start3A_213] : memref<10000x128xf32, #tpu.memory_space<hbm>> -> memref<10000x128xf32, #tpu.memory_space<hbm>>
    tpu.enqueue_indirect_dma source(%dma_start3A_214 : memref<10000x128xf32, #tpu.memory_space<hbm>>) target(%arg10 : memref<64x128xf32, #tpu.memory_space<vmem>>) offsets(%dma_start3A_211 : memref<64xi32, #tpu.memory_space<vmem>>) semaphore(%arg14 : memref<!tpu.dma_semaphore, #tpu.memory_space<semaphore_mem>>)
    %dma_start3A_215 = arith.constant 2 : i32
    %dma_start3A_216 = arith.constant 0 : i32
    %dma_start3A_217 = tpu.memref_slice %arg7[%dma_start3A_215, %dma_start3A_216] : memref<40x64xi32, #tpu.memory_space<vmem>> -> memref<1x64xi32, #tpu.memory_space<vmem>>
    %dma_start3A_218 = tpu.memref_squeeze %dma_start3A_217 : memref<1x64xi32, #tpu.memory_space<vmem>> -> memref<64xi32, #tpu.memory_space<vmem>>
    %dma_start3A_219 = arith.constant 0 : i32
    %dma_start3A_220 = arith.constant 0 : i32
    %dma_start3A_221 = tpu.memref_slice %arg2[%dma_start3A_219, %dma_start3A_220] : memref<10000x128xf32, #tpu.memory_space<hbm>> -> memref<10000x128xf32, #tpu.memory_space<hbm>>
    tpu.enqueue_indirect_dma source(%dma_start3A_221 : memref<10000x128xf32, #tpu.memory_space<hbm>>) target(%arg11 : memref<64x128xf32, #tpu.memory_space<vmem>>) offsets(%dma_start3A_218 : memref<64xi32, #tpu.memory_space<vmem>>) semaphore(%arg15 : memref<!tpu.dma_semaphore, #tpu.memory_space<semaphore_mem>>)
    %dma_start3A_222 = arith.constant 3 : i32
    %dma_start3A_223 = arith.constant 0 : i32
    %dma_start3A_224 = tpu.memref_slice %arg7[%dma_start3A_222, %dma_start3A_223] : memref<40x64xi32, #tpu.memory_space<vmem>> -> memref<1x64xi32, #tpu.memory_space<vmem>>
    %dma_start3A_225 = tpu.memref_squeeze %dma_start3A_224 : memref<1x64xi32, #tpu.memory_space<vmem>> -> memref<64xi32, #tpu.memory_space<vmem>>
    %dma_start3A_226 = arith.constant 0 : i32
    %dma_start3A_227 = arith.constant 0 : i32
    %dma_start3A_228 = tpu.memref_slice %arg2[%dma_start3A_226, %dma_start3A_227] : memref<10000x128xf32, #tpu.memory_space<hbm>> -> memref<10000x128xf32, #tpu.memory_space<hbm>>
    tpu.enqueue_indirect_dma source(%dma_start3A_228 : memref<10000x128xf32, #tpu.memory_space<hbm>>) target(%arg12 : memref<64x128xf32, #tpu.memory_space<vmem>>) offsets(%dma_start3A_225 : memref<64xi32, #tpu.memory_space<vmem>>) semaphore(%arg16 : memref<!tpu.dma_semaphore, #tpu.memory_space<semaphore_mem>>)
    %scan3A_229 = arith.constant 0 : i32
    %scan3A_230 = arith.constant 10 : i32
    %scan3A_231 = arith.addi %scan3A_229, %scan3A_230 : i32
    %scan3A_232 = arith.constant 1 : i32
    scf.for %scan3A_267 = %scan3A_229 to %scan3A_231 step %scan3A_232  : i32 {
      %mul3A_268 = arith.constant 4 : i32
      %mul3A_269 = arith.muli %scan3A_267, %mul3A_268 : i32
      %add3A_270 = arith.constant 0 : i32
      %add3A_271 = arith.addi %add3A_270, %mul3A_269 : i32
      %add3A_272 = arith.constant 0 : i32
      %add3A_273 = arith.addi %add3A_271, %add3A_272 : i32
      %dma_wait3A_274 = arith.constant 0 : i32
      %dma_wait3A_275 = tpu.memref_slice %arg7[%add3A_273, %dma_wait3A_274] : memref<40x64xi32, #tpu.memory_space<vmem>> -> memref<1x64xi32, #tpu.memory_space<vmem>>
      %dma_wait3A_276 = tpu.memref_squeeze %dma_wait3A_275 : memref<1x64xi32, #tpu.memory_space<vmem>> -> memref<64xi32, #tpu.memory_space<vmem>>
      %dma_wait3A_277 = arith.constant 0 : i32
      %dma_wait3A_278 = arith.constant 0 : i32
      %dma_wait3A_279 = tpu.memref_slice %arg2[%dma_wait3A_277, %dma_wait3A_278] : memref<10000x128xf32, #tpu.memory_space<hbm>> -> memref<10000x128xf32, #tpu.memory_space<hbm>>
      tpu.wait_indirect_dma semaphore(%arg13 : memref<!tpu.dma_semaphore, #tpu.memory_space<semaphore_mem>>) src(%dma_wait3A_279 : memref<10000x128xf32, #tpu.memory_space<hbm>>) dst(%arg9 : memref<64x128xf32, #tpu.memory_space<vmem>>)
      %add3A_280 = arith.constant 0 : i32
      %add3A_281 = arith.addi %add3A_271, %add3A_280 : i32
      %dma_start3A_282 = arith.constant 0 : i32
      %dma_start3A_283 = tpu.memref_slice %arg8[%add3A_281, %dma_start3A_282] : memref<40x64xi32, #tpu.memory_space<vmem>> -> memref<1x64xi32, #tpu.memory_space<vmem>>
      %dma_start3A_284 = tpu.memref_squeeze %dma_start3A_283 : memref<1x64xi32, #tpu.memory_space<vmem>> -> memref<64xi32, #tpu.memory_space<vmem>>
      %dma_start3A_285 = arith.constant 0 : i32
      %dma_start3A_286 = arith.constant 0 : i32
      %dma_start3A_287 = tpu.memref_slice %arg21[%dma_start3A_285, %dma_start3A_286] : memref<10112x128xf32, #tpu.memory_space<vmem_shared>> -> memref<10112x128xf32, #tpu.memory_space<vmem_shared>>
      tpu.enqueue_indirect_dma source(%arg9 : memref<64x128xf32, #tpu.memory_space<vmem>>) target(%dma_start3A_287 : memref<10112x128xf32, #tpu.memory_space<vmem_shared>>) offsets(%dma_start3A_284 : memref<64xi32, #tpu.memory_space<vmem>>) semaphore(%arg17 : memref<!tpu.dma_semaphore, #tpu.memory_space<semaphore_mem>>) {add = true}
      %add3A_288 = arith.constant 1 : i32
      %add3A_289 = arith.addi %add3A_271, %add3A_288 : i32
      %dma_wait3A_290 = arith.constant 0 : i32
      %dma_wait3A_291 = tpu.memref_slice %arg7[%add3A_289, %dma_wait3A_290] : memref<40x64xi32, #tpu.memory_space<vmem>> -> memref<1x64xi32, #tpu.memory_space<vmem>>
      %dma_wait3A_292 = tpu.memref_squeeze %dma_wait3A_291 : memref<1x64xi32, #tpu.memory_space<vmem>> -> memref<64xi32, #tpu.memory_space<vmem>>
      %dma_wait3A_293 = arith.constant 0 : i32
      %dma_wait3A_294 = arith.constant 0 : i32
      %dma_wait3A_295 = tpu.memref_slice %arg2[%dma_wait3A_293, %dma_wait3A_294] : memref<10000x128xf32, #tpu.memory_space<hbm>> -> memref<10000x128xf32, #tpu.memory_space<hbm>>
      tpu.wait_indirect_dma semaphore(%arg14 : memref<!tpu.dma_semaphore, #tpu.memory_space<semaphore_mem>>) src(%dma_wait3A_295 : memref<10000x128xf32, #tpu.memory_space<hbm>>) dst(%arg10 : memref<64x128xf32, #tpu.memory_space<vmem>>)
      %add3A_296 = arith.constant 1 : i32
      %add3A_297 = arith.addi %add3A_271, %add3A_296 : i32
      %dma_start3A_298 = arith.constant 0 : i32
      %dma_start3A_299 = tpu.memref_slice %arg8[%add3A_297, %dma_start3A_298] : memref<40x64xi32, #tpu.memory_space<vmem>> -> memref<1x64xi32, #tpu.memory_space<vmem>>
      %dma_start3A_300 = tpu.memref_squeeze %dma_start3A_299 : memref<1x64xi32, #tpu.memory_space<vmem>> -> memref<64xi32, #tpu.memory_space<vmem>>
      %dma_start3A_301 = arith.constant 0 : i32
      %dma_start3A_302 = arith.constant 0 : i32
      %dma_start3A_303 = tpu.memref_slice %arg21[%dma_start3A_301, %dma_start3A_302] : memref<10112x128xf32, #tpu.memory_space<vmem_shared>> -> memref<10112x128xf32, #tpu.memory_space<vmem_shared>>
      tpu.enqueue_indirect_dma source(%arg10 : memref<64x128xf32, #tpu.memory_space<vmem>>) target(%dma_start3A_303 : memref<10112x128xf32, #tpu.memory_space<vmem_shared>>) offsets(%dma_start3A_300 : memref<64xi32, #tpu.memory_space<vmem>>) semaphore(%arg18 : memref<!tpu.dma_semaphore, #tpu.memory_space<semaphore_mem>>) {add = true}
      %add3A_304 = arith.constant 2 : i32
      %add3A_305 = arith.addi %add3A_271, %add3A_304 : i32
      %dma_wait3A_306 = arith.constant 0 : i32
      %dma_wait3A_307 = tpu.memref_slice %arg7[%add3A_305, %dma_wait3A_306] : memref<40x64xi32, #tpu.memory_space<vmem>> -> memref<1x64xi32, #tpu.memory_space<vmem>>
      %dma_wait3A_308 = tpu.memref_squeeze %dma_wait3A_307 : memref<1x64xi32, #tpu.memory_space<vmem>> -> memref<64xi32, #tpu.memory_space<vmem>>
      %dma_wait3A_309 = arith.constant 0 : i32
      %dma_wait3A_310 = arith.constant 0 : i32
      %dma_wait3A_311 = tpu.memref_slice %arg2[%dma_wait3A_309, %dma_wait3A_310] : memref<10000x128xf32, #tpu.memory_space<hbm>> -> memref<10000x128xf32, #tpu.memory_space<hbm>>
      tpu.wait_indirect_dma semaphore(%arg15 : memref<!tpu.dma_semaphore, #tpu.memory_space<semaphore_mem>>) src(%dma_wait3A_311 : memref<10000x128xf32, #tpu.memory_space<hbm>>) dst(%arg11 : memref<64x128xf32, #tpu.memory_space<vmem>>)
      %add3A_312 = arith.constant 2 : i32
      %add3A_313 = arith.addi %add3A_271, %add3A_312 : i32
      %dma_start3A_314 = arith.constant 0 : i32
      %dma_start3A_315 = tpu.memref_slice %arg8[%add3A_313, %dma_start3A_314] : memref<40x64xi32, #tpu.memory_space<vmem>> -> memref<1x64xi32, #tpu.memory_space<vmem>>
      %dma_start3A_316 = tpu.memref_squeeze %dma_start3A_315 : memref<1x64xi32, #tpu.memory_space<vmem>> -> memref<64xi32, #tpu.memory_space<vmem>>
      %dma_start3A_317 = arith.constant 0 : i32
      %dma_start3A_318 = arith.constant 0 : i32
      %dma_start3A_319 = tpu.memref_slice %arg21[%dma_start3A_317, %dma_start3A_318] : memref<10112x128xf32, #tpu.memory_space<vmem_shared>> -> memref<10112x128xf32, #tpu.memory_space<vmem_shared>>
      tpu.enqueue_indirect_dma source(%arg11 : memref<64x128xf32, #tpu.memory_space<vmem>>) target(%dma_start3A_319 : memref<10112x128xf32, #tpu.memory_space<vmem_shared>>) offsets(%dma_start3A_316 : memref<64xi32, #tpu.memory_space<vmem>>) semaphore(%arg19 : memref<!tpu.dma_semaphore, #tpu.memory_space<semaphore_mem>>) {add = true}
      %add3A_320 = arith.constant 3 : i32
      %add3A_321 = arith.addi %add3A_271, %add3A_320 : i32
      %dma_wait3A_322 = arith.constant 0 : i32
      %dma_wait3A_323 = tpu.memref_slice %arg7[%add3A_321, %dma_wait3A_322] : memref<40x64xi32, #tpu.memory_space<vmem>> -> memref<1x64xi32, #tpu.memory_space<vmem>>
      %dma_wait3A_324 = tpu.memref_squeeze %dma_wait3A_323 : memref<1x64xi32, #tpu.memory_space<vmem>> -> memref<64xi32, #tpu.memory_space<vmem>>
      %dma_wait3A_325 = arith.constant 0 : i32
      %dma_wait3A_326 = arith.constant 0 : i32
      %dma_wait3A_327 = tpu.memref_slice %arg2[%dma_wait3A_325, %dma_wait3A_326] : memref<10000x128xf32, #tpu.memory_space<hbm>> -> memref<10000x128xf32, #tpu.memory_space<hbm>>
      tpu.wait_indirect_dma semaphore(%arg16 : memref<!tpu.dma_semaphore, #tpu.memory_space<semaphore_mem>>) src(%dma_wait3A_327 : memref<10000x128xf32, #tpu.memory_space<hbm>>) dst(%arg12 : memref<64x128xf32, #tpu.memory_space<vmem>>)
      %add3A_328 = arith.constant 3 : i32
      %add3A_329 = arith.addi %add3A_271, %add3A_328 : i32
      %dma_start3A_330 = arith.constant 0 : i32
      %dma_start3A_331 = tpu.memref_slice %arg8[%add3A_329, %dma_start3A_330] : memref<40x64xi32, #tpu.memory_space<vmem>> -> memref<1x64xi32, #tpu.memory_space<vmem>>
      %dma_start3A_332 = tpu.memref_squeeze %dma_start3A_331 : memref<1x64xi32, #tpu.memory_space<vmem>> -> memref<64xi32, #tpu.memory_space<vmem>>
      %dma_start3A_333 = arith.constant 0 : i32
      %dma_start3A_334 = arith.constant 0 : i32
      %dma_start3A_335 = tpu.memref_slice %arg21[%dma_start3A_333, %dma_start3A_334] : memref<10112x128xf32, #tpu.memory_space<vmem_shared>> -> memref<10112x128xf32, #tpu.memory_space<vmem_shared>>
      tpu.enqueue_indirect_dma source(%arg12 : memref<64x128xf32, #tpu.memory_space<vmem>>) target(%dma_start3A_335 : memref<10112x128xf32, #tpu.memory_space<vmem_shared>>) offsets(%dma_start3A_332 : memref<64xi32, #tpu.memory_space<vmem>>) semaphore(%arg20 : memref<!tpu.dma_semaphore, #tpu.memory_space<semaphore_mem>>) {add = true}
      %add3A_336 = arith.constant 0 : i32
      %add3A_337 = arith.addi %add3A_271, %add3A_336 : i32
      %dma_wait3A_338 = arith.constant 0 : i32
      %dma_wait3A_339 = tpu.memref_slice %arg8[%add3A_337, %dma_wait3A_338] : memref<40x64xi32, #tpu.memory_space<vmem>> -> memref<1x64xi32, #tpu.memory_space<vmem>>
      %dma_wait3A_340 = tpu.memref_squeeze %dma_wait3A_339 : memref<1x64xi32, #tpu.memory_space<vmem>> -> memref<64xi32, #tpu.memory_space<vmem>>
      %dma_wait3A_341 = arith.constant 0 : i32
      %dma_wait3A_342 = arith.constant 0 : i32
      %dma_wait3A_343 = tpu.memref_slice %arg21[%dma_wait3A_341, %dma_wait3A_342] : memref<10112x128xf32, #tpu.memory_space<vmem_shared>> -> memref<10112x128xf32, #tpu.memory_space<vmem_shared>>
      tpu.wait_indirect_dma semaphore(%arg17 : memref<!tpu.dma_semaphore, #tpu.memory_space<semaphore_mem>>) src(%arg9 : memref<64x128xf32, #tpu.memory_space<vmem>>) dst(%dma_wait3A_343 : memref<10112x128xf32, #tpu.memory_space<vmem_shared>>)
      %add3A_344 = arith.constant 4 : i32
      %add3A_345 = arith.addi %add3A_271, %add3A_344 : i32
      %add3A_346 = arith.constant 0 : i32
      %add3A_347 = arith.addi %add3A_345, %add3A_346 : i32
      %min3A = arith.constant 39 : i32
      %min3A_348 = arith.minsi %add3A_347, %min3A : i32
      %dma_start3A_349 = arith.constant 0 : i32
      %dma_start3A_350 = tpu.memref_slice %arg7[%min3A_348, %dma_start3A_349] : memref<40x64xi32, #tpu.memory_space<vmem>> -> memref<1x64xi32, #tpu.memory_space<vmem>>
      %dma_start3A_351 = tpu.memref_squeeze %dma_start3A_350 : memref<1x64xi32, #tpu.memory_space<vmem>> -> memref<64xi32, #tpu.memory_space<vmem>>
      %dma_start3A_352 = arith.constant 0 : i32
      %dma_start3A_353 = arith.constant 0 : i32
      %dma_start3A_354 = tpu.memref_slice %arg2[%dma_start3A_352, %dma_start3A_353] : memref<10000x128xf32, #tpu.memory_space<hbm>> -> memref<10000x128xf32, #tpu.memory_space<hbm>>
      tpu.enqueue_indirect_dma source(%dma_start3A_354 : memref<10000x128xf32, #tpu.memory_space<hbm>>) target(%arg9 : memref<64x128xf32, #tpu.memory_space<vmem>>) offsets(%dma_start3A_351 : memref<64xi32, #tpu.memory_space<vmem>>) semaphore(%arg13 : memref<!tpu.dma_semaphore, #tpu.memory_space<semaphore_mem>>)
      %add3A_355 = arith.constant 1 : i32
      %add3A_356 = arith.addi %add3A_271, %add3A_355 : i32
      %dma_wait3A_357 = arith.constant 0 : i32
      %dma_wait3A_358 = tpu.memref_slice %arg8[%add3A_356, %dma_wait3A_357] : memref<40x64xi32, #tpu.memory_space<vmem>> -> memref<1x64xi32, #tpu.memory_space<vmem>>
      %dma_wait3A_359 = tpu.memref_squeeze %dma_wait3A_358 : memref<1x64xi32, #tpu.memory_space<vmem>> -> memref<64xi32, #tpu.memory_space<vmem>>
      %dma_wait3A_360 = arith.constant 0 : i32
      %dma_wait3A_361 = arith.constant 0 : i32
      %dma_wait3A_362 = tpu.memref_slice %arg21[%dma_wait3A_360, %dma_wait3A_361] : memref<10112x128xf32, #tpu.memory_space<vmem_shared>> -> memref<10112x128xf32, #tpu.memory_space<vmem_shared>>
      tpu.wait_indirect_dma semaphore(%arg18 : memref<!tpu.dma_semaphore, #tpu.memory_space<semaphore_mem>>) src(%arg10 : memref<64x128xf32, #tpu.memory_space<vmem>>) dst(%dma_wait3A_362 : memref<10112x128xf32, #tpu.memory_space<vmem_shared>>)
      %add3A_363 = arith.constant 4 : i32
      %add3A_364 = arith.addi %add3A_271, %add3A_363 : i32
      %add3A_365 = arith.constant 1 : i32
      %add3A_366 = arith.addi %add3A_364, %add3A_365 : i32
      %min3A_367 = arith.constant 39 : i32
      %min3A_368 = arith.minsi %add3A_366, %min3A_367 : i32
      %dma_start3A_369 = arith.constant 0 : i32
      %dma_start3A_370 = tpu.memref_slice %arg7[%min3A_368, %dma_start3A_369] : memref<40x64xi32, #tpu.memory_space<vmem>> -> memref<1x64xi32, #tpu.memory_space<vmem>>
      %dma_start3A_371 = tpu.memref_squeeze %dma_start3A_370 : memref<1x64xi32, #tpu.memory_space<vmem>> -> memref<64xi32, #tpu.memory_space<vmem>>
      %dma_start3A_372 = arith.constant 0 : i32
      %dma_start3A_373 = arith.constant 0 : i32
      %dma_start3A_374 = tpu.memref_slice %arg2[%dma_start3A_372, %dma_start3A_373] : memref<10000x128xf32, #tpu.memory_space<hbm>> -> memref<10000x128xf32, #tpu.memory_space<hbm>>
      tpu.enqueue_indirect_dma source(%dma_start3A_374 : memref<10000x128xf32, #tpu.memory_space<hbm>>) target(%arg10 : memref<64x128xf32, #tpu.memory_space<vmem>>) offsets(%dma_start3A_371 : memref<64xi32, #tpu.memory_space<vmem>>) semaphore(%arg14 : memref<!tpu.dma_semaphore, #tpu.memory_space<semaphore_mem>>)
      %add3A_375 = arith.constant 2 : i32
      %add3A_376 = arith.addi %add3A_271, %add3A_375 : i32
      %dma_wait3A_377 = arith.constant 0 : i32
      %dma_wait3A_378 = tpu.memref_slice %arg8[%add3A_376, %dma_wait3A_377] : memref<40x64xi32, #tpu.memory_space<vmem>> -> memref<1x64xi32, #tpu.memory_space<vmem>>
      %dma_wait3A_379 = tpu.memref_squeeze %dma_wait3A_378 : memref<1x64xi32, #tpu.memory_space<vmem>> -> memref<64xi32, #tpu.memory_space<vmem>>
      %dma_wait3A_380 = arith.constant 0 : i32
      %dma_wait3A_381 = arith.constant 0 : i32
      %dma_wait3A_382 = tpu.memref_slice %arg21[%dma_wait3A_380, %dma_wait3A_381] : memref<10112x128xf32, #tpu.memory_space<vmem_shared>> -> memref<10112x128xf32, #tpu.memory_space<vmem_shared>>
      tpu.wait_indirect_dma semaphore(%arg19 : memref<!tpu.dma_semaphore, #tpu.memory_space<semaphore_mem>>) src(%arg11 : memref<64x128xf32, #tpu.memory_space<vmem>>) dst(%dma_wait3A_382 : memref<10112x128xf32, #tpu.memory_space<vmem_shared>>)
      %add3A_383 = arith.constant 4 : i32
      %add3A_384 = arith.addi %add3A_271, %add3A_383 : i32
      %add3A_385 = arith.constant 2 : i32
      %add3A_386 = arith.addi %add3A_384, %add3A_385 : i32
      %min3A_387 = arith.constant 39 : i32
      %min3A_388 = arith.minsi %add3A_386, %min3A_387 : i32
      %dma_start3A_389 = arith.constant 0 : i32
      %dma_start3A_390 = tpu.memref_slice %arg7[%min3A_388, %dma_start3A_389] : memref<40x64xi32, #tpu.memory_space<vmem>> -> memref<1x64xi32, #tpu.memory_space<vmem>>
      %dma_start3A_391 = tpu.memref_squeeze %dma_start3A_390 : memref<1x64xi32, #tpu.memory_space<vmem>> -> memref<64xi32, #tpu.memory_space<vmem>>
      %dma_start3A_392 = arith.constant 0 : i32
      %dma_start3A_393 = arith.constant 0 : i32
      %dma_start3A_394 = tpu.memref_slice %arg2[%dma_start3A_392, %dma_start3A_393] : memref<10000x128xf32, #tpu.memory_space<hbm>> -> memref<10000x128xf32, #tpu.memory_space<hbm>>
      tpu.enqueue_indirect_dma source(%dma_start3A_394 : memref<10000x128xf32, #tpu.memory_space<hbm>>) target(%arg11 : memref<64x128xf32, #tpu.memory_space<vmem>>) offsets(%dma_start3A_391 : memref<64xi32, #tpu.memory_space<vmem>>) semaphore(%arg15 : memref<!tpu.dma_semaphore, #tpu.memory_space<semaphore_mem>>)
      %add3A_395 = arith.constant 3 : i32
      %add3A_396 = arith.addi %add3A_271, %add3A_395 : i32
      %dma_wait3A_397 = arith.constant 0 : i32
      %dma_wait3A_398 = tpu.memref_slice %arg8[%add3A_396, %dma_wait3A_397] : memref<40x64xi32, #tpu.memory_space<vmem>> -> memref<1x64xi32, #tpu.memory_space<vmem>>
      %dma_wait3A_399 = tpu.memref_squeeze %dma_wait3A_398 : memref<1x64xi32, #tpu.memory_space<vmem>> -> memref<64xi32, #tpu.memory_space<vmem>>
      %dma_wait3A_400 = arith.constant 0 : i32
      %dma_wait3A_401 = arith.constant 0 : i32
      %dma_wait3A_402 = tpu.memref_slice %arg21[%dma_wait3A_400, %dma_wait3A_401] : memref<10112x128xf32, #tpu.memory_space<vmem_shared>> -> memref<10112x128xf32, #tpu.memory_space<vmem_shared>>
      tpu.wait_indirect_dma semaphore(%arg20 : memref<!tpu.dma_semaphore, #tpu.memory_space<semaphore_mem>>) src(%arg12 : memref<64x128xf32, #tpu.memory_space<vmem>>) dst(%dma_wait3A_402 : memref<10112x128xf32, #tpu.memory_space<vmem_shared>>)
      %add3A_403 = arith.constant 4 : i32
      %add3A_404 = arith.addi %add3A_271, %add3A_403 : i32
      %add3A_405 = arith.constant 3 : i32
      %add3A_406 = arith.addi %add3A_404, %add3A_405 : i32
      %min3A_407 = arith.constant 39 : i32
      %min3A_408 = arith.minsi %add3A_406, %min3A_407 : i32
      %dma_start3A_409 = arith.constant 0 : i32
      %dma_start3A_410 = tpu.memref_slice %arg7[%min3A_408, %dma_start3A_409] : memref<40x64xi32, #tpu.memory_space<vmem>> -> memref<1x64xi32, #tpu.memory_space<vmem>>
      %dma_start3A_411 = tpu.memref_squeeze %dma_start3A_410 : memref<1x64xi32, #tpu.memory_space<vmem>> -> memref<64xi32, #tpu.memory_space<vmem>>
      %dma_start3A_412 = arith.constant 0 : i32
      %dma_start3A_413 = arith.constant 0 : i32
      %dma_start3A_414 = tpu.memref_slice %arg2[%dma_start3A_412, %dma_start3A_413] : memref<10000x128xf32, #tpu.memory_space<hbm>> -> memref<10000x128xf32, #tpu.memory_space<hbm>>
      tpu.enqueue_indirect_dma source(%dma_start3A_414 : memref<10000x128xf32, #tpu.memory_space<hbm>>) target(%arg12 : memref<64x128xf32, #tpu.memory_space<vmem>>) offsets(%dma_start3A_411 : memref<64xi32, #tpu.memory_space<vmem>>) semaphore(%arg16 : memref<!tpu.dma_semaphore, #tpu.memory_space<semaphore_mem>>)
    }
    %scan3A_233 = arith.constant 10 : i32
    %dma_wait3A_234 = arith.constant 39 : i32
    %dma_wait3A_235 = arith.constant 0 : i32
    %dma_wait3A_236 = tpu.memref_slice %arg7[%dma_wait3A_234, %dma_wait3A_235] : memref<40x64xi32, #tpu.memory_space<vmem>> -> memref<1x64xi32, #tpu.memory_space<vmem>>
    %dma_wait3A_237 = tpu.memref_squeeze %dma_wait3A_236 : memref<1x64xi32, #tpu.memory_space<vmem>> -> memref<64xi32, #tpu.memory_space<vmem>>
    %dma_wait3A_238 = arith.constant 0 : i32
    %dma_wait3A_239 = arith.constant 0 : i32
    %dma_wait3A_240 = tpu.memref_slice %arg2[%dma_wait3A_238, %dma_wait3A_239] : memref<10000x128xf32, #tpu.memory_space<hbm>> -> memref<10000x128xf32, #tpu.memory_space<hbm>>
    tpu.wait_indirect_dma semaphore(%arg13 : memref<!tpu.dma_semaphore, #tpu.memory_space<semaphore_mem>>) src(%dma_wait3A_240 : memref<10000x128xf32, #tpu.memory_space<hbm>>) dst(%arg9 : memref<64x128xf32, #tpu.memory_space<vmem>>)
    %dma_wait3A_241 = arith.constant 39 : i32
    %dma_wait3A_242 = arith.constant 0 : i32
    %dma_wait3A_243 = tpu.memref_slice %arg7[%dma_wait3A_241, %dma_wait3A_242] : memref<40x64xi32, #tpu.memory_space<vmem>> -> memref<1x64xi32, #tpu.memory_space<vmem>>
    %dma_wait3A_244 = tpu.memref_squeeze %dma_wait3A_243 : memref<1x64xi32, #tpu.memory_space<vmem>> -> memref<64xi32, #tpu.memory_space<vmem>>
    %dma_wait3A_245 = arith.constant 0 : i32
    %dma_wait3A_246 = arith.constant 0 : i32
    %dma_wait3A_247 = tpu.memref_slice %arg2[%dma_wait3A_245, %dma_wait3A_246] : memref<10000x128xf32, #tpu.memory_space<hbm>> -> memref<10000x128xf32, #tpu.memory_space<hbm>>
    tpu.wait_indirect_dma semaphore(%arg14 : memref<!tpu.dma_semaphore, #tpu.memory_space<semaphore_mem>>) src(%dma_wait3A_247 : memref<10000x128xf32, #tpu.memory_space<hbm>>) dst(%arg10 : memref<64x128xf32, #tpu.memory_space<vmem>>)
    %dma_wait3A_248 = arith.constant 39 : i32
    %dma_wait3A_249 = arith.constant 0 : i32
    %dma_wait3A_250 = tpu.memref_slice %arg7[%dma_wait3A_248, %dma_wait3A_249] : memref<40x64xi32, #tpu.memory_space<vmem>> -> memref<1x64xi32, #tpu.memory_space<vmem>>
    %dma_wait3A_251 = tpu.memref_squeeze %dma_wait3A_250 : memref<1x64xi32, #tpu.memory_space<vmem>> -> memref<64xi32, #tpu.memory_space<vmem>>
    %dma_wait3A_252 = arith.constant 0 : i32
    %dma_wait3A_253 = arith.constant 0 : i32
    %dma_wait3A_254 = tpu.memref_slice %arg2[%dma_wait3A_252, %dma_wait3A_253] : memref<10000x128xf32, #tpu.memory_space<hbm>> -> memref<10000x128xf32, #tpu.memory_space<hbm>>
    tpu.wait_indirect_dma semaphore(%arg15 : memref<!tpu.dma_semaphore, #tpu.memory_space<semaphore_mem>>) src(%dma_wait3A_254 : memref<10000x128xf32, #tpu.memory_space<hbm>>) dst(%arg11 : memref<64x128xf32, #tpu.memory_space<vmem>>)
    %dma_wait3A_255 = arith.constant 39 : i32
    %dma_wait3A_256 = arith.constant 0 : i32
    %dma_wait3A_257 = tpu.memref_slice %arg7[%dma_wait3A_255, %dma_wait3A_256] : memref<40x64xi32, #tpu.memory_space<vmem>> -> memref<1x64xi32, #tpu.memory_space<vmem>>
    %dma_wait3A_258 = tpu.memref_squeeze %dma_wait3A_257 : memref<1x64xi32, #tpu.memory_space<vmem>> -> memref<64xi32, #tpu.memory_space<vmem>>
    %dma_wait3A_259 = arith.constant 0 : i32
    %dma_wait3A_260 = arith.constant 0 : i32
    %dma_wait3A_261 = tpu.memref_slice %arg2[%dma_wait3A_259, %dma_wait3A_260] : memref<10000x128xf32, #tpu.memory_space<hbm>> -> memref<10000x128xf32, #tpu.memory_space<hbm>>
    tpu.wait_indirect_dma semaphore(%arg16 : memref<!tpu.dma_semaphore, #tpu.memory_space<semaphore_mem>>) src(%dma_wait3A_261 : memref<10000x128xf32, #tpu.memory_space<hbm>>) dst(%arg12 : memref<64x128xf32, #tpu.memory_space<vmem>>)
    %barrier3A_262 = arith.constant 0 : index
    tpu.barrier barrier_id(%barrier3A_262)
    %mul3A_263 = arith.constant 632 : i32
    %mul3A_264 = arith.muli %arg1, %mul3A_263 : i32
    %mul3A_265 = arith.constant 632 : i32
    %mul3A_266 = arith.muli %arg1, %mul3A_265 : i32
    "tpu.region"() ({
      %run_scoped3A = tpu.sem_alloc : memref<!tpu.dma_semaphore, #tpu.memory_space<semaphore_mem>>
      %dma_start3A_267 = arith.constant 0 : i32
      %dma_start3A_268 = tpu.memref_slice %arg6[%arg0, %mul3A_266, %dma_start3A_267] : memref<2x10112x128xf32, #tpu.memory_space<hbm>> -> memref<1x632x128xf32, #tpu.memory_space<hbm>>
      %dma_start3A_269 = tpu.memref_squeeze %dma_start3A_268 : memref<1x632x128xf32, #tpu.memory_space<hbm>> -> memref<632x128xf32, #tpu.memory_space<hbm>>
      %dma_start3A_270 = arith.constant 0 : i32
      %dma_start3A_271 = tpu.memref_slice %arg21[%mul3A_264, %dma_start3A_270] : memref<10112x128xf32, #tpu.memory_space<vmem_shared>> -> memref<632x128xf32, #tpu.memory_space<vmem_shared>>
      tpu.enqueue_dma source(%dma_start3A_271 : memref<632x128xf32, #tpu.memory_space<vmem_shared>>) target(%dma_start3A_269 : memref<632x128xf32, #tpu.memory_space<hbm>>) target_semaphore(%run_scoped3A : memref<!tpu.dma_semaphore, #tpu.memory_space<semaphore_mem>>)
      %dma_wait3A_272 = arith.constant 0 : i32
      %dma_wait3A_273 = tpu.memref_slice %arg6[%arg0, %mul3A_266, %dma_wait3A_272] : memref<2x10112x128xf32, #tpu.memory_space<hbm>> -> memref<1x632x128xf32, #tpu.memory_space<hbm>>
      %dma_wait3A_274 = tpu.memref_squeeze %dma_wait3A_273 : memref<1x632x128xf32, #tpu.memory_space<hbm>> -> memref<632x128xf32, #tpu.memory_space<hbm>>
      %dma_wait3A_275 = arith.constant 0 : i32
      %dma_wait3A_276 = tpu.memref_slice %arg21[%mul3A_264, %dma_wait3A_275] : memref<10112x128xf32, #tpu.memory_space<vmem_shared>> -> memref<632x128xf32, #tpu.memory_space<vmem_shared>>
      tpu.wait_dma2 semaphore(%run_scoped3A : memref<!tpu.dma_semaphore, #tpu.memory_space<semaphore_mem>>) src(%dma_wait3A_276 : memref<632x128xf32, #tpu.memory_space<vmem_shared>>) dst(%dma_wait3A_274 : memref<632x128xf32, #tpu.memory_space<hbm>>)
      tpu.yield
    }) : () -> ()
    return
  }
}

module attributes {stable_mosaic.version = 14 : i64} {
  func.func @_tc_mm_body(%arg0: i32, %arg1: memref<400x128xf32, #tpu.memory_space<vmem>>, %arg2: memref<128x128xf32, #tpu.memory_space<vmem>>, %arg3: memref<400x128xf32, #tpu.memory_space<vmem>>) attributes {dimension_semantics = [#tpu.dimension_semantics<arbitrary>], iteration_bounds = array<i64: 25>, scalar_prefetch = 0 : i64, scratch_operands = 0 : i64, tpu.core_type = #tpu.core_type<tc>, window_params = [{transform_indices = @transform_0, window_bounds = array<i64: 400, 128>}, {pipeline_mode = #tpu.pipeline_mode<synchronous>, transform_indices = @transform_1, window_bounds = array<i64: 128, 128>}, {transform_indices = @transform_2, window_bounds = array<i64: 400, 128>}]} {
    %get3A = arith.constant 0 : index
    %get3A_0 = arith.constant 0 : index
    %get3A_1 = vector.load %arg1[%get3A, %get3A_0] : memref<400x128xf32, #tpu.memory_space<vmem>>, vector<400x128xf32>
    %get3A_2 = arith.constant 0 : index
    %get3A_3 = arith.constant 0 : index
    %get3A_4 = vector.load %arg2[%get3A_2, %get3A_3] : memref<128x128xf32, #tpu.memory_space<vmem>>, vector<128x128xf32>
    %dot_general3A = arith.constant dense<0.000000e+00> : vector<400x128xf32>
    %dot_general3A_5 = tpu.matmul %get3A_1, %get3A_4, %dot_general3A {dimension_numbers = #tpu.dot_dimension_numbers<[1], [0], [0], [1], [0, 0, 1, 1], [], []>, transpose_lhs_hint = false} : vector<400x128xf32>, vector<128x128xf32>, vector<400x128xf32> -> vector<400x128xf32>
    %swap3A = arith.constant 0 : index
    %swap3A_6 = arith.constant 0 : index
    %swap3A_7 = vector.load %arg3[%swap3A, %swap3A_6] : memref<400x128xf32, #tpu.memory_space<vmem>>, vector<400x128xf32>
    tpu.vector_store %arg3[%swap3A, %swap3A_6], %dot_general3A_5 {strides = array<i32>} : memref<400x128xf32, #tpu.memory_space<vmem>>, vector<400x128xf32>,
    return
  }
  func.func @transform_0(%arg0: i32) -> (i32, i32) {
    %c0_i32 = arith.constant 0 : i32
    %c0_i32_0 = arith.constant 0 : i32
    return %arg0, %c0_i32 : i32, i32
  }
  func.func @transform_1(%arg0: i32) -> (i32, i32) {
    %c0_i32 = arith.constant 0 : i32
    %c0_i32_0 = arith.constant 0 : i32
    %c0_i32_1 = arith.constant 0 : i32
    return %c0_i32, %c0_i32_0 : i32, i32
  }
  func.func @transform_2(%arg0: i32) -> (i32, i32) {
    %c0_i32 = arith.constant 0 : i32
    %c0_i32_0 = arith.constant 0 : i32
    return %arg0, %c0_i32 : i32, i32
  }
}

module attributes {stable_mosaic.version = 14 : i64} {
  func.func @_tc_scale_body(%arg0: i32, %arg1: memref<2x400x128xf32, #tpu.memory_space<vmem>>, %arg2: memref<400x128xf32, #tpu.memory_space<vmem>>, %arg3: memref<400x128xf32, #tpu.memory_space<vmem>>, %arg4: memref<400x1xf32, #tpu.memory_space<vmem>>) attributes {dimension_semantics = [#tpu.dimension_semantics<arbitrary>], iteration_bounds = array<i64: 25>, scalar_prefetch = 0 : i64, scratch_operands = 0 : i64, tpu.core_type = #tpu.core_type<tc>, window_params = [{transform_indices = @transform_0, window_bounds = array<i64: 2, 400, 128>}, {transform_indices = @transform_1, window_bounds = array<i64: 400, 128>}, {transform_indices = @transform_2, window_bounds = array<i64: 400, 128>}, {transform_indices = @transform_3, window_bounds = array<i64: 400, 1>}]} {
    %get3A = arith.constant 0 : index
    %get3A_0 = arith.constant 0 : index
    %get3A_1 = arith.constant 0 : index
    %get3A_2 = vector.load %arg1[%get3A, %get3A_0, %get3A_1] : memref<2x400x128xf32, #tpu.memory_space<vmem>>, vector<2x400x128xf32>
    %slice3A = vector.extract_strided_slice %get3A_2 {offsets = [0, 0, 0], sizes = [1, 400, 1], strides = [1, 1, 1]} : vector<2x400x128xf32> to vector<1x400x1xf32>
    %squeeze3A = vector.shape_cast %slice3A : vector<1x400x1xf32> to vector<400x1xf32>
    %add3A = arith.constant 1.000000e+00 : f32
    %add3A_3 = vector.broadcast %add3A : f32 to vector<400x1xf32>
    %add3A_4 = arith.addf %add3A_3, %squeeze3A : vector<400x1xf32>
    %slice3A_5 = vector.extract_strided_slice %get3A_2 {offsets = [1, 0, 0], sizes = [1, 400, 1], strides = [1, 1, 1]} : vector<2x400x128xf32> to vector<1x400x1xf32>
    %squeeze3A_6 = vector.shape_cast %slice3A_5 : vector<1x400x1xf32> to vector<400x1xf32>
    %add3A_7 = arith.addf %add3A_4, %squeeze3A_6 : vector<400x1xf32>
    %rsqrt3A = math.rsqrt %add3A_7 : vector<400x1xf32>
    %get3A_8 = arith.constant 0 : index
    %get3A_9 = arith.constant 0 : index
    %get3A_10 = vector.load %arg2[%get3A_8, %get3A_9] : memref<400x128xf32, #tpu.memory_space<vmem>>, vector<400x128xf32>
    %mul3A = vector.broadcast %rsqrt3A : vector<400x1xf32> to vector<400x128xf32>
    %mul3A_11 = arith.mulf %mul3A, %get3A_10 : vector<400x128xf32>
    %swap3A = arith.constant 0 : index
    %swap3A_12 = arith.constant 0 : index
    %swap3A_13 = vector.load %arg3[%swap3A, %swap3A_12] : memref<400x128xf32, #tpu.memory_space<vmem>>, vector<400x128xf32>
    tpu.vector_store %arg3[%swap3A, %swap3A_12], %mul3A_11 {strides = array<i32>} : memref<400x128xf32, #tpu.memory_space<vmem>>, vector<400x128xf32>,
    %swap3A_14 = arith.constant 0 : index
    %swap3A_15 = arith.constant 0 : index
    %swap3A_16 = vector.load %arg4[%swap3A_14, %swap3A_15] : memref<400x1xf32, #tpu.memory_space<vmem>>, vector<400x1xf32>
    tpu.vector_store %arg4[%swap3A_14, %swap3A_15], %rsqrt3A {strides = array<i32>} : memref<400x1xf32, #tpu.memory_space<vmem>>, vector<400x1xf32>,
    return
  }
  func.func @transform_0(%arg0: i32) -> (i32, i32, i32) {
    %c0_i32 = arith.constant 0 : i32
    %c0_i32_0 = arith.constant 0 : i32
    %c0_i32_1 = arith.constant 0 : i32
    return %c0_i32, %arg0, %c0_i32_0 : i32, i32, i32
  }
  func.func @transform_1(%arg0: i32) -> (i32, i32) {
    %c0_i32 = arith.constant 0 : i32
    %c0_i32_0 = arith.constant 0 : i32
    return %arg0, %c0_i32 : i32, i32
  }
  func.func @transform_2(%arg0: i32) -> (i32, i32) {
    %c0_i32 = arith.constant 0 : i32
    %c0_i32_0 = arith.constant 0 : i32
    return %arg0, %c0_i32 : i32, i32
  }
  func.func @transform_3(%arg0: i32) -> (i32, i32) {
    %c0_i32 = arith.constant 0 : i32
    %c0_i32_0 = arith.constant 0 : i32
    return %arg0, %c0_i32 : i32, i32
  }
}

module attributes {stable_mosaic.version = 14 : i64} {
  func.func @_tc2_body(%arg0: i32, %arg1: memref<2x400x128xf32, #tpu.memory_space<vmem>>, %arg2: memref<400x128xf32, #tpu.memory_space<vmem>>, %arg3: memref<400x1xf32, #tpu.memory_space<vmem>>, %arg4: memref<1x128xf32, #tpu.memory_space<vmem>>, %arg5: memref<128x128xf32, #tpu.memory_space<vmem>>, %arg6: memref<400x128xf32, #tpu.memory_space<vmem>>) attributes {dimension_semantics = [#tpu.dimension_semantics<arbitrary>], iteration_bounds = array<i64: 25>, scalar_prefetch = 0 : i64, scratch_operands = 0 : i64, tpu.core_type = #tpu.core_type<tc>, window_params = [{transform_indices = @transform_0, window_bounds = array<i64: 2, 400, 128>}, {transform_indices = @transform_1, window_bounds = array<i64: 400, 128>}, {transform_indices = @transform_2, window_bounds = array<i64: 400, 1>}, {pipeline_mode = #tpu.pipeline_mode<synchronous>, transform_indices = @transform_3, window_bounds = array<i64: 1, 128>}, {pipeline_mode = #tpu.pipeline_mode<synchronous>, transform_indices = @transform_4, window_bounds = array<i64: 128, 128>}, {transform_indices = @transform_5, window_bounds = array<i64: 400, 128>}]} {
    %get3A = arith.constant 0 : index
    %get3A_0 = arith.constant 0 : index
    %get3A_1 = arith.constant 0 : index
    %get3A_2 = vector.load %arg1[%get3A, %get3A_0, %get3A_1] : memref<2x400x128xf32, #tpu.memory_space<vmem>>, vector<2x400x128xf32>
    %get3A_3 = arith.constant 0 : index
    %get3A_4 = arith.constant 0 : index
    %get3A_5 = vector.load %arg3[%get3A_3, %get3A_4] : memref<400x1xf32, #tpu.memory_space<vmem>>, vector<400x1xf32>
    %slice3A = vector.extract_strided_slice %get3A_2 {offsets = [0, 0, 0], sizes = [1, 400, 128], strides = [1, 1, 1]} : vector<2x400x128xf32> to vector<1x400x128xf32>
    %squeeze3A = vector.shape_cast %slice3A : vector<1x400x128xf32> to vector<400x128xf32>
    %slice3A_6 = vector.extract_strided_slice %get3A_2 {offsets = [1, 0, 0], sizes = [1, 400, 128], strides = [1, 1, 1]} : vector<2x400x128xf32> to vector<1x400x128xf32>
    %squeeze3A_7 = vector.shape_cast %slice3A_6 : vector<1x400x128xf32> to vector<400x128xf32>
    %add3A = arith.addf %squeeze3A, %squeeze3A_7 : vector<400x128xf32>
    %get3A_8 = arith.constant 0 : index
    %get3A_9 = arith.constant 0 : index
    %get3A_10 = vector.load %arg2[%get3A_8, %get3A_9] : memref<400x128xf32, #tpu.memory_space<vmem>>, vector<400x128xf32>
    %add3A_11 = arith.addf %add3A, %get3A_10 : vector<400x128xf32>
    %mul3A = vector.broadcast %get3A_5 : vector<400x1xf32> to vector<400x128xf32>
    %mul3A_12 = arith.mulf %mul3A, %add3A_11 : vector<400x128xf32>
    %get3A_13 = arith.constant 0 : index
    %get3A_14 = arith.constant 0 : index
    %get3A_15 = vector.load %arg4[%get3A_13, %get3A_14] : memref<1x128xf32, #tpu.memory_space<vmem>>, vector<1x128xf32>
    %add3A_16 = vector.broadcast %get3A_15 : vector<1x128xf32> to vector<400x128xf32>
    %add3A_17 = arith.addf %mul3A_12, %add3A_16 : vector<400x128xf32>
    %max3A = arith.constant 0.000000e+00 : f32
    %max3A_18 = vector.broadcast %max3A : f32 to vector<400x128xf32>
    %max3A_19 = arith.maximumf %add3A_17, %max3A_18 : vector<400x128xf32>
    %get3A_20 = arith.constant 0 : index
    %get3A_21 = arith.constant 0 : index
    %get3A_22 = vector.load %arg5[%get3A_20, %get3A_21] : memref<128x128xf32, #tpu.memory_space<vmem>>, vector<128x128xf32>
    %dot_general3A = arith.constant dense<0.000000e+00> : vector<400x128xf32>
    %dot_general3A_23 = tpu.matmul %max3A_19, %get3A_22, %dot_general3A {dimension_numbers = #tpu.dot_dimension_numbers<[1], [0], [0], [1], [0, 0, 1, 1], [], []>, transpose_lhs_hint = false} : vector<400x128xf32>, vector<128x128xf32>, vector<400x128xf32> -> vector<400x128xf32>
    %mul3A_24 = vector.broadcast %get3A_5 : vector<400x1xf32> to vector<400x128xf32>
    %mul3A_25 = arith.mulf %mul3A_24, %dot_general3A_23 : vector<400x128xf32>
    %swap3A = arith.constant 0 : index
    %swap3A_26 = arith.constant 0 : index
    %swap3A_27 = vector.load %arg6[%swap3A, %swap3A_26] : memref<400x128xf32, #tpu.memory_space<vmem>>, vector<400x128xf32>
    tpu.vector_store %arg6[%swap3A, %swap3A_26], %mul3A_25 {strides = array<i32>} : memref<400x128xf32, #tpu.memory_space<vmem>>, vector<400x128xf32>,
    return
  }
  func.func @transform_0(%arg0: i32) -> (i32, i32, i32) {
    %c0_i32 = arith.constant 0 : i32
    %c0_i32_0 = arith.constant 0 : i32
    %c0_i32_1 = arith.constant 0 : i32
    return %c0_i32, %arg0, %c0_i32_0 : i32, i32, i32
  }
  func.func @transform_1(%arg0: i32) -> (i32, i32) {
    %c0_i32 = arith.constant 0 : i32
    %c0_i32_0 = arith.constant 0 : i32
    return %arg0, %c0_i32 : i32, i32
  }
  func.func @transform_2(%arg0: i32) -> (i32, i32) {
    %c0_i32 = arith.constant 0 : i32
    %c0_i32_0 = arith.constant 0 : i32
    return %arg0, %c0_i32 : i32, i32
  }
  func.func @transform_3(%arg0: i32) -> (i32, i32) {
    %c0_i32 = arith.constant 0 : i32
    %c0_i32_0 = arith.constant 0 : i32
    %c0_i32_1 = arith.constant 0 : i32
    return %c0_i32, %c0_i32_0 : i32, i32
  }
  func.func @transform_4(%arg0: i32) -> (i32, i32) {
    %c0_i32 = arith.constant 0 : i32
    %c0_i32_0 = arith.constant 0 : i32
    %c0_i32_1 = arith.constant 0 : i32
    return %c0_i32, %c0_i32_0 : i32, i32
  }
  func.func @transform_5(%arg0: i32) -> (i32, i32) {
    %c0_i32 = arith.constant 0 : i32
    %c0_i32_0 = arith.constant 0 : i32
    return %arg0, %c0_i32 : i32, i32
  }
}

module attributes {stable_mosaic.version = 14 : i64} {
  func.func @_tc3_body(%arg0: i32, %arg1: memref<2x400x128xf32, #tpu.memory_space<vmem>>, %arg2: memref<400x128xf32, #tpu.memory_space<vmem>>, %arg3: memref<400x1xf32, #tpu.memory_space<vmem>>, %arg4: memref<1x128xf32, #tpu.memory_space<vmem>>, %arg5: memref<400x128xf32, #tpu.memory_space<vmem>>) attributes {dimension_semantics = [#tpu.dimension_semantics<arbitrary>], iteration_bounds = array<i64: 25>, scalar_prefetch = 0 : i64, scratch_operands = 0 : i64, tpu.core_type = #tpu.core_type<tc>, window_params = [{transform_indices = @transform_0, window_bounds = array<i64: 2, 400, 128>}, {transform_indices = @transform_1, window_bounds = array<i64: 400, 128>}, {transform_indices = @transform_2, window_bounds = array<i64: 400, 1>}, {pipeline_mode = #tpu.pipeline_mode<synchronous>, transform_indices = @transform_3, window_bounds = array<i64: 1, 128>}, {transform_indices = @transform_4, window_bounds = array<i64: 400, 128>}]} {
    %get3A = arith.constant 0 : index
    %get3A_0 = arith.constant 0 : index
    %get3A_1 = arith.constant 0 : index
    %get3A_2 = vector.load %arg1[%get3A, %get3A_0, %get3A_1] : memref<2x400x128xf32, #tpu.memory_space<vmem>>, vector<2x400x128xf32>
    %get3A_3 = arith.constant 0 : index
    %get3A_4 = arith.constant 0 : index
    %get3A_5 = vector.load %arg3[%get3A_3, %get3A_4] : memref<400x1xf32, #tpu.memory_space<vmem>>, vector<400x1xf32>
    %slice3A = vector.extract_strided_slice %get3A_2 {offsets = [0, 0, 0], sizes = [1, 400, 128], strides = [1, 1, 1]} : vector<2x400x128xf32> to vector<1x400x128xf32>
    %squeeze3A = vector.shape_cast %slice3A : vector<1x400x128xf32> to vector<400x128xf32>
    %slice3A_6 = vector.extract_strided_slice %get3A_2 {offsets = [1, 0, 0], sizes = [1, 400, 128], strides = [1, 1, 1]} : vector<2x400x128xf32> to vector<1x400x128xf32>
    %squeeze3A_7 = vector.shape_cast %slice3A_6 : vector<1x400x128xf32> to vector<400x128xf32>
    %add3A = arith.addf %squeeze3A, %squeeze3A_7 : vector<400x128xf32>
    %get3A_8 = arith.constant 0 : index
    %get3A_9 = arith.constant 0 : index
    %get3A_10 = vector.load %arg2[%get3A_8, %get3A_9] : memref<400x128xf32, #tpu.memory_space<vmem>>, vector<400x128xf32>
    %add3A_11 = arith.addf %add3A, %get3A_10 : vector<400x128xf32>
    %mul3A = vector.broadcast %get3A_5 : vector<400x1xf32> to vector<400x128xf32>
    %mul3A_12 = arith.mulf %mul3A, %add3A_11 : vector<400x128xf32>
    %get3A_13 = arith.constant 0 : index
    %get3A_14 = arith.constant 0 : index
    %get3A_15 = vector.load %arg4[%get3A_13, %get3A_14] : memref<1x128xf32, #tpu.memory_space<vmem>>, vector<1x128xf32>
    %add3A_16 = vector.broadcast %get3A_15 : vector<1x128xf32> to vector<400x128xf32>
    %add3A_17 = arith.addf %mul3A_12, %add3A_16 : vector<400x128xf32>
    %swap3A = arith.constant 0 : index
    %swap3A_18 = arith.constant 0 : index
    %swap3A_19 = vector.load %arg5[%swap3A, %swap3A_18] : memref<400x128xf32, #tpu.memory_space<vmem>>, vector<400x128xf32>
    tpu.vector_store %arg5[%swap3A, %swap3A_18], %add3A_17 {strides = array<i32>} : memref<400x128xf32, #tpu.memory_space<vmem>>, vector<400x128xf32>,
    return
  }
  func.func @transform_0(%arg0: i32) -> (i32, i32, i32) {
    %c0_i32 = arith.constant 0 : i32
    %c0_i32_0 = arith.constant 0 : i32
    %c0_i32_1 = arith.constant 0 : i32
    return %c0_i32, %arg0, %c0_i32_0 : i32, i32, i32
  }
  func.func @transform_1(%arg0: i32) -> (i32, i32) {
    %c0_i32 = arith.constant 0 : i32
    %c0_i32_0 = arith.constant 0 : i32
    return %arg0, %c0_i32 : i32, i32
  }
  func.func @transform_2(%arg0: i32) -> (i32, i32) {
    %c0_i32 = arith.constant 0 : i32
    %c0_i32_0 = arith.constant 0 : i32
    return %arg0, %c0_i32 : i32, i32
  }
  func.func @transform_3(%arg0: i32) -> (i32, i32) {
    %c0_i32 = arith.constant 0 : i32
    %c0_i32_0 = arith.constant 0 : i32
    %c0_i32_1 = arith.constant 0 : i32
    return %c0_i32, %c0_i32_0 : i32, i32
  }
  func.func @transform_4(%arg0: i32) -> (i32, i32) {
    %c0_i32 = arith.constant 0 : i32
    %c0_i32_0 = arith.constant 0 : i32
    return %arg0, %c0_i32 : i32, i32
  }
}

</mosaic_0001>

<sc_bundles>
// kernel: kernel.12.cloned.1.call-start
scs
__scs_entry_jumppad:
0x0: {  	(pc) =	sbr.rel $0x88, $3  }
0x1: {  	(tag) =	ssettag $0x0;
	lr =	simm.s32 $0x1  }
0x2: {  	[smem:$0x3F9B] =	sst lr;
	_ =	strace $0xD0000000  }
0x3: {  	_ = 	snop  }
0x4: {  	_ = 	snop  }
0x5: {  	_ = 	snop  }
0x6: {  	_ = 	snop  }
0x7: {  	_ = 	snop  }
__scs_overlays_trampoline_lowered:
0x8: {  	[smem:$0x3FAA] =	sst s0  }
0x9: {  	[smem:$0x3FAB] =	sst s1  }
0xa: {  	[smem:$0x3FAC] =	sst s2  }
0xb: {  	[smem:$0x3FAD] =	sst s3  }
0xc: {  	[smem:$0x3FAE] =	sst s4  }
0xd: {  	[smem:$0x3FAF] =	sst s5  }
0xe: {  	[smem:$0x3FB0] =	sst s6  }
0xf: {  	[smem:$0x3FB1] =	sst s7  }
0x10: {  	[smem:$0x3FB2] =	sst s8  }
0x11: {  	[smem:$0x3FB3] =	sst s9;
	s0 =	simm.s32 @!p0 $0x0  }
0x12: {  	s1 =	sld [smem:$0x3F99];
	s0 =	simm.s32 @p0 $0x1  }
0x13: {  	[smem:$0x3FB4] =	sst s0;
	s0 =	simm.s32 @!p1 $0x0  }
0x14: {  	s2 =	sld [smem:$0x3F98];
	s0 =	simm.s32 @p1 $0x1  }
0x15: {  	[smem:$0x3FB5] =	sst s0;
	s0 =	simm.s32 @!p2 $0x0  }
0x16: {  	s3 =	sld [smem:$0x3FDB];
	s0 =	simm.s32 @p2 $0x1  }
0x17: {  	s4 =	simm.s32 $0x1BF5;
	[smem:$0x3FB7] =	sst s0  }
0x18: {  	s0 =	sld [smem:$0x3F9A];
	_ =	swait.ge [sflag:s4], $0x0  }
0x19: {  	s7 =	sld [smem:$0x3F9B]  }
0x1a: {  	s8 =	sadd.s32 $0xFFFFE003, lr  }
0x1b: {  	s9 =	sadd.s32 $0xFFFFFEF7, lr;
	s5 =	simm.s32 $0xFFFFFFFF;
	p2 =	slt.u32 s8, $0xFFFFF086  }
0x1c: {  	p1 =	slt.u32 s9, $0xF7A;
	s5 =	simm.s32 @!p2 $0x0  }
0x1d: {  	s5 =	simm.s32 @p1 $0x1;
	p0 =	seq.s32 s7, s2  }
0x1e: {  	s7 =	smul.u32 @!p0 $0xF7A, s2;
	p2 =	seq.s32 @!p0 s5, $0x0  }
0x1f: {  	s9 =	smul.u32 $0xF7A, s1;
	s8 =	simm.s32 @!p0 $0x1BF5;
	p2 =	por !p2, p0  }
0x20: {  	[sflag:s8] =	ssyncset.s32 @!p0 $0xFFFFF086;
	s6 =	sadd.s32 @!p0 s3, s7;
	s7 =	simm.s32 @!p0 $0x108  }
0x21: {  	s3 =	sadd.s32 s3, s9;
	s6 =	sadd.s32 @!p0 $0x88, s6;
	s7 =	simm.s32 @p2 $0x1082  }
0x22: {  	[simem:s7], [sflag:s8] =	dma.local @!p0 [hbm:s6], $0xF7A  }
0x23: {  	s9 =	sor.u32 $0xD0000000, s2;
	s6 =	simm.s32 $0x108;
	_ =	swait.ge @!p0 [sflag:s8], $0x0  }
0x24: {  	s3 =	sadd.s32 $0x88, s3;
	s6 =	simm.s32 @!p1 $0x1082;
	[sflag:s4] =	ssyncset.s32 $0xFFFFF086  }
0x25: {  	[simem:s6], [sflag:s4] =	dma.local [hbm:s3], $0xF7A  }
0x26: {  	[smem:$0x3F9B] =	sst s1;
	(tag) =	ssettag s2;
	_ =	strace s9  }
0x27: {  	s1 =	sld [smem:$0x3FAB]  }
0x28: {  	s2 =	sld [smem:$0x3FAC]  }
0x29: {  	s4 =	sld [smem:$0x3FAE]  }
0x2a: {  	p0 =	seq.s32 s5, $0x0;
	s5 =	sld [smem:$0x3FAF]  }
0x2b: {  	s6 =	sld [smem:$0x3FB0]  }
0x2c: {  	s7 =	sld [smem:$0x3FB1]  }
0x2d: {  	s3 =	simm.s32 $0x108;
	s8 =	sld [smem:$0x3FB2]  }
0x2e: {  	s3 =	simm.s32 @!p0 $0x1082;
	s9 =	sld [smem:$0x3FB3]  }
0x2f: {  	lr =	sadd.s32 s0, s3;
	s0 =	sld [smem:$0x3FAA]  }
0x30: {  	s3 =	sld [smem:$0x3FAD]  }
0x31: {  	[smem:$0x3FB6] =	sst s10  }
0x32: {  	s10 =	sld [smem:$0x3FB4];
	_ =	sdelay $0x3  }
0x33: {  	p0 =	seq.s32 s10, $0x1;
	s10 =	sld [smem:$0x3FB6];
	_ =	sdelay $0x3  }
0x34: {  	[smem:$0x3FB6] =	sst s10  }
0x35: {  	s10 =	sld [smem:$0x3FB5];
	_ =	sdelay $0x3  }
0x36: {  	p1 =	seq.s32 s10, $0x1;
	s10 =	sld [smem:$0x3FB6];
	_ =	sdelay $0x3  }
0x37: {  	[smem:$0x3FB6] =	sst s10  }
0x38: {  	s10 =	sld [smem:$0x3FB7]  }
0x39: {  	_ = 	snop;
	(pc) =	sbr.ind lr, $3  }
0x3a: {  	_ = 	snop  }
0x3b: {  	_ = 	snop  }
0x3c: {  	p2 =	seq.s32 s10, $0x1;
	s10 =	sld [smem:$0x3FB6]  }
0x3d: {  	_ =	shalt  }
0x3e: {  	_ =	shalt  }
0x3f: {  	_ =	shalt  }
0x40: {  	_ =	shalt  }
0x41: {  	_ =	shalt  }
0x42: {  	_ =	shalt  }
0x43: {  	_ =	shalt  }
0x44: {  	_ =	shalt  }
0x45: {  	_ =	shalt  }
0x46: {  	_ =	shalt  }
0x47: {  	_ =	shalt  }
0x48: {  	_ =	shalt  }
0x49: {  	_ =	shalt  }
0x4a: {  	_ =	shalt  }
0x4b: {  	_ =	shalt  }
0x4c: {  	_ =	shalt  }
0x4d: {  	_ =	shalt  }
0x4e: {  	_ =	shalt  }
0x4f: {  	_ =	shalt  }
0x50: {  	_ =	shalt  }
0x51: {  	_ =	shalt  }
0x52: {  	_ =	shalt  }
0x53: {  	_ =	shalt  }
0x54: {  	_ =	shalt  }
0x55: {  	_ =	shalt  }
0x56: {  	_ =	shalt  }
0x57: {  	_ =	shalt  }
0x58: {  	_ =	shalt  }
0x59: {  	_ =	shalt  }
0x5a: {  	_ =	shalt  }
0x5b: {  	_ =	shalt  }
0x5c: {  	_ =	shalt  }
0x5d: {  	_ =	shalt  }
0x5e: {  	_ =	shalt  }
0x5f: {  	_ =	shalt  }
0x60: {  	_ =	shalt  }
0x61: {  	_ =	shalt  }
0x62: {  	_ =	shalt  }
0x63: {  	_ =	shalt  }
0x64: {  	_ =	shalt  }
0x65: {  	_ =	shalt  }
0x66: {  	_ =	shalt  }
0x67: {  	_ =	shalt  }
0x68: {  	_ =	shalt  }
0x69: {  	_ =	shalt  }
0x6a: {  	_ =	shalt  }
0x6b: {  	_ =	shalt  }
0x6c: {  	_ =	shalt  }
0x6d: {  	_ =	shalt  }
0x6e: {  	_ =	shalt  }
0x6f: {  	_ =	shalt  }
0x70: {  	_ =	shalt  }
0x71: {  	_ =	shalt  }
0x72: {  	_ =	shalt  }
0x73: {  	_ =	shalt  }
0x74: {  	_ =	shalt  }
0x75: {  	_ =	shalt  }
0x76: {  	_ =	shalt  }
0x77: {  	_ =	shalt  }
0x78: {  	_ =	shalt  }
0x79: {  	_ =	shalt  }
0x7a: {  	_ =	shalt  }
0x7b: {  	_ =	shalt  }
0x7c: {  	_ =	shalt  }
0x7d: {  	_ =	shalt  }
0x7e: {  	_ =	shalt  }
0x7f: {  	_ =	shalt  }
0x80: {  	_ =	shalt  }
0x81: {  	_ =	shalt  }
0x82: {  	_ =	shalt  }
0x83: {  	_ =	shalt  }
0x84: {  	_ =	shalt  }
0x85: {  	_ =	shalt  }
0x86: {  	_ =	shalt  }
0x87: {  	_ =	shalt  }
.Lfunc_end0:
.L_simem_size_0:
called_computation.1_lowered:
.L_overlay_start_0:
0x88: {  	s2 =	sld [smem:$0x3FD9]  }
0x89: {  	s3 =	sld [smem:$0x3FFE];
	_ =	sdelay $0x1  }
0x8a: {  	s1 =	srdreg.scid  }
0x8b: {  	s0 =	sand.u32 $0x1, s1  }
0x8c: {  	s17 =	sshll.u32 s0, $0xA;
	s2 =	sadd.s32 s3, s2  }
0x8d: {  	s2 =	sadd.s32 s2, s17  }
0x8e: {  	[smem:$0x3FC2] =	sst s2  }
0x8f: {  	_ = 	snop  }
0x90: {  	s2 =	sld [smem:$0x3FD0];
	(tm) =	ssettm $0x1  }
0x91: {  	s18 =	sld [smem:$0x3FFB];
	_ =	sdelay $0x3  }
0x92: {  	_ =	strace s18  }
0x93: {  	s3 =	sld [smem:$0x3FFC];
	_ =	sdelay $0x3  }
0x94: {  	_ =	strace s3  }
0x95: {  	s3 =	sld [smem:$0x3FFD];
	_ =	sdelay $0x3  }
0x96: {  	_ =	strace s3  }
0x97: {  	_ =	strace $0x8FFFFFFF  }
0x98: {  	s19 =	sld [smem:$0x3FDB];
	_ =	sdelay $0x1  }
0x99: {  	s4 =	simm.s32 $_scs_section_size  }
0x9a: {  	s5 =	simm.s32 $_size__tile_overlayer_lowered;
	s6 =	simm.s32 $_tile_overlayer_lowered  }
0x9b: {  	s22 =	simm.s32 $0x1BFF;
	s21 =	sshll.u32 s6, $0x1;
	s3 =	sadd.s32 s4, s19  }
0x9c: {  	s7 =	simm.s32 $0x0;
	s20 =	sshll.u32 s5, $0x1;
	s5 =	sadd.s32 s21, s3  }
0x9d: {  	[timem:s7], [sflag:s22] =	dma.local [hbm:s5], s20  }
0x9e: {  	_ =	swait.ge [sflag:s22], s20  }
0x9f: {  	s4 =	ssub.s32 $0x0, s20;
	[sflag:s22] =	ssyncset.done $0x0  }
0xa0: {  	[sflag:s22] =	ssyncadd.s32 s4;
	_ =	sdelay $0x1  }
0xa1: {  	s23 =	simm.s32 $0x1B8B  }
0xa2: {  	_ =	swait.ge [sflag:s23], $0x1  }
0xa3: {  	[sflag:s23] =	ssyncset.done $0x0  }
0xa4: {  	s25 =	simm.s32 $0x1B8E;
	s24 =	sld [smem:$0x3FFE];
	[sflag:s23] =	ssyncadd.s32 $0xFFFFFFFF  }
0xa5: {  	s26 =	simm.s32 $execute0_lowered;
	[smem:$0x3FD2] =	sst s25  }
0xa6: {  	s5 =	sshll.u32 s26, $0x1;
	_ =	strace $0x80000049;
	[dreg:$0x1] =	wrdreg $0xFFFFFFFF  }
0xa7: {  	s28 =	simm.s32 $_size_execute0_lowered;
	s3 =	sadd.s32 s3, s5;
	[dreg:$0x0] =	wrdreg $0x0  }
0xa8: {  	s5 =	sshll.u32 s28, $0x1;
	[dreg:$0x2] =	wrdreg s3  }
0xa9: {  	[dreg:$0x3] =	wrdreg s5  }
0xaa: {  	[dreg:$0x4] =	wrdreg $0xC0  }
0xab: {  	_ =	task [dreg:s7], $0x5FFFF  }
0xac: {  	[dreg:$0x1] =	wrdreg $0xFFFFFFFF  }
0xad: {  	[dreg:$0x0] =	wrdreg $0x60  }
0xae: {  	[dreg:$0x2] =	wrdreg s2  }
0xaf: {  	[dreg:$0x3] =	wrdreg s24  }
0xb0: {  	[dreg:$0x4] =	wrdreg $0xA8000  }
0xb1: {  	[dreg:$0x5] =	wrdreg $0x9  }
0xb2: {  	_ =	task.clear_ibuf [dreg:s7], $0x6FFFF;
	_ =	strace $0x90000049  }
0xb3: {  	s29 =	simm.s32 $0x9;
	_ =	strace $0x8000004B  }
0xb4: {  	_ =	swait.ge [sflag:s29], $0x1  }
0xb5: {  	[sflag:s29] =	ssyncadd.s32 $0xFFFFFFFF  }
0xb6: {  	_ =	strace $0x9000004B  }
0xb7: {  	_ =	sfence  }
0xb8: {  	s30 =	sld [smem:$0x0];
	_ =	sdelay $0x2  }
0xb9: {  	s31 =	sshll.u32 s1, $0xD;
	s1 =	sshrl.u32 s1, $0x2  }
0xba: {  	s3 =	sand.u32 $0x4000, s31;
	s1 =	sadd.s32 s1, s30  }
0xbb: {  	s0 =	sor.u32 s3, s0;
	s1 =	sshll.u32 s1, $0x11  }
0xbc: {  	s0 =	sor.u32 s1, s0  }
0xbd: {  	s0 =	sadd.s32 $0x8F2B, s0  }
0xbe: {  	[sflag:s0] =	ssyncadd.remote.s32 $0x1  }
0xbf: {  	_ =	sfence.sel $0xFFFF  }
0xc0: {  	[dreg:$0x0] =	wrdreg $0xFFFFFFFF;
	(pc) =	sbr.abs _section_cstart, $3  }
0xc1: {  	[dreg:$0x1] =	wrdreg $0xFFFFFFFF  }
0xc2: {  	_ =	task.clear_ibuf [dreg:s7], $0x2FFFF;
	_ =	strace $0x9FFFFFFF  }
0xc3: {  	(tm) =	ssettm $0x7FFFFFFF  }
tec
execute0_lowered:
.L_overlay_start_1:
0x0: {  	(tag) =	ssettag $0x1  }
0x1: {  	s1 =	rddreg [dreg:$0x0]  }
0x2: {  	s0 =	rddreg [dreg:$0x1]  }
0x3: {  	s2 =	rddreg [dreg:$0x2];
	s3 =	srdreg.scid  }
0x4: {  	s5 =	simm.s32 $0x0;
	s10 =	stileid.u32;
	s28 =	simm.s32 $0x8800  }
0x5: {  	s29 =	simm.s32 $0x1;
	s30 =	simm.s32 $0x2;
	s31 =	simm.s32 $0x3  }
0x6: {  	s3 =	sand.u32 $0x1, s3;
	[smem:$0x7FF] =	sst s5;
	s12 =	smul.u32 $0x13C00, s10  }
0x7: {  	s6 =	sadd.s32 $0x68A00, s0;
	s7 =	sadd.s32 $0x54A00, s0;
	s9 =	smul.u32 $0x4F000, s10  }
0x8: {  	s8 =	sadd.s32 $0x2A00, s0;
	s19 =	sshll.u32 s10, $0x6;
	s4 =	smul.u32 $0x13C000, s3  }
0x9: {  	_ =	strace $0x8000004A;
	[dreg:$0x4] =	wrdreg s8;
	s13 =	ssub.s32 $0x2, s3  }
0xa: {  	s3 =	sshll.u32 s3, $0x4;
	s17 =	sor.u32 $0x1C09, s19;
	s19 =	simm.s32 $0x2700  }
0xb: {  	s14 =	sshrl.u32 s13, $0x1;
	s3 =	sor.u32 s10, s3;
	s18 =	sshrl.u32 s9, $0x2  }
0xc: {  	s4 =	sadd.s32 s12, s4;
	s15 =	ssub.s32 s13, s14;
	s16 =	smul.u32 $0x5000, s3  }
0xd: {  	s3 =	smul.u32 $0xA00, s3;
	s8 =	sadd.s32 s18, s2;
	s18 =	simm.s32 $0x9  }
0xe: {  	s12 =	simm.s32 $0x2580;
	s13 =	simm.s32 $0x1200;
	s14 =	simm.s32 $0x1280  }
0xf: {  	s4 =	sshrl.u32 s4, $0x3;
	s26 =	smax.u32 s15, $0x1;
	s15 =	simm.s32 $0x1300  }
0x10: {  	s0 =	sadd.s32 s4, s0;
	s5 =	sshrl.u32 s16, $0x3;
	s20 =	sadd.s32 s6, s3  }
0x11: {  	s3 =	sadd.s32 s7, s3;
	[dreg:$0xe] =	wrdreg s26;
	s26 =	sshrl.u32 s8, $0x3  }
0x12: {  	s8 =	simm.s32 $0x8;
	s16 =	simm.s32 $0x1380;
	[dreg:$0x5] =	wrdreg s20  }
0x13: {  	s4 =	simm.s32 $0x2600;
	[dreg:$0x6] =	wrdreg s3;
	s21 =	sadd.s32 $0x280, s5  }
0x14: {  	s23 =	sadd.s32 $0x500, s5;
	s25 =	sadd.s32 $0x780, s5;
	s0 =	sadd.s32 $0x5200, s0  }
0x15: {  	s20 =	simm.s32 $0x40;
	s22 =	sadd.s32 s6, s21;
	[dreg:$0xd] =	wrdreg s0  }
0x16: {  	s3 =	sadd.s32 s7, s21;
	s24 =	sadd.s32 s6, s23;
	[dreg:$0x7] =	wrdreg s22  }
0x17: {  	s5 =	sadd.s32 s6, s25;
	s21 =	simm.s32 $0x2800;
	[dreg:$0x8] =	wrdreg s3  }
0x18: {  	s0 =	simm.s32 $0x4;
	s6 =	simm.s32 $0x2680;
	[dreg:$0x9] =	wrdreg s24  }
0x19: {  	s3 =	sadd.s32 s7, s23;
	[dreg:$0xb] =	wrdreg s5;
	s23 =	simm.s32 $0x4800  }
0x1a: {  	s5 =	simm.s32 $0x6;
	s22 =	simm.s32 $0x2780;
	s24 =	simm.s32 $0x0  }
0x1b: {  	[dreg:$0xa] =	wrdreg s3;
	s3 =	sadd.s32 s7, s25;
	s25 =	simm.s32 $0x6800  }
0x1c: {  	s7 =	simm.s32 $0x7;
	[dreg:$0xc] =	wrdreg s3;
	s3 =	simm.s32 $0x5  }
.LBB2_1:
0x1d: {  	s9 =	rddreg [dreg:$0x4]  }
0x1e: {  	[spmem:s26], [sflag:s17] =	dma.local [hbm:s9], $0x2780  }
0x1f: {  	_ =	swait.ge [sflag:s18], $0x2780  }
0x20: {  	[sflag:s18] =	ssyncset.done $0x0  }
0x21: {  	[sflag:s18] =	ssyncadd.s32 $0xFFFFD880  }
0x22: {  	[bflag:$0x0] =	sbarrier.arrive $0xFFFF  }
0x23: {  	s11 =	smov.u32 s26;
	s9 =	simm.s32 $0x0;
	s26 =	rddreg [dreg:$0x5]  }
0x24: {  	[tilespmem:s9], [sflag:$0x9] =	stream.linear.gather [hbm4b:s26+s9], $0x1400, $0x38;
	[tilespmem:$0x1E400] =	vst v63  }
0x25: {  	_ =	swait.ge [sflag:s18], $0x1400  }
0x26: {  	s10 =	smov.u32 s17;
	[sflag:s18] =	ssyncset.done $0x0  }
0x27: {  	s26 =	simm.s32 $0x1400;
	s17 =	rddreg [dreg:$0x6];
	[sflag:s18] =	ssyncadd.s32 $0xFFFFEC00  }
0x28: {  	[tilespmem:s26], [sflag:$0x9] =	stream.linear.gather [hbm4b:s17+s9], $0x1400, $0x38;
	[tilespmem:$0x1E400] =	vst v63  }
0x29: {  	_ =	swait.ge [sflag:s18], $0x1400  }
0x2a: {  	[sflag:s18] =	ssyncset.done $0x0  }
0x2b: {  	[sflag:s18] =	ssyncadd.s32 $0xFFFFEC00  }
0x2c: {  	[tilespmem:s21], [sflag:$0x1] =	stream.indirect.gather [hbm4b:s1+s20], $0x80, s9, s20, $0xb8;
	[tilespmem:$0x1E400] =	vst v63  }
0x2d: {  	s17 =	simm.s32 $0x80  }
0x2e: {  	[tilespmem:s23], [sflag:$0x2] =	stream.indirect.gather [hbm4b:s1+s20], $0x80, s17, s20, $0xb8;
	[tilespmem:$0x1E400] =	vst v63  }
0x2f: {  	s26 =	simm.s32 $0x100  }
0x30: {  	[tilespmem:s25], [sflag:$0x3] =	stream.indirect.gather [hbm4b:s1+s20], $0x80, s26, s20, $0xb8;
	[tilespmem:$0x1E400] =	vst v63  }
0x31: {  	s17 =	simm.s32 $0x180  }
0x32: {  	[tilespmem:s28], [sflag:$0x4] =	stream.indirect.gather [hbm4b:s1+s20], $0x80, s17, s20, $0xb8;
	[tilespmem:$0x1E400] =	vst v63  }
0x33: {  	_ =	swait.ge [sflag:s29], $0x2000  }
0x34: {  	[sflag:s29] =	ssyncset.done $0x0  }
0x35: {  	s26 =	simm.s32 $0x1400;
	[sflag:s29] =	ssyncadd.s32 $0xFFFFE000  }
0x36: {  	[spmem:s2] =	stream.indirect.scatter.add.f32 [tilespmem:s21], [sflag:$0x5], $0x80, s26, s20, $0xb8;
	[tilespmem:$0x1E400] =	vst v63  }
0x37: {  	_ =	swait.ge [sflag:s30], $0x2000  }
0x38: {  	[sflag:s30] =	ssyncset.done $0x0  }
0x39: {  	s9 =	simm.s32 $0x1480;
	[sflag:s30] =	ssyncadd.s32 $0xFFFFE000  }
0x3a: {  	[spmem:s2] =	stream.indirect.scatter.add.f32 [tilespmem:s23], [sflag:$0x6], $0x80, s9, s20, $0xb8;
	[tilespmem:$0x1E400] =	vst v63  }
0x3b: {  	_ =	swait.ge [sflag:s31], $0x2000  }
0x3c: {  	[sflag:s31] =	ssyncset.done $0x0  }
0x3d: {  	s26 =	simm.s32 $0x1500;
	[sflag:s31] =	ssyncadd.s32 $0xFFFFE000  }
0x3e: {  	[spmem:s2] =	stream.indirect.scatter.add.f32 [tilespmem:s25], [sflag:$0x7], $0x80, s26, s20, $0xb8;
	[tilespmem:$0x1E400] =	vst v63  }
0x3f: {  	_ =	swait.ge [sflag:s0], $0x2000  }
0x40: {  	[sflag:s0] =	ssyncset.done $0x0  }
0x41: {  	s9 =	simm.s32 $0x1580;
	[sflag:s0] =	ssyncadd.s32 $0xFFFFE000  }
0x42: {  	[spmem:s2] =	stream.indirect.scatter.add.f32 [tilespmem:s28], [sflag:$0x8], $0x80, s9, s20, $0xb8;
	[tilespmem:$0x1E400] =	vst v63  }
0x43: {  	_ =	swait.ge [sflag:s3], $0x2000  }
0x44: {  	[sflag:s3] =	ssyncset.done $0x0  }
0x45: {  	s26 =	simm.s32 $0x200;
	[sflag:s3] =	ssyncadd.s32 $0xFFFFE000  }
0x46: {  	[tilespmem:s21], [sflag:$0x1] =	stream.indirect.gather [hbm4b:s1+s20], $0x80, s26, s20, $0xb8;
	[tilespmem:$0x1E400] =	vst v63  }
0x47: {  	_ =	swait.ge [sflag:s5], $0x2000  }
0x48: {  	[sflag:s5] =	ssyncset.done $0x0  }
0x49: {  	s9 =	simm.s32 $0x280;
	[sflag:s5] =	ssyncadd.s32 $0xFFFFE000  }
0x4a: {  	[tilespmem:s23], [sflag:$0x2] =	stream.indirect.gather [hbm4b:s1+s20], $0x80, s9, s20, $0xb8;
	[tilespmem:$0x1E400] =	vst v63  }
0x4b: {  	_ =	swait.ge [sflag:s7], $0x2000  }
0x4c: {  	[sflag:s7] =	ssyncset.done $0x0  }
0x4d: {  	s26 =	simm.s32 $0x300;
	[sflag:s7] =	ssyncadd.s32 $0xFFFFE000  }
0x4e: {  	[tilespmem:s25], [sflag:$0x3] =	stream.indirect.gather [hbm4b:s1+s20], $0x80, s26, s20, $0xb8;
	[tilespmem:$0x1E400] =	vst v63  }
0x4f: {  	_ =	swait.ge [sflag:s8], $0x2000  }
0x50: {  	[sflag:s8] =	ssyncset.done $0x0  }
0x51: {  	s17 =	simm.s32 $0x800;
	s26 =	simm.s32 $0x380;
	[sflag:s8] =	ssyncadd.s32 $0xFFFFE000  }
.LBB2_2:
0x52: {  	[tilespmem:s28], [sflag:$0x4] =	stream.indirect.gather [hbm4b:s1+s20], $0x80, s26, s20, $0xb8;
	[tilespmem:$0x1E400] =	vst v63  }
0x53: {  	s26 =	smov.u32 s17  }
0x54: {  	p0 =	sne.s32 s17, $0x3800;
	s17 =	sadd.s32 $0x800, s17;
	_ =	swait.ge [sflag:s29], $0x2000  }
0x55: {  	s26 =	sshra.s32 s26, $0x2;
	[sflag:s29] =	ssyncset.done $0x0  }
0x56: {  	s9 =	sadd.s32 $0x1400, s26;
	[sflag:s29] =	ssyncadd.s32 $0xFFFFE000  }
0x57: {  	[spmem:s2] =	stream.indirect.scatter.add.f32 [tilespmem:s21], [sflag:$0x5], $0x80, s9, s20, $0xb8;
	[tilespmem:$0x1E400] =	vst v63  }
0x58: {  	_ =	swait.ge [sflag:s30], $0x2000  }
0x59: {  	[sflag:s30] =	ssyncset.done $0x0  }
0x5a: {  	s9 =	sadd.s32 $0x1480, s26;
	[sflag:s30] =	ssyncadd.s32 $0xFFFFE000  }
0x5b: {  	[spmem:s2] =	stream.indirect.scatter.add.f32 [tilespmem:s23], [sflag:$0x6], $0x80, s9, s20, $0xb8;
	[tilespmem:$0x1E400] =	vst v63  }
0x5c: {  	_ =	swait.ge [sflag:s31], $0x2000  }
0x5d: {  	[sflag:s31] =	ssyncset.done $0x0  }
0x5e: {  	s9 =	sadd.s32 $0x1500, s26;
	[sflag:s31] =	ssyncadd.s32 $0xFFFFE000  }
0x5f: {  	[spmem:s2] =	stream.indirect.scatter.add.f32 [tilespmem:s25], [sflag:$0x7], $0x80, s9, s20, $0xb8;
	[tilespmem:$0x1E400] =	vst v63  }
0x60: {  	_ =	swait.ge [sflag:s0], $0x2000  }
0x61: {  	[sflag:s0] =	ssyncset.done $0x0  }
0x62: {  	s9 =	sadd.s32 $0x1580, s26;
	[sflag:s0] =	ssyncadd.s32 $0xFFFFE000  }
0x63: {  	[spmem:s2] =	stream.indirect.scatter.add.f32 [tilespmem:s28], [sflag:$0x8], $0x80, s9, s20, $0xb8;
	[tilespmem:$0x1E400] =	vst v63  }
0x64: {  	_ =	swait.ge [sflag:s3], $0x2000  }
0x65: {  	[sflag:s3] =	ssyncset.done $0x0  }
0x66: {  	s9 =	sadd.s32 $0x200, s26;
	[sflag:s3] =	ssyncadd.s32 $0xFFFFE000  }
0x67: {  	[tilespmem:s21], [sflag:$0x1] =	stream.indirect.gather [hbm4b:s1+s20], $0x80, s9, s20, $0xb8;
	[tilespmem:$0x1E400] =	vst v63  }
0x68: {  	_ =	swait.ge [sflag:s5], $0x2000  }
0x69: {  	[sflag:s5] =	ssyncset.done $0x0  }
0x6a: {  	s9 =	sadd.s32 $0x280, s26;
	[sflag:s5] =	ssyncadd.s32 $0xFFFFE000  }
0x6b: {  	[tilespmem:s23], [sflag:$0x2] =	stream.indirect.gather [hbm4b:s1+s20], $0x80, s9, s20, $0xb8;
	[tilespmem:$0x1E400] =	vst v63  }
0x6c: {  	_ =	swait.ge [sflag:s7], $0x2000  }
0x6d: {  	[sflag:s7] =	ssyncset.done $0x0  }
.Ltmp0:
0x6e: {  	s9 =	sadd.s32 $0x300, s26;
	[sflag:s7] =	ssyncadd.s32 $0xFFFFE000;
	(pc) =	sbr.rel @p0 .LBB2_2-.Ltmp0, $4  }
0x6f: {  	[tilespmem:s25], [sflag:$0x3] =	stream.indirect.gather [hbm4b:s1+s20], $0x80, s9, s20, $0xb8;
	[tilespmem:$0x1E400] =	vst v63  }
0x70: {  	_ =	swait.ge [sflag:s8], $0x2000  }
0x71: {  	[sflag:s8] =	ssyncset.done $0x0  }
0x72: {  	s26 =	sadd.s32 $0x380, s26;
	[sflag:s8] =	ssyncadd.s32 $0xFFFFE000  }
0x73: {  	[tilespmem:s28], [sflag:$0x4] =	stream.indirect.gather [hbm4b:s1+s20], $0x80, s26, s20, $0xb8;
	[tilespmem:$0x1E400] =	vst v63  }
0x74: {  	_ =	swait.ge [sflag:s29], $0x2000  }
0x75: {  	[sflag:s29] =	ssyncset.done $0x0  }
0x76: {  	s9 =	simm.s32 $0x2400;
	[sflag:s29] =	ssyncadd.s32 $0xFFFFE000  }
0x77: {  	[spmem:s2] =	stream.indirect.scatter.add.f32 [tilespmem:s21], [sflag:$0x5], $0x80, s9, s20, $0xb8;
	[tilespmem:$0x1E400] =	vst v63  }
0x78: {  	_ =	swait.ge [sflag:s30], $0x2000  }
0x79: {  	[sflag:s30] =	ssyncset.done $0x0  }
0x7a: {  	s17 =	simm.s32 $0x2480;
	[sflag:s30] =	ssyncadd.s32 $0xFFFFE000  }
0x7b: {  	[spmem:s2] =	stream.indirect.scatter.add.f32 [tilespmem:s23], [sflag:$0x6], $0x80, s17, s20, $0xb8;
	[tilespmem:$0x1E400] =	vst v63  }
0x7c: {  	_ =	swait.ge [sflag:s31], $0x2000  }
0x7d: {  	[sflag:s31] =	ssyncset.done $0x0  }
0x7e: {  	s26 =	simm.s32 $0x2500;
	[sflag:s31] =	ssyncadd.s32 $0xFFFFE000  }
0x7f: {  	[spmem:s2] =	stream.indirect.scatter.add.f32 [tilespmem:s25], [sflag:$0x7], $0x80, s26, s20, $0xb8;
	[tilespmem:$0x1E400] =	vst v63  }
0x80: {  	_ =	swait.ge [sflag:s0], $0x2000  }
0x81: {  	[sflag:s0] =	ssyncset.done $0x0  }
0x82: {  	[sflag:s0] =	ssyncadd.s32 $0xFFFFE000  }
0x83: {  	[spmem:s2] =	stream.indirect.scatter.add.f32 [tilespmem:s28], [sflag:$0x8], $0x80, s12, s20, $0xb8;
	[tilespmem:$0x1E400] =	vst v63  }
0x84: {  	_ =	swait.ge [sflag:s3], $0x2000  }
0x85: {  	[sflag:s3] =	ssyncset.done $0x0  }
0x86: {  	[sflag:s3] =	ssyncadd.s32 $0xFFFFE000  }
0x87: {  	[tilespmem:s21], [sflag:$0x1] =	stream.indirect.gather [hbm4b:s1+s20], $0x80, s13, s20, $0xb8;
	[tilespmem:$0x1E400] =	vst v63  }
0x88: {  	_ =	swait.ge [sflag:s5], $0x2000  }
0x89: {  	[sflag:s5] =	ssyncset.done $0x0  }
0x8a: {  	[sflag:s5] =	ssyncadd.s32 $0xFFFFE000  }
0x8b: {  	[tilespmem:s23], [sflag:$0x2] =	stream.indirect.gather [hbm4b:s1+s20], $0x80, s14, s20, $0xb8;
	[tilespmem:$0x1E400] =	vst v63  }
0x8c: {  	_ =	swait.ge [sflag:s7], $0x2000  }
0x8d: {  	[sflag:s7] =	ssyncset.done $0x0  }
0x8e: {  	[sflag:s7] =	ssyncadd.s32 $0xFFFFE000  }
0x8f: {  	[tilespmem:s25], [sflag:$0x3] =	stream.indirect.gather [hbm4b:s1+s20], $0x80, s15, s20, $0xb8;
	[tilespmem:$0x1E400] =	vst v63  }
0x90: {  	_ =	swait.ge [sflag:s8], $0x2000  }
0x91: {  	[sflag:s8] =	ssyncset.done $0x0  }
0x92: {  	[sflag:s8] =	ssyncadd.s32 $0xFFFFE000  }
0x93: {  	[tilespmem:s28], [sflag:$0x4] =	stream.indirect.gather [hbm4b:s1+s20], $0x80, s16, s20, $0xb8;
	[tilespmem:$0x1E400] =	vst v63  }
0x94: {  	_ =	swait.ge [sflag:s29], $0x2000  }
0x95: {  	[sflag:s29] =	ssyncset.done $0x0  }
0x96: {  	[sflag:s29] =	ssyncadd.s32 $0xFFFFE000  }
0x97: {  	[spmem:s2] =	stream.indirect.scatter.add.f32 [tilespmem:s21], [sflag:$0x5], $0x80, s4, s20, $0xb8;
	[tilespmem:$0x1E400] =	vst v63  }
0x98: {  	_ =	swait.ge [sflag:s30], $0x2000  }
0x99: {  	[sflag:s30] =	ssyncset.done $0x0  }
0x9a: {  	[sflag:s30] =	ssyncadd.s32 $0xFFFFE000  }
0x9b: {  	[spmem:s2] =	stream.indirect.scatter.add.f32 [tilespmem:s23], [sflag:$0x6], $0x80, s6, s20, $0xb8;
	[tilespmem:$0x1E400] =	vst v63  }
0x9c: {  	_ =	swait.ge [sflag:s31], $0x2000  }
0x9d: {  	[sflag:s31] =	ssyncset.done $0x0  }
0x9e: {  	[sflag:s31] =	ssyncadd.s32 $0xFFFFE000  }
0x9f: {  	[spmem:s2] =	stream.indirect.scatter.add.f32 [tilespmem:s25], [sflag:$0x7], $0x80, s19, s20, $0xb8;
	[tilespmem:$0x1E400] =	vst v63  }
0xa0: {  	_ =	swait.ge [sflag:s0], $0x2000  }
0xa1: {  	[sflag:s0] =	ssyncset.done $0x0  }
0xa2: {  	[sflag:s0] =	ssyncadd.s32 $0xFFFFE000  }
0xa3: {  	[spmem:s2] =	stream.indirect.scatter.add.f32 [tilespmem:s28], [sflag:$0x8], $0x80, s22, s20, $0xb8;
	[tilespmem:$0x1E400] =	vst v63  }
0xa4: {  	_ =	swait.ge [sflag:s3], $0x2000  }
0xa5: {  	[sflag:s3] =	ssyncset.done $0x0  }
0xa6: {  	[sflag:s3] =	ssyncadd.s32 $0xFFFFE000  }
0xa7: {  	[tilespmem:s21], [sflag:$0x1] =	stream.indirect.gather [hbm4b:s1+s20], $0x80, s16, s20, $0xb8;
	[tilespmem:$0x1E400] =	vst v63  }
0xa8: {  	_ =	swait.ge [sflag:s5], $0x2000  }
0xa9: {  	[sflag:s5] =	ssyncset.done $0x0  }
0xaa: {  	[sflag:s5] =	ssyncadd.s32 $0xFFFFE000  }
0xab: {  	[tilespmem:s23], [sflag:$0x2] =	stream.indirect.gather [hbm4b:s1+s20], $0x80, s16, s20, $0xb8;
	[tilespmem:$0x1E400] =	vst v63  }
0xac: {  	_ =	swait.ge [sflag:s7], $0x2000  }
0xad: {  	[sflag:s7] =	ssyncset.done $0x0  }
0xae: {  	[sflag:s7] =	ssyncadd.s32 $0xFFFFE000  }
0xaf: {  	[tilespmem:s25], [sflag:$0x3] =	stream.indirect.gather [hbm4b:s1+s20], $0x80, s16, s20, $0xb8;
	[tilespmem:$0x1E400] =	vst v63  }
0xb0: {  	_ =	swait.ge [sflag:s8], $0x2000  }
0xb1: {  	[sflag:s8] =	ssyncset.done $0x0  }
0xb2: {  	[sflag:s8] =	ssyncadd.s32 $0xFFFFE000  }
0xb3: {  	[tilespmem:s28], [sflag:$0x4] =	stream.indirect.gather [hbm4b:s1+s20], $0x80, s16, s20, $0xb8;
	[tilespmem:$0x1E400] =	vst v63  }
0xb4: {  	_ =	swait.ge [sflag:s29], $0x2000  }
0xb5: {  	[sflag:s29] =	ssyncset.done $0x0  }
0xb6: {  	[sflag:s29] =	ssyncadd.s32 $0xFFFFE000  }
0xb7: {  	_ =	swait.ge [sflag:s30], $0x2000  }
0xb8: {  	[sflag:s30] =	ssyncset.done $0x0  }
0xb9: {  	[sflag:s30] =	ssyncadd.s32 $0xFFFFE000  }
0xba: {  	_ =	swait.ge [sflag:s31], $0x2000  }
0xbb: {  	[sflag:s31] =	ssyncset.done $0x0  }
0xbc: {  	[sflag:s31] =	ssyncadd.s32 $0xFFFFE000  }
0xbd: {  	_ =	swait.ge [sflag:s0], $0x2000  }
0xbe: {  	[sflag:s0] =	ssyncset.done $0x0  }
0xbf: {  	s9 =	simm.s32 $0x0;
	s17 =	rddreg [dreg:$0x7];
	[sflag:s0] =	ssyncadd.s32 $0xFFFFE000  }
0xc0: {  	[tilespmem:s9], [sflag:$0x9] =	stream.linear.gather [hbm4b:s17+s9], $0x1400, $0x38;
	[tilespmem:$0x1E400] =	vst v63  }
0xc1: {  	_ =	swait.ge [sflag:s18], $0x1400  }
0xc2: {  	[sflag:s18] =	ssyncset.done $0x0  }
0xc3: {  	s26 =	simm.s32 $0x1400;
	s17 =	rddreg [dreg:$0x8];
	[sflag:s18] =	ssyncadd.s32 $0xFFFFEC00  }
0xc4: {  	[tilespmem:s26], [sflag:$0x9] =	stream.linear.gather [hbm4b:s17+s9], $0x1400, $0x38;
	[tilespmem:$0x1E400] =	vst v63  }
0xc5: {  	_ =	swait.ge [sflag:s18], $0x1400  }
0xc6: {  	[sflag:s18] =	ssyncset.done $0x0  }
0xc7: {  	[sflag:s18] =	ssyncadd.s32 $0xFFFFEC00  }
0xc8: {  	[tilespmem:s21], [sflag:$0x1] =	stream.indirect.gather [hbm4b:s1+s20], $0x80, s9, s20, $0xb8;
	[tilespmem:$0x1E400] =	vst v63  }
0xc9: {  	s17 =	simm.s32 $0x80  }
0xca: {  	[tilespmem:s23], [sflag:$0x2] =	stream.indirect.gather [hbm4b:s1+s20], $0x80, s17, s20, $0xb8;
	[tilespmem:$0x1E400] =	vst v63  }
0xcb: {  	s26 =	simm.s32 $0x100  }
0xcc: {  	[tilespmem:s25], [sflag:$0x3] =	stream.indirect.gather [hbm4b:s1+s20], $0x80, s26, s20, $0xb8;
	[tilespmem:$0x1E400] =	vst v63  }
0xcd: {  	s17 =	simm.s32 $0x180  }
0xce: {  	[tilespmem:s28], [sflag:$0x4] =	stream.indirect.gather [hbm4b:s1+s20], $0x80, s17, s20, $0xb8;
	[tilespmem:$0x1E400] =	vst v63  }
0xcf: {  	_ =	swait.ge [sflag:s29], $0x2000  }
0xd0: {  	[sflag:s29] =	ssyncset.done $0x0  }
0xd1: {  	s26 =	simm.s32 $0x1400;
	[sflag:s29] =	ssyncadd.s32 $0xFFFFE000  }
0xd2: {  	[spmem:s2] =	stream.indirect.scatter.add.f32 [tilespmem:s21], [sflag:$0x5], $0x80, s26, s20, $0xb8;
	[tilespmem:$0x1E400] =	vst v63  }
0xd3: {  	_ =	swait.ge [sflag:s30], $0x2000  }
0xd4: {  	[sflag:s30] =	ssyncset.done $0x0  }
0xd5: {  	s17 =	simm.s32 $0x1480;
	[sflag:s30] =	ssyncadd.s32 $0xFFFFE000  }
0xd6: {  	[spmem:s2] =	stream.indirect.scatter.add.f32 [tilespmem:s23], [sflag:$0x6], $0x80, s17, s20, $0xb8;
	[tilespmem:$0x1E400] =	vst v63  }
0xd7: {  	_ =	swait.ge [sflag:s31], $0x2000  }
0xd8: {  	[sflag:s31] =	ssyncset.done $0x0  }
0xd9: {  	s26 =	simm.s32 $0x1500;
	[sflag:s31] =	ssyncadd.s32 $0xFFFFE000  }
0xda: {  	[spmem:s2] =	stream.indirect.scatter.add.f32 [tilespmem:s25], [sflag:$0x7], $0x80, s26, s20, $0xb8;
	[tilespmem:$0x1E400] =	vst v63  }
0xdb: {  	_ =	swait.ge [sflag:s0], $0x2000  }
0xdc: {  	[sflag:s0] =	ssyncset.done $0x0  }
0xdd: {  	s17 =	simm.s32 $0x1580;
	[sflag:s0] =	ssyncadd.s32 $0xFFFFE000  }
0xde: {  	[spmem:s2] =	stream.indirect.scatter.add.f32 [tilespmem:s28], [sflag:$0x8], $0x80, s17, s20, $0xb8;
	[tilespmem:$0x1E400] =	vst v63  }
0xdf: {  	_ =	swait.ge [sflag:s3], $0x2000  }
0xe0: {  	[sflag:s3] =	ssyncset.done $0x0  }
0xe1: {  	s26 =	simm.s32 $0x200;
	[sflag:s3] =	ssyncadd.s32 $0xFFFFE000  }
0xe2: {  	[tilespmem:s21], [sflag:$0x1] =	stream.indirect.gather [hbm4b:s1+s20], $0x80, s26, s20, $0xb8;
	[tilespmem:$0x1E400] =	vst v63  }
0xe3: {  	_ =	swait.ge [sflag:s5], $0x2000  }
0xe4: {  	[sflag:s5] =	ssyncset.done $0x0  }
0xe5: {  	s17 =	simm.s32 $0x280;
	[sflag:s5] =	ssyncadd.s32 $0xFFFFE000  }
0xe6: {  	[tilespmem:s23], [sflag:$0x2] =	stream.indirect.gather [hbm4b:s1+s20], $0x80, s17, s20, $0xb8;
	[tilespmem:$0x1E400] =	vst v63  }
0xe7: {  	_ =	swait.ge [sflag:s7], $0x2000  }
0xe8: {  	[sflag:s7] =	ssyncset.done $0x0  }
0xe9: {  	s26 =	simm.s32 $0x300;
	[sflag:s7] =	ssyncadd.s32 $0xFFFFE000  }
0xea: {  	[tilespmem:s25], [sflag:$0x3] =	stream.indirect.gather [hbm4b:s1+s20], $0x80, s26, s20, $0xb8;
	[tilespmem:$0x1E400] =	vst v63  }
0xeb: {  	_ =	swait.ge [sflag:s8], $0x2000  }
0xec: {  	[sflag:s8] =	ssyncset.done $0x0  }
0xed: {  	s17 =	simm.s32 $0x800;
	s26 =	simm.s32 $0x380;
	[sflag:s8] =	ssyncadd.s32 $0xFFFFE000  }
.LBB2_4:
0xee: {  	[tilespmem:s28], [sflag:$0x4] =	stream.indirect.gather [hbm4b:s1+s20], $0x80, s26, s20, $0xb8;
	[tilespmem:$0x1E400] =	vst v63  }
0xef: {  	s9 =	smov.u32 s17  }
0xf0: {  	p0 =	sne.s32 s17, $0x3800;
	s17 =	sadd.s32 $0x800, s17;
	_ =	swait.ge [sflag:s29], $0x2000  }
0xf1: {  	s26 =	sshra.s32 s9, $0x2;
	[sflag:s29] =	ssyncset.done $0x0  }
0xf2: {  	s9 =	sadd.s32 $0x1400, s26;
	[sflag:s29] =	ssyncadd.s32 $0xFFFFE000  }
0xf3: {  	[spmem:s2] =	stream.indirect.scatter.add.f32 [tilespmem:s21], [sflag:$0x5], $0x80, s9, s20, $0xb8;
	[tilespmem:$0x1E400] =	vst v63  }
0xf4: {  	_ =	swait.ge [sflag:s30], $0x2000  }
0xf5: {  	[sflag:s30] =	ssyncset.done $0x0  }
0xf6: {  	s9 =	sadd.s32 $0x1480, s26;
	[sflag:s30] =	ssyncadd.s32 $0xFFFFE000  }
0xf7: {  	[spmem:s2] =	stream.indirect.scatter.add.f32 [tilespmem:s23], [sflag:$0x6], $0x80, s9, s20, $0xb8;
	[tilespmem:$0x1E400] =	vst v63  }
0xf8: {  	_ =	swait.ge [sflag:s31], $0x2000  }
0xf9: {  	[sflag:s31] =	ssyncset.done $0x0  }
0xfa: {  	s9 =	sadd.s32 $0x1500, s26;
	[sflag:s31] =	ssyncadd.s32 $0xFFFFE000  }
0xfb: {  	[spmem:s2] =	stream.indirect.scatter.add.f32 [tilespmem:s25], [sflag:$0x7], $0x80, s9, s20, $0xb8;
	[tilespmem:$0x1E400] =	vst v63  }
0xfc: {  	_ =	swait.ge [sflag:s0], $0x2000  }
0xfd: {  	[sflag:s0] =	ssyncset.done $0x0  }
0xfe: {  	s9 =	sadd.s32 $0x1580, s26;
	[sflag:s0] =	ssyncadd.s32 $0xFFFFE000  }
0xff: {  	[spmem:s2] =	stream.indirect.scatter.add.f32 [tilespmem:s28], [sflag:$0x8], $0x80, s9, s20, $0xb8;
	[tilespmem:$0x1E400] =	vst v63  }
0x100: {  	_ =	swait.ge [sflag:s3], $0x2000  }
0x101: {  	[sflag:s3] =	ssyncset.done $0x0  }
0x102: {  	s9 =	sadd.s32 $0x200, s26;
	[sflag:s3] =	ssyncadd.s32 $0xFFFFE000  }
0x103: {  	[tilespmem:s21], [sflag:$0x1] =	stream.indirect.gather [hbm4b:s1+s20], $0x80, s9, s20, $0xb8;
	[tilespmem:$0x1E400] =	vst v63  }
0x104: {  	_ =	swait.ge [sflag:s5], $0x2000  }
0x105: {  	[sflag:s5] =	ssyncset.done $0x0  }
0x106: {  	s9 =	sadd.s32 $0x280, s26;
	[sflag:s5] =	ssyncadd.s32 $0xFFFFE000  }
0x107: {  	[tilespmem:s23], [sflag:$0x2] =	stream.indirect.gather [hbm4b:s1+s20], $0x80, s9, s20, $0xb8;
	[tilespmem:$0x1E400] =	vst v63  }
0x108: {  	_ =	swait.ge [sflag:s7], $0x2000  }
0x109: {  	[sflag:s7] =	ssyncset.done $0x0  }
.Ltmp1:
0x10a: {  	s9 =	sadd.s32 $0x300, s26;
	[sflag:s7] =	ssyncadd.s32 $0xFFFFE000;
	(pc) =	sbr.rel @p0 .LBB2_4-.Ltmp1, $4  }
0x10b: {  	[tilespmem:s25], [sflag:$0x3] =	stream.indirect.gather [hbm4b:s1+s20], $0x80, s9, s20, $0xb8;
	[tilespmem:$0x1E400] =	vst v63  }
0x10c: {  	_ =	swait.ge [sflag:s8], $0x2000  }
0x10d: {  	[sflag:s8] =	ssyncset.done $0x0  }
0x10e: {  	s26 =	sadd.s32 $0x380, s26;
	[sflag:s8] =	ssyncadd.s32 $0xFFFFE000  }
0x10f: {  	[tilespmem:s28], [sflag:$0x4] =	stream.indirect.gather [hbm4b:s1+s20], $0x80, s26, s20, $0xb8;
	[tilespmem:$0x1E400] =	vst v63  }
0x110: {  	_ =	swait.ge [sflag:s29], $0x2000  }
0x111: {  	[sflag:s29] =	ssyncset.done $0x0  }
0x112: {  	s9 =	simm.s32 $0x2400;
	[sflag:s29] =	ssyncadd.s32 $0xFFFFE000  }
0x113: {  	[spmem:s2] =	stream.indirect.scatter.add.f32 [tilespmem:s21], [sflag:$0x5], $0x80, s9, s20, $0xb8;
	[tilespmem:$0x1E400] =	vst v63  }
0x114: {  	_ =	swait.ge [sflag:s30], $0x2000  }
0x115: {  	[sflag:s30] =	ssyncset.done $0x0  }
0x116: {  	s17 =	simm.s32 $0x2480;
	[sflag:s30] =	ssyncadd.s32 $0xFFFFE000  }
0x117: {  	[spmem:s2] =	stream.indirect.scatter.add.f32 [tilespmem:s23], [sflag:$0x6], $0x80, s17, s20, $0xb8;
	[tilespmem:$0x1E400] =	vst v63  }
0x118: {  	_ =	swait.ge [sflag:s31], $0x2000  }
0x119: {  	[sflag:s31] =	ssyncset.done $0x0  }
0x11a: {  	s26 =	simm.s32 $0x2500;
	[sflag:s31] =	ssyncadd.s32 $0xFFFFE000  }
0x11b: {  	[spmem:s2] =	stream.indirect.scatter.add.f32 [tilespmem:s25], [sflag:$0x7], $0x80, s26, s20, $0xb8;
	[tilespmem:$0x1E400] =	vst v63  }
0x11c: {  	_ =	swait.ge [sflag:s0], $0x2000  }
0x11d: {  	[sflag:s0] =	ssyncset.done $0x0  }
0x11e: {  	[sflag:s0] =	ssyncadd.s32 $0xFFFFE000  }
0x11f: {  	[spmem:s2] =	stream.indirect.scatter.add.f32 [tilespmem:s28], [sflag:$0x8], $0x80, s12, s20, $0xb8;
	[tilespmem:$0x1E400] =	vst v63  }
0x120: {  	_ =	swait.ge [sflag:s3], $0x2000  }
0x121: {  	[sflag:s3] =	ssyncset.done $0x0  }
0x122: {  	[sflag:s3] =	ssyncadd.s32 $0xFFFFE000  }
0x123: {  	[tilespmem:s21], [sflag:$0x1] =	stream.indirect.gather [hbm4b:s1+s20], $0x80, s13, s20, $0xb8;
	[tilespmem:$0x1E400] =	vst v63  }
0x124: {  	_ =	swait.ge [sflag:s5], $0x2000  }
0x125: {  	[sflag:s5] =	ssyncset.done $0x0  }
0x126: {  	[sflag:s5] =	ssyncadd.s32 $0xFFFFE000  }
0x127: {  	[tilespmem:s23], [sflag:$0x2] =	stream.indirect.gather [hbm4b:s1+s20], $0x80, s14, s20, $0xb8;
	[tilespmem:$0x1E400] =	vst v63  }
0x128: {  	_ =	swait.ge [sflag:s7], $0x2000  }
0x129: {  	[sflag:s7] =	ssyncset.done $0x0  }
0x12a: {  	[sflag:s7] =	ssyncadd.s32 $0xFFFFE000  }
0x12b: {  	[tilespmem:s25], [sflag:$0x3] =	stream.indirect.gather [hbm4b:s1+s20], $0x80, s15, s20, $0xb8;
	[tilespmem:$0x1E400] =	vst v63  }
0x12c: {  	_ =	swait.ge [sflag:s8], $0x2000  }
0x12d: {  	[sflag:s8] =	ssyncset.done $0x0  }
0x12e: {  	[sflag:s8] =	ssyncadd.s32 $0xFFFFE000  }
0x12f: {  	[tilespmem:s28], [sflag:$0x4] =	stream.indirect.gather [hbm4b:s1+s20], $0x80, s16, s20, $0xb8;
	[tilespmem:$0x1E400] =	vst v63  }
0x130: {  	_ =	swait.ge [sflag:s29], $0x2000  }
0x131: {  	[sflag:s29] =	ssyncset.done $0x0  }
0x132: {  	[sflag:s29] =	ssyncadd.s32 $0xFFFFE000  }
0x133: {  	[spmem:s2] =	stream.indirect.scatter.add.f32 [tilespmem:s21], [sflag:$0x5], $0x80, s4, s20, $0xb8;
	[tilespmem:$0x1E400] =	vst v63  }
0x134: {  	_ =	swait.ge [sflag:s30], $0x2000  }
0x135: {  	[sflag:s30] =	ssyncset.done $0x0  }
0x136: {  	[sflag:s30] =	ssyncadd.s32 $0xFFFFE000  }
0x137: {  	[spmem:s2] =	stream.indirect.scatter.add.f32 [tilespmem:s23], [sflag:$0x6], $0x80, s6, s20, $0xb8;
	[tilespmem:$0x1E400] =	vst v63  }
0x138: {  	_ =	swait.ge [sflag:s31], $0x2000  }
0x139: {  	[sflag:s31] =	ssyncset.done $0x0  }
0x13a: {  	[sflag:s31] =	ssyncadd.s32 $0xFFFFE000  }
0x13b: {  	[spmem:s2] =	stream.indirect.scatter.add.f32 [tilespmem:s25], [sflag:$0x7], $0x80, s19, s20, $0xb8;
	[tilespmem:$0x1E400] =	vst v63  }
0x13c: {  	_ =	swait.ge [sflag:s0], $0x2000  }
0x13d: {  	[sflag:s0] =	ssyncset.done $0x0  }
0x13e: {  	[sflag:s0] =	ssyncadd.s32 $0xFFFFE000  }
0x13f: {  	[spmem:s2] =	stream.indirect.scatter.add.f32 [tilespmem:s28], [sflag:$0x8], $0x80, s22, s20, $0xb8;
	[tilespmem:$0x1E400] =	vst v63  }
0x140: {  	_ =	swait.ge [sflag:s3], $0x2000  }
0x141: {  	[sflag:s3] =	ssyncset.done $0x0  }
0x142: {  	[sflag:s3] =	ssyncadd.s32 $0xFFFFE000  }
0x143: {  	[tilespmem:s21], [sflag:$0x1] =	stream.indirect.gather [hbm4b:s1+s20], $0x80, s16, s20, $0xb8;
	[tilespmem:$0x1E400] =	vst v63  }
0x144: {  	_ =	swait.ge [sflag:s5], $0x2000  }
0x145: {  	[sflag:s5] =	ssyncset.done $0x0  }
0x146: {  	[sflag:s5] =	ssyncadd.s32 $0xFFFFE000  }
0x147: {  	[tilespmem:s23], [sflag:$0x2] =	stream.indirect.gather [hbm4b:s1+s20], $0x80, s16, s20, $0xb8;
	[tilespmem:$0x1E400] =	vst v63  }
0x148: {  	_ =	swait.ge [sflag:s7], $0x2000  }
0x149: {  	[sflag:s7] =	ssyncset.done $0x0  }
0x14a: {  	[sflag:s7] =	ssyncadd.s32 $0xFFFFE000  }
0x14b: {  	[tilespmem:s25], [sflag:$0x3] =	stream.indirect.gather [hbm4b:s1+s20], $0x80, s16, s20, $0xb8;
	[tilespmem:$0x1E400] =	vst v63  }
0x14c: {  	_ =	swait.ge [sflag:s8], $0x2000  }
0x14d: {  	[sflag:s8] =	ssyncset.done $0x0  }
0x14e: {  	[sflag:s8] =	ssyncadd.s32 $0xFFFFE000  }
0x14f: {  	[tilespmem:s28], [sflag:$0x4] =	stream.indirect.gather [hbm4b:s1+s20], $0x80, s16, s20, $0xb8;
	[tilespmem:$0x1E400] =	vst v63  }
0x150: {  	_ =	swait.ge [sflag:s29], $0x2000  }
0x151: {  	[sflag:s29] =	ssyncset.done $0x0  }
0x152: {  	[sflag:s29] =	ssyncadd.s32 $0xFFFFE000  }
0x153: {  	_ =	swait.ge [sflag:s30], $0x2000  }
0x154: {  	[sflag:s30] =	ssyncset.done $0x0  }
0x155: {  	[sflag:s30] =	ssyncadd.s32 $0xFFFFE000  }
0x156: {  	_ =	swait.ge [sflag:s31], $0x2000  }
0x157: {  	[sflag:s31] =	ssyncset.done $0x0  }
0x158: {  	[sflag:s31] =	ssyncadd.s32 $0xFFFFE000  }
0x159: {  	_ =	swait.ge [sflag:s0], $0x2000  }
0x15a: {  	[sflag:s0] =	ssyncset.done $0x0  }
0x15b: {  	s9 =	simm.s32 $0x0;
	s17 =	rddreg [dreg:$0x9];
	[sflag:s0] =	ssyncadd.s32 $0xFFFFE000  }
0x15c: {  	[tilespmem:s9], [sflag:$0x9] =	stream.linear.gather [hbm4b:s17+s9], $0x1400, $0x38;
	[tilespmem:$0x1E400] =	vst v63  }
0x15d: {  	_ =	swait.ge [sflag:s18], $0x1400  }
0x15e: {  	[sflag:s18] =	ssyncset.done $0x0  }
0x15f: {  	s26 =	simm.s32 $0x1400;
	s17 =	rddreg [dreg:$0xa];
	[sflag:s18] =	ssyncadd.s32 $0xFFFFEC00  }
0x160: {  	[tilespmem:s26], [sflag:$0x9] =	stream.linear.gather [hbm4b:s17+s9], $0x1400, $0x38;
	[tilespmem:$0x1E400] =	vst v63  }
0x161: {  	_ =	swait.ge [sflag:s18], $0x1400  }
0x162: {  	[sflag:s18] =	ssyncset.done $0x0  }
0x163: {  	[sflag:s18] =	ssyncadd.s32 $0xFFFFEC00  }
0x164: {  	[tilespmem:s21], [sflag:$0x1] =	stream.indirect.gather [hbm4b:s1+s20], $0x80, s9, s20, $0xb8;
	[tilespmem:$0x1E400] =	vst v63  }
0x165: {  	s17 =	simm.s32 $0x80  }
0x166: {  	[tilespmem:s23], [sflag:$0x2] =	stream.indirect.gather [hbm4b:s1+s20], $0x80, s17, s20, $0xb8;
	[tilespmem:$0x1E400] =	vst v63  }
0x167: {  	s26 =	simm.s32 $0x100  }
0x168: {  	[tilespmem:s25], [sflag:$0x3] =	stream.indirect.gather [hbm4b:s1+s20], $0x80, s26, s20, $0xb8;
	[tilespmem:$0x1E400] =	vst v63  }
0x169: {  	s17 =	simm.s32 $0x180  }
0x16a: {  	[tilespmem:s28], [sflag:$0x4] =	stream.indirect.gather [hbm4b:s1+s20], $0x80, s17, s20, $0xb8;
	[tilespmem:$0x1E400] =	vst v63  }
0x16b: {  	_ =	swait.ge [sflag:s29], $0x2000  }
0x16c: {  	[sflag:s29] =	ssyncset.done $0x0  }
0x16d: {  	s26 =	simm.s32 $0x1400;
	[sflag:s29] =	ssyncadd.s32 $0xFFFFE000  }
0x16e: {  	[spmem:s2] =	stream.indirect.scatter.add.f32 [tilespmem:s21], [sflag:$0x5], $0x80, s26, s20, $0xb8;
	[tilespmem:$0x1E400] =	vst v63  }
0x16f: {  	_ =	swait.ge [sflag:s30], $0x2000  }
0x170: {  	[sflag:s30] =	ssyncset.done $0x0  }
0x171: {  	s17 =	simm.s32 $0x1480;
	[sflag:s30] =	ssyncadd.s32 $0xFFFFE000  }
0x172: {  	[spmem:s2] =	stream.indirect.scatter.add.f32 [tilespmem:s23], [sflag:$0x6], $0x80, s17, s20, $0xb8;
	[tilespmem:$0x1E400] =	vst v63  }
0x173: {  	_ =	swait.ge [sflag:s31], $0x2000  }
0x174: {  	[sflag:s31] =	ssyncset.done $0x0  }
0x175: {  	s26 =	simm.s32 $0x1500;
	[sflag:s31] =	ssyncadd.s32 $0xFFFFE000  }
0x176: {  	[spmem:s2] =	stream.indirect.scatter.add.f32 [tilespmem:s25], [sflag:$0x7], $0x80, s26, s20, $0xb8;
	[tilespmem:$0x1E400] =	vst v63  }
0x177: {  	_ =	swait.ge [sflag:s0], $0x2000  }
0x178: {  	[sflag:s0] =	ssyncset.done $0x0  }
0x179: {  	s17 =	simm.s32 $0x1580;
	[sflag:s0] =	ssyncadd.s32 $0xFFFFE000  }
0x17a: {  	[spmem:s2] =	stream.indirect.scatter.add.f32 [tilespmem:s28], [sflag:$0x8], $0x80, s17, s20, $0xb8;
	[tilespmem:$0x1E400] =	vst v63  }
0x17b: {  	_ =	swait.ge [sflag:s3], $0x2000  }
0x17c: {  	[sflag:s3] =	ssyncset.done $0x0  }
0x17d: {  	s26 =	simm.s32 $0x200;
	[sflag:s3] =	ssyncadd.s32 $0xFFFFE000  }
0x17e: {  	[tilespmem:s21], [sflag:$0x1] =	stream.indirect.gather [hbm4b:s1+s20], $0x80, s26, s20, $0xb8;
	[tilespmem:$0x1E400] =	vst v63  }
0x17f: {  	_ =	swait.ge [sflag:s5], $0x2000  }
0x180: {  	[sflag:s5] =	ssyncset.done $0x0  }
0x181: {  	s17 =	simm.s32 $0x280;
	[sflag:s5] =	ssyncadd.s32 $0xFFFFE000  }
0x182: {  	[tilespmem:s23], [sflag:$0x2] =	stream.indirect.gather [hbm4b:s1+s20], $0x80, s17, s20, $0xb8;
	[tilespmem:$0x1E400] =	vst v63  }
0x183: {  	_ =	swait.ge [sflag:s7], $0x2000  }
0x184: {  	[sflag:s7] =	ssyncset.done $0x0  }
0x185: {  	s26 =	simm.s32 $0x300;
	[sflag:s7] =	ssyncadd.s32 $0xFFFFE000  }
0x186: {  	[tilespmem:s25], [sflag:$0x3] =	stream.indirect.gather [hbm4b:s1+s20], $0x80, s26, s20, $0xb8;
	[tilespmem:$0x1E400] =	vst v63  }
0x187: {  	_ =	swait.ge [sflag:s8], $0x2000  }
0x188: {  	[sflag:s8] =	ssyncset.done $0x0  }
0x189: {  	s17 =	simm.s32 $0x800;
	s26 =	simm.s32 $0x380;
	[sflag:s8] =	ssyncadd.s32 $0xFFFFE000  }
.LBB2_6:
0x18a: {  	[tilespmem:s28], [sflag:$0x4] =	stream.indirect.gather [hbm4b:s1+s20], $0x80, s26, s20, $0xb8;
	[tilespmem:$0x1E400] =	vst v63  }
0x18b: {  	s9 =	smov.u32 s17  }
0x18c: {  	p0 =	sne.s32 s17, $0x3800;
	s17 =	sadd.s32 $0x800, s17;
	_ =	swait.ge [sflag:s29], $0x2000  }
0x18d: {  	s26 =	sshra.s32 s9, $0x2;
	[sflag:s29] =	ssyncset.done $0x0  }
0x18e: {  	s9 =	sadd.s32 $0x1400, s26;
	[sflag:s29] =	ssyncadd.s32 $0xFFFFE000  }
0x18f: {  	[spmem:s2] =	stream.indirect.scatter.add.f32 [tilespmem:s21], [sflag:$0x5], $0x80, s9, s20, $0xb8;
	[tilespmem:$0x1E400] =	vst v63  }
0x190: {  	_ =	swait.ge [sflag:s30], $0x2000  }
0x191: {  	[sflag:s30] =	ssyncset.done $0x0  }
0x192: {  	s9 =	sadd.s32 $0x1480, s26;
	[sflag:s30] =	ssyncadd.s32 $0xFFFFE000  }
0x193: {  	[spmem:s2] =	stream.indirect.scatter.add.f32 [tilespmem:s23], [sflag:$0x6], $0x80, s9, s20, $0xb8;
	[tilespmem:$0x1E400] =	vst v63  }
0x194: {  	_ =	swait.ge [sflag:s31], $0x2000  }
0x195: {  	[sflag:s31] =	ssyncset.done $0x0  }
0x196: {  	s9 =	sadd.s32 $0x1500, s26;
	[sflag:s31] =	ssyncadd.s32 $0xFFFFE000  }
0x197: {  	[spmem:s2] =	stream.indirect.scatter.add.f32 [tilespmem:s25], [sflag:$0x7], $0x80, s9, s20, $0xb8;
	[tilespmem:$0x1E400] =	vst v63  }
0x198: {  	_ =	swait.ge [sflag:s0], $0x2000  }
0x199: {  	[sflag:s0] =	ssyncset.done $0x0  }
0x19a: {  	s9 =	sadd.s32 $0x1580, s26;
	[sflag:s0] =	ssyncadd.s32 $0xFFFFE000  }
0x19b: {  	[spmem:s2] =	stream.indirect.scatter.add.f32 [tilespmem:s28], [sflag:$0x8], $0x80, s9, s20, $0xb8;
	[tilespmem:$0x1E400] =	vst v63  }
0x19c: {  	_ =	swait.ge [sflag:s3], $0x2000  }
0x19d: {  	[sflag:s3] =	ssyncset.done $0x0  }
0x19e: {  	s9 =	sadd.s32 $0x200, s26;
	[sflag:s3] =	ssyncadd.s32 $0xFFFFE000  }
0x19f: {  	[tilespmem:s21], [sflag:$0x1] =	stream.indirect.gather [hbm4b:s1+s20], $0x80, s9, s20, $0xb8;
	[tilespmem:$0x1E400] =	vst v63  }
0x1a0: {  	_ =	swait.ge [sflag:s5], $0x2000  }
0x1a1: {  	[sflag:s5] =	ssyncset.done $0x0  }
0x1a2: {  	s9 =	sadd.s32 $0x280, s26;
	[sflag:s5] =	ssyncadd.s32 $0xFFFFE000  }
0x1a3: {  	[tilespmem:s23], [sflag:$0x2] =	stream.indirect.gather [hbm4b:s1+s20], $0x80, s9, s20, $0xb8;
	[tilespmem:$0x1E400] =	vst v63  }
0x1a4: {  	_ =	swait.ge [sflag:s7], $0x2000  }
0x1a5: {  	[sflag:s7] =	ssyncset.done $0x0  }
.Ltmp2:
0x1a6: {  	s9 =	sadd.s32 $0x300, s26;
	[sflag:s7] =	ssyncadd.s32 $0xFFFFE000;
	(pc) =	sbr.rel @p0 .LBB2_6-.Ltmp2, $4  }
0x1a7: {  	[tilespmem:s25], [sflag:$0x3] =	stream.indirect.gather [hbm4b:s1+s20], $0x80, s9, s20, $0xb8;
	[tilespmem:$0x1E400] =	vst v63  }
0x1a8: {  	_ =	swait.ge [sflag:s8], $0x2000  }
0x1a9: {  	[sflag:s8] =	ssyncset.done $0x0  }
0x1aa: {  	s26 =	sadd.s32 $0x380, s26;
	[sflag:s8] =	ssyncadd.s32 $0xFFFFE000  }
0x1ab: {  	[tilespmem:s28], [sflag:$0x4] =	stream.indirect.gather [hbm4b:s1+s20], $0x80, s26, s20, $0xb8;
	[tilespmem:$0x1E400] =	vst v63  }
0x1ac: {  	_ =	swait.ge [sflag:s29], $0x2000  }
0x1ad: {  	[sflag:s29] =	ssyncset.done $0x0  }
0x1ae: {  	s9 =	simm.s32 $0x2400;
	[sflag:s29] =	ssyncadd.s32 $0xFFFFE000  }
0x1af: {  	[spmem:s2] =	stream.indirect.scatter.add.f32 [tilespmem:s21], [sflag:$0x5], $0x80, s9, s20, $0xb8;
	[tilespmem:$0x1E400] =	vst v63  }
0x1b0: {  	_ =	swait.ge [sflag:s30], $0x2000  }
0x1b1: {  	[sflag:s30] =	ssyncset.done $0x0  }
0x1b2: {  	s17 =	simm.s32 $0x2480;
	[sflag:s30] =	ssyncadd.s32 $0xFFFFE000  }
0x1b3: {  	[spmem:s2] =	stream.indirect.scatter.add.f32 [tilespmem:s23], [sflag:$0x6], $0x80, s17, s20, $0xb8;
	[tilespmem:$0x1E400] =	vst v63  }
0x1b4: {  	_ =	swait.ge [sflag:s31], $0x2000  }
0x1b5: {  	[sflag:s31] =	ssyncset.done $0x0  }
0x1b6: {  	s26 =	simm.s32 $0x2500;
	[sflag:s31] =	ssyncadd.s32 $0xFFFFE000  }
0x1b7: {  	[spmem:s2] =	stream.indirect.scatter.add.f32 [tilespmem:s25], [sflag:$0x7], $0x80, s26, s20, $0xb8;
	[tilespmem:$0x1E400] =	vst v63  }
0x1b8: {  	_ =	swait.ge [sflag:s0], $0x2000  }
0x1b9: {  	[sflag:s0] =	ssyncset.done $0x0  }
0x1ba: {  	[sflag:s0] =	ssyncadd.s32 $0xFFFFE000  }
0x1bb: {  	[spmem:s2] =	stream.indirect.scatter.add.f32 [tilespmem:s28], [sflag:$0x8], $0x80, s12, s20, $0xb8;
	[tilespmem:$0x1E400] =	vst v63  }
0x1bc: {  	_ =	swait.ge [sflag:s3], $0x2000  }
0x1bd: {  	[sflag:s3] =	ssyncset.done $0x0  }
0x1be: {  	[sflag:s3] =	ssyncadd.s32 $0xFFFFE000  }
0x1bf: {  	[tilespmem:s21], [sflag:$0x1] =	stream.indirect.gather [hbm4b:s1+s20], $0x80, s13, s20, $0xb8;
	[tilespmem:$0x1E400] =	vst v63  }
0x1c0: {  	_ =	swait.ge [sflag:s5], $0x2000  }
0x1c1: {  	[sflag:s5] =	ssyncset.done $0x0  }
0x1c2: {  	[sflag:s5] =	ssyncadd.s32 $0xFFFFE000  }
0x1c3: {  	[tilespmem:s23], [sflag:$0x2] =	stream.indirect.gather [hbm4b:s1+s20], $0x80, s14, s20, $0xb8;
	[tilespmem:$0x1E400] =	vst v63  }
0x1c4: {  	_ =	swait.ge [sflag:s7], $0x2000  }
0x1c5: {  	[sflag:s7] =	ssyncset.done $0x0  }
0x1c6: {  	[sflag:s7] =	ssyncadd.s32 $0xFFFFE000  }
0x1c7: {  	[tilespmem:s25], [sflag:$0x3] =	stream.indirect.gather [hbm4b:s1+s20], $0x80, s15, s20, $0xb8;
	[tilespmem:$0x1E400] =	vst v63  }
0x1c8: {  	_ =	swait.ge [sflag:s8], $0x2000  }
0x1c9: {  	[sflag:s8] =	ssyncset.done $0x0  }
0x1ca: {  	[sflag:s8] =	ssyncadd.s32 $0xFFFFE000  }
0x1cb: {  	[tilespmem:s28], [sflag:$0x4] =	stream.indirect.gather [hbm4b:s1+s20], $0x80, s16, s20, $0xb8;
	[tilespmem:$0x1E400] =	vst v63  }
0x1cc: {  	_ =	swait.ge [sflag:s29], $0x2000  }
0x1cd: {  	[sflag:s29] =	ssyncset.done $0x0  }
0x1ce: {  	[sflag:s29] =	ssyncadd.s32 $0xFFFFE000  }
0x1cf: {  	[spmem:s2] =	stream.indirect.scatter.add.f32 [tilespmem:s21], [sflag:$0x5], $0x80, s4, s20, $0xb8;
	[tilespmem:$0x1E400] =	vst v63  }
0x1d0: {  	_ =	swait.ge [sflag:s30], $0x2000  }
0x1d1: {  	[sflag:s30] =	ssyncset.done $0x0  }
0x1d2: {  	[sflag:s30] =	ssyncadd.s32 $0xFFFFE000  }
0x1d3: {  	[spmem:s2] =	stream.indirect.scatter.add.f32 [tilespmem:s23], [sflag:$0x6], $0x80, s6, s20, $0xb8;
	[tilespmem:$0x1E400] =	vst v63  }
0x1d4: {  	_ =	swait.ge [sflag:s31], $0x2000  }
0x1d5: {  	[sflag:s31] =	ssyncset.done $0x0  }
0x1d6: {  	[sflag:s31] =	ssyncadd.s32 $0xFFFFE000  }
0x1d7: {  	[spmem:s2] =	stream.indirect.scatter.add.f32 [tilespmem:s25], [sflag:$0x7], $0x80, s19, s20, $0xb8;
	[tilespmem:$0x1E400] =	vst v63  }
0x1d8: {  	_ =	swait.ge [sflag:s0], $0x2000  }
0x1d9: {  	[sflag:s0] =	ssyncset.done $0x0  }
0x1da: {  	[sflag:s0] =	ssyncadd.s32 $0xFFFFE000  }
0x1db: {  	[spmem:s2] =	stream.indirect.scatter.add.f32 [tilespmem:s28], [sflag:$0x8], $0x80, s22, s20, $0xb8;
	[tilespmem:$0x1E400] =	vst v63  }
0x1dc: {  	_ =	swait.ge [sflag:s3], $0x2000  }
0x1dd: {  	[sflag:s3] =	ssyncset.done $0x0  }
0x1de: {  	[sflag:s3] =	ssyncadd.s32 $0xFFFFE000  }
0x1df: {  	[tilespmem:s21], [sflag:$0x1] =	stream.indirect.gather [hbm4b:s1+s20], $0x80, s16, s20, $0xb8;
	[tilespmem:$0x1E400] =	vst v63  }
0x1e0: {  	_ =	swait.ge [sflag:s5], $0x2000  }
0x1e1: {  	[sflag:s5] =	ssyncset.done $0x0  }
0x1e2: {  	[sflag:s5] =	ssyncadd.s32 $0xFFFFE000  }
0x1e3: {  	[tilespmem:s23], [sflag:$0x2] =	stream.indirect.gather [hbm4b:s1+s20], $0x80, s16, s20, $0xb8;
	[tilespmem:$0x1E400] =	vst v63  }
0x1e4: {  	_ =	swait.ge [sflag:s7], $0x2000  }
0x1e5: {  	[sflag:s7] =	ssyncset.done $0x0  }
0x1e6: {  	[sflag:s7] =	ssyncadd.s32 $0xFFFFE000  }
0x1e7: {  	[tilespmem:s25], [sflag:$0x3] =	stream.indirect.gather [hbm4b:s1+s20], $0x80, s16, s20, $0xb8;
	[tilespmem:$0x1E400] =	vst v63  }
0x1e8: {  	_ =	swait.ge [sflag:s8], $0x2000  }
0x1e9: {  	[sflag:s8] =	ssyncset.done $0x0  }
0x1ea: {  	[sflag:s8] =	ssyncadd.s32 $0xFFFFE000  }
0x1eb: {  	[tilespmem:s28], [sflag:$0x4] =	stream.indirect.gather [hbm4b:s1+s20], $0x80, s16, s20, $0xb8;
	[tilespmem:$0x1E400] =	vst v63  }
0x1ec: {  	_ =	swait.ge [sflag:s29], $0x2000  }
0x1ed: {  	[sflag:s29] =	ssyncset.done $0x0  }
0x1ee: {  	[sflag:s29] =	ssyncadd.s32 $0xFFFFE000  }
0x1ef: {  	_ =	swait.ge [sflag:s30], $0x2000  }
0x1f0: {  	[sflag:s30] =	ssyncset.done $0x0  }
0x1f1: {  	[sflag:s30] =	ssyncadd.s32 $0xFFFFE000  }
0x1f2: {  	_ =	swait.ge [sflag:s31], $0x2000  }
0x1f3: {  	[sflag:s31] =	ssyncset.done $0x0  }
0x1f4: {  	[sflag:s31] =	ssyncadd.s32 $0xFFFFE000  }
0x1f5: {  	_ =	swait.ge [sflag:s0], $0x2000  }
0x1f6: {  	[sflag:s0] =	ssyncset.done $0x0  }
0x1f7: {  	s9 =	simm.s32 $0x0;
	s17 =	rddreg [dreg:$0xb];
	[sflag:s0] =	ssyncadd.s32 $0xFFFFE000  }
0x1f8: {  	[tilespmem:s9], [sflag:$0x9] =	stream.linear.gather [hbm4b:s17+s9], $0x1400, $0x38;
	[tilespmem:$0x1E400] =	vst v63  }
0x1f9: {  	_ =	swait.ge [sflag:s18], $0x1400  }
0x1fa: {  	[sflag:s18] =	ssyncset.done $0x0  }
0x1fb: {  	s26 =	simm.s32 $0x1400;
	s17 =	rddreg [dreg:$0xc];
	[sflag:s18] =	ssyncadd.s32 $0xFFFFEC00  }
0x1fc: {  	[tilespmem:s26], [sflag:$0x9] =	stream.linear.gather [hbm4b:s17+s9], $0x1400, $0x38;
	[tilespmem:$0x1E400] =	vst v63  }
0x1fd: {  	_ =	swait.ge [sflag:s18], $0x1400  }
0x1fe: {  	[sflag:s18] =	ssyncset.done $0x0  }
0x1ff: {  	[sflag:s18] =	ssyncadd.s32 $0xFFFFEC00  }
0x200: {  	[tilespmem:s21], [sflag:$0x1] =	stream.indirect.gather [hbm4b:s1+s20], $0x80, s9, s20, $0xb8;
	[tilespmem:$0x1E400] =	vst v63  }
0x201: {  	s17 =	simm.s32 $0x80  }
0x202: {  	[tilespmem:s23], [sflag:$0x2] =	stream.indirect.gather [hbm4b:s1+s20], $0x80, s17, s20, $0xb8;
	[tilespmem:$0x1E400] =	vst v63  }
0x203: {  	s26 =	simm.s32 $0x100  }
0x204: {  	[tilespmem:s25], [sflag:$0x3] =	stream.indirect.gather [hbm4b:s1+s20], $0x80, s26, s20, $0xb8;
	[tilespmem:$0x1E400] =	vst v63  }
0x205: {  	s17 =	simm.s32 $0x180  }
0x206: {  	[tilespmem:s28], [sflag:$0x4] =	stream.indirect.gather [hbm4b:s1+s20], $0x80, s17, s20, $0xb8;
	[tilespmem:$0x1E400] =	vst v63  }
0x207: {  	_ =	swait.ge [sflag:s29], $0x2000  }
0x208: {  	[sflag:s29] =	ssyncset.done $0x0  }
0x209: {  	s26 =	simm.s32 $0x1400;
	[sflag:s29] =	ssyncadd.s32 $0xFFFFE000  }
0x20a: {  	[spmem:s2] =	stream.indirect.scatter.add.f32 [tilespmem:s21], [sflag:$0x5], $0x80, s26, s20, $0xb8;
	[tilespmem:$0x1E400] =	vst v63  }
0x20b: {  	_ =	swait.ge [sflag:s30], $0x2000  }
0x20c: {  	[sflag:s30] =	ssyncset.done $0x0  }
0x20d: {  	s17 =	simm.s32 $0x1480;
	[sflag:s30] =	ssyncadd.s32 $0xFFFFE000  }
0x20e: {  	[spmem:s2] =	stream.indirect.scatter.add.f32 [tilespmem:s23], [sflag:$0x6], $0x80, s17, s20, $0xb8;
	[tilespmem:$0x1E400] =	vst v63  }
0x20f: {  	_ =	swait.ge [sflag:s31], $0x2000  }
0x210: {  	[sflag:s31] =	ssyncset.done $0x0  }
0x211: {  	s26 =	simm.s32 $0x1500;
	[sflag:s31] =	ssyncadd.s32 $0xFFFFE000  }
0x212: {  	[spmem:s2] =	stream.indirect.scatter.add.f32 [tilespmem:s25], [sflag:$0x7], $0x80, s26, s20, $0xb8;
	[tilespmem:$0x1E400] =	vst v63  }
0x213: {  	_ =	swait.ge [sflag:s0], $0x2000  }
0x214: {  	[sflag:s0] =	ssyncset.done $0x0  }
0x215: {  	s17 =	simm.s32 $0x1580;
	[sflag:s0] =	ssyncadd.s32 $0xFFFFE000  }
0x216: {  	[spmem:s2] =	stream.indirect.scatter.add.f32 [tilespmem:s28], [sflag:$0x8], $0x80, s17, s20, $0xb8;
	[tilespmem:$0x1E400] =	vst v63  }
0x217: {  	_ =	swait.ge [sflag:s3], $0x2000  }
0x218: {  	[sflag:s3] =	ssyncset.done $0x0  }
0x219: {  	s26 =	simm.s32 $0x200;
	[sflag:s3] =	ssyncadd.s32 $0xFFFFE000  }
0x21a: {  	[tilespmem:s21], [sflag:$0x1] =	stream.indirect.gather [hbm4b:s1+s20], $0x80, s26, s20, $0xb8;
	[tilespmem:$0x1E400] =	vst v63  }
0x21b: {  	_ =	swait.ge [sflag:s5], $0x2000  }
0x21c: {  	[sflag:s5] =	ssyncset.done $0x0  }
0x21d: {  	s17 =	simm.s32 $0x280;
	[sflag:s5] =	ssyncadd.s32 $0xFFFFE000  }
0x21e: {  	[tilespmem:s23], [sflag:$0x2] =	stream.indirect.gather [hbm4b:s1+s20], $0x80, s17, s20, $0xb8;
	[tilespmem:$0x1E400] =	vst v63  }
0x21f: {  	_ =	swait.ge [sflag:s7], $0x2000  }
0x220: {  	[sflag:s7] =	ssyncset.done $0x0  }
0x221: {  	s26 =	simm.s32 $0x300;
	[sflag:s7] =	ssyncadd.s32 $0xFFFFE000  }
0x222: {  	[tilespmem:s25], [sflag:$0x3] =	stream.indirect.gather [hbm4b:s1+s20], $0x80, s26, s20, $0xb8;
	[tilespmem:$0x1E400] =	vst v63  }
0x223: {  	_ =	swait.ge [sflag:s8], $0x2000  }
0x224: {  	[sflag:s8] =	ssyncset.done $0x0  }
0x225: {  	s17 =	simm.s32 $0x800;
	s26 =	simm.s32 $0x380;
	[sflag:s8] =	ssyncadd.s32 $0xFFFFE000  }
.LBB2_8:
0x226: {  	[tilespmem:s28], [sflag:$0x4] =	stream.indirect.gather [hbm4b:s1+s20], $0x80, s26, s20, $0xb8;
	[tilespmem:$0x1E400] =	vst v63  }
0x227: {  	s9 =	smov.u32 s17  }
0x228: {  	p0 =	sne.s32 s17, $0x3800;
	s17 =	sadd.s32 $0x800, s17;
	_ =	swait.ge [sflag:s29], $0x2000  }
0x229: {  	s26 =	sshra.s32 s9, $0x2;
	[sflag:s29] =	ssyncset.done $0x0  }
0x22a: {  	s9 =	sadd.s32 $0x1400, s26;
	[sflag:s29] =	ssyncadd.s32 $0xFFFFE000  }
0x22b: {  	[spmem:s2] =	stream.indirect.scatter.add.f32 [tilespmem:s21], [sflag:$0x5], $0x80, s9, s20, $0xb8;
	[tilespmem:$0x1E400] =	vst v63  }
0x22c: {  	_ =	swait.ge [sflag:s30], $0x2000  }
0x22d: {  	[sflag:s30] =	ssyncset.done $0x0  }
0x22e: {  	s9 =	sadd.s32 $0x1480, s26;
	[sflag:s30] =	ssyncadd.s32 $0xFFFFE000  }
0x22f: {  	[spmem:s2] =	stream.indirect.scatter.add.f32 [tilespmem:s23], [sflag:$0x6], $0x80, s9, s20, $0xb8;
	[tilespmem:$0x1E400] =	vst v63  }
0x230: {  	_ =	swait.ge [sflag:s31], $0x2000  }
0x231: {  	[sflag:s31] =	ssyncset.done $0x0  }
0x232: {  	s9 =	sadd.s32 $0x1500, s26;
	[sflag:s31] =	ssyncadd.s32 $0xFFFFE000  }
0x233: {  	[spmem:s2] =	stream.indirect.scatter.add.f32 [tilespmem:s25], [sflag:$0x7], $0x80, s9, s20, $0xb8;
	[tilespmem:$0x1E400] =	vst v63  }
0x234: {  	_ =	swait.ge [sflag:s0], $0x2000  }
0x235: {  	[sflag:s0] =	ssyncset.done $0x0  }
0x236: {  	s9 =	sadd.s32 $0x1580, s26;
	[sflag:s0] =	ssyncadd.s32 $0xFFFFE000  }
0x237: {  	[spmem:s2] =	stream.indirect.scatter.add.f32 [tilespmem:s28], [sflag:$0x8], $0x80, s9, s20, $0xb8;
	[tilespmem:$0x1E400] =	vst v63  }
0x238: {  	_ =	swait.ge [sflag:s3], $0x2000  }
0x239: {  	[sflag:s3] =	ssyncset.done $0x0  }
0x23a: {  	s9 =	sadd.s32 $0x200, s26;
	[sflag:s3] =	ssyncadd.s32 $0xFFFFE000  }
0x23b: {  	[tilespmem:s21], [sflag:$0x1] =	stream.indirect.gather [hbm4b:s1+s20], $0x80, s9, s20, $0xb8;
	[tilespmem:$0x1E400] =	vst v63  }
0x23c: {  	_ =	swait.ge [sflag:s5], $0x2000  }
0x23d: {  	[sflag:s5] =	ssyncset.done $0x0  }
0x23e: {  	s9 =	sadd.s32 $0x280, s26;
	[sflag:s5] =	ssyncadd.s32 $0xFFFFE000  }
0x23f: {  	[tilespmem:s23], [sflag:$0x2] =	stream.indirect.gather [hbm4b:s1+s20], $0x80, s9, s20, $0xb8;
	[tilespmem:$0x1E400] =	vst v63  }
0x240: {  	_ =	swait.ge [sflag:s7], $0x2000  }
0x241: {  	[sflag:s7] =	ssyncset.done $0x0  }
.Ltmp3:
0x242: {  	s9 =	sadd.s32 $0x300, s26;
	[sflag:s7] =	ssyncadd.s32 $0xFFFFE000;
	(pc) =	sbr.rel @p0 .LBB2_8-.Ltmp3, $4  }
0x243: {  	[tilespmem:s25], [sflag:$0x3] =	stream.indirect.gather [hbm4b:s1+s20], $0x80, s9, s20, $0xb8;
	[tilespmem:$0x1E400] =	vst v63  }
0x244: {  	_ =	swait.ge [sflag:s8], $0x2000  }
0x245: {  	[sflag:s8] =	ssyncset.done $0x0  }
0x246: {  	s26 =	sadd.s32 $0x380, s26;
	[sflag:s8] =	ssyncadd.s32 $0xFFFFE000  }
0x247: {  	[tilespmem:s28], [sflag:$0x4] =	stream.indirect.gather [hbm4b:s1+s20], $0x80, s26, s20, $0xb8;
	[tilespmem:$0x1E400] =	vst v63  }
0x248: {  	_ =	swait.ge [sflag:s29], $0x2000  }
0x249: {  	[sflag:s29] =	ssyncset.done $0x0  }
0x24a: {  	s9 =	simm.s32 $0x2400;
	[sflag:s29] =	ssyncadd.s32 $0xFFFFE000  }
0x24b: {  	[spmem:s2] =	stream.indirect.scatter.add.f32 [tilespmem:s21], [sflag:$0x5], $0x80, s9, s20, $0xb8;
	[tilespmem:$0x1E400] =	vst v63  }
0x24c: {  	_ =	swait.ge [sflag:s30], $0x2000  }
0x24d: {  	[sflag:s30] =	ssyncset.done $0x0  }
0x24e: {  	s17 =	simm.s32 $0x2480;
	[sflag:s30] =	ssyncadd.s32 $0xFFFFE000  }
0x24f: {  	[spmem:s2] =	stream.indirect.scatter.add.f32 [tilespmem:s23], [sflag:$0x6], $0x80, s17, s20, $0xb8;
	[tilespmem:$0x1E400] =	vst v63  }
0x250: {  	_ =	swait.ge [sflag:s31], $0x2000  }
0x251: {  	[sflag:s31] =	ssyncset.done $0x0  }
0x252: {  	s26 =	simm.s32 $0x2500;
	[sflag:s31] =	ssyncadd.s32 $0xFFFFE000  }
0x253: {  	[spmem:s2] =	stream.indirect.scatter.add.f32 [tilespmem:s25], [sflag:$0x7], $0x80, s26, s20, $0xb8;
	[tilespmem:$0x1E400] =	vst v63  }
0x254: {  	_ =	swait.ge [sflag:s0], $0x2000  }
0x255: {  	[sflag:s0] =	ssyncset.done $0x0  }
0x256: {  	[sflag:s0] =	ssyncadd.s32 $0xFFFFE000  }
0x257: {  	[spmem:s2] =	stream.indirect.scatter.add.f32 [tilespmem:s28], [sflag:$0x8], $0x80, s12, s20, $0xb8;
	[tilespmem:$0x1E400] =	vst v63  }
0x258: {  	_ =	swait.ge [sflag:s3], $0x2000  }
0x259: {  	[sflag:s3] =	ssyncset.done $0x0  }
0x25a: {  	[sflag:s3] =	ssyncadd.s32 $0xFFFFE000  }
0x25b: {  	[tilespmem:s21], [sflag:$0x1] =	stream.indirect.gather [hbm4b:s1+s20], $0x80, s13, s20, $0xb8;
	[tilespmem:$0x1E400] =	vst v63  }
0x25c: {  	_ =	swait.ge [sflag:s5], $0x2000  }
0x25d: {  	[sflag:s5] =	ssyncset.done $0x0  }
0x25e: {  	[sflag:s5] =	ssyncadd.s32 $0xFFFFE000  }
0x25f: {  	[tilespmem:s23], [sflag:$0x2] =	stream.indirect.gather [hbm4b:s1+s20], $0x80, s14, s20, $0xb8;
	[tilespmem:$0x1E400] =	vst v63  }
0x260: {  	_ =	swait.ge [sflag:s7], $0x2000  }
0x261: {  	[sflag:s7] =	ssyncset.done $0x0  }
0x262: {  	[sflag:s7] =	ssyncadd.s32 $0xFFFFE000  }
0x263: {  	[tilespmem:s25], [sflag:$0x3] =	stream.indirect.gather [hbm4b:s1+s20], $0x80, s15, s20, $0xb8;
	[tilespmem:$0x1E400] =	vst v63  }
0x264: {  	_ =	swait.ge [sflag:s8], $0x2000  }
0x265: {  	[sflag:s8] =	ssyncset.done $0x0  }
0x266: {  	[sflag:s8] =	ssyncadd.s32 $0xFFFFE000  }
0x267: {  	[tilespmem:s28], [sflag:$0x4] =	stream.indirect.gather [hbm4b:s1+s20], $0x80, s16, s20, $0xb8;
	[tilespmem:$0x1E400] =	vst v63  }
0x268: {  	_ =	swait.ge [sflag:s29], $0x2000  }
0x269: {  	[sflag:s29] =	ssyncset.done $0x0  }
0x26a: {  	[sflag:s29] =	ssyncadd.s32 $0xFFFFE000  }
0x26b: {  	[spmem:s2] =	stream.indirect.scatter.add.f32 [tilespmem:s21], [sflag:$0x5], $0x80, s4, s20, $0xb8;
	[tilespmem:$0x1E400] =	vst v63  }
0x26c: {  	_ =	swait.ge [sflag:s30], $0x2000  }
0x26d: {  	[sflag:s30] =	ssyncset.done $0x0  }
0x26e: {  	[sflag:s30] =	ssyncadd.s32 $0xFFFFE000  }
0x26f: {  	[spmem:s2] =	stream.indirect.scatter.add.f32 [tilespmem:s23], [sflag:$0x6], $0x80, s6, s20, $0xb8;
	[tilespmem:$0x1E400] =	vst v63  }
0x270: {  	_ =	swait.ge [sflag:s31], $0x2000  }
0x271: {  	[sflag:s31] =	ssyncset.done $0x0  }
0x272: {  	[sflag:s31] =	ssyncadd.s32 $0xFFFFE000  }
0x273: {  	[spmem:s2] =	stream.indirect.scatter.add.f32 [tilespmem:s25], [sflag:$0x7], $0x80, s19, s20, $0xb8;
	[tilespmem:$0x1E400] =	vst v63  }
0x274: {  	_ =	swait.ge [sflag:s0], $0x2000  }
0x275: {  	[sflag:s0] =	ssyncset.done $0x0  }
0x276: {  	[sflag:s0] =	ssyncadd.s32 $0xFFFFE000  }
0x277: {  	[spmem:s2] =	stream.indirect.scatter.add.f32 [tilespmem:s28], [sflag:$0x8], $0x80, s22, s20, $0xb8;
	[tilespmem:$0x1E400] =	vst v63  }
0x278: {  	_ =	swait.ge [sflag:s3], $0x2000  }
0x279: {  	[sflag:s3] =	ssyncset.done $0x0  }
0x27a: {  	[sflag:s3] =	ssyncadd.s32 $0xFFFFE000  }
0x27b: {  	[tilespmem:s21], [sflag:$0x1] =	stream.indirect.gather [hbm4b:s1+s20], $0x80, s16, s20, $0xb8;
	[tilespmem:$0x1E400] =	vst v63  }
0x27c: {  	_ =	swait.ge [sflag:s5], $0x2000  }
0x27d: {  	[sflag:s5] =	ssyncset.done $0x0  }
0x27e: {  	[sflag:s5] =	ssyncadd.s32 $0xFFFFE000  }
0x27f: {  	[tilespmem:s23], [sflag:$0x2] =	stream.indirect.gather [hbm4b:s1+s20], $0x80, s16, s20, $0xb8;
	[tilespmem:$0x1E400] =	vst v63  }
0x280: {  	_ =	swait.ge [sflag:s7], $0x2000  }
0x281: {  	[sflag:s7] =	ssyncset.done $0x0  }
0x282: {  	[sflag:s7] =	ssyncadd.s32 $0xFFFFE000  }
0x283: {  	[tilespmem:s25], [sflag:$0x3] =	stream.indirect.gather [hbm4b:s1+s20], $0x80, s16, s20, $0xb8;
	[tilespmem:$0x1E400] =	vst v63  }
0x284: {  	_ =	swait.ge [sflag:s8], $0x2000  }
0x285: {  	[sflag:s8] =	ssyncset.done $0x0  }
0x286: {  	[sflag:s8] =	ssyncadd.s32 $0xFFFFE000  }
0x287: {  	[tilespmem:s28], [sflag:$0x4] =	stream.indirect.gather [hbm4b:s1+s20], $0x80, s16, s20, $0xb8;
	[tilespmem:$0x1E400] =	vst v63  }
0x288: {  	_ =	swait.ge [sflag:s29], $0x2000  }
0x289: {  	[sflag:s29] =	ssyncset.done $0x0  }
0x28a: {  	[sflag:s29] =	ssyncadd.s32 $0xFFFFE000  }
0x28b: {  	_ =	swait.ge [sflag:s30], $0x2000  }
0x28c: {  	[sflag:s30] =	ssyncset.done $0x0  }
0x28d: {  	[sflag:s30] =	ssyncadd.s32 $0xFFFFE000  }
0x28e: {  	_ =	swait.ge [sflag:s31], $0x2000  }
0x28f: {  	[sflag:s31] =	ssyncset.done $0x0  }
0x290: {  	[sflag:s31] =	ssyncadd.s32 $0xFFFFE000  }
0x291: {  	_ =	swait.ge [sflag:s0], $0x2000  }
0x292: {  	[sflag:s0] =	ssyncset.done $0x0  }
0x293: {  	[sflag:s0] =	ssyncadd.s32 $0xFFFFE000  }
0x294: {  	[bflag:$0x0] =	sbarrier.arrive $0xFFFF  }
0x295: {  	s9 =	rddreg [dreg:$0xd]  }
0x296: {  	[hbm:s9], [sflag:s10] =	dma.local [spmem:s11], $0x2780  }
0x297: {  	_ =	swait.ge [sflag:s18], $0x2780  }
0x298: {  	s24 =	sadd.s32 $0x1, s24;
	s26 =	smov.u32 s11;
	s11 =	rddreg [dreg:$0xe]  }
0x299: {  	p0 =	sne.s32 s24, s11  }
.Ltmp4:
0x29a: {  	_ = 	snop;
	(pc) =	sbr.rel @p0 .LBB2_1-.Ltmp4, $3  }
0x29b: {  	_ =	sdelay $0x1  }
0x29c: {  	[sflag:s18] =	ssyncset.done $0x0  }
0x29d: {  	s17 =	smov.u32 s10;
	[sflag:s18] =	ssyncadd.s32 $0xFFFFD880  }
0x29e: {  	_ =	sfence.sel $0x180000  }
0x29f: {  	[bflag:$0x0] =	sbarrier.arrive $0xFFFF  }
0x2a0: {  	_ =	strace $0x9000004A  }
0x2a1: {  	s0 =	stileid.u32;
	[bflag:$0x2] =	sbarrier.arrive $0xFFFF  }
0x2a2: {  	p0 =	sne.s32 s0, $0x0;
	s0 =	rddreg [dreg:$0x3]  }
0x2a3: {  	s0 =	sadd.s32 @!p0 $0x100000, s0  }
0x2a4: {  	[sflag:s0] =	ssyncadd.tile.s32 @!p0 $0x1;
	_ =	shalt  }
.Lfunc_end2:
_tile_overlayer_lowered:
.L_overlay_start_2:
0x2a5: {  	(tag) =	ssettag $0x2  }
0x2a6: {  	s0 =	rddreg [dreg:$0x0];
	s2 =	stileid.u32  }
0x2a7: {  	s1 =	rddreg [dreg:$0x1];
	p0 =	sne.s32 s2, $0x0  }
0x2a8: {  	s3 =	rddreg [dreg:$0x2];
	[bflag:$0x3] =	sbarrier.arrive $0xFFFF;
	s2 =	simm.s32 @!p0 $0x1C09  }
0x2a9: {  	[timem:s3], [sflag:s2] =	dma.local @!p0 [hbm:s0], s1  }
0x2aa: {  	s0 =	simm.s32 @!p0 $0x9  }
0x2ab: {  	_ =	swait.ge @!p0 [sflag:s0], s1  }
0x2ac: {  	s1 =	ssub.s32 @!p0 $0x0, s1;
	[sflag:s0] =	ssyncset.done @!p0 $0x0  }
0x2ad: {  	[sflag:s0] =	ssyncadd.s32 @!p0 s1  }
0x2ae: {  	[bflag:$0x3] =	sbarrier.arrive $0xFFFF  }
0x2af: {  	_ =	shalt  }

// kernel: kernel.15.cloned.1.call-start
scs
__scs_entry_jumppad:
0x0: {  	(pc) =	sbr.rel $0x88, $3  }
0x1: {  	(tag) =	ssettag $0x0;
	lr =	simm.s32 $0x1  }
0x2: {  	[smem:$0x3F9B] =	sst lr;
	_ =	strace $0xD0000000  }
0x3: {  	_ = 	snop  }
0x4: {  	_ = 	snop  }
0x5: {  	_ = 	snop  }
0x6: {  	_ = 	snop  }
0x7: {  	_ = 	snop  }
__scs_overlays_trampoline_lowered:
0x8: {  	[smem:$0x3FAA] =	sst s0  }
0x9: {  	[smem:$0x3FAB] =	sst s1  }
0xa: {  	[smem:$0x3FAC] =	sst s2  }
0xb: {  	[smem:$0x3FAD] =	sst s3  }
0xc: {  	[smem:$0x3FAE] =	sst s4  }
0xd: {  	[smem:$0x3FAF] =	sst s5  }
0xe: {  	[smem:$0x3FB0] =	sst s6  }
0xf: {  	[smem:$0x3FB1] =	sst s7  }
0x10: {  	[smem:$0x3FB2] =	sst s8  }
0x11: {  	[smem:$0x3FB3] =	sst s9;
	s0 =	simm.s32 @!p0 $0x0  }
0x12: {  	s1 =	sld [smem:$0x3F99];
	s0 =	simm.s32 @p0 $0x1  }
0x13: {  	[smem:$0x3FB4] =	sst s0;
	s0 =	simm.s32 @!p1 $0x0  }
0x14: {  	s2 =	sld [smem:$0x3F98];
	s0 =	simm.s32 @p1 $0x1  }
0x15: {  	[smem:$0x3FB5] =	sst s0;
	s0 =	simm.s32 @!p2 $0x0  }
0x16: {  	s3 =	sld [smem:$0x3FDB];
	s0 =	simm.s32 @p2 $0x1  }
0x17: {  	s4 =	simm.s32 $0x1BF5;
	[smem:$0x3FB7] =	sst s0  }
0x18: {  	s0 =	sld [smem:$0x3F9A];
	_ =	swait.ge [sflag:s4], $0x0  }
0x19: {  	s7 =	sld [smem:$0x3F9B]  }
0x1a: {  	s8 =	sadd.s32 $0xFFFFE003, lr  }
0x1b: {  	s9 =	sadd.s32 $0xFFFFFEF7, lr;
	s5 =	simm.s32 $0xFFFFFFFF;
	p2 =	slt.u32 s8, $0xFFFFF086  }
0x1c: {  	p1 =	slt.u32 s9, $0xF7A;
	s5 =	simm.s32 @!p2 $0x0  }
0x1d: {  	s5 =	simm.s32 @p1 $0x1;
	p0 =	seq.s32 s7, s2  }
0x1e: {  	s7 =	smul.u32 @!p0 $0xF7A, s2;
	p2 =	seq.s32 @!p0 s5, $0x0  }
0x1f: {  	s9 =	smul.u32 $0xF7A, s1;
	s8 =	simm.s32 @!p0 $0x1BF5;
	p2 =	por !p2, p0  }
0x20: {  	[sflag:s8] =	ssyncset.s32 @!p0 $0xFFFFF086;
	s6 =	sadd.s32 @!p0 s3, s7;
	s7 =	simm.s32 @!p0 $0x108  }
0x21: {  	s3 =	sadd.s32 s3, s9;
	s6 =	sadd.s32 @!p0 $0x88, s6;
	s7 =	simm.s32 @p2 $0x1082  }
0x22: {  	[simem:s7], [sflag:s8] =	dma.local @!p0 [hbm:s6], $0xF7A  }
0x23: {  	s9 =	sor.u32 $0xD0000000, s2;
	s6 =	simm.s32 $0x108;
	_ =	swait.ge @!p0 [sflag:s8], $0x0  }
0x24: {  	s3 =	sadd.s32 $0x88, s3;
	s6 =	simm.s32 @!p1 $0x1082;
	[sflag:s4] =	ssyncset.s32 $0xFFFFF086  }
0x25: {  	[simem:s6], [sflag:s4] =	dma.local [hbm:s3], $0xF7A  }
0x26: {  	[smem:$0x3F9B] =	sst s1;
	(tag) =	ssettag s2;
	_ =	strace s9  }
0x27: {  	s1 =	sld [smem:$0x3FAB]  }
0x28: {  	s2 =	sld [smem:$0x3FAC]  }
0x29: {  	s4 =	sld [smem:$0x3FAE]  }
0x2a: {  	p0 =	seq.s32 s5, $0x0;
	s5 =	sld [smem:$0x3FAF]  }
0x2b: {  	s6 =	sld [smem:$0x3FB0]  }
0x2c: {  	s7 =	sld [smem:$0x3FB1]  }
0x2d: {  	s3 =	simm.s32 $0x108;
	s8 =	sld [smem:$0x3FB2]  }
0x2e: {  	s3 =	simm.s32 @!p0 $0x1082;
	s9 =	sld [smem:$0x3FB3]  }
0x2f: {  	lr =	sadd.s32 s0, s3;
	s0 =	sld [smem:$0x3FAA]  }
0x30: {  	s3 =	sld [smem:$0x3FAD]  }
0x31: {  	[smem:$0x3FB6] =	sst s10  }
0x32: {  	s10 =	sld [smem:$0x3FB4];
	_ =	sdelay $0x3  }
0x33: {  	p0 =	seq.s32 s10, $0x1;
	s10 =	sld [smem:$0x3FB6];
	_ =	sdelay $0x3  }
0x34: {  	[smem:$0x3FB6] =	sst s10  }
0x35: {  	s10 =	sld [smem:$0x3FB5];
	_ =	sdelay $0x3  }
0x36: {  	p1 =	seq.s32 s10, $0x1;
	s10 =	sld [smem:$0x3FB6];
	_ =	sdelay $0x3  }
0x37: {  	[smem:$0x3FB6] =	sst s10  }
0x38: {  	s10 =	sld [smem:$0x3FB7]  }
0x39: {  	_ = 	snop;
	(pc) =	sbr.ind lr, $3  }
0x3a: {  	_ = 	snop  }
0x3b: {  	_ = 	snop  }
0x3c: {  	p2 =	seq.s32 s10, $0x1;
	s10 =	sld [smem:$0x3FB6]  }
0x3d: {  	_ =	shalt  }
0x3e: {  	_ =	shalt  }
0x3f: {  	_ =	shalt  }
0x40: {  	_ =	shalt  }
0x41: {  	_ =	shalt  }
0x42: {  	_ =	shalt  }
0x43: {  	_ =	shalt  }
0x44: {  	_ =	shalt  }
0x45: {  	_ =	shalt  }
0x46: {  	_ =	shalt  }
0x47: {  	_ =	shalt  }
0x48: {  	_ =	shalt  }
0x49: {  	_ =	shalt  }
0x4a: {  	_ =	shalt  }
0x4b: {  	_ =	shalt  }
0x4c: {  	_ =	shalt  }
0x4d: {  	_ =	shalt  }
0x4e: {  	_ =	shalt  }
0x4f: {  	_ =	shalt  }
0x50: {  	_ =	shalt  }
0x51: {  	_ =	shalt  }
0x52: {  	_ =	shalt  }
0x53: {  	_ =	shalt  }
0x54: {  	_ =	shalt  }
0x55: {  	_ =	shalt  }
0x56: {  	_ =	shalt  }
0x57: {  	_ =	shalt  }
0x58: {  	_ =	shalt  }
0x59: {  	_ =	shalt  }
0x5a: {  	_ =	shalt  }
0x5b: {  	_ =	shalt  }
0x5c: {  	_ =	shalt  }
0x5d: {  	_ =	shalt  }
0x5e: {  	_ =	shalt  }
0x5f: {  	_ =	shalt  }
0x60: {  	_ =	shalt  }
0x61: {  	_ =	shalt  }
0x62: {  	_ =	shalt  }
0x63: {  	_ =	shalt  }
0x64: {  	_ =	shalt  }
0x65: {  	_ =	shalt  }
0x66: {  	_ =	shalt  }
0x67: {  	_ =	shalt  }
0x68: {  	_ =	shalt  }
0x69: {  	_ =	shalt  }
0x6a: {  	_ =	shalt  }
0x6b: {  	_ =	shalt  }
0x6c: {  	_ =	shalt  }
0x6d: {  	_ =	shalt  }
0x6e: {  	_ =	shalt  }
0x6f: {  	_ =	shalt  }
0x70: {  	_ =	shalt  }
0x71: {  	_ =	shalt  }
0x72: {  	_ =	shalt  }
0x73: {  	_ =	shalt  }
0x74: {  	_ =	shalt  }
0x75: {  	_ =	shalt  }
0x76: {  	_ =	shalt  }
0x77: {  	_ =	shalt  }
0x78: {  	_ =	shalt  }
0x79: {  	_ =	shalt  }
0x7a: {  	_ =	shalt  }
0x7b: {  	_ =	shalt  }
0x7c: {  	_ =	shalt  }
0x7d: {  	_ =	shalt  }
0x7e: {  	_ =	shalt  }
0x7f: {  	_ =	shalt  }
0x80: {  	_ =	shalt  }
0x81: {  	_ =	shalt  }
0x82: {  	_ =	shalt  }
0x83: {  	_ =	shalt  }
0x84: {  	_ =	shalt  }
0x85: {  	_ =	shalt  }
0x86: {  	_ =	shalt  }
0x87: {  	_ =	shalt  }
.Lfunc_end0:
.L_simem_size_0:
called_computation.2_lowered:
.L_overlay_start_0:
0x88: {  	s2 =	sld [smem:$0x3FD9]  }
0x89: {  	s3 =	sld [smem:$0x3FFE];
	_ =	sdelay $0x1  }
0x8a: {  	s1 =	srdreg.scid  }
0x8b: {  	s0 =	sand.u32 $0x1, s1  }
0x8c: {  	s17 =	sshll.u32 s0, $0xA;
	s2 =	sadd.s32 s3, s2  }
0x8d: {  	s2 =	sadd.s32 s2, s17  }
0x8e: {  	[smem:$0x3FC2] =	sst s2  }
0x8f: {  	_ = 	snop  }
0x90: {  	s2 =	sld [smem:$0x3FD0];
	(tm) =	ssettm $0x1  }
0x91: {  	s18 =	sld [smem:$0x3FFB];
	_ =	sdelay $0x3  }
0x92: {  	_ =	strace s18  }
0x93: {  	s3 =	sld [smem:$0x3FFC];
	_ =	sdelay $0x3  }
0x94: {  	_ =	strace s3  }
0x95: {  	s3 =	sld [smem:$0x3FFD];
	_ =	sdelay $0x3  }
0x96: {  	_ =	strace s3  }
0x97: {  	_ =	strace $0x8FFFFFFF  }
0x98: {  	s19 =	sld [smem:$0x3FDB];
	_ =	sdelay $0x1  }
0x99: {  	s4 =	simm.s32 $_scs_section_size  }
0x9a: {  	s5 =	simm.s32 $_size__tile_overlayer_lowered;
	s6 =	simm.s32 $_tile_overlayer_lowered  }
0x9b: {  	s22 =	simm.s32 $0x1BFF;
	s21 =	sshll.u32 s6, $0x1;
	s3 =	sadd.s32 s4, s19  }
0x9c: {  	s7 =	simm.s32 $0x0;
	s20 =	sshll.u32 s5, $0x1;
	s5 =	sadd.s32 s21, s3  }
0x9d: {  	[timem:s7], [sflag:s22] =	dma.local [hbm:s5], s20  }
0x9e: {  	_ =	swait.ge [sflag:s22], s20  }
0x9f: {  	s4 =	ssub.s32 $0x0, s20;
	[sflag:s22] =	ssyncset.done $0x0  }
0xa0: {  	[sflag:s22] =	ssyncadd.s32 s4;
	_ =	sdelay $0x1  }
0xa1: {  	s23 =	simm.s32 $0x1B8B  }
0xa2: {  	_ =	swait.ge [sflag:s23], $0x1  }
0xa3: {  	[sflag:s23] =	ssyncset.done $0x0  }
0xa4: {  	s25 =	simm.s32 $0x1B8E;
	s24 =	sld [smem:$0x3FFE];
	[sflag:s23] =	ssyncadd.s32 $0xFFFFFFFF  }
0xa5: {  	s26 =	simm.s32 $execute0_lowered;
	[smem:$0x3FD2] =	sst s25  }
0xa6: {  	s5 =	sshll.u32 s26, $0x1;
	_ =	strace $0x8000004C;
	[dreg:$0x1] =	wrdreg $0xFFFFFFFF  }
0xa7: {  	s28 =	simm.s32 $_size_execute0_lowered;
	s3 =	sadd.s32 s3, s5;
	[dreg:$0x0] =	wrdreg $0x0  }
0xa8: {  	s5 =	sshll.u32 s28, $0x1;
	[dreg:$0x2] =	wrdreg s3  }
0xa9: {  	[dreg:$0x3] =	wrdreg s5  }
0xaa: {  	[dreg:$0x4] =	wrdreg $0xC0  }
0xab: {  	_ =	task [dreg:s7], $0x5FFFF  }
0xac: {  	[dreg:$0x1] =	wrdreg $0xFFFFFFFF  }
0xad: {  	[dreg:$0x0] =	wrdreg $0x60  }
0xae: {  	[dreg:$0x2] =	wrdreg s2  }
0xaf: {  	[dreg:$0x3] =	wrdreg s24  }
0xb0: {  	[dreg:$0x4] =	wrdreg $0xA8000  }
0xb1: {  	[dreg:$0x5] =	wrdreg $0x9  }
0xb2: {  	_ =	task.clear_ibuf [dreg:s7], $0x6FFFF;
	_ =	strace $0x9000004C  }
0xb3: {  	s29 =	simm.s32 $0x9;
	_ =	strace $0x8000004E  }
0xb4: {  	_ =	swait.ge [sflag:s29], $0x1  }
0xb5: {  	[sflag:s29] =	ssyncadd.s32 $0xFFFFFFFF  }
0xb6: {  	_ =	strace $0x9000004E  }
0xb7: {  	_ =	sfence  }
0xb8: {  	s30 =	sld [smem:$0x0];
	_ =	sdelay $0x2  }
0xb9: {  	s31 =	sshll.u32 s1, $0xD;
	s1 =	sshrl.u32 s1, $0x2  }
0xba: {  	s3 =	sand.u32 $0x4000, s31;
	s1 =	sadd.s32 s1, s30  }
0xbb: {  	s0 =	sor.u32 s3, s0;
	s1 =	sshll.u32 s1, $0x11  }
0xbc: {  	s0 =	sor.u32 s1, s0  }
0xbd: {  	s0 =	sadd.s32 $0x8F2B, s0  }
0xbe: {  	[sflag:s0] =	ssyncadd.remote.s32 $0x1  }
0xbf: {  	_ =	sfence.sel $0xFFFF  }
0xc0: {  	[dreg:$0x0] =	wrdreg $0xFFFFFFFF;
	(pc) =	sbr.abs _section_cstart, $3  }
0xc1: {  	[dreg:$0x1] =	wrdreg $0xFFFFFFFF  }
0xc2: {  	_ =	task.clear_ibuf [dreg:s7], $0x2FFFF;
	_ =	strace $0x9FFFFFFF  }
0xc3: {  	(tm) =	ssettm $0x7FFFFFFF  }
tec
execute0_lowered:
.L_overlay_start_1:
0x0: {  	(tag) =	ssettag $0x1  }
0x1: {  	s1 =	rddreg [dreg:$0x0]  }
0x2: {  	s0 =	rddreg [dreg:$0x1]  }
0x3: {  	s2 =	rddreg [dreg:$0x2];
	s3 =	srdreg.scid  }
0x4: {  	s5 =	simm.s32 $0x0;
	s10 =	stileid.u32;
	s28 =	simm.s32 $0x8800  }
0x5: {  	s29 =	simm.s32 $0x1;
	s30 =	simm.s32 $0x2;
	s31 =	simm.s32 $0x3  }
0x6: {  	s3 =	sand.u32 $0x1, s3;
	[smem:$0x7FF] =	sst s5;
	s12 =	smul.u32 $0x13C00, s10  }
0x7: {  	s6 =	sadd.s32 $0x68A00, s0;
	s7 =	sadd.s32 $0x54A00, s0;
	s9 =	smul.u32 $0x4F000, s10  }
0x8: {  	s8 =	sadd.s32 $0x2A00, s0;
	s19 =	sshll.u32 s10, $0x6;
	s4 =	smul.u32 $0x13C000, s3  }
0x9: {  	_ =	strace $0x8000004D;
	[dreg:$0x4] =	wrdreg s8;
	s13 =	ssub.s32 $0x2, s3  }
0xa: {  	s3 =	sshll.u32 s3, $0x4;
	s17 =	sor.u32 $0x1C09, s19;
	s19 =	simm.s32 $0x2700  }
0xb: {  	s14 =	sshrl.u32 s13, $0x1;
	s3 =	sor.u32 s10, s3;
	s18 =	sshrl.u32 s9, $0x2  }
0xc: {  	s4 =	sadd.s32 s12, s4;
	s15 =	ssub.s32 s13, s14;
	s16 =	smul.u32 $0x5000, s3  }
0xd: {  	s3 =	smul.u32 $0xA00, s3;
	s8 =	sadd.s32 s18, s2;
	s18 =	simm.s32 $0x9  }
0xe: {  	s12 =	simm.s32 $0x2580;
	s13 =	simm.s32 $0x1200;
	s14 =	simm.s32 $0x1280  }
0xf: {  	s4 =	sshrl.u32 s4, $0x3;
	s26 =	smax.u32 s15, $0x1;
	s15 =	simm.s32 $0x1300  }
0x10: {  	s0 =	sadd.s32 s4, s0;
	s5 =	sshrl.u32 s16, $0x3;
	s20 =	sadd.s32 s6, s3  }
0x11: {  	s3 =	sadd.s32 s7, s3;
	[dreg:$0xe] =	wrdreg s26;
	s26 =	sshrl.u32 s8, $0x3  }
0x12: {  	s8 =	simm.s32 $0x8;
	s16 =	simm.s32 $0x1380;
	[dreg:$0x5] =	wrdreg s20  }
0x13: {  	s4 =	simm.s32 $0x2600;
	[dreg:$0x6] =	wrdreg s3;
	s21 =	sadd.s32 $0x280, s5  }
0x14: {  	s23 =	sadd.s32 $0x500, s5;
	s25 =	sadd.s32 $0x780, s5;
	s0 =	sadd.s32 $0x5200, s0  }
0x15: {  	s20 =	simm.s32 $0x40;
	s22 =	sadd.s32 s6, s21;
	[dreg:$0xd] =	wrdreg s0  }
0x16: {  	s3 =	sadd.s32 s7, s21;
	s24 =	sadd.s32 s6, s23;
	[dreg:$0x7] =	wrdreg s22  }
0x17: {  	s5 =	sadd.s32 s6, s25;
	s21 =	simm.s32 $0x2800;
	[dreg:$0x8] =	wrdreg s3  }
0x18: {  	s0 =	simm.s32 $0x4;
	s6 =	simm.s32 $0x2680;
	[dreg:$0x9] =	wrdreg s24  }
0x19: {  	s3 =	sadd.s32 s7, s23;
	[dreg:$0xb] =	wrdreg s5;
	s23 =	simm.s32 $0x4800  }
0x1a: {  	s5 =	simm.s32 $0x6;
	s22 =	simm.s32 $0x2780;
	s24 =	simm.s32 $0x0  }
0x1b: {  	[dreg:$0xa] =	wrdreg s3;
	s3 =	sadd.s32 s7, s25;
	s25 =	simm.s32 $0x6800  }
0x1c: {  	s7 =	simm.s32 $0x7;
	[dreg:$0xc] =	wrdreg s3;
	s3 =	simm.s32 $0x5  }
.LBB2_1:
0x1d: {  	s9 =	rddreg [dreg:$0x4]  }
0x1e: {  	[spmem:s26], [sflag:s17] =	dma.local [hbm:s9], $0x2780  }
0x1f: {  	_ =	swait.ge [sflag:s18], $0x2780  }
0x20: {  	[sflag:s18] =	ssyncset.done $0x0  }
0x21: {  	[sflag:s18] =	ssyncadd.s32 $0xFFFFD880  }
0x22: {  	[bflag:$0x0] =	sbarrier.arrive $0xFFFF  }
0x23: {  	s11 =	smov.u32 s26;
	s9 =	simm.s32 $0x0;
	s26 =	rddreg [dreg:$0x5]  }
0x24: {  	[tilespmem:s9], [sflag:$0x9] =	stream.linear.gather [hbm4b:s26+s9], $0x1400, $0x38;
	[tilespmem:$0x1E400] =	vst v63  }
0x25: {  	_ =	swait.ge [sflag:s18], $0x1400  }
0x26: {  	s10 =	smov.u32 s17;
	[sflag:s18] =	ssyncset.done $0x0  }
0x27: {  	s26 =	simm.s32 $0x1400;
	s17 =	rddreg [dreg:$0x6];
	[sflag:s18] =	ssyncadd.s32 $0xFFFFEC00  }
0x28: {  	[tilespmem:s26], [sflag:$0x9] =	stream.linear.gather [hbm4b:s17+s9], $0x1400, $0x38;
	[tilespmem:$0x1E400] =	vst v63  }
0x29: {  	_ =	swait.ge [sflag:s18], $0x1400  }
0x2a: {  	[sflag:s18] =	ssyncset.done $0x0  }
0x2b: {  	[sflag:s18] =	ssyncadd.s32 $0xFFFFEC00  }
0x2c: {  	[tilespmem:s21], [sflag:$0x1] =	stream.indirect.gather [hbm4b:s1+s20], $0x80, s9, s20, $0xb8;
	[tilespmem:$0x1E400] =	vst v63  }
0x2d: {  	s17 =	simm.s32 $0x80  }
0x2e: {  	[tilespmem:s23], [sflag:$0x2] =	stream.indirect.gather [hbm4b:s1+s20], $0x80, s17, s20, $0xb8;
	[tilespmem:$0x1E400] =	vst v63  }
0x2f: {  	s26 =	simm.s32 $0x100  }
0x30: {  	[tilespmem:s25], [sflag:$0x3] =	stream.indirect.gather [hbm4b:s1+s20], $0x80, s26, s20, $0xb8;
	[tilespmem:$0x1E400] =	vst v63  }
0x31: {  	s17 =	simm.s32 $0x180  }
0x32: {  	[tilespmem:s28], [sflag:$0x4] =	stream.indirect.gather [hbm4b:s1+s20], $0x80, s17, s20, $0xb8;
	[tilespmem:$0x1E400] =	vst v63  }
0x33: {  	_ =	swait.ge [sflag:s29], $0x2000  }
0x34: {  	[sflag:s29] =	ssyncset.done $0x0  }
0x35: {  	s26 =	simm.s32 $0x1400;
	[sflag:s29] =	ssyncadd.s32 $0xFFFFE000  }
0x36: {  	[spmem:s2] =	stream.indirect.scatter.add.f32 [tilespmem:s21], [sflag:$0x5], $0x80, s26, s20, $0xb8;
	[tilespmem:$0x1E400] =	vst v63  }
0x37: {  	_ =	swait.ge [sflag:s30], $0x2000  }
0x38: {  	[sflag:s30] =	ssyncset.done $0x0  }
0x39: {  	s9 =	simm.s32 $0x1480;
	[sflag:s30] =	ssyncadd.s32 $0xFFFFE000  }
0x3a: {  	[spmem:s2] =	stream.indirect.scatter.add.f32 [tilespmem:s23], [sflag:$0x6], $0x80, s9, s20, $0xb8;
	[tilespmem:$0x1E400] =	vst v63  }
0x3b: {  	_ =	swait.ge [sflag:s31], $0x2000  }
0x3c: {  	[sflag:s31] =	ssyncset.done $0x0  }
0x3d: {  	s26 =	simm.s32 $0x1500;
	[sflag:s31] =	ssyncadd.s32 $0xFFFFE000  }
0x3e: {  	[spmem:s2] =	stream.indirect.scatter.add.f32 [tilespmem:s25], [sflag:$0x7], $0x80, s26, s20, $0xb8;
	[tilespmem:$0x1E400] =	vst v63  }
0x3f: {  	_ =	swait.ge [sflag:s0], $0x2000  }
0x40: {  	[sflag:s0] =	ssyncset.done $0x0  }
0x41: {  	s9 =	simm.s32 $0x1580;
	[sflag:s0] =	ssyncadd.s32 $0xFFFFE000  }
0x42: {  	[spmem:s2] =	stream.indirect.scatter.add.f32 [tilespmem:s28], [sflag:$0x8], $0x80, s9, s20, $0xb8;
	[tilespmem:$0x1E400] =	vst v63  }
0x43: {  	_ =	swait.ge [sflag:s3], $0x2000  }
0x44: {  	[sflag:s3] =	ssyncset.done $0x0  }
0x45: {  	s26 =	simm.s32 $0x200;
	[sflag:s3] =	ssyncadd.s32 $0xFFFFE000  }
0x46: {  	[tilespmem:s21], [sflag:$0x1] =	stream.indirect.gather [hbm4b:s1+s20], $0x80, s26, s20, $0xb8;
	[tilespmem:$0x1E400] =	vst v63  }
0x47: {  	_ =	swait.ge [sflag:s5], $0x2000  }
0x48: {  	[sflag:s5] =	ssyncset.done $0x0  }
0x49: {  	s9 =	simm.s32 $0x280;
	[sflag:s5] =	ssyncadd.s32 $0xFFFFE000  }
0x4a: {  	[tilespmem:s23], [sflag:$0x2] =	stream.indirect.gather [hbm4b:s1+s20], $0x80, s9, s20, $0xb8;
	[tilespmem:$0x1E400] =	vst v63  }
0x4b: {  	_ =	swait.ge [sflag:s7], $0x2000  }
0x4c: {  	[sflag:s7] =	ssyncset.done $0x0  }
0x4d: {  	s26 =	simm.s32 $0x300;
	[sflag:s7] =	ssyncadd.s32 $0xFFFFE000  }
0x4e: {  	[tilespmem:s25], [sflag:$0x3] =	stream.indirect.gather [hbm4b:s1+s20], $0x80, s26, s20, $0xb8;
	[tilespmem:$0x1E400] =	vst v63  }
0x4f: {  	_ =	swait.ge [sflag:s8], $0x2000  }
0x50: {  	[sflag:s8] =	ssyncset.done $0x0  }
0x51: {  	s17 =	simm.s32 $0x800;
	s26 =	simm.s32 $0x380;
	[sflag:s8] =	ssyncadd.s32 $0xFFFFE000  }
.LBB2_2:
0x52: {  	[tilespmem:s28], [sflag:$0x4] =	stream.indirect.gather [hbm4b:s1+s20], $0x80, s26, s20, $0xb8;
	[tilespmem:$0x1E400] =	vst v63  }
0x53: {  	s26 =	smov.u32 s17  }
0x54: {  	p0 =	sne.s32 s17, $0x3800;
	s17 =	sadd.s32 $0x800, s17;
	_ =	swait.ge [sflag:s29], $0x2000  }
0x55: {  	s26 =	sshra.s32 s26, $0x2;
	[sflag:s29] =	ssyncset.done $0x0  }
0x56: {  	s9 =	sadd.s32 $0x1400, s26;
	[sflag:s29] =	ssyncadd.s32 $0xFFFFE000  }
0x57: {  	[spmem:s2] =	stream.indirect.scatter.add.f32 [tilespmem:s21], [sflag:$0x5], $0x80, s9, s20, $0xb8;
	[tilespmem:$0x1E400] =	vst v63  }
0x58: {  	_ =	swait.ge [sflag:s30], $0x2000  }
0x59: {  	[sflag:s30] =	ssyncset.done $0x0  }
0x5a: {  	s9 =	sadd.s32 $0x1480, s26;
	[sflag:s30] =	ssyncadd.s32 $0xFFFFE000  }
0x5b: {  	[spmem:s2] =	stream.indirect.scatter.add.f32 [tilespmem:s23], [sflag:$0x6], $0x80, s9, s20, $0xb8;
	[tilespmem:$0x1E400] =	vst v63  }
0x5c: {  	_ =	swait.ge [sflag:s31], $0x2000  }
0x5d: {  	[sflag:s31] =	ssyncset.done $0x0  }
0x5e: {  	s9 =	sadd.s32 $0x1500, s26;
	[sflag:s31] =	ssyncadd.s32 $0xFFFFE000  }
0x5f: {  	[spmem:s2] =	stream.indirect.scatter.add.f32 [tilespmem:s25], [sflag:$0x7], $0x80, s9, s20, $0xb8;
	[tilespmem:$0x1E400] =	vst v63  }
0x60: {  	_ =	swait.ge [sflag:s0], $0x2000  }
0x61: {  	[sflag:s0] =	ssyncset.done $0x0  }
0x62: {  	s9 =	sadd.s32 $0x1580, s26;
	[sflag:s0] =	ssyncadd.s32 $0xFFFFE000  }
0x63: {  	[spmem:s2] =	stream.indirect.scatter.add.f32 [tilespmem:s28], [sflag:$0x8], $0x80, s9, s20, $0xb8;
	[tilespmem:$0x1E400] =	vst v63  }
0x64: {  	_ =	swait.ge [sflag:s3], $0x2000  }
0x65: {  	[sflag:s3] =	ssyncset.done $0x0  }
0x66: {  	s9 =	sadd.s32 $0x200, s26;
	[sflag:s3] =	ssyncadd.s32 $0xFFFFE000  }
0x67: {  	[tilespmem:s21], [sflag:$0x1] =	stream.indirect.gather [hbm4b:s1+s20], $0x80, s9, s20, $0xb8;
	[tilespmem:$0x1E400] =	vst v63  }
0x68: {  	_ =	swait.ge [sflag:s5], $0x2000  }
0x69: {  	[sflag:s5] =	ssyncset.done $0x0  }
0x6a: {  	s9 =	sadd.s32 $0x280, s26;
	[sflag:s5] =	ssyncadd.s32 $0xFFFFE000  }
0x6b: {  	[tilespmem:s23], [sflag:$0x2] =	stream.indirect.gather [hbm4b:s1+s20], $0x80, s9, s20, $0xb8;
	[tilespmem:$0x1E400] =	vst v63  }
0x6c: {  	_ =	swait.ge [sflag:s7], $0x2000  }
0x6d: {  	[sflag:s7] =	ssyncset.done $0x0  }
.Ltmp0:
0x6e: {  	s9 =	sadd.s32 $0x300, s26;
	[sflag:s7] =	ssyncadd.s32 $0xFFFFE000;
	(pc) =	sbr.rel @p0 .LBB2_2-.Ltmp0, $4  }
0x6f: {  	[tilespmem:s25], [sflag:$0x3] =	stream.indirect.gather [hbm4b:s1+s20], $0x80, s9, s20, $0xb8;
	[tilespmem:$0x1E400] =	vst v63  }
0x70: {  	_ =	swait.ge [sflag:s8], $0x2000  }
0x71: {  	[sflag:s8] =	ssyncset.done $0x0  }
0x72: {  	s26 =	sadd.s32 $0x380, s26;
	[sflag:s8] =	ssyncadd.s32 $0xFFFFE000  }
0x73: {  	[tilespmem:s28], [sflag:$0x4] =	stream.indirect.gather [hbm4b:s1+s20], $0x80, s26, s20, $0xb8;
	[tilespmem:$0x1E400] =	vst v63  }
0x74: {  	_ =	swait.ge [sflag:s29], $0x2000  }
0x75: {  	[sflag:s29] =	ssyncset.done $0x0  }
0x76: {  	s9 =	simm.s32 $0x2400;
	[sflag:s29] =	ssyncadd.s32 $0xFFFFE000  }
0x77: {  	[spmem:s2] =	stream.indirect.scatter.add.f32 [tilespmem:s21], [sflag:$0x5], $0x80, s9, s20, $0xb8;
	[tilespmem:$0x1E400] =	vst v63  }
0x78: {  	_ =	swait.ge [sflag:s30], $0x2000  }
0x79: {  	[sflag:s30] =	ssyncset.done $0x0  }
0x7a: {  	s17 =	simm.s32 $0x2480;
	[sflag:s30] =	ssyncadd.s32 $0xFFFFE000  }
0x7b: {  	[spmem:s2] =	stream.indirect.scatter.add.f32 [tilespmem:s23], [sflag:$0x6], $0x80, s17, s20, $0xb8;
	[tilespmem:$0x1E400] =	vst v63  }
0x7c: {  	_ =	swait.ge [sflag:s31], $0x2000  }
0x7d: {  	[sflag:s31] =	ssyncset.done $0x0  }
0x7e: {  	s26 =	simm.s32 $0x2500;
	[sflag:s31] =	ssyncadd.s32 $0xFFFFE000  }
0x7f: {  	[spmem:s2] =	stream.indirect.scatter.add.f32 [tilespmem:s25], [sflag:$0x7], $0x80, s26, s20, $0xb8;
	[tilespmem:$0x1E400] =	vst v63  }
0x80: {  	_ =	swait.ge [sflag:s0], $0x2000  }
0x81: {  	[sflag:s0] =	ssyncset.done $0x0  }
0x82: {  	[sflag:s0] =	ssyncadd.s32 $0xFFFFE000  }
0x83: {  	[spmem:s2] =	stream.indirect.scatter.add.f32 [tilespmem:s28], [sflag:$0x8], $0x80, s12, s20, $0xb8;
	[tilespmem:$0x1E400] =	vst v63  }
0x84: {  	_ =	swait.ge [sflag:s3], $0x2000  }
0x85: {  	[sflag:s3] =	ssyncset.done $0x0  }
0x86: {  	[sflag:s3] =	ssyncadd.s32 $0xFFFFE000  }
0x87: {  	[tilespmem:s21], [sflag:$0x1] =	stream.indirect.gather [hbm4b:s1+s20], $0x80, s13, s20, $0xb8;
	[tilespmem:$0x1E400] =	vst v63  }
0x88: {  	_ =	swait.ge [sflag:s5], $0x2000  }
0x89: {  	[sflag:s5] =	ssyncset.done $0x0  }
0x8a: {  	[sflag:s5] =	ssyncadd.s32 $0xFFFFE000  }
0x8b: {  	[tilespmem:s23], [sflag:$0x2] =	stream.indirect.gather [hbm4b:s1+s20], $0x80, s14, s20, $0xb8;
	[tilespmem:$0x1E400] =	vst v63  }
0x8c: {  	_ =	swait.ge [sflag:s7], $0x2000  }
0x8d: {  	[sflag:s7] =	ssyncset.done $0x0  }
0x8e: {  	[sflag:s7] =	ssyncadd.s32 $0xFFFFE000  }
0x8f: {  	[tilespmem:s25], [sflag:$0x3] =	stream.indirect.gather [hbm4b:s1+s20], $0x80, s15, s20, $0xb8;
	[tilespmem:$0x1E400] =	vst v63  }
0x90: {  	_ =	swait.ge [sflag:s8], $0x2000  }
0x91: {  	[sflag:s8] =	ssyncset.done $0x0  }
0x92: {  	[sflag:s8] =	ssyncadd.s32 $0xFFFFE000  }
0x93: {  	[tilespmem:s28], [sflag:$0x4] =	stream.indirect.gather [hbm4b:s1+s20], $0x80, s16, s20, $0xb8;
	[tilespmem:$0x1E400] =	vst v63  }
0x94: {  	_ =	swait.ge [sflag:s29], $0x2000  }
0x95: {  	[sflag:s29] =	ssyncset.done $0x0  }
0x96: {  	[sflag:s29] =	ssyncadd.s32 $0xFFFFE000  }
0x97: {  	[spmem:s2] =	stream.indirect.scatter.add.f32 [tilespmem:s21], [sflag:$0x5], $0x80, s4, s20, $0xb8;
	[tilespmem:$0x1E400] =	vst v63  }
0x98: {  	_ =	swait.ge [sflag:s30], $0x2000  }
0x99: {  	[sflag:s30] =	ssyncset.done $0x0  }
0x9a: {  	[sflag:s30] =	ssyncadd.s32 $0xFFFFE000  }
0x9b: {  	[spmem:s2] =	stream.indirect.scatter.add.f32 [tilespmem:s23], [sflag:$0x6], $0x80, s6, s20, $0xb8;
	[tilespmem:$0x1E400] =	vst v63  }
0x9c: {  	_ =	swait.ge [sflag:s31], $0x2000  }
0x9d: {  	[sflag:s31] =	ssyncset.done $0x0  }
0x9e: {  	[sflag:s31] =	ssyncadd.s32 $0xFFFFE000  }
0x9f: {  	[spmem:s2] =	stream.indirect.scatter.add.f32 [tilespmem:s25], [sflag:$0x7], $0x80, s19, s20, $0xb8;
	[tilespmem:$0x1E400] =	vst v63  }
0xa0: {  	_ =	swait.ge [sflag:s0], $0x2000  }
0xa1: {  	[sflag:s0] =	ssyncset.done $0x0  }
0xa2: {  	[sflag:s0] =	ssyncadd.s32 $0xFFFFE000  }
0xa3: {  	[spmem:s2] =	stream.indirect.scatter.add.f32 [tilespmem:s28], [sflag:$0x8], $0x80, s22, s20, $0xb8;
	[tilespmem:$0x1E400] =	vst v63  }
0xa4: {  	_ =	swait.ge [sflag:s3], $0x2000  }
0xa5: {  	[sflag:s3] =	ssyncset.done $0x0  }
0xa6: {  	[sflag:s3] =	ssyncadd.s32 $0xFFFFE000  }
0xa7: {  	[tilespmem:s21], [sflag:$0x1] =	stream.indirect.gather [hbm4b:s1+s20], $0x80, s16, s20, $0xb8;
	[tilespmem:$0x1E400] =	vst v63  }
0xa8: {  	_ =	swait.ge [sflag:s5], $0x2000  }
0xa9: {  	[sflag:s5] =	ssyncset.done $0x0  }
0xaa: {  	[sflag:s5] =	ssyncadd.s32 $0xFFFFE000  }
0xab: {  	[tilespmem:s23], [sflag:$0x2] =	stream.indirect.gather [hbm4b:s1+s20], $0x80, s16, s20, $0xb8;
	[tilespmem:$0x1E400] =	vst v63  }
0xac: {  	_ =	swait.ge [sflag:s7], $0x2000  }
0xad: {  	[sflag:s7] =	ssyncset.done $0x0  }
0xae: {  	[sflag:s7] =	ssyncadd.s32 $0xFFFFE000  }
0xaf: {  	[tilespmem:s25], [sflag:$0x3] =	stream.indirect.gather [hbm4b:s1+s20], $0x80, s16, s20, $0xb8;
	[tilespmem:$0x1E400] =	vst v63  }
0xb0: {  	_ =	swait.ge [sflag:s8], $0x2000  }
0xb1: {  	[sflag:s8] =	ssyncset.done $0x0  }
0xb2: {  	[sflag:s8] =	ssyncadd.s32 $0xFFFFE000  }
0xb3: {  	[tilespmem:s28], [sflag:$0x4] =	stream.indirect.gather [hbm4b:s1+s20], $0x80, s16, s20, $0xb8;
	[tilespmem:$0x1E400] =	vst v63  }
0xb4: {  	_ =	swait.ge [sflag:s29], $0x2000  }
0xb5: {  	[sflag:s29] =	ssyncset.done $0x0  }
0xb6: {  	[sflag:s29] =	ssyncadd.s32 $0xFFFFE000  }
0xb7: {  	_ =	swait.ge [sflag:s30], $0x2000  }
0xb8: {  	[sflag:s30] =	ssyncset.done $0x0  }
0xb9: {  	[sflag:s30] =	ssyncadd.s32 $0xFFFFE000  }
0xba: {  	_ =	swait.ge [sflag:s31], $0x2000  }
0xbb: {  	[sflag:s31] =	ssyncset.done $0x0  }
0xbc: {  	[sflag:s31] =	ssyncadd.s32 $0xFFFFE000  }
0xbd: {  	_ =	swait.ge [sflag:s0], $0x2000  }
0xbe: {  	[sflag:s0] =	ssyncset.done $0x0  }
0xbf: {  	s9 =	simm.s32 $0x0;
	s17 =	rddreg [dreg:$0x7];
	[sflag:s0] =	ssyncadd.s32 $0xFFFFE000  }
0xc0: {  	[tilespmem:s9], [sflag:$0x9] =	stream.linear.gather [hbm4b:s17+s9], $0x1400, $0x38;
	[tilespmem:$0x1E400] =	vst v63  }
0xc1: {  	_ =	swait.ge [sflag:s18], $0x1400  }
0xc2: {  	[sflag:s18] =	ssyncset.done $0x0  }
0xc3: {  	s26 =	simm.s32 $0x1400;
	s17 =	rddreg [dreg:$0x8];
	[sflag:s18] =	ssyncadd.s32 $0xFFFFEC00  }
0xc4: {  	[tilespmem:s26], [sflag:$0x9] =	stream.linear.gather [hbm4b:s17+s9], $0x1400, $0x38;
	[tilespmem:$0x1E400] =	vst v63  }
0xc5: {  	_ =	swait.ge [sflag:s18], $0x1400  }
0xc6: {  	[sflag:s18] =	ssyncset.done $0x0  }
0xc7: {  	[sflag:s18] =	ssyncadd.s32 $0xFFFFEC00  }
0xc8: {  	[tilespmem:s21], [sflag:$0x1] =	stream.indirect.gather [hbm4b:s1+s20], $0x80, s9, s20, $0xb8;
	[tilespmem:$0x1E400] =	vst v63  }
0xc9: {  	s17 =	simm.s32 $0x80  }
0xca: {  	[tilespmem:s23], [sflag:$0x2] =	stream.indirect.gather [hbm4b:s1+s20], $0x80, s17, s20, $0xb8;
	[tilespmem:$0x1E400] =	vst v63  }
0xcb: {  	s26 =	simm.s32 $0x100  }
0xcc: {  	[tilespmem:s25], [sflag:$0x3] =	stream.indirect.gather [hbm4b:s1+s20], $0x80, s26, s20, $0xb8;
	[tilespmem:$0x1E400] =	vst v63  }
0xcd: {  	s17 =	simm.s32 $0x180  }
0xce: {  	[tilespmem:s28], [sflag:$0x4] =	stream.indirect.gather [hbm4b:s1+s20], $0x80, s17, s20, $0xb8;
	[tilespmem:$0x1E400] =	vst v63  }
0xcf: {  	_ =	swait.ge [sflag:s29], $0x2000  }
0xd0: {  	[sflag:s29] =	ssyncset.done $0x0  }
0xd1: {  	s26 =	simm.s32 $0x1400;
	[sflag:s29] =	ssyncadd.s32 $0xFFFFE000  }
0xd2: {  	[spmem:s2] =	stream.indirect.scatter.add.f32 [tilespmem:s21], [sflag:$0x5], $0x80, s26, s20, $0xb8;
	[tilespmem:$0x1E400] =	vst v63  }
0xd3: {  	_ =	swait.ge [sflag:s30], $0x2000  }
0xd4: {  	[sflag:s30] =	ssyncset.done $0x0  }
0xd5: {  	s17 =	simm.s32 $0x1480;
	[sflag:s30] =	ssyncadd.s32 $0xFFFFE000  }
0xd6: {  	[spmem:s2] =	stream.indirect.scatter.add.f32 [tilespmem:s23], [sflag:$0x6], $0x80, s17, s20, $0xb8;
	[tilespmem:$0x1E400] =	vst v63  }
0xd7: {  	_ =	swait.ge [sflag:s31], $0x2000  }
0xd8: {  	[sflag:s31] =	ssyncset.done $0x0  }
0xd9: {  	s26 =	simm.s32 $0x1500;
	[sflag:s31] =	ssyncadd.s32 $0xFFFFE000  }
0xda: {  	[spmem:s2] =	stream.indirect.scatter.add.f32 [tilespmem:s25], [sflag:$0x7], $0x80, s26, s20, $0xb8;
	[tilespmem:$0x1E400] =	vst v63  }
0xdb: {  	_ =	swait.ge [sflag:s0], $0x2000  }
0xdc: {  	[sflag:s0] =	ssyncset.done $0x0  }
0xdd: {  	s17 =	simm.s32 $0x1580;
	[sflag:s0] =	ssyncadd.s32 $0xFFFFE000  }
0xde: {  	[spmem:s2] =	stream.indirect.scatter.add.f32 [tilespmem:s28], [sflag:$0x8], $0x80, s17, s20, $0xb8;
	[tilespmem:$0x1E400] =	vst v63  }
0xdf: {  	_ =	swait.ge [sflag:s3], $0x2000  }
0xe0: {  	[sflag:s3] =	ssyncset.done $0x0  }
0xe1: {  	s26 =	simm.s32 $0x200;
	[sflag:s3] =	ssyncadd.s32 $0xFFFFE000  }
0xe2: {  	[tilespmem:s21], [sflag:$0x1] =	stream.indirect.gather [hbm4b:s1+s20], $0x80, s26, s20, $0xb8;
	[tilespmem:$0x1E400] =	vst v63  }
0xe3: {  	_ =	swait.ge [sflag:s5], $0x2000  }
0xe4: {  	[sflag:s5] =	ssyncset.done $0x0  }
0xe5: {  	s17 =	simm.s32 $0x280;
	[sflag:s5] =	ssyncadd.s32 $0xFFFFE000  }
0xe6: {  	[tilespmem:s23], [sflag:$0x2] =	stream.indirect.gather [hbm4b:s1+s20], $0x80, s17, s20, $0xb8;
	[tilespmem:$0x1E400] =	vst v63  }
0xe7: {  	_ =	swait.ge [sflag:s7], $0x2000  }
0xe8: {  	[sflag:s7] =	ssyncset.done $0x0  }
0xe9: {  	s26 =	simm.s32 $0x300;
	[sflag:s7] =	ssyncadd.s32 $0xFFFFE000  }
0xea: {  	[tilespmem:s25], [sflag:$0x3] =	stream.indirect.gather [hbm4b:s1+s20], $0x80, s26, s20, $0xb8;
	[tilespmem:$0x1E400] =	vst v63  }
0xeb: {  	_ =	swait.ge [sflag:s8], $0x2000  }
0xec: {  	[sflag:s8] =	ssyncset.done $0x0  }
0xed: {  	s17 =	simm.s32 $0x800;
	s26 =	simm.s32 $0x380;
	[sflag:s8] =	ssyncadd.s32 $0xFFFFE000  }
.LBB2_4:
0xee: {  	[tilespmem:s28], [sflag:$0x4] =	stream.indirect.gather [hbm4b:s1+s20], $0x80, s26, s20, $0xb8;
	[tilespmem:$0x1E400] =	vst v63  }
0xef: {  	s9 =	smov.u32 s17  }
0xf0: {  	p0 =	sne.s32 s17, $0x3800;
	s17 =	sadd.s32 $0x800, s17;
	_ =	swait.ge [sflag:s29], $0x2000  }
0xf1: {  	s26 =	sshra.s32 s9, $0x2;
	[sflag:s29] =	ssyncset.done $0x0  }
0xf2: {  	s9 =	sadd.s32 $0x1400, s26;
	[sflag:s29] =	ssyncadd.s32 $0xFFFFE000  }
0xf3: {  	[spmem:s2] =	stream.indirect.scatter.add.f32 [tilespmem:s21], [sflag:$0x5], $0x80, s9, s20, $0xb8;
	[tilespmem:$0x1E400] =	vst v63  }
0xf4: {  	_ =	swait.ge [sflag:s30], $0x2000  }
0xf5: {  	[sflag:s30] =	ssyncset.done $0x0  }
0xf6: {  	s9 =	sadd.s32 $0x1480, s26;
	[sflag:s30] =	ssyncadd.s32 $0xFFFFE000  }
0xf7: {  	[spmem:s2] =	stream.indirect.scatter.add.f32 [tilespmem:s23], [sflag:$0x6], $0x80, s9, s20, $0xb8;
	[tilespmem:$0x1E400] =	vst v63  }
0xf8: {  	_ =	swait.ge [sflag:s31], $0x2000  }
0xf9: {  	[sflag:s31] =	ssyncset.done $0x0  }
0xfa: {  	s9 =	sadd.s32 $0x1500, s26;
	[sflag:s31] =	ssyncadd.s32 $0xFFFFE000  }
0xfb: {  	[spmem:s2] =	stream.indirect.scatter.add.f32 [tilespmem:s25], [sflag:$0x7], $0x80, s9, s20, $0xb8;
	[tilespmem:$0x1E400] =	vst v63  }
0xfc: {  	_ =	swait.ge [sflag:s0], $0x2000  }
0xfd: {  	[sflag:s0] =	ssyncset.done $0x0  }
0xfe: {  	s9 =	sadd.s32 $0x1580, s26;
	[sflag:s0] =	ssyncadd.s32 $0xFFFFE000  }
0xff: {  	[spmem:s2] =	stream.indirect.scatter.add.f32 [tilespmem:s28], [sflag:$0x8], $0x80, s9, s20, $0xb8;
	[tilespmem:$0x1E400] =	vst v63  }
0x100: {  	_ =	swait.ge [sflag:s3], $0x2000  }
0x101: {  	[sflag:s3] =	ssyncset.done $0x0  }
0x102: {  	s9 =	sadd.s32 $0x200, s26;
	[sflag:s3] =	ssyncadd.s32 $0xFFFFE000  }
0x103: {  	[tilespmem:s21], [sflag:$0x1] =	stream.indirect.gather [hbm4b:s1+s20], $0x80, s9, s20, $0xb8;
	[tilespmem:$0x1E400] =	vst v63  }
0x104: {  	_ =	swait.ge [sflag:s5], $0x2000  }
0x105: {  	[sflag:s5] =	ssyncset.done $0x0  }
0x106: {  	s9 =	sadd.s32 $0x280, s26;
	[sflag:s5] =	ssyncadd.s32 $0xFFFFE000  }
0x107: {  	[tilespmem:s23], [sflag:$0x2] =	stream.indirect.gather [hbm4b:s1+s20], $0x80, s9, s20, $0xb8;
	[tilespmem:$0x1E400] =	vst v63  }
0x108: {  	_ =	swait.ge [sflag:s7], $0x2000  }
0x109: {  	[sflag:s7] =	ssyncset.done $0x0  }
.Ltmp1:
0x10a: {  	s9 =	sadd.s32 $0x300, s26;
	[sflag:s7] =	ssyncadd.s32 $0xFFFFE000;
	(pc) =	sbr.rel @p0 .LBB2_4-.Ltmp1, $4  }
0x10b: {  	[tilespmem:s25], [sflag:$0x3] =	stream.indirect.gather [hbm4b:s1+s20], $0x80, s9, s20, $0xb8;
	[tilespmem:$0x1E400] =	vst v63  }
0x10c: {  	_ =	swait.ge [sflag:s8], $0x2000  }
0x10d: {  	[sflag:s8] =	ssyncset.done $0x0  }
0x10e: {  	s26 =	sadd.s32 $0x380, s26;
	[sflag:s8] =	ssyncadd.s32 $0xFFFFE000  }
0x10f: {  	[tilespmem:s28], [sflag:$0x4] =	stream.indirect.gather [hbm4b:s1+s20], $0x80, s26, s20, $0xb8;
	[tilespmem:$0x1E400] =	vst v63  }
0x110: {  	_ =	swait.ge [sflag:s29], $0x2000  }
0x111: {  	[sflag:s29] =	ssyncset.done $0x0  }
0x112: {  	s9 =	simm.s32 $0x2400;
	[sflag:s29] =	ssyncadd.s32 $0xFFFFE000  }
0x113: {  	[spmem:s2] =	stream.indirect.scatter.add.f32 [tilespmem:s21], [sflag:$0x5], $0x80, s9, s20, $0xb8;
	[tilespmem:$0x1E400] =	vst v63  }
0x114: {  	_ =	swait.ge [sflag:s30], $0x2000  }
0x115: {  	[sflag:s30] =	ssyncset.done $0x0  }
0x116: {  	s17 =	simm.s32 $0x2480;
	[sflag:s30] =	ssyncadd.s32 $0xFFFFE000  }
0x117: {  	[spmem:s2] =	stream.indirect.scatter.add.f32 [tilespmem:s23], [sflag:$0x6], $0x80, s17, s20, $0xb8;
	[tilespmem:$0x1E400] =	vst v63  }
0x118: {  	_ =	swait.ge [sflag:s31], $0x2000  }
0x119: {  	[sflag:s31] =	ssyncset.done $0x0  }
0x11a: {  	s26 =	simm.s32 $0x2500;
	[sflag:s31] =	ssyncadd.s32 $0xFFFFE000  }
0x11b: {  	[spmem:s2] =	stream.indirect.scatter.add.f32 [tilespmem:s25], [sflag:$0x7], $0x80, s26, s20, $0xb8;
	[tilespmem:$0x1E400] =	vst v63  }
0x11c: {  	_ =	swait.ge [sflag:s0], $0x2000  }
0x11d: {  	[sflag:s0] =	ssyncset.done $0x0  }
0x11e: {  	[sflag:s0] =	ssyncadd.s32 $0xFFFFE000  }
0x11f: {  	[spmem:s2] =	stream.indirect.scatter.add.f32 [tilespmem:s28], [sflag:$0x8], $0x80, s12, s20, $0xb8;
	[tilespmem:$0x1E400] =	vst v63  }
0x120: {  	_ =	swait.ge [sflag:s3], $0x2000  }
0x121: {  	[sflag:s3] =	ssyncset.done $0x0  }
0x122: {  	[sflag:s3] =	ssyncadd.s32 $0xFFFFE000  }
0x123: {  	[tilespmem:s21], [sflag:$0x1] =	stream.indirect.gather [hbm4b:s1+s20], $0x80, s13, s20, $0xb8;
	[tilespmem:$0x1E400] =	vst v63  }
0x124: {  	_ =	swait.ge [sflag:s5], $0x2000  }
0x125: {  	[sflag:s5] =	ssyncset.done $0x0  }
0x126: {  	[sflag:s5] =	ssyncadd.s32 $0xFFFFE000  }
0x127: {  	[tilespmem:s23], [sflag:$0x2] =	stream.indirect.gather [hbm4b:s1+s20], $0x80, s14, s20, $0xb8;
	[tilespmem:$0x1E400] =	vst v63  }
0x128: {  	_ =	swait.ge [sflag:s7], $0x2000  }
0x129: {  	[sflag:s7] =	ssyncset.done $0x0  }
0x12a: {  	[sflag:s7] =	ssyncadd.s32 $0xFFFFE000  }
0x12b: {  	[tilespmem:s25], [sflag:$0x3] =	stream.indirect.gather [hbm4b:s1+s20], $0x80, s15, s20, $0xb8;
	[tilespmem:$0x1E400] =	vst v63  }
0x12c: {  	_ =	swait.ge [sflag:s8], $0x2000  }
0x12d: {  	[sflag:s8] =	ssyncset.done $0x0  }
0x12e: {  	[sflag:s8] =	ssyncadd.s32 $0xFFFFE000  }
0x12f: {  	[tilespmem:s28], [sflag:$0x4] =	stream.indirect.gather [hbm4b:s1+s20], $0x80, s16, s20, $0xb8;
	[tilespmem:$0x1E400] =	vst v63  }
0x130: {  	_ =	swait.ge [sflag:s29], $0x2000  }
0x131: {  	[sflag:s29] =	ssyncset.done $0x0  }
0x132: {  	[sflag:s29] =	ssyncadd.s32 $0xFFFFE000  }
0x133: {  	[spmem:s2] =	stream.indirect.scatter.add.f32 [tilespmem:s21], [sflag:$0x5], $0x80, s4, s20, $0xb8;
	[tilespmem:$0x1E400] =	vst v63  }
0x134: {  	_ =	swait.ge [sflag:s30], $0x2000  }
0x135: {  	[sflag:s30] =	ssyncset.done $0x0  }
0x136: {  	[sflag:s30] =	ssyncadd.s32 $0xFFFFE000  }
0x137: {  	[spmem:s2] =	stream.indirect.scatter.add.f32 [tilespmem:s23], [sflag:$0x6], $0x80, s6, s20, $0xb8;
	[tilespmem:$0x1E400] =	vst v63  }
0x138: {  	_ =	swait.ge [sflag:s31], $0x2000  }
0x139: {  	[sflag:s31] =	ssyncset.done $0x0  }
0x13a: {  	[sflag:s31] =	ssyncadd.s32 $0xFFFFE000  }
0x13b: {  	[spmem:s2] =	stream.indirect.scatter.add.f32 [tilespmem:s25], [sflag:$0x7], $0x80, s19, s20, $0xb8;
	[tilespmem:$0x1E400] =	vst v63  }
0x13c: {  	_ =	swait.ge [sflag:s0], $0x2000  }
0x13d: {  	[sflag:s0] =	ssyncset.done $0x0  }
0x13e: {  	[sflag:s0] =	ssyncadd.s32 $0xFFFFE000  }
0x13f: {  	[spmem:s2] =	stream.indirect.scatter.add.f32 [tilespmem:s28], [sflag:$0x8], $0x80, s22, s20, $0xb8;
	[tilespmem:$0x1E400] =	vst v63  }
0x140: {  	_ =	swait.ge [sflag:s3], $0x2000  }
0x141: {  	[sflag:s3] =	ssyncset.done $0x0  }
0x142: {  	[sflag:s3] =	ssyncadd.s32 $0xFFFFE000  }
0x143: {  	[tilespmem:s21], [sflag:$0x1] =	stream.indirect.gather [hbm4b:s1+s20], $0x80, s16, s20, $0xb8;
	[tilespmem:$0x1E400] =	vst v63  }
0x144: {  	_ =	swait.ge [sflag:s5], $0x2000  }
0x145: {  	[sflag:s5] =	ssyncset.done $0x0  }
0x146: {  	[sflag:s5] =	ssyncadd.s32 $0xFFFFE000  }
0x147: {  	[tilespmem:s23], [sflag:$0x2] =	stream.indirect.gather [hbm4b:s1+s20], $0x80, s16, s20, $0xb8;
	[tilespmem:$0x1E400] =	vst v63  }
0x148: {  	_ =	swait.ge [sflag:s7], $0x2000  }
0x149: {  	[sflag:s7] =	ssyncset.done $0x0  }
0x14a: {  	[sflag:s7] =	ssyncadd.s32 $0xFFFFE000  }
0x14b: {  	[tilespmem:s25], [sflag:$0x3] =	stream.indirect.gather [hbm4b:s1+s20], $0x80, s16, s20, $0xb8;
	[tilespmem:$0x1E400] =	vst v63  }
0x14c: {  	_ =	swait.ge [sflag:s8], $0x2000  }
0x14d: {  	[sflag:s8] =	ssyncset.done $0x0  }
0x14e: {  	[sflag:s8] =	ssyncadd.s32 $0xFFFFE000  }
0x14f: {  	[tilespmem:s28], [sflag:$0x4] =	stream.indirect.gather [hbm4b:s1+s20], $0x80, s16, s20, $0xb8;
	[tilespmem:$0x1E400] =	vst v63  }
0x150: {  	_ =	swait.ge [sflag:s29], $0x2000  }
0x151: {  	[sflag:s29] =	ssyncset.done $0x0  }
0x152: {  	[sflag:s29] =	ssyncadd.s32 $0xFFFFE000  }
0x153: {  	_ =	swait.ge [sflag:s30], $0x2000  }
0x154: {  	[sflag:s30] =	ssyncset.done $0x0  }
0x155: {  	[sflag:s30] =	ssyncadd.s32 $0xFFFFE000  }
0x156: {  	_ =	swait.ge [sflag:s31], $0x2000  }
0x157: {  	[sflag:s31] =	ssyncset.done $0x0  }
0x158: {  	[sflag:s31] =	ssyncadd.s32 $0xFFFFE000  }
0x159: {  	_ =	swait.ge [sflag:s0], $0x2000  }
0x15a: {  	[sflag:s0] =	ssyncset.done $0x0  }
0x15b: {  	s9 =	simm.s32 $0x0;
	s17 =	rddreg [dreg:$0x9];
	[sflag:s0] =	ssyncadd.s32 $0xFFFFE000  }
0x15c: {  	[tilespmem:s9], [sflag:$0x9] =	stream.linear.gather [hbm4b:s17+s9], $0x1400, $0x38;
	[tilespmem:$0x1E400] =	vst v63  }
0x15d: {  	_ =	swait.ge [sflag:s18], $0x1400  }
0x15e: {  	[sflag:s18] =	ssyncset.done $0x0  }
0x15f: {  	s26 =	simm.s32 $0x1400;
	s17 =	rddreg [dreg:$0xa];
	[sflag:s18] =	ssyncadd.s32 $0xFFFFEC00  }
0x160: {  	[tilespmem:s26], [sflag:$0x9] =	stream.linear.gather [hbm4b:s17+s9], $0x1400, $0x38;
	[tilespmem:$0x1E400] =	vst v63  }
0x161: {  	_ =	swait.ge [sflag:s18], $0x1400  }
0x162: {  	[sflag:s18] =	ssyncset.done $0x0  }
0x163: {  	[sflag:s18] =	ssyncadd.s32 $0xFFFFEC00  }
0x164: {  	[tilespmem:s21], [sflag:$0x1] =	stream.indirect.gather [hbm4b:s1+s20], $0x80, s9, s20, $0xb8;
	[tilespmem:$0x1E400] =	vst v63  }
0x165: {  	s17 =	simm.s32 $0x80  }
0x166: {  	[tilespmem:s23], [sflag:$0x2] =	stream.indirect.gather [hbm4b:s1+s20], $0x80, s17, s20, $0xb8;
	[tilespmem:$0x1E400] =	vst v63  }
0x167: {  	s26 =	simm.s32 $0x100  }
0x168: {  	[tilespmem:s25], [sflag:$0x3] =	stream.indirect.gather [hbm4b:s1+s20], $0x80, s26, s20, $0xb8;
	[tilespmem:$0x1E400] =	vst v63  }
0x169: {  	s17 =	simm.s32 $0x180  }
0x16a: {  	[tilespmem:s28], [sflag:$0x4] =	stream.indirect.gather [hbm4b:s1+s20], $0x80, s17, s20, $0xb8;
	[tilespmem:$0x1E400] =	vst v63  }
0x16b: {  	_ =	swait.ge [sflag:s29], $0x2000  }
0x16c: {  	[sflag:s29] =	ssyncset.done $0x0  }
0x16d: {  	s26 =	simm.s32 $0x1400;
	[sflag:s29] =	ssyncadd.s32 $0xFFFFE000  }
0x16e: {  	[spmem:s2] =	stream.indirect.scatter.add.f32 [tilespmem:s21], [sflag:$0x5], $0x80, s26, s20, $0xb8;
	[tilespmem:$0x1E400] =	vst v63  }
0x16f: {  	_ =	swait.ge [sflag:s30], $0x2000  }
0x170: {  	[sflag:s30] =	ssyncset.done $0x0  }
0x171: {  	s17 =	simm.s32 $0x1480;
	[sflag:s30] =	ssyncadd.s32 $0xFFFFE000  }
0x172: {  	[spmem:s2] =	stream.indirect.scatter.add.f32 [tilespmem:s23], [sflag:$0x6], $0x80, s17, s20, $0xb8;
	[tilespmem:$0x1E400] =	vst v63  }
0x173: {  	_ =	swait.ge [sflag:s31], $0x2000  }
0x174: {  	[sflag:s31] =	ssyncset.done $0x0  }
0x175: {  	s26 =	simm.s32 $0x1500;
	[sflag:s31] =	ssyncadd.s32 $0xFFFFE000  }
0x176: {  	[spmem:s2] =	stream.indirect.scatter.add.f32 [tilespmem:s25], [sflag:$0x7], $0x80, s26, s20, $0xb8;
	[tilespmem:$0x1E400] =	vst v63  }
0x177: {  	_ =	swait.ge [sflag:s0], $0x2000  }
0x178: {  	[sflag:s0] =	ssyncset.done $0x0  }
0x179: {  	s17 =	simm.s32 $0x1580;
	[sflag:s0] =	ssyncadd.s32 $0xFFFFE000  }
0x17a: {  	[spmem:s2] =	stream.indirect.scatter.add.f32 [tilespmem:s28], [sflag:$0x8], $0x80, s17, s20, $0xb8;
	[tilespmem:$0x1E400] =	vst v63  }
0x17b: {  	_ =	swait.ge [sflag:s3], $0x2000  }
0x17c: {  	[sflag:s3] =	ssyncset.done $0x0  }
0x17d: {  	s26 =	simm.s32 $0x200;
	[sflag:s3] =	ssyncadd.s32 $0xFFFFE000  }
0x17e: {  	[tilespmem:s21], [sflag:$0x1] =	stream.indirect.gather [hbm4b:s1+s20], $0x80, s26, s20, $0xb8;
	[tilespmem:$0x1E400] =	vst v63  }
0x17f: {  	_ =	swait.ge [sflag:s5], $0x2000  }
0x180: {  	[sflag:s5] =	ssyncset.done $0x0  }
0x181: {  	s17 =	simm.s32 $0x280;
	[sflag:s5] =	ssyncadd.s32 $0xFFFFE000  }
0x182: {  	[tilespmem:s23], [sflag:$0x2] =	stream.indirect.gather [hbm4b:s1+s20], $0x80, s17, s20, $0xb8;
	[tilespmem:$0x1E400] =	vst v63  }
0x183: {  	_ =	swait.ge [sflag:s7], $0x2000  }
0x184: {  	[sflag:s7] =	ssyncset.done $0x0  }
0x185: {  	s26 =	simm.s32 $0x300;
	[sflag:s7] =	ssyncadd.s32 $0xFFFFE000  }
0x186: {  	[tilespmem:s25], [sflag:$0x3] =	stream.indirect.gather [hbm4b:s1+s20], $0x80, s26, s20, $0xb8;
	[tilespmem:$0x1E400] =	vst v63  }
0x187: {  	_ =	swait.ge [sflag:s8], $0x2000  }
0x188: {  	[sflag:s8] =	ssyncset.done $0x0  }
0x189: {  	s17 =	simm.s32 $0x800;
	s26 =	simm.s32 $0x380;
	[sflag:s8] =	ssyncadd.s32 $0xFFFFE000  }
.LBB2_6:
0x18a: {  	[tilespmem:s28], [sflag:$0x4] =	stream.indirect.gather [hbm4b:s1+s20], $0x80, s26, s20, $0xb8;
	[tilespmem:$0x1E400] =	vst v63  }
0x18b: {  	s9 =	smov.u32 s17  }
0x18c: {  	p0 =	sne.s32 s17, $0x3800;
	s17 =	sadd.s32 $0x800, s17;
	_ =	swait.ge [sflag:s29], $0x2000  }
0x18d: {  	s26 =	sshra.s32 s9, $0x2;
	[sflag:s29] =	ssyncset.done $0x0  }
0x18e: {  	s9 =	sadd.s32 $0x1400, s26;
	[sflag:s29] =	ssyncadd.s32 $0xFFFFE000  }
0x18f: {  	[spmem:s2] =	stream.indirect.scatter.add.f32 [tilespmem:s21], [sflag:$0x5], $0x80, s9, s20, $0xb8;
	[tilespmem:$0x1E400] =	vst v63  }
0x190: {  	_ =	swait.ge [sflag:s30], $0x2000  }
0x191: {  	[sflag:s30] =	ssyncset.done $0x0  }
0x192: {  	s9 =	sadd.s32 $0x1480, s26;
	[sflag:s30] =	ssyncadd.s32 $0xFFFFE000  }
0x193: {  	[spmem:s2] =	stream.indirect.scatter.add.f32 [tilespmem:s23], [sflag:$0x6], $0x80, s9, s20, $0xb8;
	[tilespmem:$0x1E400] =	vst v63  }
0x194: {  	_ =	swait.ge [sflag:s31], $0x2000  }
0x195: {  	[sflag:s31] =	ssyncset.done $0x0  }
0x196: {  	s9 =	sadd.s32 $0x1500, s26;
	[sflag:s31] =	ssyncadd.s32 $0xFFFFE000  }
0x197: {  	[spmem:s2] =	stream.indirect.scatter.add.f32 [tilespmem:s25], [sflag:$0x7], $0x80, s9, s20, $0xb8;
	[tilespmem:$0x1E400] =	vst v63  }
0x198: {  	_ =	swait.ge [sflag:s0], $0x2000  }
0x199: {  	[sflag:s0] =	ssyncset.done $0x0  }
0x19a: {  	s9 =	sadd.s32 $0x1580, s26;
	[sflag:s0] =	ssyncadd.s32 $0xFFFFE000  }
0x19b: {  	[spmem:s2] =	stream.indirect.scatter.add.f32 [tilespmem:s28], [sflag:$0x8], $0x80, s9, s20, $0xb8;
	[tilespmem:$0x1E400] =	vst v63  }
0x19c: {  	_ =	swait.ge [sflag:s3], $0x2000  }
0x19d: {  	[sflag:s3] =	ssyncset.done $0x0  }
0x19e: {  	s9 =	sadd.s32 $0x200, s26;
	[sflag:s3] =	ssyncadd.s32 $0xFFFFE000  }
0x19f: {  	[tilespmem:s21], [sflag:$0x1] =	stream.indirect.gather [hbm4b:s1+s20], $0x80, s9, s20, $0xb8;
	[tilespmem:$0x1E400] =	vst v63  }
0x1a0: {  	_ =	swait.ge [sflag:s5], $0x2000  }
0x1a1: {  	[sflag:s5] =	ssyncset.done $0x0  }
0x1a2: {  	s9 =	sadd.s32 $0x280, s26;
	[sflag:s5] =	ssyncadd.s32 $0xFFFFE000  }
0x1a3: {  	[tilespmem:s23], [sflag:$0x2] =	stream.indirect.gather [hbm4b:s1+s20], $0x80, s9, s20, $0xb8;
	[tilespmem:$0x1E400] =	vst v63  }
0x1a4: {  	_ =	swait.ge [sflag:s7], $0x2000  }
0x1a5: {  	[sflag:s7] =	ssyncset.done $0x0  }
.Ltmp2:
0x1a6: {  	s9 =	sadd.s32 $0x300, s26;
	[sflag:s7] =	ssyncadd.s32 $0xFFFFE000;
	(pc) =	sbr.rel @p0 .LBB2_6-.Ltmp2, $4  }
0x1a7: {  	[tilespmem:s25], [sflag:$0x3] =	stream.indirect.gather [hbm4b:s1+s20], $0x80, s9, s20, $0xb8;
	[tilespmem:$0x1E400] =	vst v63  }
0x1a8: {  	_ =	swait.ge [sflag:s8], $0x2000  }
0x1a9: {  	[sflag:s8] =	ssyncset.done $0x0  }
0x1aa: {  	s26 =	sadd.s32 $0x380, s26;
	[sflag:s8] =	ssyncadd.s32 $0xFFFFE000  }
0x1ab: {  	[tilespmem:s28], [sflag:$0x4] =	stream.indirect.gather [hbm4b:s1+s20], $0x80, s26, s20, $0xb8;
	[tilespmem:$0x1E400] =	vst v63  }
0x1ac: {  	_ =	swait.ge [sflag:s29], $0x2000  }
0x1ad: {  	[sflag:s29] =	ssyncset.done $0x0  }
0x1ae: {  	s9 =	simm.s32 $0x2400;
	[sflag:s29] =	ssyncadd.s32 $0xFFFFE000  }
0x1af: {  	[spmem:s2] =	stream.indirect.scatter.add.f32 [tilespmem:s21], [sflag:$0x5], $0x80, s9, s20, $0xb8;
	[tilespmem:$0x1E400] =	vst v63  }
0x1b0: {  	_ =	swait.ge [sflag:s30], $0x2000  }
0x1b1: {  	[sflag:s30] =	ssyncset.done $0x0  }
0x1b2: {  	s17 =	simm.s32 $0x2480;
	[sflag:s30] =	ssyncadd.s32 $0xFFFFE000  }
0x1b3: {  	[spmem:s2] =	stream.indirect.scatter.add.f32 [tilespmem:s23], [sflag:$0x6], $0x80, s17, s20, $0xb8;
	[tilespmem:$0x1E400] =	vst v63  }
0x1b4: {  	_ =	swait.ge [sflag:s31], $0x2000  }
0x1b5: {  	[sflag:s31] =	ssyncset.done $0x0  }
0x1b6: {  	s26 =	simm.s32 $0x2500;
	[sflag:s31] =	ssyncadd.s32 $0xFFFFE000  }
0x1b7: {  	[spmem:s2] =	stream.indirect.scatter.add.f32 [tilespmem:s25], [sflag:$0x7], $0x80, s26, s20, $0xb8;
	[tilespmem:$0x1E400] =	vst v63  }
0x1b8: {  	_ =	swait.ge [sflag:s0], $0x2000  }
0x1b9: {  	[sflag:s0] =	ssyncset.done $0x0  }
0x1ba: {  	[sflag:s0] =	ssyncadd.s32 $0xFFFFE000  }
0x1bb: {  	[spmem:s2] =	stream.indirect.scatter.add.f32 [tilespmem:s28], [sflag:$0x8], $0x80, s12, s20, $0xb8;
	[tilespmem:$0x1E400] =	vst v63  }
0x1bc: {  	_ =	swait.ge [sflag:s3], $0x2000  }
0x1bd: {  	[sflag:s3] =	ssyncset.done $0x0  }
0x1be: {  	[sflag:s3] =	ssyncadd.s32 $0xFFFFE000  }
0x1bf: {  	[tilespmem:s21], [sflag:$0x1] =	stream.indirect.gather [hbm4b:s1+s20], $0x80, s13, s20, $0xb8;
	[tilespmem:$0x1E400] =	vst v63  }
0x1c0: {  	_ =	swait.ge [sflag:s5], $0x2000  }
0x1c1: {  	[sflag:s5] =	ssyncset.done $0x0  }
0x1c2: {  	[sflag:s5] =	ssyncadd.s32 $0xFFFFE000  }
0x1c3: {  	[tilespmem:s23], [sflag:$0x2] =	stream.indirect.gather [hbm4b:s1+s20], $0x80, s14, s20, $0xb8;
	[tilespmem:$0x1E400] =	vst v63  }
0x1c4: {  	_ =	swait.ge [sflag:s7], $0x2000  }
0x1c5: {  	[sflag:s7] =	ssyncset.done $0x0  }
0x1c6: {  	[sflag:s7] =	ssyncadd.s32 $0xFFFFE000  }
0x1c7: {  	[tilespmem:s25], [sflag:$0x3] =	stream.indirect.gather [hbm4b:s1+s20], $0x80, s15, s20, $0xb8;
	[tilespmem:$0x1E400] =	vst v63  }
0x1c8: {  	_ =	swait.ge [sflag:s8], $0x2000  }
0x1c9: {  	[sflag:s8] =	ssyncset.done $0x0  }
0x1ca: {  	[sflag:s8] =	ssyncadd.s32 $0xFFFFE000  }
0x1cb: {  	[tilespmem:s28], [sflag:$0x4] =	stream.indirect.gather [hbm4b:s1+s20], $0x80, s16, s20, $0xb8;
	[tilespmem:$0x1E400] =	vst v63  }
0x1cc: {  	_ =	swait.ge [sflag:s29], $0x2000  }
0x1cd: {  	[sflag:s29] =	ssyncset.done $0x0  }
0x1ce: {  	[sflag:s29] =	ssyncadd.s32 $0xFFFFE000  }
0x1cf: {  	[spmem:s2] =	stream.indirect.scatter.add.f32 [tilespmem:s21], [sflag:$0x5], $0x80, s4, s20, $0xb8;
	[tilespmem:$0x1E400] =	vst v63  }
0x1d0: {  	_ =	swait.ge [sflag:s30], $0x2000  }
0x1d1: {  	[sflag:s30] =	ssyncset.done $0x0  }
0x1d2: {  	[sflag:s30] =	ssyncadd.s32 $0xFFFFE000  }
0x1d3: {  	[spmem:s2] =	stream.indirect.scatter.add.f32 [tilespmem:s23], [sflag:$0x6], $0x80, s6, s20, $0xb8;
	[tilespmem:$0x1E400] =	vst v63  }
0x1d4: {  	_ =	swait.ge [sflag:s31], $0x2000  }
0x1d5: {  	[sflag:s31] =	ssyncset.done $0x0  }
0x1d6: {  	[sflag:s31] =	ssyncadd.s32 $0xFFFFE000  }
0x1d7: {  	[spmem:s2] =	stream.indirect.scatter.add.f32 [tilespmem:s25], [sflag:$0x7], $0x80, s19, s20, $0xb8;
	[tilespmem:$0x1E400] =	vst v63  }
0x1d8: {  	_ =	swait.ge [sflag:s0], $0x2000  }
0x1d9: {  	[sflag:s0] =	ssyncset.done $0x0  }
0x1da: {  	[sflag:s0] =	ssyncadd.s32 $0xFFFFE000  }
0x1db: {  	[spmem:s2] =	stream.indirect.scatter.add.f32 [tilespmem:s28], [sflag:$0x8], $0x80, s22, s20, $0xb8;
	[tilespmem:$0x1E400] =	vst v63  }
0x1dc: {  	_ =	swait.ge [sflag:s3], $0x2000  }
0x1dd: {  	[sflag:s3] =	ssyncset.done $0x0  }
0x1de: {  	[sflag:s3] =	ssyncadd.s32 $0xFFFFE000  }
0x1df: {  	[tilespmem:s21], [sflag:$0x1] =	stream.indirect.gather [hbm4b:s1+s20], $0x80, s16, s20, $0xb8;
	[tilespmem:$0x1E400] =	vst v63  }
0x1e0: {  	_ =	swait.ge [sflag:s5], $0x2000  }
0x1e1: {  	[sflag:s5] =	ssyncset.done $0x0  }
0x1e2: {  	[sflag:s5] =	ssyncadd.s32 $0xFFFFE000  }
0x1e3: {  	[tilespmem:s23], [sflag:$0x2] =	stream.indirect.gather [hbm4b:s1+s20], $0x80, s16, s20, $0xb8;
	[tilespmem:$0x1E400] =	vst v63  }
0x1e4: {  	_ =	swait.ge [sflag:s7], $0x2000  }
0x1e5: {  	[sflag:s7] =	ssyncset.done $0x0  }
0x1e6: {  	[sflag:s7] =	ssyncadd.s32 $0xFFFFE000  }
0x1e7: {  	[tilespmem:s25], [sflag:$0x3] =	stream.indirect.gather [hbm4b:s1+s20], $0x80, s16, s20, $0xb8;
	[tilespmem:$0x1E400] =	vst v63  }
0x1e8: {  	_ =	swait.ge [sflag:s8], $0x2000  }
0x1e9: {  	[sflag:s8] =	ssyncset.done $0x0  }
0x1ea: {  	[sflag:s8] =	ssyncadd.s32 $0xFFFFE000  }
0x1eb: {  	[tilespmem:s28], [sflag:$0x4] =	stream.indirect.gather [hbm4b:s1+s20], $0x80, s16, s20, $0xb8;
	[tilespmem:$0x1E400] =	vst v63  }
0x1ec: {  	_ =	swait.ge [sflag:s29], $0x2000  }
0x1ed: {  	[sflag:s29] =	ssyncset.done $0x0  }
0x1ee: {  	[sflag:s29] =	ssyncadd.s32 $0xFFFFE000  }
0x1ef: {  	_ =	swait.ge [sflag:s30], $0x2000  }
0x1f0: {  	[sflag:s30] =	ssyncset.done $0x0  }
0x1f1: {  	[sflag:s30] =	ssyncadd.s32 $0xFFFFE000  }
0x1f2: {  	_ =	swait.ge [sflag:s31], $0x2000  }
0x1f3: {  	[sflag:s31] =	ssyncset.done $0x0  }
0x1f4: {  	[sflag:s31] =	ssyncadd.s32 $0xFFFFE000  }
0x1f5: {  	_ =	swait.ge [sflag:s0], $0x2000  }
0x1f6: {  	[sflag:s0] =	ssyncset.done $0x0  }
0x1f7: {  	s9 =	simm.s32 $0x0;
	s17 =	rddreg [dreg:$0xb];
	[sflag:s0] =	ssyncadd.s32 $0xFFFFE000  }
0x1f8: {  	[tilespmem:s9], [sflag:$0x9] =	stream.linear.gather [hbm4b:s17+s9], $0x1400, $0x38;
	[tilespmem:$0x1E400] =	vst v63  }
0x1f9: {  	_ =	swait.ge [sflag:s18], $0x1400  }
0x1fa: {  	[sflag:s18] =	ssyncset.done $0x0  }
0x1fb: {  	s26 =	simm.s32 $0x1400;
	s17 =	rddreg [dreg:$0xc];
	[sflag:s18] =	ssyncadd.s32 $0xFFFFEC00  }
0x1fc: {  	[tilespmem:s26], [sflag:$0x9] =	stream.linear.gather [hbm4b:s17+s9], $0x1400, $0x38;
	[tilespmem:$0x1E400] =	vst v63  }
0x1fd: {  	_ =	swait.ge [sflag:s18], $0x1400  }
0x1fe: {  	[sflag:s18] =	ssyncset.done $0x0  }
0x1ff: {  	[sflag:s18] =	ssyncadd.s32 $0xFFFFEC00  }
0x200: {  	[tilespmem:s21], [sflag:$0x1] =	stream.indirect.gather [hbm4b:s1+s20], $0x80, s9, s20, $0xb8;
	[tilespmem:$0x1E400] =	vst v63  }
0x201: {  	s17 =	simm.s32 $0x80  }
0x202: {  	[tilespmem:s23], [sflag:$0x2] =	stream.indirect.gather [hbm4b:s1+s20], $0x80, s17, s20, $0xb8;
	[tilespmem:$0x1E400] =	vst v63  }
0x203: {  	s26 =	simm.s32 $0x100  }
0x204: {  	[tilespmem:s25], [sflag:$0x3] =	stream.indirect.gather [hbm4b:s1+s20], $0x80, s26, s20, $0xb8;
	[tilespmem:$0x1E400] =	vst v63  }
0x205: {  	s17 =	simm.s32 $0x180  }
0x206: {  	[tilespmem:s28], [sflag:$0x4] =	stream.indirect.gather [hbm4b:s1+s20], $0x80, s17, s20, $0xb8;
	[tilespmem:$0x1E400] =	vst v63  }
0x207: {  	_ =	swait.ge [sflag:s29], $0x2000  }
0x208: {  	[sflag:s29] =	ssyncset.done $0x0  }
0x209: {  	s26 =	simm.s32 $0x1400;
	[sflag:s29] =	ssyncadd.s32 $0xFFFFE000  }
0x20a: {  	[spmem:s2] =	stream.indirect.scatter.add.f32 [tilespmem:s21], [sflag:$0x5], $0x80, s26, s20, $0xb8;
	[tilespmem:$0x1E400] =	vst v63  }
0x20b: {  	_ =	swait.ge [sflag:s30], $0x2000  }
0x20c: {  	[sflag:s30] =	ssyncset.done $0x0  }
0x20d: {  	s17 =	simm.s32 $0x1480;
	[sflag:s30] =	ssyncadd.s32 $0xFFFFE000  }
0x20e: {  	[spmem:s2] =	stream.indirect.scatter.add.f32 [tilespmem:s23], [sflag:$0x6], $0x80, s17, s20, $0xb8;
	[tilespmem:$0x1E400] =	vst v63  }
0x20f: {  	_ =	swait.ge [sflag:s31], $0x2000  }
0x210: {  	[sflag:s31] =	ssyncset.done $0x0  }
0x211: {  	s26 =	simm.s32 $0x1500;
	[sflag:s31] =	ssyncadd.s32 $0xFFFFE000  }
0x212: {  	[spmem:s2] =	stream.indirect.scatter.add.f32 [tilespmem:s25], [sflag:$0x7], $0x80, s26, s20, $0xb8;
	[tilespmem:$0x1E400] =	vst v63  }
0x213: {  	_ =	swait.ge [sflag:s0], $0x2000  }
0x214: {  	[sflag:s0] =	ssyncset.done $0x0  }
0x215: {  	s17 =	simm.s32 $0x1580;
	[sflag:s0] =	ssyncadd.s32 $0xFFFFE000  }
0x216: {  	[spmem:s2] =	stream.indirect.scatter.add.f32 [tilespmem:s28], [sflag:$0x8], $0x80, s17, s20, $0xb8;
	[tilespmem:$0x1E400] =	vst v63  }
0x217: {  	_ =	swait.ge [sflag:s3], $0x2000  }
0x218: {  	[sflag:s3] =	ssyncset.done $0x0  }
0x219: {  	s26 =	simm.s32 $0x200;
	[sflag:s3] =	ssyncadd.s32 $0xFFFFE000  }
0x21a: {  	[tilespmem:s21], [sflag:$0x1] =	stream.indirect.gather [hbm4b:s1+s20], $0x80, s26, s20, $0xb8;
	[tilespmem:$0x1E400] =	vst v63  }
0x21b: {  	_ =	swait.ge [sflag:s5], $0x2000  }
0x21c: {  	[sflag:s5] =	ssyncset.done $0x0  }
0x21d: {  	s17 =	simm.s32 $0x280;
	[sflag:s5] =	ssyncadd.s32 $0xFFFFE000  }
0x21e: {  	[tilespmem:s23], [sflag:$0x2] =	stream.indirect.gather [hbm4b:s1+s20], $0x80, s17, s20, $0xb8;
	[tilespmem:$0x1E400] =	vst v63  }
0x21f: {  	_ =	swait.ge [sflag:s7], $0x2000  }
0x220: {  	[sflag:s7] =	ssyncset.done $0x0  }
0x221: {  	s26 =	simm.s32 $0x300;
	[sflag:s7] =	ssyncadd.s32 $0xFFFFE000  }
0x222: {  	[tilespmem:s25], [sflag:$0x3] =	stream.indirect.gather [hbm4b:s1+s20], $0x80, s26, s20, $0xb8;
	[tilespmem:$0x1E400] =	vst v63  }
0x223: {  	_ =	swait.ge [sflag:s8], $0x2000  }
0x224: {  	[sflag:s8] =	ssyncset.done $0x0  }
0x225: {  	s17 =	simm.s32 $0x800;
	s26 =	simm.s32 $0x380;
	[sflag:s8] =	ssyncadd.s32 $0xFFFFE000  }
.LBB2_8:
0x226: {  	[tilespmem:s28], [sflag:$0x4] =	stream.indirect.gather [hbm4b:s1+s20], $0x80, s26, s20, $0xb8;
	[tilespmem:$0x1E400] =	vst v63  }
0x227: {  	s9 =	smov.u32 s17  }
0x228: {  	p0 =	sne.s32 s17, $0x3800;
	s17 =	sadd.s32 $0x800, s17;
	_ =	swait.ge [sflag:s29], $0x2000  }
0x229: {  	s26 =	sshra.s32 s9, $0x2;
	[sflag:s29] =	ssyncset.done $0x0  }
0x22a: {  	s9 =	sadd.s32 $0x1400, s26;
	[sflag:s29] =	ssyncadd.s32 $0xFFFFE000  }
0x22b: {  	[spmem:s2] =	stream.indirect.scatter.add.f32 [tilespmem:s21], [sflag:$0x5], $0x80, s9, s20, $0xb8;
	[tilespmem:$0x1E400] =	vst v63  }
0x22c: {  	_ =	swait.ge [sflag:s30], $0x2000  }
0x22d: {  	[sflag:s30] =	ssyncset.done $0x0  }
0x22e: {  	s9 =	sadd.s32 $0x1480, s26;
	[sflag:s30] =	ssyncadd.s32 $0xFFFFE000  }
0x22f: {  	[spmem:s2] =	stream.indirect.scatter.add.f32 [tilespmem:s23], [sflag:$0x6], $0x80, s9, s20, $0xb8;
	[tilespmem:$0x1E400] =	vst v63  }
0x230: {  	_ =	swait.ge [sflag:s31], $0x2000  }
0x231: {  	[sflag:s31] =	ssyncset.done $0x0  }
0x232: {  	s9 =	sadd.s32 $0x1500, s26;
	[sflag:s31] =	ssyncadd.s32 $0xFFFFE000  }
0x233: {  	[spmem:s2] =	stream.indirect.scatter.add.f32 [tilespmem:s25], [sflag:$0x7], $0x80, s9, s20, $0xb8;
	[tilespmem:$0x1E400] =	vst v63  }
0x234: {  	_ =	swait.ge [sflag:s0], $0x2000  }
0x235: {  	[sflag:s0] =	ssyncset.done $0x0  }
0x236: {  	s9 =	sadd.s32 $0x1580, s26;
	[sflag:s0] =	ssyncadd.s32 $0xFFFFE000  }
0x237: {  	[spmem:s2] =	stream.indirect.scatter.add.f32 [tilespmem:s28], [sflag:$0x8], $0x80, s9, s20, $0xb8;
	[tilespmem:$0x1E400] =	vst v63  }
0x238: {  	_ =	swait.ge [sflag:s3], $0x2000  }
0x239: {  	[sflag:s3] =	ssyncset.done $0x0  }
0x23a: {  	s9 =	sadd.s32 $0x200, s26;
	[sflag:s3] =	ssyncadd.s32 $0xFFFFE000  }
0x23b: {  	[tilespmem:s21], [sflag:$0x1] =	stream.indirect.gather [hbm4b:s1+s20], $0x80, s9, s20, $0xb8;
	[tilespmem:$0x1E400] =	vst v63  }
0x23c: {  	_ =	swait.ge [sflag:s5], $0x2000  }
0x23d: {  	[sflag:s5] =	ssyncset.done $0x0  }
0x23e: {  	s9 =	sadd.s32 $0x280, s26;
	[sflag:s5] =	ssyncadd.s32 $0xFFFFE000  }
0x23f: {  	[tilespmem:s23], [sflag:$0x2] =	stream.indirect.gather [hbm4b:s1+s20], $0x80, s9, s20, $0xb8;
	[tilespmem:$0x1E400] =	vst v63  }
0x240: {  	_ =	swait.ge [sflag:s7], $0x2000  }
0x241: {  	[sflag:s7] =	ssyncset.done $0x0  }
.Ltmp3:
0x242: {  	s9 =	sadd.s32 $0x300, s26;
	[sflag:s7] =	ssyncadd.s32 $0xFFFFE000;
	(pc) =	sbr.rel @p0 .LBB2_8-.Ltmp3, $4  }
0x243: {  	[tilespmem:s25], [sflag:$0x3] =	stream.indirect.gather [hbm4b:s1+s20], $0x80, s9, s20, $0xb8;
	[tilespmem:$0x1E400] =	vst v63  }
0x244: {  	_ =	swait.ge [sflag:s8], $0x2000  }
0x245: {  	[sflag:s8] =	ssyncset.done $0x0  }
0x246: {  	s26 =	sadd.s32 $0x380, s26;
	[sflag:s8] =	ssyncadd.s32 $0xFFFFE000  }
0x247: {  	[tilespmem:s28], [sflag:$0x4] =	stream.indirect.gather [hbm4b:s1+s20], $0x80, s26, s20, $0xb8;
	[tilespmem:$0x1E400] =	vst v63  }
0x248: {  	_ =	swait.ge [sflag:s29], $0x2000  }
0x249: {  	[sflag:s29] =	ssyncset.done $0x0  }
0x24a: {  	s9 =	simm.s32 $0x2400;
	[sflag:s29] =	ssyncadd.s32 $0xFFFFE000  }
0x24b: {  	[spmem:s2] =	stream.indirect.scatter.add.f32 [tilespmem:s21], [sflag:$0x5], $0x80, s9, s20, $0xb8;
	[tilespmem:$0x1E400] =	vst v63  }
0x24c: {  	_ =	swait.ge [sflag:s30], $0x2000  }
0x24d: {  	[sflag:s30] =	ssyncset.done $0x0  }
0x24e: {  	s17 =	simm.s32 $0x2480;
	[sflag:s30] =	ssyncadd.s32 $0xFFFFE000  }
0x24f: {  	[spmem:s2] =	stream.indirect.scatter.add.f32 [tilespmem:s23], [sflag:$0x6], $0x80, s17, s20, $0xb8;
	[tilespmem:$0x1E400] =	vst v63  }
0x250: {  	_ =	swait.ge [sflag:s31], $0x2000  }
0x251: {  	[sflag:s31] =	ssyncset.done $0x0  }
0x252: {  	s26 =	simm.s32 $0x2500;
	[sflag:s31] =	ssyncadd.s32 $0xFFFFE000  }
0x253: {  	[spmem:s2] =	stream.indirect.scatter.add.f32 [tilespmem:s25], [sflag:$0x7], $0x80, s26, s20, $0xb8;
	[tilespmem:$0x1E400] =	vst v63  }
0x254: {  	_ =	swait.ge [sflag:s0], $0x2000  }
0x255: {  	[sflag:s0] =	ssyncset.done $0x0  }
0x256: {  	[sflag:s0] =	ssyncadd.s32 $0xFFFFE000  }
0x257: {  	[spmem:s2] =	stream.indirect.scatter.add.f32 [tilespmem:s28], [sflag:$0x8], $0x80, s12, s20, $0xb8;
	[tilespmem:$0x1E400] =	vst v63  }
0x258: {  	_ =	swait.ge [sflag:s3], $0x2000  }
0x259: {  	[sflag:s3] =	ssyncset.done $0x0  }
0x25a: {  	[sflag:s3] =	ssyncadd.s32 $0xFFFFE000  }
0x25b: {  	[tilespmem:s21], [sflag:$0x1] =	stream.indirect.gather [hbm4b:s1+s20], $0x80, s13, s20, $0xb8;
	[tilespmem:$0x1E400] =	vst v63  }
0x25c: {  	_ =	swait.ge [sflag:s5], $0x2000  }
0x25d: {  	[sflag:s5] =	ssyncset.done $0x0  }
0x25e: {  	[sflag:s5] =	ssyncadd.s32 $0xFFFFE000  }
0x25f: {  	[tilespmem:s23], [sflag:$0x2] =	stream.indirect.gather [hbm4b:s1+s20], $0x80, s14, s20, $0xb8;
	[tilespmem:$0x1E400] =	vst v63  }
0x260: {  	_ =	swait.ge [sflag:s7], $0x2000  }
0x261: {  	[sflag:s7] =	ssyncset.done $0x0  }
0x262: {  	[sflag:s7] =	ssyncadd.s32 $0xFFFFE000  }
0x263: {  	[tilespmem:s25], [sflag:$0x3] =	stream.indirect.gather [hbm4b:s1+s20], $0x80, s15, s20, $0xb8;
	[tilespmem:$0x1E400] =	vst v63  }
0x264: {  	_ =	swait.ge [sflag:s8], $0x2000  }
0x265: {  	[sflag:s8] =	ssyncset.done $0x0  }
0x266: {  	[sflag:s8] =	ssyncadd.s32 $0xFFFFE000  }
0x267: {  	[tilespmem:s28], [sflag:$0x4] =	stream.indirect.gather [hbm4b:s1+s20], $0x80, s16, s20, $0xb8;
	[tilespmem:$0x1E400] =	vst v63  }
0x268: {  	_ =	swait.ge [sflag:s29], $0x2000  }
0x269: {  	[sflag:s29] =	ssyncset.done $0x0  }
0x26a: {  	[sflag:s29] =	ssyncadd.s32 $0xFFFFE000  }
0x26b: {  	[spmem:s2] =	stream.indirect.scatter.add.f32 [tilespmem:s21], [sflag:$0x5], $0x80, s4, s20, $0xb8;
	[tilespmem:$0x1E400] =	vst v63  }
0x26c: {  	_ =	swait.ge [sflag:s30], $0x2000  }
0x26d: {  	[sflag:s30] =	ssyncset.done $0x0  }
0x26e: {  	[sflag:s30] =	ssyncadd.s32 $0xFFFFE000  }
0x26f: {  	[spmem:s2] =	stream.indirect.scatter.add.f32 [tilespmem:s23], [sflag:$0x6], $0x80, s6, s20, $0xb8;
	[tilespmem:$0x1E400] =	vst v63  }
0x270: {  	_ =	swait.ge [sflag:s31], $0x2000  }
0x271: {  	[sflag:s31] =	ssyncset.done $0x0  }
0x272: {  	[sflag:s31] =	ssyncadd.s32 $0xFFFFE000  }
0x273: {  	[spmem:s2] =	stream.indirect.scatter.add.f32 [tilespmem:s25], [sflag:$0x7], $0x80, s19, s20, $0xb8;
	[tilespmem:$0x1E400] =	vst v63  }
0x274: {  	_ =	swait.ge [sflag:s0], $0x2000  }
0x275: {  	[sflag:s0] =	ssyncset.done $0x0  }
0x276: {  	[sflag:s0] =	ssyncadd.s32 $0xFFFFE000  }
0x277: {  	[spmem:s2] =	stream.indirect.scatter.add.f32 [tilespmem:s28], [sflag:$0x8], $0x80, s22, s20, $0xb8;
	[tilespmem:$0x1E400] =	vst v63  }
0x278: {  	_ =	swait.ge [sflag:s3], $0x2000  }
0x279: {  	[sflag:s3] =	ssyncset.done $0x0  }
0x27a: {  	[sflag:s3] =	ssyncadd.s32 $0xFFFFE000  }
0x27b: {  	[tilespmem:s21], [sflag:$0x1] =	stream.indirect.gather [hbm4b:s1+s20], $0x80, s16, s20, $0xb8;
	[tilespmem:$0x1E400] =	vst v63  }
0x27c: {  	_ =	swait.ge [sflag:s5], $0x2000  }
0x27d: {  	[sflag:s5] =	ssyncset.done $0x0  }
0x27e: {  	[sflag:s5] =	ssyncadd.s32 $0xFFFFE000  }
0x27f: {  	[tilespmem:s23], [sflag:$0x2] =	stream.indirect.gather [hbm4b:s1+s20], $0x80, s16, s20, $0xb8;
	[tilespmem:$0x1E400] =	vst v63  }
0x280: {  	_ =	swait.ge [sflag:s7], $0x2000  }
0x281: {  	[sflag:s7] =	ssyncset.done $0x0  }
0x282: {  	[sflag:s7] =	ssyncadd.s32 $0xFFFFE000  }
0x283: {  	[tilespmem:s25], [sflag:$0x3] =	stream.indirect.gather [hbm4b:s1+s20], $0x80, s16, s20, $0xb8;
	[tilespmem:$0x1E400] =	vst v63  }
0x284: {  	_ =	swait.ge [sflag:s8], $0x2000  }
0x285: {  	[sflag:s8] =	ssyncset.done $0x0  }
0x286: {  	[sflag:s8] =	ssyncadd.s32 $0xFFFFE000  }
0x287: {  	[tilespmem:s28], [sflag:$0x4] =	stream.indirect.gather [hbm4b:s1+s20], $0x80, s16, s20, $0xb8;
	[tilespmem:$0x1E400] =	vst v63  }
0x288: {  	_ =	swait.ge [sflag:s29], $0x2000  }
0x289: {  	[sflag:s29] =	ssyncset.done $0x0  }
0x28a: {  	[sflag:s29] =	ssyncadd.s32 $0xFFFFE000  }
0x28b: {  	_ =	swait.ge [sflag:s30], $0x2000  }
0x28c: {  	[sflag:s30] =	ssyncset.done $0x0  }
0x28d: {  	[sflag:s30] =	ssyncadd.s32 $0xFFFFE000  }
0x28e: {  	_ =	swait.ge [sflag:s31], $0x2000  }
0x28f: {  	[sflag:s31] =	ssyncset.done $0x0  }
0x290: {  	[sflag:s31] =	ssyncadd.s32 $0xFFFFE000  }
0x291: {  	_ =	swait.ge [sflag:s0], $0x2000  }
0x292: {  	[sflag:s0] =	ssyncset.done $0x0  }
0x293: {  	[sflag:s0] =	ssyncadd.s32 $0xFFFFE000  }
0x294: {  	[bflag:$0x0] =	sbarrier.arrive $0xFFFF  }
0x295: {  	s9 =	rddreg [dreg:$0xd]  }
0x296: {  	[hbm:s9], [sflag:s10] =	dma.local [spmem:s11], $0x2780  }
0x297: {  	_ =	swait.ge [sflag:s18], $0x2780  }
0x298: {  	s24 =	sadd.s32 $0x1, s24;
	s26 =	smov.u32 s11;
	s11 =	rddreg [dreg:$0xe]  }
0x299: {  	p0 =	sne.s32 s24, s11  }
.Ltmp4:
0x29a: {  	_ = 	snop;
	(pc) =	sbr.rel @p0 .LBB2_1-.Ltmp4, $3  }
0x29b: {  	_ =	sdelay $0x1  }
0x29c: {  	[sflag:s18] =	ssyncset.done $0x0  }
0x29d: {  	s17 =	smov.u32 s10;
	[sflag:s18] =	ssyncadd.s32 $0xFFFFD880  }
0x29e: {  	_ =	sfence.sel $0x180000  }
0x29f: {  	[bflag:$0x0] =	sbarrier.arrive $0xFFFF  }
0x2a0: {  	_ =	strace $0x9000004D  }
0x2a1: {  	s0 =	stileid.u32;
	[bflag:$0x2] =	sbarrier.arrive $0xFFFF  }
0x2a2: {  	p0 =	sne.s32 s0, $0x0;
	s0 =	rddreg [dreg:$0x3]  }
0x2a3: {  	s0 =	sadd.s32 @!p0 $0x100000, s0  }
0x2a4: {  	[sflag:s0] =	ssyncadd.tile.s32 @!p0 $0x1;
	_ =	shalt  }
.Lfunc_end2:
_tile_overlayer_lowered:
.L_overlay_start_2:
0x2a5: {  	(tag) =	ssettag $0x2  }
0x2a6: {  	s0 =	rddreg [dreg:$0x0];
	s2 =	stileid.u32  }
0x2a7: {  	s1 =	rddreg [dreg:$0x1];
	p0 =	sne.s32 s2, $0x0  }
0x2a8: {  	s3 =	rddreg [dreg:$0x2];
	[bflag:$0x3] =	sbarrier.arrive $0xFFFF;
	s2 =	simm.s32 @!p0 $0x1C09  }
0x2a9: {  	[timem:s3], [sflag:s2] =	dma.local @!p0 [hbm:s0], s1  }
0x2aa: {  	s0 =	simm.s32 @!p0 $0x9  }
0x2ab: {  	_ =	swait.ge @!p0 [sflag:s0], s1  }
0x2ac: {  	s1 =	ssub.s32 @!p0 $0x0, s1;
	[sflag:s0] =	ssyncset.done @!p0 $0x0  }
0x2ad: {  	[sflag:s0] =	ssyncadd.s32 @!p0 s1  }
0x2ae: {  	[bflag:$0x3] =	sbarrier.arrive $0xFFFF  }
0x2af: {  	_ =	shalt  }

// kernel: kernel.9.cloned.1.call-start
scs
__scs_entry_jumppad:
0x0: {  	(pc) =	sbr.rel $0x88, $3  }
0x1: {  	(tag) =	ssettag $0x0;
	lr =	simm.s32 $0x1  }
0x2: {  	[smem:$0x3F9B] =	sst lr;
	_ =	strace $0xD0000000  }
0x3: {  	_ = 	snop  }
0x4: {  	_ = 	snop  }
0x5: {  	_ = 	snop  }
0x6: {  	_ = 	snop  }
0x7: {  	_ = 	snop  }
__scs_overlays_trampoline_lowered:
0x8: {  	[smem:$0x3FAA] =	sst s0  }
0x9: {  	[smem:$0x3FAB] =	sst s1  }
0xa: {  	[smem:$0x3FAC] =	sst s2  }
0xb: {  	[smem:$0x3FAD] =	sst s3  }
0xc: {  	[smem:$0x3FAE] =	sst s4  }
0xd: {  	[smem:$0x3FAF] =	sst s5  }
0xe: {  	[smem:$0x3FB0] =	sst s6  }
0xf: {  	[smem:$0x3FB1] =	sst s7  }
0x10: {  	[smem:$0x3FB2] =	sst s8  }
0x11: {  	[smem:$0x3FB3] =	sst s9;
	s0 =	simm.s32 @!p0 $0x0  }
0x12: {  	s1 =	sld [smem:$0x3F99];
	s0 =	simm.s32 @p0 $0x1  }
0x13: {  	[smem:$0x3FB4] =	sst s0;
	s0 =	simm.s32 @!p1 $0x0  }
0x14: {  	s2 =	sld [smem:$0x3F98];
	s0 =	simm.s32 @p1 $0x1  }
0x15: {  	[smem:$0x3FB5] =	sst s0;
	s0 =	simm.s32 @!p2 $0x0  }
0x16: {  	s3 =	sld [smem:$0x3FDB];
	s0 =	simm.s32 @p2 $0x1  }
0x17: {  	s4 =	simm.s32 $0x1BF5;
	[smem:$0x3FB7] =	sst s0  }
0x18: {  	s0 =	sld [smem:$0x3F9A];
	_ =	swait.ge [sflag:s4], $0x0  }
0x19: {  	s7 =	sld [smem:$0x3F9B]  }
0x1a: {  	s8 =	sadd.s32 $0xFFFFE003, lr  }
0x1b: {  	s9 =	sadd.s32 $0xFFFFFEF7, lr;
	s5 =	simm.s32 $0xFFFFFFFF;
	p2 =	slt.u32 s8, $0xFFFFF086  }
0x1c: {  	p1 =	slt.u32 s9, $0xF7A;
	s5 =	simm.s32 @!p2 $0x0  }
0x1d: {  	s5 =	simm.s32 @p1 $0x1;
	p0 =	seq.s32 s7, s2  }
0x1e: {  	s7 =	smul.u32 @!p0 $0xF7A, s2;
	p2 =	seq.s32 @!p0 s5, $0x0  }
0x1f: {  	s9 =	smul.u32 $0xF7A, s1;
	s8 =	simm.s32 @!p0 $0x1BF5;
	p2 =	por !p2, p0  }
0x20: {  	[sflag:s8] =	ssyncset.s32 @!p0 $0xFFFFF086;
	s6 =	sadd.s32 @!p0 s3, s7;
	s7 =	simm.s32 @!p0 $0x108  }
0x21: {  	s3 =	sadd.s32 s3, s9;
	s6 =	sadd.s32 @!p0 $0x88, s6;
	s7 =	simm.s32 @p2 $0x1082  }
0x22: {  	[simem:s7], [sflag:s8] =	dma.local @!p0 [hbm:s6], $0xF7A  }
0x23: {  	s9 =	sor.u32 $0xD0000000, s2;
	s6 =	simm.s32 $0x108;
	_ =	swait.ge @!p0 [sflag:s8], $0x0  }
0x24: {  	s3 =	sadd.s32 $0x88, s3;
	s6 =	simm.s32 @!p1 $0x1082;
	[sflag:s4] =	ssyncset.s32 $0xFFFFF086  }
0x25: {  	[simem:s6], [sflag:s4] =	dma.local [hbm:s3], $0xF7A  }
0x26: {  	[smem:$0x3F9B] =	sst s1;
	(tag) =	ssettag s2;
	_ =	strace s9  }
0x27: {  	s1 =	sld [smem:$0x3FAB]  }
0x28: {  	s2 =	sld [smem:$0x3FAC]  }
0x29: {  	s4 =	sld [smem:$0x3FAE]  }
0x2a: {  	p0 =	seq.s32 s5, $0x0;
	s5 =	sld [smem:$0x3FAF]  }
0x2b: {  	s6 =	sld [smem:$0x3FB0]  }
0x2c: {  	s7 =	sld [smem:$0x3FB1]  }
0x2d: {  	s3 =	simm.s32 $0x108;
	s8 =	sld [smem:$0x3FB2]  }
0x2e: {  	s3 =	simm.s32 @!p0 $0x1082;
	s9 =	sld [smem:$0x3FB3]  }
0x2f: {  	lr =	sadd.s32 s0, s3;
	s0 =	sld [smem:$0x3FAA]  }
0x30: {  	s3 =	sld [smem:$0x3FAD]  }
0x31: {  	[smem:$0x3FB6] =	sst s10  }
0x32: {  	s10 =	sld [smem:$0x3FB4];
	_ =	sdelay $0x3  }
0x33: {  	p0 =	seq.s32 s10, $0x1;
	s10 =	sld [smem:$0x3FB6];
	_ =	sdelay $0x3  }
0x34: {  	[smem:$0x3FB6] =	sst s10  }
0x35: {  	s10 =	sld [smem:$0x3FB5];
	_ =	sdelay $0x3  }
0x36: {  	p1 =	seq.s32 s10, $0x1;
	s10 =	sld [smem:$0x3FB6];
	_ =	sdelay $0x3  }
0x37: {  	[smem:$0x3FB6] =	sst s10  }
0x38: {  	s10 =	sld [smem:$0x3FB7]  }
0x39: {  	_ = 	snop;
	(pc) =	sbr.ind lr, $3  }
0x3a: {  	_ = 	snop  }
0x3b: {  	_ = 	snop  }
0x3c: {  	p2 =	seq.s32 s10, $0x1;
	s10 =	sld [smem:$0x3FB6]  }
0x3d: {  	_ =	shalt  }
0x3e: {  	_ =	shalt  }
0x3f: {  	_ =	shalt  }
0x40: {  	_ =	shalt  }
0x41: {  	_ =	shalt  }
0x42: {  	_ =	shalt  }
0x43: {  	_ =	shalt  }
0x44: {  	_ =	shalt  }
0x45: {  	_ =	shalt  }
0x46: {  	_ =	shalt  }
0x47: {  	_ =	shalt  }
0x48: {  	_ =	shalt  }
0x49: {  	_ =	shalt  }
0x4a: {  	_ =	shalt  }
0x4b: {  	_ =	shalt  }
0x4c: {  	_ =	shalt  }
0x4d: {  	_ =	shalt  }
0x4e: {  	_ =	shalt  }
0x4f: {  	_ =	shalt  }
0x50: {  	_ =	shalt  }
0x51: {  	_ =	shalt  }
0x52: {  	_ =	shalt  }
0x53: {  	_ =	shalt  }
0x54: {  	_ =	shalt  }
0x55: {  	_ =	shalt  }
0x56: {  	_ =	shalt  }
0x57: {  	_ =	shalt  }
0x58: {  	_ =	shalt  }
0x59: {  	_ =	shalt  }
0x5a: {  	_ =	shalt  }
0x5b: {  	_ =	shalt  }
0x5c: {  	_ =	shalt  }
0x5d: {  	_ =	shalt  }
0x5e: {  	_ =	shalt  }
0x5f: {  	_ =	shalt  }
0x60: {  	_ =	shalt  }
0x61: {  	_ =	shalt  }
0x62: {  	_ =	shalt  }
0x63: {  	_ =	shalt  }
0x64: {  	_ =	shalt  }
0x65: {  	_ =	shalt  }
0x66: {  	_ =	shalt  }
0x67: {  	_ =	shalt  }
0x68: {  	_ =	shalt  }
0x69: {  	_ =	shalt  }
0x6a: {  	_ =	shalt  }
0x6b: {  	_ =	shalt  }
0x6c: {  	_ =	shalt  }
0x6d: {  	_ =	shalt  }
0x6e: {  	_ =	shalt  }
0x6f: {  	_ =	shalt  }
0x70: {  	_ =	shalt  }
0x71: {  	_ =	shalt  }
0x72: {  	_ =	shalt  }
0x73: {  	_ =	shalt  }
0x74: {  	_ =	shalt  }
0x75: {  	_ =	shalt  }
0x76: {  	_ =	shalt  }
0x77: {  	_ =	shalt  }
0x78: {  	_ =	shalt  }
0x79: {  	_ =	shalt  }
0x7a: {  	_ =	shalt  }
0x7b: {  	_ =	shalt  }
0x7c: {  	_ =	shalt  }
0x7d: {  	_ =	shalt  }
0x7e: {  	_ =	shalt  }
0x7f: {  	_ =	shalt  }
0x80: {  	_ =	shalt  }
0x81: {  	_ =	shalt  }
0x82: {  	_ =	shalt  }
0x83: {  	_ =	shalt  }
0x84: {  	_ =	shalt  }
0x85: {  	_ =	shalt  }
0x86: {  	_ =	shalt  }
0x87: {  	_ =	shalt  }
.Lfunc_end0:
.L_simem_size_0:
called_computation_lowered:
.L_overlay_start_0:
0x88: {  	s2 =	sld [smem:$0x3FD9]  }
0x89: {  	s3 =	sld [smem:$0x3FFE];
	_ =	sdelay $0x1  }
0x8a: {  	s1 =	srdreg.scid  }
0x8b: {  	s0 =	sand.u32 $0x1, s1  }
0x8c: {  	s17 =	sshll.u32 s0, $0xA;
	s2 =	sadd.s32 s3, s2  }
0x8d: {  	s2 =	sadd.s32 s2, s17  }
0x8e: {  	[smem:$0x3FC2] =	sst s2  }
0x8f: {  	_ = 	snop  }
0x90: {  	s2 =	sld [smem:$0x3FD0];
	(tm) =	ssettm $0x1  }
0x91: {  	s18 =	sld [smem:$0x3FFB];
	_ =	sdelay $0x3  }
0x92: {  	_ =	strace s18  }
0x93: {  	s3 =	sld [smem:$0x3FFC];
	_ =	sdelay $0x3  }
0x94: {  	_ =	strace s3  }
0x95: {  	s3 =	sld [smem:$0x3FFD];
	_ =	sdelay $0x3  }
0x96: {  	_ =	strace s3  }
0x97: {  	_ =	strace $0x8FFFFFFF  }
0x98: {  	s19 =	sld [smem:$0x3FDB];
	_ =	sdelay $0x1  }
0x99: {  	s4 =	simm.s32 $_scs_section_size  }
0x9a: {  	s5 =	simm.s32 $_size__tile_overlayer_lowered;
	s6 =	simm.s32 $_tile_overlayer_lowered  }
0x9b: {  	s22 =	simm.s32 $0x1BFF;
	s21 =	sshll.u32 s6, $0x1;
	s3 =	sadd.s32 s4, s19  }
0x9c: {  	s7 =	simm.s32 $0x0;
	s20 =	sshll.u32 s5, $0x1;
	s5 =	sadd.s32 s21, s3  }
0x9d: {  	[timem:s7], [sflag:s22] =	dma.local [hbm:s5], s20  }
0x9e: {  	_ =	swait.ge [sflag:s22], s20  }
0x9f: {  	s4 =	ssub.s32 $0x0, s20;
	[sflag:s22] =	ssyncset.done $0x0  }
0xa0: {  	[sflag:s22] =	ssyncadd.s32 s4;
	_ =	sdelay $0x1  }
0xa1: {  	s23 =	simm.s32 $0x1B8B  }
0xa2: {  	_ =	swait.ge [sflag:s23], $0x1  }
0xa3: {  	[sflag:s23] =	ssyncset.done $0x0  }
0xa4: {  	s25 =	simm.s32 $0x1B8E;
	s24 =	sld [smem:$0x3FFE];
	[sflag:s23] =	ssyncadd.s32 $0xFFFFFFFF  }
0xa5: {  	s26 =	simm.s32 $execute0_lowered;
	[smem:$0x3FD2] =	sst s25  }
0xa6: {  	s5 =	sshll.u32 s26, $0x1;
	_ =	strace $0x80000046;
	[dreg:$0x1] =	wrdreg $0xFFFFFFFF  }
0xa7: {  	s28 =	simm.s32 $_size_execute0_lowered;
	s3 =	sadd.s32 s3, s5;
	[dreg:$0x0] =	wrdreg $0x0  }
0xa8: {  	s5 =	sshll.u32 s28, $0x1;
	[dreg:$0x2] =	wrdreg s3  }
0xa9: {  	[dreg:$0x3] =	wrdreg s5  }
0xaa: {  	[dreg:$0x4] =	wrdreg $0xC0  }
0xab: {  	_ =	task [dreg:s7], $0x5FFFF  }
0xac: {  	[dreg:$0x1] =	wrdreg $0xFFFFFFFF  }
0xad: {  	[dreg:$0x0] =	wrdreg $0x60  }
0xae: {  	[dreg:$0x2] =	wrdreg s24  }
0xaf: {  	[dreg:$0x3] =	wrdreg s2  }
0xb0: {  	[dreg:$0x4] =	wrdreg $0x68000  }
0xb1: {  	[dreg:$0x5] =	wrdreg $0x9  }
0xb2: {  	_ =	task.clear_ibuf [dreg:s7], $0x6FFFF;
	_ =	strace $0x90000046  }
0xb3: {  	s29 =	simm.s32 $0x9;
	_ =	strace $0x80000048  }
0xb4: {  	_ =	swait.ge [sflag:s29], $0x1  }
0xb5: {  	[sflag:s29] =	ssyncadd.s32 $0xFFFFFFFF  }
0xb6: {  	_ =	strace $0x90000048  }
0xb7: {  	_ =	sfence  }
0xb8: {  	s30 =	sld [smem:$0x0];
	_ =	sdelay $0x2  }
0xb9: {  	s31 =	sshll.u32 s1, $0xD;
	s1 =	sshrl.u32 s1, $0x2  }
0xba: {  	s3 =	sand.u32 $0x4000, s31;
	s1 =	sadd.s32 s1, s30  }
0xbb: {  	s0 =	sor.u32 s3, s0;
	s1 =	sshll.u32 s1, $0x11  }
0xbc: {  	s0 =	sor.u32 s1, s0  }
0xbd: {  	s0 =	sadd.s32 $0x8F2B, s0  }
0xbe: {  	[sflag:s0] =	ssyncadd.remote.s32 $0x1  }
0xbf: {  	_ =	sfence.sel $0xFFFF  }
0xc0: {  	[dreg:$0x0] =	wrdreg $0xFFFFFFFF;
	(pc) =	sbr.abs _section_cstart, $3  }
0xc1: {  	[dreg:$0x1] =	wrdreg $0xFFFFFFFF  }
0xc2: {  	_ =	task.clear_ibuf [dreg:s7], $0x2FFFF;
	_ =	strace $0x9FFFFFFF  }
0xc3: {  	(tm) =	ssettm $0x7FFFFFFF  }
tec
execute0_lowered:
.L_overlay_start_1:
0x0: {  	(tag) =	ssettag $0x1  }
0x1: {  	s6 =	rddreg [dreg:$0x0]  }
0x2: {  	s7 =	rddreg [dreg:$0x1]  }
0x3: {  	s1 =	rddreg [dreg:$0x2];
	s2 =	srdreg.scid  }
0x4: {  	s0 =	rddreg [dreg:$0x3];
	s3 =	simm.s32 $0x0;
	s13 =	simm.s32 $0x80  }
0x5: {  	s14 =	simm.s32 $0x1;
	s8 =	sand.u32 $0x1, s2;
	s2 =	stileid.u32  }
0x6: {  	s15 =	simm.s32 $0x0;
	[smem:$0x7FF] =	sst s3;
	s9 =	smul.u32 $0x13C000, s8  }
0x7: {  	s4 =	sadd.s32 $0x5200, s6;
	s5 =	sadd.s32 $0x2A00, s6;
	s10 =	smul.u32 $0x13C00, s2  }
0x8: {  	_ =	strace $0x80000047;
	s29 =	sshll.u32 s8, $0x4;
	s8 =	ssub.s32 $0x2, s8  }
0x9: {  	s11 =	smul.u32 $0x4F000, s2;
	s31 =	sshll.u32 s2, $0x6;
	s12 =	sshrl.u32 s8, $0x1  }
0xa: {  	s9 =	sadd.s32 s10, s9;
	s10 =	sor.u32 s2, s29;
	s8 =	ssub.s32 s8, s12  }
0xb: {  	s30 =	sshrl.u32 s11, $0x2;
	s12 =	simm.s32 $0x4000;
	s10 =	smul.u32 $0x500, s10  }
0xc: {  	s9 =	sshrl.u32 s9, $0x3;
	s11 =	sadd.s32 s30, s1;
	s8 =	smax.u32 s8, $0x1  }
0xd: {  	s9 =	sadd.s32 s9, s6;
	s11 =	sshrl.u32 s11, $0x3;
	s6 =	sadd.s32 s7, s10  }
0xe: {  	s7 =	sadd.s32 $0x5A00, s9;
	s9 =	simm.s32 $0x2;
	s10 =	sor.u32 $0x1C02, s31  }
.LBB2_1:
0xf: {  	[tilespmem:s3], [sflag:$0x2] =	stream.linear.gather [hbm4b:s4+s3], $0x4000, $0x38;
	[tilespmem:$0x1A400] =	vst v63  }
0x10: {  	_ =	swait.ge [sflag:s9], $0x4000  }
0x11: {  	[sflag:s9] =	ssyncset.done $0x0  }
0x12: {  	[sflag:s9] =	ssyncadd.s32 $0xFFFFC000  }
0x13: {  	[spmem:s11], [sflag:s10] =	dma.local [hbm:s5], $0x2780  }
0x14: {  	_ =	swait.ge [sflag:s9], $0x2780  }
0x15: {  	[sflag:s9] =	ssyncset.done $0x0  }
0x16: {  	[sflag:s9] =	ssyncadd.s32 $0xFFFFD880  }
0x17: {  	[bflag:$0x0] =	sbarrier.arrive $0xFFFF  }
0x18: {  	[tilespmem:s12], [sflag:$0x2] =	stream.linear.gather [hbm4b:s6+s3], $0x2800, $0x38;
	[tilespmem:$0x1A400] =	vst v63  }
0x19: {  	_ =	swait.ge [sflag:s9], $0x2800  }
0x1a: {  	[sflag:s9] =	ssyncset.done $0x0  }
0x1b: {  	s16 =	simm.s32 $0x0;
	[sflag:s9] =	ssyncadd.s32 $0xFFFFD800  }
.LBB2_2:
0x1c: {  	p0 =	sne.s32 s16, $0x9E00  }
.Ltmp0:
0x1d: {  	_ = 	snop;
	(pc) =	sbr.rel @p0 .LBB2_2-.Ltmp0, $4  }
0x1e: {  	_ = 	snop  }
0x1f: {  	s17 =	sshra.s32 s16, $0x2  }
0x20: {  	s16 =	sadd.s32 $0x200, s16;
	s17 =	sadd.s32 $0x4000, s17  }
0x21: {  	[spmem:s1] =	stream.indirect.scatter.add.f32 [tilespmem:s3], [sflag:$0x1], $0x80, s17, s13, $0xb8;
	[tilespmem:$0x1A400] =	vst v63  }
0x22: {  	_ =	swait.ge [sflag:s14], $0x4000  }
0x23: {  	s16 =	simm.s32 $0x4F;
	[sflag:s14] =	ssyncset.done $0x0  }
.LBB2_4:
0x24: {  	p0 =	sne.s32 s16, $0x1;
	s16 =	sadd.s32 $0xFFFFFFFF, s16;
	[sflag:s14] =	ssyncadd.s32 $0xFFFFC000  }
.Ltmp1:
0x25: {  	(pc) =	sbr.rel @p0 .LBB2_4-.Ltmp1, $3  }
0x26: {  	_ =	sdelay $0x1  }
0x27: {  	_ =	swait.ge [sflag:s14], $0x4000  }
0x28: {  	[sflag:s14] =	ssyncset.done $0x0  }
0x29: {  	s15 =	sadd.s32 $0x1, s15  }
0x2a: {  	[sflag:s14] =	ssyncadd.s32 $0xFFFFC000;
	p0 =	sne.s32 s15, s8  }
.Ltmp2:
0x2b: {  	[bflag:$0x0] =	sbarrier.arrive $0xFFFF;
	(pc) =	sbr.rel @p0 .LBB2_1-.Ltmp2, $4  }
0x2c: {  	[hbm:s7], [sflag:s10] =	dma.local [spmem:s11], $0x2780  }
0x2d: {  	_ =	swait.ge [sflag:s9], $0x2780  }
0x2e: {  	[sflag:s9] =	ssyncset.done $0x0  }
0x2f: {  	[sflag:s9] =	ssyncadd.s32 $0xFFFFD880  }
0x30: {  	_ =	sfence.sel $0x180000  }
0x31: {  	[bflag:$0x0] =	sbarrier.arrive $0xFFFF  }
0x32: {  	p0 =	sne.s32 s2, $0x0;
	_ =	strace $0x90000047  }
0x33: {  	s0 =	sadd.s32 @!p0 $0x100000, s0;
	[bflag:$0x2] =	sbarrier.arrive $0xFFFF  }
0x34: {  	[sflag:s0] =	ssyncadd.tile.s32 @!p0 $0x1;
	_ =	shalt  }
.Lfunc_end2:
_tile_overlayer_lowered:
.L_overlay_start_2:
0x35: {  	(tag) =	ssettag $0x2  }
0x36: {  	s0 =	rddreg [dreg:$0x0];
	s2 =	stileid.u32  }
0x37: {  	s1 =	rddreg [dreg:$0x1];
	p0 =	sne.s32 s2, $0x0  }
0x38: {  	s3 =	rddreg [dreg:$0x2];
	[bflag:$0x3] =	sbarrier.arrive $0xFFFF;
	s2 =	simm.s32 @!p0 $0x1C02  }
0x39: {  	[timem:s3], [sflag:s2] =	dma.local @!p0 [hbm:s0], s1  }
0x3a: {  	s0 =	simm.s32 @!p0 $0x2  }
0x3b: {  	_ =	swait.ge @!p0 [sflag:s0], s1  }
0x3c: {  	s1 =	ssub.s32 @!p0 $0x0, s1;
	[sflag:s0] =	ssyncset.done @!p0 $0x0  }
0x3d: {  	[sflag:s0] =	ssyncadd.s32 @!p0 s1  }
0x3e: {  	[bflag:$0x3] =	sbarrier.arrive $0xFFFF  }
0x3f: {  	_ =	shalt  }

</sc_bundles>
